<compile_context>
chip_gen: v7x
topology: tpu7x:2x2x1
jax: 0.10.2.dev20260603
libtpu: 0.0.44.dev20260713+nightly
codegen_flags: <defaults>
</compile_context>

<pallas_src>
import functools

import jax
import jax.numpy as jnp
from jax import lax
from jax.experimental import pallas as pl
from jax.experimental.pallas import tpu as pltpu
from jax.experimental.pallas import tpu_sc as plsc

N = 10000
NPAD = 10240
D = 256
HALF = 128
DOUT = 16
E = 160000
EP = 163840
STRIPE = NPAD // 16
CH = 128
CH1 = 64

def _mesh():
    return plsc.VectorSubcoreMesh(core_axis_name="c", subcore_axis_name="s")



def _deg_body(dst_hbm, zeros_hbm, ones_hbm, out_hbm, idx_v, ones_v, deg_sh, sem):
    c = lax.axis_index("c")
    s = lax.axis_index("s")
    pltpu.sync_copy(zeros_hbm.at[pl.ds(s * STRIPE, STRIPE)],
                    deg_sh.at[pl.ds(s * STRIPE, STRIPE)])
    pltpu.sync_copy(ones_hbm, ones_v)
    pltpu.sync_copy(dst_hbm.at[c, s], idx_v)
    plsc.subcore_barrier()

    def body(j, carry):
        pltpu.async_copy(ones_v, deg_sh.at[idx_v.at[j]], sem, add=True)
        return carry

    lax.fori_loop(0, 40, body, 0)

    def drain(j, carry):
        pltpu.make_async_copy(ones_v, deg_sh.at[idx_v.at[0]], sem).wait()
        return carry

    lax.fori_loop(0, 40, drain, 0)
    plsc.subcore_barrier()
    pltpu.sync_copy(deg_sh.at[pl.ds(s * STRIPE, STRIPE)],
                    out_hbm.at[c, pl.ds(s * STRIPE, STRIPE)])


@functools.lru_cache(maxsize=None)
def _deg_call():
    return pl.kernel(
        _deg_body,
        mesh=_mesh(),
        out_type=jax.ShapeDtypeStruct((2, NPAD), jnp.float32),
        scratch_types=[
            pltpu.VMEM((40, CH), jnp.int32),
            pltpu.VMEM((CH,), jnp.float32),
            pltpu.VMEM_SHARED((NPAD,), jnp.float32),
            pltpu.SemaphoreType.DMA,
        ],
    )



def _pipelined_segsum(table_hbm, srcv, dstv, rows, acc_sh, gsems, nchunks):
    nb = len(gsems)

    def gather(j, b):
        return pltpu.async_copy(table_hbm.at[srcv.at[j]], rows.at[b],
                                gsems[b])

    for t in range(nb):
        gather(t, t)

    def body(jj, carry):
        for b in range(nb):
            j = jj * nb + b
            pltpu.make_async_copy(table_hbm.at[srcv.at[j]], rows.at[b],
                                  gsems[b]).wait()
            pltpu.sync_copy(rows.at[b], acc_sh.at[dstv.at[j]], add=True)

            @pl.when(j + nb < nchunks)
            def _():
                gather(j + nb, b)
        return carry

    lax.fori_loop(0, nchunks // nb, body, 0)


NROW = 4
NIDX = 8


def _conv1_body(g1_hbm, src_hbm, dst_hbm, out_hbm, ibuf, rows, acc_sh, *sems):
    gsems, isems = sems[:NROW], sems[NROW:]
    c = lax.axis_index("c")
    s = lax.axis_index("s")
    base = c * NPAD + s * STRIPE
    pltpu.sync_copy(g1_hbm.at[pl.ds(base, STRIPE)],
                    acc_sh.at[pl.ds(s * STRIPE, STRIPE)])
    plsc.subcore_barrier()

    nchunks = EP // 16 // CH1

    def load_idx(j, b):
        pltpu.async_copy(src_hbm.at[c, s, j], ibuf.at[b, 0], isems[b])
        pltpu.async_copy(dst_hbm.at[s, j], ibuf.at[b, 1], isems[b])

    def wait_idx(b):
        pltpu.make_async_copy(src_hbm.at[c, s, 0], ibuf.at[b, 0],
                              isems[b]).wait()
        pltpu.make_async_copy(dst_hbm.at[s, 0], ibuf.at[b, 1],
                              isems[b]).wait()

    def gather(br, bi):
        pltpu.async_copy(g1_hbm.at[ibuf.at[bi, 0]], rows.at[br], gsems[br])

    def wait_gather(br, bi):
        pltpu.make_async_copy(g1_hbm.at[ibuf.at[bi, 0]], rows.at[br],
                              gsems[br]).wait()

    for t in range(NIDX):
        load_idx(t, t)
    for t in range(NROW):
        wait_idx(t)
        gather(t, t)

    def body(jj, carry):
        for u in range(NIDX):
            j = jj * NIDX + u
            br, bi, bn = u % NROW, u, (u + NROW) % NIDX
            wait_gather(br, bi)
            pltpu.sync_copy(rows.at[br], acc_sh.at[ibuf.at[bi, 1]], add=True)

            @pl.when(j + NROW < nchunks)
            def _():
                wait_idx(bn)
                gather(br, bn)

            @pl.when(j + NIDX < nchunks)
            def _():
                load_idx(j + NIDX, bi)
        return carry

    lax.fori_loop(0, nchunks // NIDX, body, 0)
    plsc.subcore_barrier()
    pltpu.sync_copy(acc_sh.at[pl.ds(s * STRIPE, STRIPE)],
                    out_hbm.at[pl.ds(base, STRIPE)])


@functools.lru_cache(maxsize=None)
def _conv1_call():
    return pl.kernel(
        _conv1_body,
        mesh=_mesh(),
        out_type=jax.ShapeDtypeStruct((2 * NPAD, HALF), jnp.float32),
        scratch_types=[
            pltpu.VMEM((NIDX, 2, CH1), jnp.int32),
            pltpu.VMEM((NROW, CH1, HALF), jnp.float32),
            pltpu.VMEM_SHARED((NPAD, HALF), jnp.float32),
        ] + [pltpu.SemaphoreType.DMA] * (NROW + NIDX),
    )



def _conv2_body(g2_hbm, z16_hbm, src_hbm, dst_hbm, out_hbm, srcv, dstv, rows,
                acc_sh, *gsems):
    c = lax.axis_index("c")
    s = lax.axis_index("s")

    @pl.when(c == 0)
    def _():
        pltpu.sync_copy(g2_hbm.at[pl.ds(s * STRIPE, STRIPE)],
                        acc_sh.at[pl.ds(s * STRIPE, STRIPE)])

    @pl.when(c == 1)
    def _():
        pltpu.sync_copy(z16_hbm.at[pl.ds(s * STRIPE, STRIPE)],
                        acc_sh.at[pl.ds(s * STRIPE, STRIPE)])

    pltpu.sync_copy(src_hbm.at[c, s], srcv)
    pltpu.sync_copy(dst_hbm.at[c, s], dstv)
    plsc.subcore_barrier()
    _pipelined_segsum(g2_hbm, srcv, dstv, rows, acc_sh, gsems, EP // 32 // CH)
    plsc.subcore_barrier()
    pltpu.sync_copy(acc_sh.at[pl.ds(s * STRIPE, STRIPE)],
                    out_hbm.at[c, pl.ds(s * STRIPE, STRIPE)])


@functools.lru_cache(maxsize=None)
def _conv2_call():
    return pl.kernel(
        _conv2_body,
        mesh=_mesh(),
        out_type=jax.ShapeDtypeStruct((2, NPAD, DOUT), jnp.float32),
        scratch_types=[
            pltpu.VMEM((EP // 32 // CH, CH), jnp.int32),
            pltpu.VMEM((EP // 32 // CH, CH), jnp.int32),
            pltpu.VMEM((4, CH, DOUT), jnp.float32),
            pltpu.VMEM_SHARED((NPAD, DOUT), jnp.float32),
        ] + [pltpu.SemaphoreType.DMA] * 4,
        compiler_params=pltpu.CompilerParams(use_tc_tiling_on_sc=False),
    )



RB = 512


def _dinv(degp_ref):
    deg = degp_ref[0] + degp_ref[1] + 1.0
    return lax.rsqrt(deg)[:, None]


def _stageB_body(x_ref, degp_ref, Win_ref, bin_ref, W1_ref, out_ref):
    dinv = _dinv(degp_ref)
    h0 = jnp.maximum(x_ref[...] @ Win_ref[...] + bin_ref[...], 0.0)
    t = (h0 @ W1_ref[...]) * dinv
    out_ref[0] = t[:, :HALF]
    out_ref[1] = t[:, HALF:]


def _stageB(x_pad, degp, W_in, b_in, W1):
    return pl.pallas_call(
        _stageB_body,
        grid=(NPAD // RB,),
        in_specs=[
            pl.BlockSpec((RB, D), lambda i: (i, 0)),
            pl.BlockSpec((2, RB), lambda i: (0, i)),
            pl.BlockSpec((D, D), lambda i: (0, 0)),
            pl.BlockSpec((1, D), lambda i: (0, 0)),
            pl.BlockSpec((D, D), lambda i: (0, 0)),
        ],
        out_specs=pl.BlockSpec((2, RB, HALF), lambda i: (0, i, 0)),
        out_shape=jax.ShapeDtypeStruct((2, NPAD, HALF), jnp.float32),
    )(x_pad, degp, W_in, b_in.reshape(1, D), W1)


def _stageD_body(agg_ref, degp_ref, b1_ref, W2_ref, out_ref):
    dinv = _dinv(degp_ref)
    agg = jnp.concatenate([agg_ref[0], agg_ref[1]], axis=1)
    h1 = jnp.maximum(agg * dinv + b1_ref[...], 0.0)
    out_ref[...] = (h1 @ W2_ref[...]) * dinv


def _stageD(agg1, degp, b1, W2):
    return pl.pallas_call(
        _stageD_body,
        grid=(NPAD // RB,),
        in_specs=[
            pl.BlockSpec((2, RB, HALF), lambda i: (0, i, 0)),
            pl.BlockSpec((2, RB), lambda i: (0, i)),
            pl.BlockSpec((1, D), lambda i: (0, 0)),
            pl.BlockSpec((D, DOUT), lambda i: (0, 0)),
        ],
        out_specs=pl.BlockSpec((RB, DOUT), lambda i: (i, 0)),
        out_shape=jax.ShapeDtypeStruct((NPAD, DOUT), jnp.float32),
    )(agg1, degp, b1.reshape(1, D), W2)


def _stageF_body(acc_ref, degp_ref, b2_ref, out_ref):
    dinv = _dinv(degp_ref)
    out_ref[...] = (acc_ref[0] + acc_ref[1]) * dinv + b2_ref[...]


def _stageF(acc, degp, b2):
    return pl.pallas_call(
        _stageF_body,
        grid=(NPAD // RB,),
        in_specs=[
            pl.BlockSpec((2, RB, DOUT), lambda i: (0, i, 0)),
            pl.BlockSpec((2, RB), lambda i: (0, i)),
            pl.BlockSpec((1, DOUT), lambda i: (0, 0)),
        ],
        out_specs=pl.BlockSpec((RB, DOUT), lambda i: (i, 0)),
        out_shape=jax.ShapeDtypeStruct((NPAD, DOUT), jnp.float32),
    )(acc, degp, b2.reshape(1, DOUT))



def kernel(x, edge_index, W_in, b_in, W1, b1, W2, b2):
    ei = edge_index.astype(jnp.int32)
    src, dst = ei[0], ei[1]
    srcp = jnp.concatenate([src, jnp.full((EP - E,), N, jnp.int32)])
    dstp = jnp.concatenate([dst, jnp.full((EP - E,), N + 200, jnp.int32)])

    x_pad = jnp.pad(x, ((0, NPAD - N), (0, 0)))

    dstA = dstp.reshape(2, 16, 40, CH)
    srcC = jnp.stack([srcp, srcp + NPAD]).reshape(2, 16, EP // 16 // CH1, CH1)
    dstC = dstp.reshape(16, EP // 16 // CH1, CH1)
    srcE = srcp.reshape(2, 16, 40, CH)

    zeros1 = jnp.zeros((NPAD,), jnp.float32)
    ones128 = jnp.ones((CH,), jnp.float32)
    zeros16 = jnp.zeros((NPAD, DOUT), jnp.float32)

    degp = _deg_call()(dstA, zeros1, ones128)
    g1 = _stageB(x_pad, degp, W_in, b_in, W1)
    agg1 = _conv1_call()(g1.reshape(2 * NPAD, HALF), srcC, dstC)
    g2 = _stageD(agg1.reshape(2, NPAD, HALF), degp, b1, W2)
    acc = _conv2_call()(g2, zeros16, srcE, dstA)
    out = _stageF(acc, degp, b2)
    return out[:N]

# --- scband reference (transcript-rebuilt; emitter-appended) ---
"""Pipeline reference for scband-gcnmodel-90787018702961 (READ-ONLY COPY).

The authoritative reference and input builder live on the scoring server;
editing this copy changes nothing except your own understanding.
"""

import jax, jax.numpy as jnp
import numpy as np

N_NODES = 10000
D_IN = 256
D_HID = 256
D_OUT = 16  # stands in for train_Y.shape[1]


def gcn_conv(x, edge_index, W, b, num_nodes):
    # PyG GCNConv semantics: add self-loops, symmetric normalization, linear transform, scatter-add
    src = jnp.concatenate([edge_index[0], jnp.arange(num_nodes, dtype=edge_index.dtype)])
    dst = jnp.concatenate([edge_index[1], jnp.arange(num_nodes, dtype=edge_index.dtype)])
    deg = jnp.zeros((num_nodes,), dtype=x.dtype).at[dst].add(1.0)
    dinv = jnp.where(deg > 0, 1.0 / jnp.sqrt(deg), 0.0)
    norm = dinv[src] * dinv[dst]
    h = x @ W
    msg = h[src] * norm[:, None]
    out = jnp.zeros((num_nodes, W.shape[1]), dtype=x.dtype).at[dst].add(msg)
    return out + b


def setup_inputs(seed: int = 0) -> dict:
    key = jax.random.key(seed)
    k = jax.random.split(key, 8)
    x = jax.random.normal(k[0], (N_NODES, D_IN), dtype=jnp.float32)
    edge_index = jax.random.randint(k[1], (2, 160000), 0, N_NODES, dtype=jnp.int64)
    W_in = jax.random.normal(k[2], (D_IN, D_IN), dtype=jnp.float32) * 0.02
    b_in = jnp.zeros((D_IN,), dtype=jnp.float32)
    W1 = jax.random.normal(k[3], (D_IN, D_HID), dtype=jnp.float32) * 0.02
    b1 = jnp.zeros((D_HID,), dtype=jnp.float32)
    W2 = jax.random.normal(k[4], (D_HID, D_OUT), dtype=jnp.float32) * 0.02
    b2 = jnp.zeros((D_OUT,), dtype=jnp.float32)
    return {"x": x, "edge_index": edge_index, "W_in": W_in, "b_in": b_in,
            "W1": W1, "b1": b1, "W2": W2, "b2": b2}


def reference(x, edge_index, W_in, b_in, W1, b1, W2, b2):
    h = x @ W_in + b_in          # input_layer (Linear)
    h = jax.nn.relu(h)
    h = gcn_conv(h, edge_index, W1, b1, N_NODES)  # conv1
    h = jax.nn.relu(h)
    out = gcn_conv(h, edge_index, W2, b2, N_NODES)  # conv2
    return out

if __name__ == "__main__":
    import jax
    _d = setup_inputs()
    print(jax.jit(kernel)(*tuple(_d.values())))

</pallas_src>

<mosaic_0001>
#map = affine_map<(d0, d1) -> (0, 0)>
#map1 = affine_map<(d0, d1) -> (0, 0, 0, 0)>
#map2 = affine_map<(d0, d1) -> (0, 0, 0)>
module attributes {stable_mosaic.version = 14 : i64} {
  func.func @_conv2_body(%arg0: i32, %arg1: i32, %arg2: memref<10240x16xf32, #tpu.memory_space<hbm>>, %arg3: memref<10240x16xf32, #tpu.memory_space<hbm>>, %arg4: memref<2x16x40x128xi32, #tpu.memory_space<hbm>>, %arg5: memref<2x16x40x128xi32, #tpu.memory_space<hbm>>, %arg6: memref<2x10240x16xf32, #tpu.memory_space<hbm>>, %arg7: memref<40x128xi32, #tpu.memory_space<vmem>>, %arg8: memref<40x128xi32, #tpu.memory_space<vmem>>, %arg9: memref<4x128x16xf32, #tpu.memory_space<vmem>>, %arg10: memref<10240x16xf32, #tpu.memory_space<vmem_shared>>, %arg11: memref<!tpu.dma_semaphore, #tpu.memory_space<semaphore_mem>>, %arg12: memref<!tpu.dma_semaphore, #tpu.memory_space<semaphore_mem>>, %arg13: memref<!tpu.dma_semaphore, #tpu.memory_space<semaphore_mem>>, %arg14: memref<!tpu.dma_semaphore, #tpu.memory_space<semaphore_mem>>) attributes {dimension_semantics = [#tpu.dimension_semantics<core_parallel>, #tpu.dimension_semantics<subcore_parallel>], iteration_bounds = array<i64: 2, 16>, scalar_prefetch = 0 : i64, scratch_operands = 8 : i64, tpu.core_type = #tpu.core_type<sc_vector_subcore>, window_params = [{transform_indices = #map}, {transform_indices = #map}, {transform_indices = #map1}, {transform_indices = #map1}, {transform_indices = #map2}]} {
    %eq3A = arith.constant 0 : i32
    %eq3A_0 = arith.cmpi eq, %arg0, %eq3A : i32
    %convert_element_type3A = arith.extui %eq3A_0 : i1 to i32
    %cond3A = arith.constant 0 : i32
    %cond3A_1 = arith.cmpi ne, %convert_element_type3A, %cond3A : i32
    scf.if %cond3A_1 {
      %mul3A_63 = arith.constant 640 : i32
      %mul3A_64 = arith.muli %arg1, %mul3A_63 : i32
      %mul3A_65 = arith.constant 640 : i32
      %mul3A_66 = arith.muli %arg1, %mul3A_65 : i32
      "tpu.region"() ({
        %run_scoped3A = tpu.sem_alloc : memref<!tpu.dma_semaphore, #tpu.memory_space<semaphore_mem>>
        %dma_start3A_67 = arith.constant 0 : i32
        %dma_start3A_68 = tpu.memref_slice %arg10[%mul3A_66, %dma_start3A_67] : memref<10240x16xf32, #tpu.memory_space<vmem_shared>> -> memref<640x16xf32, #tpu.memory_space<vmem_shared>>
        %dma_start3A_69 = arith.constant 0 : i32
        %dma_start3A_70 = tpu.memref_slice %arg2[%mul3A_64, %dma_start3A_69] : memref<10240x16xf32, #tpu.memory_space<hbm>> -> memref<640x16xf32, #tpu.memory_space<hbm>>
        tpu.enqueue_dma source(%dma_start3A_70 : memref<640x16xf32, #tpu.memory_space<hbm>>) target(%dma_start3A_68 : memref<640x16xf32, #tpu.memory_space<vmem_shared>>) target_semaphore(%run_scoped3A : memref<!tpu.dma_semaphore, #tpu.memory_space<semaphore_mem>>)
        %dma_wait3A = arith.constant 0 : i32
        %dma_wait3A_71 = tpu.memref_slice %arg10[%mul3A_66, %dma_wait3A] : memref<10240x16xf32, #tpu.memory_space<vmem_shared>> -> memref<640x16xf32, #tpu.memory_space<vmem_shared>>
        %dma_wait3A_72 = arith.constant 0 : i32
        %dma_wait3A_73 = tpu.memref_slice %arg2[%mul3A_64, %dma_wait3A_72] : memref<10240x16xf32, #tpu.memory_space<hbm>> -> memref<640x16xf32, #tpu.memory_space<hbm>>
        tpu.wait_dma2 semaphore(%run_scoped3A : memref<!tpu.dma_semaphore, #tpu.memory_space<semaphore_mem>>) src(%dma_wait3A_73 : memref<640x16xf32, #tpu.memory_space<hbm>>) dst(%dma_wait3A_71 : memref<640x16xf32, #tpu.memory_space<vmem_shared>>)
        tpu.yield
      }) : () -> ()
    } else {
    }
    %eq3A_2 = arith.constant 1 : i32
    %eq3A_3 = arith.cmpi eq, %arg0, %eq3A_2 : i32
    %convert_element_type3A_4 = arith.extui %eq3A_3 : i1 to i32
    %cond3A_5 = arith.constant 0 : i32
    %cond3A_6 = arith.cmpi ne, %convert_element_type3A_4, %cond3A_5 : i32
    scf.if %cond3A_6 {
      %mul3A_63 = arith.constant 640 : i32
      %mul3A_64 = arith.muli %arg1, %mul3A_63 : i32
      %mul3A_65 = arith.constant 640 : i32
      %mul3A_66 = arith.muli %arg1, %mul3A_65 : i32
      "tpu.region"() ({
        %run_scoped3A = tpu.sem_alloc : memref<!tpu.dma_semaphore, #tpu.memory_space<semaphore_mem>>
        %dma_start3A_67 = arith.constant 0 : i32
        %dma_start3A_68 = tpu.memref_slice %arg10[%mul3A_66, %dma_start3A_67] : memref<10240x16xf32, #tpu.memory_space<vmem_shared>> -> memref<640x16xf32, #tpu.memory_space<vmem_shared>>
        %dma_start3A_69 = arith.constant 0 : i32
        %dma_start3A_70 = tpu.memref_slice %arg3[%mul3A_64, %dma_start3A_69] : memref<10240x16xf32, #tpu.memory_space<hbm>> -> memref<640x16xf32, #tpu.memory_space<hbm>>
        tpu.enqueue_dma source(%dma_start3A_70 : memref<640x16xf32, #tpu.memory_space<hbm>>) target(%dma_start3A_68 : memref<640x16xf32, #tpu.memory_space<vmem_shared>>) target_semaphore(%run_scoped3A : memref<!tpu.dma_semaphore, #tpu.memory_space<semaphore_mem>>)
        %dma_wait3A = arith.constant 0 : i32
        %dma_wait3A_71 = tpu.memref_slice %arg10[%mul3A_66, %dma_wait3A] : memref<10240x16xf32, #tpu.memory_space<vmem_shared>> -> memref<640x16xf32, #tpu.memory_space<vmem_shared>>
        %dma_wait3A_72 = arith.constant 0 : i32
        %dma_wait3A_73 = tpu.memref_slice %arg3[%mul3A_64, %dma_wait3A_72] : memref<10240x16xf32, #tpu.memory_space<hbm>> -> memref<640x16xf32, #tpu.memory_space<hbm>>
        tpu.wait_dma2 semaphore(%run_scoped3A : memref<!tpu.dma_semaphore, #tpu.memory_space<semaphore_mem>>) src(%dma_wait3A_73 : memref<640x16xf32, #tpu.memory_space<hbm>>) dst(%dma_wait3A_71 : memref<640x16xf32, #tpu.memory_space<vmem_shared>>)
        tpu.yield
      }) : () -> ()
    } else {
    }
    "tpu.region"() ({
      %run_scoped3A = tpu.sem_alloc : memref<!tpu.dma_semaphore, #tpu.memory_space<semaphore_mem>>
      %dma_start3A_63 = arith.constant 0 : i32
      %dma_start3A_64 = arith.constant 0 : i32
      %dma_start3A_65 = tpu.memref_slice %arg4[%arg0, %arg1, %dma_start3A_63, %dma_start3A_64] : memref<2x16x40x128xi32, #tpu.memory_space<hbm>> -> memref<1x1x40x128xi32, #tpu.memory_space<hbm>>
      %dma_start3A_66 = tpu.memref_squeeze %dma_start3A_65 : memref<1x1x40x128xi32, #tpu.memory_space<hbm>> -> memref<40x128xi32, #tpu.memory_space<hbm>>
      %dma_start3A_67 = arith.constant 0 : i32
      %dma_start3A_68 = arith.constant 0 : i32
      %dma_start3A_69 = tpu.memref_slice %arg4[%arg0, %arg1, %dma_start3A_67, %dma_start3A_68] : memref<2x16x40x128xi32, #tpu.memory_space<hbm>> -> memref<1x1x40x128xi32, #tpu.memory_space<hbm>>
      %dma_start3A_70 = tpu.memref_squeeze %dma_start3A_69 : memref<1x1x40x128xi32, #tpu.memory_space<hbm>> -> memref<40x128xi32, #tpu.memory_space<hbm>>
      tpu.enqueue_dma source(%dma_start3A_70 : memref<40x128xi32, #tpu.memory_space<hbm>>) target(%arg7 : memref<40x128xi32, #tpu.memory_space<vmem>>) target_semaphore(%run_scoped3A : memref<!tpu.dma_semaphore, #tpu.memory_space<semaphore_mem>>)
      %dma_wait3A = arith.constant 0 : i32
      %dma_wait3A_71 = arith.constant 0 : i32
      %dma_wait3A_72 = tpu.memref_slice %arg4[%arg0, %arg1, %dma_wait3A, %dma_wait3A_71] : memref<2x16x40x128xi32, #tpu.memory_space<hbm>> -> memref<1x1x40x128xi32, #tpu.memory_space<hbm>>
      %dma_wait3A_73 = tpu.memref_squeeze %dma_wait3A_72 : memref<1x1x40x128xi32, #tpu.memory_space<hbm>> -> memref<40x128xi32, #tpu.memory_space<hbm>>
      %dma_wait3A_74 = arith.constant 0 : i32
      %dma_wait3A_75 = arith.constant 0 : i32
      %dma_wait3A_76 = tpu.memref_slice %arg4[%arg0, %arg1, %dma_wait3A_74, %dma_wait3A_75] : memref<2x16x40x128xi32, #tpu.memory_space<hbm>> -> memref<1x1x40x128xi32, #tpu.memory_space<hbm>>
      %dma_wait3A_77 = tpu.memref_squeeze %dma_wait3A_76 : memref<1x1x40x128xi32, #tpu.memory_space<hbm>> -> memref<40x128xi32, #tpu.memory_space<hbm>>
      tpu.wait_dma2 semaphore(%run_scoped3A : memref<!tpu.dma_semaphore, #tpu.memory_space<semaphore_mem>>) src(%dma_wait3A_77 : memref<40x128xi32, #tpu.memory_space<hbm>>) dst(%arg7 : memref<40x128xi32, #tpu.memory_space<vmem>>)
      tpu.yield
    }) : () -> ()
    "tpu.region"() ({
      %run_scoped3A = tpu.sem_alloc : memref<!tpu.dma_semaphore, #tpu.memory_space<semaphore_mem>>
      %dma_start3A_63 = arith.constant 0 : i32
      %dma_start3A_64 = arith.constant 0 : i32
      %dma_start3A_65 = tpu.memref_slice %arg5[%arg0, %arg1, %dma_start3A_63, %dma_start3A_64] : memref<2x16x40x128xi32, #tpu.memory_space<hbm>> -> memref<1x1x40x128xi32, #tpu.memory_space<hbm>>
      %dma_start3A_66 = tpu.memref_squeeze %dma_start3A_65 : memref<1x1x40x128xi32, #tpu.memory_space<hbm>> -> memref<40x128xi32, #tpu.memory_space<hbm>>
      %dma_start3A_67 = arith.constant 0 : i32
      %dma_start3A_68 = arith.constant 0 : i32
      %dma_start3A_69 = tpu.memref_slice %arg5[%arg0, %arg1, %dma_start3A_67, %dma_start3A_68] : memref<2x16x40x128xi32, #tpu.memory_space<hbm>> -> memref<1x1x40x128xi32, #tpu.memory_space<hbm>>
      %dma_start3A_70 = tpu.memref_squeeze %dma_start3A_69 : memref<1x1x40x128xi32, #tpu.memory_space<hbm>> -> memref<40x128xi32, #tpu.memory_space<hbm>>
      tpu.enqueue_dma source(%dma_start3A_70 : memref<40x128xi32, #tpu.memory_space<hbm>>) target(%arg8 : memref<40x128xi32, #tpu.memory_space<vmem>>) target_semaphore(%run_scoped3A : memref<!tpu.dma_semaphore, #tpu.memory_space<semaphore_mem>>)
      %dma_wait3A = arith.constant 0 : i32
      %dma_wait3A_71 = arith.constant 0 : i32
      %dma_wait3A_72 = tpu.memref_slice %arg5[%arg0, %arg1, %dma_wait3A, %dma_wait3A_71] : memref<2x16x40x128xi32, #tpu.memory_space<hbm>> -> memref<1x1x40x128xi32, #tpu.memory_space<hbm>>
      %dma_wait3A_73 = tpu.memref_squeeze %dma_wait3A_72 : memref<1x1x40x128xi32, #tpu.memory_space<hbm>> -> memref<40x128xi32, #tpu.memory_space<hbm>>
      %dma_wait3A_74 = arith.constant 0 : i32
      %dma_wait3A_75 = arith.constant 0 : i32
      %dma_wait3A_76 = tpu.memref_slice %arg5[%arg0, %arg1, %dma_wait3A_74, %dma_wait3A_75] : memref<2x16x40x128xi32, #tpu.memory_space<hbm>> -> memref<1x1x40x128xi32, #tpu.memory_space<hbm>>
      %dma_wait3A_77 = tpu.memref_squeeze %dma_wait3A_76 : memref<1x1x40x128xi32, #tpu.memory_space<hbm>> -> memref<40x128xi32, #tpu.memory_space<hbm>>
      tpu.wait_dma2 semaphore(%run_scoped3A : memref<!tpu.dma_semaphore, #tpu.memory_space<semaphore_mem>>) src(%dma_wait3A_77 : memref<40x128xi32, #tpu.memory_space<hbm>>) dst(%arg8 : memref<40x128xi32, #tpu.memory_space<vmem>>)
      tpu.yield
    }) : () -> ()
    %barrier3A = arith.constant 0 : index
    tpu.barrier barrier_id(%barrier3A)
    %dma_start3A = arith.constant 0 : i32
    %dma_start3A_7 = arith.constant 0 : i32
    %dma_start3A_8 = arith.constant 0 : i32
    %dma_start3A_9 = arith.constant 0 : i32
    %dma_start3A_10 = tpu.memref_slice %arg9[%dma_start3A_7, %dma_start3A_8, %dma_start3A_9] : memref<4x128x16xf32, #tpu.memory_space<vmem>> -> memref<1x128x16xf32, #tpu.memory_space<vmem>>
    %dma_start3A_11 = tpu.memref_squeeze %dma_start3A_10 : memref<1x128x16xf32, #tpu.memory_space<vmem>> -> memref<128x16xf32, #tpu.memory_space<vmem>>
    %dma_start3A_12 = arith.constant 0 : i32
    %dma_start3A_13 = tpu.memref_slice %arg7[%dma_start3A, %dma_start3A_12] : memref<40x128xi32, #tpu.memory_space<vmem>> -> memref<1x128xi32, #tpu.memory_space<vmem>>
    %dma_start3A_14 = tpu.memref_squeeze %dma_start3A_13 : memref<1x128xi32, #tpu.memory_space<vmem>> -> memref<128xi32, #tpu.memory_space<vmem>>
    %dma_start3A_15 = arith.constant 0 : i32
    %dma_start3A_16 = arith.constant 0 : i32
    %dma_start3A_17 = tpu.memref_slice %arg2[%dma_start3A_15, %dma_start3A_16] : memref<10240x16xf32, #tpu.memory_space<hbm>> -> memref<10240x16xf32, #tpu.memory_space<hbm>>
    tpu.enqueue_indirect_dma source(%dma_start3A_17 : memref<10240x16xf32, #tpu.memory_space<hbm>>) target(%dma_start3A_11 : memref<128x16xf32, #tpu.memory_space<vmem>>) offsets(%dma_start3A_14 : memref<128xi32, #tpu.memory_space<vmem>>) semaphore(%arg11 : memref<!tpu.dma_semaphore, #tpu.memory_space<semaphore_mem>>)
    %dma_start3A_18 = arith.constant 1 : i32
    %dma_start3A_19 = arith.constant 1 : i32
    %dma_start3A_20 = arith.constant 0 : i32
    %dma_start3A_21 = arith.constant 0 : i32
    %dma_start3A_22 = tpu.memref_slice %arg9[%dma_start3A_19, %dma_start3A_20, %dma_start3A_21] : memref<4x128x16xf32, #tpu.memory_space<vmem>> -> memref<1x128x16xf32, #tpu.memory_space<vmem>>
    %dma_start3A_23 = tpu.memref_squeeze %dma_start3A_22 : memref<1x128x16xf32, #tpu.memory_space<vmem>> -> memref<128x16xf32, #tpu.memory_space<vmem>>
    %dma_start3A_24 = arith.constant 0 : i32
    %dma_start3A_25 = tpu.memref_slice %arg7[%dma_start3A_18, %dma_start3A_24] : memref<40x128xi32, #tpu.memory_space<vmem>> -> memref<1x128xi32, #tpu.memory_space<vmem>>
    %dma_start3A_26 = tpu.memref_squeeze %dma_start3A_25 : memref<1x128xi32, #tpu.memory_space<vmem>> -> memref<128xi32, #tpu.memory_space<vmem>>
    %dma_start3A_27 = arith.constant 0 : i32
    %dma_start3A_28 = arith.constant 0 : i32
    %dma_start3A_29 = tpu.memref_slice %arg2[%dma_start3A_27, %dma_start3A_28] : memref<10240x16xf32, #tpu.memory_space<hbm>> -> memref<10240x16xf32, #tpu.memory_space<hbm>>
    tpu.enqueue_indirect_dma source(%dma_start3A_29 : memref<10240x16xf32, #tpu.memory_space<hbm>>) target(%dma_start3A_23 : memref<128x16xf32, #tpu.memory_space<vmem>>) offsets(%dma_start3A_26 : memref<128xi32, #tpu.memory_space<vmem>>) semaphore(%arg12 : memref<!tpu.dma_semaphore, #tpu.memory_space<semaphore_mem>>)
    %dma_start3A_30 = arith.constant 2 : i32
    %dma_start3A_31 = arith.constant 2 : i32
    %dma_start3A_32 = arith.constant 0 : i32
    %dma_start3A_33 = arith.constant 0 : i32
    %dma_start3A_34 = tpu.memref_slice %arg9[%dma_start3A_31, %dma_start3A_32, %dma_start3A_33] : memref<4x128x16xf32, #tpu.memory_space<vmem>> -> memref<1x128x16xf32, #tpu.memory_space<vmem>>
    %dma_start3A_35 = tpu.memref_squeeze %dma_start3A_34 : memref<1x128x16xf32, #tpu.memory_space<vmem>> -> memref<128x16xf32, #tpu.memory_space<vmem>>
    %dma_start3A_36 = arith.constant 0 : i32
    %dma_start3A_37 = tpu.memref_slice %arg7[%dma_start3A_30, %dma_start3A_36] : memref<40x128xi32, #tpu.memory_space<vmem>> -> memref<1x128xi32, #tpu.memory_space<vmem>>
    %dma_start3A_38 = tpu.memref_squeeze %dma_start3A_37 : memref<1x128xi32, #tpu.memory_space<vmem>> -> memref<128xi32, #tpu.memory_space<vmem>>
    %dma_start3A_39 = arith.constant 0 : i32
    %dma_start3A_40 = arith.constant 0 : i32
    %dma_start3A_41 = tpu.memref_slice %arg2[%dma_start3A_39, %dma_start3A_40] : memref<10240x16xf32, #tpu.memory_space<hbm>> -> memref<10240x16xf32, #tpu.memory_space<hbm>>
    tpu.enqueue_indirect_dma source(%dma_start3A_41 : memref<10240x16xf32, #tpu.memory_space<hbm>>) target(%dma_start3A_35 : memref<128x16xf32, #tpu.memory_space<vmem>>) offsets(%dma_start3A_38 : memref<128xi32, #tpu.memory_space<vmem>>) semaphore(%arg13 : memref<!tpu.dma_semaphore, #tpu.memory_space<semaphore_mem>>)
    %dma_start3A_42 = arith.constant 3 : i32
    %dma_start3A_43 = arith.constant 3 : i32
    %dma_start3A_44 = arith.constant 0 : i32
    %dma_start3A_45 = arith.constant 0 : i32
    %dma_start3A_46 = tpu.memref_slice %arg9[%dma_start3A_43, %dma_start3A_44, %dma_start3A_45] : memref<4x128x16xf32, #tpu.memory_space<vmem>> -> memref<1x128x16xf32, #tpu.memory_space<vmem>>
    %dma_start3A_47 = tpu.memref_squeeze %dma_start3A_46 : memref<1x128x16xf32, #tpu.memory_space<vmem>> -> memref<128x16xf32, #tpu.memory_space<vmem>>
    %dma_start3A_48 = arith.constant 0 : i32
    %dma_start3A_49 = tpu.memref_slice %arg7[%dma_start3A_42, %dma_start3A_48] : memref<40x128xi32, #tpu.memory_space<vmem>> -> memref<1x128xi32, #tpu.memory_space<vmem>>
    %dma_start3A_50 = tpu.memref_squeeze %dma_start3A_49 : memref<1x128xi32, #tpu.memory_space<vmem>> -> memref<128xi32, #tpu.memory_space<vmem>>
    %dma_start3A_51 = arith.constant 0 : i32
    %dma_start3A_52 = arith.constant 0 : i32
    %dma_start3A_53 = tpu.memref_slice %arg2[%dma_start3A_51, %dma_start3A_52] : memref<10240x16xf32, #tpu.memory_space<hbm>> -> memref<10240x16xf32, #tpu.memory_space<hbm>>
    tpu.enqueue_indirect_dma source(%dma_start3A_53 : memref<10240x16xf32, #tpu.memory_space<hbm>>) target(%dma_start3A_47 : memref<128x16xf32, #tpu.memory_space<vmem>>) offsets(%dma_start3A_50 : memref<128xi32, #tpu.memory_space<vmem>>) semaphore(%arg14 : memref<!tpu.dma_semaphore, #tpu.memory_space<semaphore_mem>>)
    %scan3A = arith.constant 0 : i32
    %scan3A_54 = arith.constant 0 : i32
    %scan3A_55 = arith.constant 10 : i32
    %scan3A_56 = arith.addi %scan3A_54, %scan3A_55 : i32
    %scan3A_57 = arith.constant 1 : i32
    scf.for %scan3A_63 = %scan3A_54 to %scan3A_56 step %scan3A_57  : i32 {
      %mul3A_64 = arith.constant 4 : i32
      %mul3A_65 = arith.muli %scan3A_63, %mul3A_64 : i32
      %add3A = arith.constant 0 : i32
      %add3A_66 = arith.addi %mul3A_65, %add3A : i32
      %dma_wait3A = arith.constant 0 : i32
      %dma_wait3A_67 = arith.constant 0 : i32
      %dma_wait3A_68 = arith.constant 0 : i32
      %dma_wait3A_69 = tpu.memref_slice %arg9[%dma_wait3A, %dma_wait3A_67, %dma_wait3A_68] : memref<4x128x16xf32, #tpu.memory_space<vmem>> -> memref<1x128x16xf32, #tpu.memory_space<vmem>>
      %dma_wait3A_70 = tpu.memref_squeeze %dma_wait3A_69 : memref<1x128x16xf32, #tpu.memory_space<vmem>> -> memref<128x16xf32, #tpu.memory_space<vmem>>
      %dma_wait3A_71 = arith.constant 0 : i32
      %dma_wait3A_72 = tpu.memref_slice %arg7[%add3A_66, %dma_wait3A_71] : memref<40x128xi32, #tpu.memory_space<vmem>> -> memref<1x128xi32, #tpu.memory_space<vmem>>
      %dma_wait3A_73 = tpu.memref_squeeze %dma_wait3A_72 : memref<1x128xi32, #tpu.memory_space<vmem>> -> memref<128xi32, #tpu.memory_space<vmem>>
      %dma_wait3A_74 = arith.constant 0 : i32
      %dma_wait3A_75 = arith.constant 0 : i32
      %dma_wait3A_76 = tpu.memref_slice %arg2[%dma_wait3A_74, %dma_wait3A_75] : memref<10240x16xf32, #tpu.memory_space<hbm>> -> memref<10240x16xf32, #tpu.memory_space<hbm>>
      tpu.wait_indirect_dma semaphore(%arg11 : memref<!tpu.dma_semaphore, #tpu.memory_space<semaphore_mem>>) src(%dma_wait3A_76 : memref<10240x16xf32, #tpu.memory_space<hbm>>) dst(%dma_wait3A_70 : memref<128x16xf32, #tpu.memory_space<vmem>>)
      %run_scoped3A = arith.constant 0 : i32
      "tpu.region"() ({
        %run_scoped3A_152 = tpu.sem_alloc : memref<!tpu.dma_semaphore, #tpu.memory_space<semaphore_mem>>
        %dma_start3A_153 = arith.constant 0 : i32
        %dma_start3A_154 = arith.constant 0 : i32
        %dma_start3A_155 = tpu.memref_slice %arg9[%run_scoped3A, %dma_start3A_153, %dma_start3A_154] : memref<4x128x16xf32, #tpu.memory_space<vmem>> -> memref<1x128x16xf32, #tpu.memory_space<vmem>>
        %dma_start3A_156 = tpu.memref_squeeze %dma_start3A_155 : memref<1x128x16xf32, #tpu.memory_space<vmem>> -> memref<128x16xf32, #tpu.memory_space<vmem>>
        %dma_start3A_157 = arith.constant 0 : i32
        %dma_start3A_158 = tpu.memref_slice %arg8[%add3A_66, %dma_start3A_157] : memref<40x128xi32, #tpu.memory_space<vmem>> -> memref<1x128xi32, #tpu.memory_space<vmem>>
        %dma_start3A_159 = tpu.memref_squeeze %dma_start3A_158 : memref<1x128xi32, #tpu.memory_space<vmem>> -> memref<128xi32, #tpu.memory_space<vmem>>
        %dma_start3A_160 = arith.constant 0 : i32
        %dma_start3A_161 = arith.constant 0 : i32
        %dma_start3A_162 = tpu.memref_slice %arg10[%dma_start3A_160, %dma_start3A_161] : memref<10240x16xf32, #tpu.memory_space<vmem_shared>> -> memref<10240x16xf32, #tpu.memory_space<vmem_shared>>
        tpu.enqueue_indirect_dma source(%dma_start3A_156 : memref<128x16xf32, #tpu.memory_space<vmem>>) target(%dma_start3A_162 : memref<10240x16xf32, #tpu.memory_space<vmem_shared>>) offsets(%dma_start3A_159 : memref<128xi32, #tpu.memory_space<vmem>>) semaphore(%run_scoped3A_152 : memref<!tpu.dma_semaphore, #tpu.memory_space<semaphore_mem>>) {add = true}
        %dma_wait3A_163 = arith.constant 0 : i32
        %dma_wait3A_164 = arith.constant 0 : i32
        %dma_wait3A_165 = tpu.memref_slice %arg9[%run_scoped3A, %dma_wait3A_163, %dma_wait3A_164] : memref<4x128x16xf32, #tpu.memory_space<vmem>> -> memref<1x128x16xf32, #tpu.memory_space<vmem>>
        %dma_wait3A_166 = tpu.memref_squeeze %dma_wait3A_165 : memref<1x128x16xf32, #tpu.memory_space<vmem>> -> memref<128x16xf32, #tpu.memory_space<vmem>>
        %dma_wait3A_167 = arith.constant 0 : i32
        %dma_wait3A_168 = tpu.memref_slice %arg8[%add3A_66, %dma_wait3A_167] : memref<40x128xi32, #tpu.memory_space<vmem>> -> memref<1x128xi32, #tpu.memory_space<vmem>>
        %dma_wait3A_169 = tpu.memref_squeeze %dma_wait3A_168 : memref<1x128xi32, #tpu.memory_space<vmem>> -> memref<128xi32, #tpu.memory_space<vmem>>
        %dma_wait3A_170 = arith.constant 0 : i32
        %dma_wait3A_171 = arith.constant 0 : i32
        %dma_wait3A_172 = tpu.memref_slice %arg10[%dma_wait3A_170, %dma_wait3A_171] : memref<10240x16xf32, #tpu.memory_space<vmem_shared>> -> memref<10240x16xf32, #tpu.memory_space<vmem_shared>>
        tpu.wait_indirect_dma semaphore(%run_scoped3A_152 : memref<!tpu.dma_semaphore, #tpu.memory_space<semaphore_mem>>) src(%dma_wait3A_166 : memref<128x16xf32, #tpu.memory_space<vmem>>) dst(%dma_wait3A_172 : memref<10240x16xf32, #tpu.memory_space<vmem_shared>>)
        tpu.yield
      }) : () -> ()
      %add3A_77 = arith.constant 4 : i32
      %add3A_78 = arith.addi %add3A_66, %add3A_77 : i32
      %lt3A = arith.constant 40 : i32
      %lt3A_79 = arith.cmpi slt, %add3A_78, %lt3A : i32
      %convert_element_type3A_80 = arith.extui %lt3A_79 : i1 to i32
      %cond3A_81 = arith.constant 0 : i32
      %cond3A_82 = arith.cmpi ne, %convert_element_type3A_80, %cond3A_81 : i32
      scf.if %cond3A_82 {
        %add3A_152 = arith.constant 4 : i32
        %add3A_153 = arith.addi %add3A_66, %add3A_152 : i32
        %dma_start3A_154 = arith.constant 0 : i32
        %dma_start3A_155 = arith.constant 0 : i32
        %dma_start3A_156 = arith.constant 0 : i32
        %dma_start3A_157 = tpu.memref_slice %arg9[%dma_start3A_154, %dma_start3A_155, %dma_start3A_156] : memref<4x128x16xf32, #tpu.memory_space<vmem>> -> memref<1x128x16xf32, #tpu.memory_space<vmem>>
        %dma_start3A_158 = tpu.memref_squeeze %dma_start3A_157 : memref<1x128x16xf32, #tpu.memory_space<vmem>> -> memref<128x16xf32, #tpu.memory_space<vmem>>
        %dma_start3A_159 = arith.constant 0 : i32
        %dma_start3A_160 = tpu.memref_slice %arg7[%add3A_153, %dma_start3A_159] : memref<40x128xi32, #tpu.memory_space<vmem>> -> memref<1x128xi32, #tpu.memory_space<vmem>>
        %dma_start3A_161 = tpu.memref_squeeze %dma_start3A_160 : memref<1x128xi32, #tpu.memory_space<vmem>> -> memref<128xi32, #tpu.memory_space<vmem>>
        %dma_start3A_162 = arith.constant 0 : i32
        %dma_start3A_163 = arith.constant 0 : i32
        %dma_start3A_164 = tpu.memref_slice %arg2[%dma_start3A_162, %dma_start3A_163] : memref<10240x16xf32, #tpu.memory_space<hbm>> -> memref<10240x16xf32, #tpu.memory_space<hbm>>
        tpu.enqueue_indirect_dma source(%dma_start3A_164 : memref<10240x16xf32, #tpu.memory_space<hbm>>) target(%dma_start3A_158 : memref<128x16xf32, #tpu.memory_space<vmem>>) offsets(%dma_start3A_161 : memref<128xi32, #tpu.memory_space<vmem>>) semaphore(%arg11 : memref<!tpu.dma_semaphore, #tpu.memory_space<semaphore_mem>>)
      } else {
      }
      %mul3A_83 = arith.constant 4 : i32
      %mul3A_84 = arith.muli %scan3A_63, %mul3A_83 : i32
      %add3A_85 = arith.constant 1 : i32
      %add3A_86 = arith.addi %mul3A_84, %add3A_85 : i32
      %dma_wait3A_87 = arith.constant 1 : i32
      %dma_wait3A_88 = arith.constant 0 : i32
      %dma_wait3A_89 = arith.constant 0 : i32
      %dma_wait3A_90 = tpu.memref_slice %arg9[%dma_wait3A_87, %dma_wait3A_88, %dma_wait3A_89] : memref<4x128x16xf32, #tpu.memory_space<vmem>> -> memref<1x128x16xf32, #tpu.memory_space<vmem>>
      %dma_wait3A_91 = tpu.memref_squeeze %dma_wait3A_90 : memref<1x128x16xf32, #tpu.memory_space<vmem>> -> memref<128x16xf32, #tpu.memory_space<vmem>>
      %dma_wait3A_92 = arith.constant 0 : i32
      %dma_wait3A_93 = tpu.memref_slice %arg7[%add3A_86, %dma_wait3A_92] : memref<40x128xi32, #tpu.memory_space<vmem>> -> memref<1x128xi32, #tpu.memory_space<vmem>>
      %dma_wait3A_94 = tpu.memref_squeeze %dma_wait3A_93 : memref<1x128xi32, #tpu.memory_space<vmem>> -> memref<128xi32, #tpu.memory_space<vmem>>
      %dma_wait3A_95 = arith.constant 0 : i32
      %dma_wait3A_96 = arith.constant 0 : i32
      %dma_wait3A_97 = tpu.memref_slice %arg2[%dma_wait3A_95, %dma_wait3A_96] : memref<10240x16xf32, #tpu.memory_space<hbm>> -> memref<10240x16xf32, #tpu.memory_space<hbm>>
      tpu.wait_indirect_dma semaphore(%arg12 : memref<!tpu.dma_semaphore, #tpu.memory_space<semaphore_mem>>) src(%dma_wait3A_97 : memref<10240x16xf32, #tpu.memory_space<hbm>>) dst(%dma_wait3A_91 : memref<128x16xf32, #tpu.memory_space<vmem>>)
      %run_scoped3A_98 = arith.constant 1 : i32
      "tpu.region"() ({
        %run_scoped3A_152 = tpu.sem_alloc : memref<!tpu.dma_semaphore, #tpu.memory_space<semaphore_mem>>
        %dma_start3A_153 = arith.constant 0 : i32
        %dma_start3A_154 = arith.constant 0 : i32
        %dma_start3A_155 = tpu.memref_slice %arg9[%run_scoped3A_98, %dma_start3A_153, %dma_start3A_154] : memref<4x128x16xf32, #tpu.memory_space<vmem>> -> memref<1x128x16xf32, #tpu.memory_space<vmem>>
        %dma_start3A_156 = tpu.memref_squeeze %dma_start3A_155 : memref<1x128x16xf32, #tpu.memory_space<vmem>> -> memref<128x16xf32, #tpu.memory_space<vmem>>
        %dma_start3A_157 = arith.constant 0 : i32
        %dma_start3A_158 = tpu.memref_slice %arg8[%add3A_86, %dma_start3A_157] : memref<40x128xi32, #tpu.memory_space<vmem>> -> memref<1x128xi32, #tpu.memory_space<vmem>>
        %dma_start3A_159 = tpu.memref_squeeze %dma_start3A_158 : memref<1x128xi32, #tpu.memory_space<vmem>> -> memref<128xi32, #tpu.memory_space<vmem>>
        %dma_start3A_160 = arith.constant 0 : i32
        %dma_start3A_161 = arith.constant 0 : i32
        %dma_start3A_162 = tpu.memref_slice %arg10[%dma_start3A_160, %dma_start3A_161] : memref<10240x16xf32, #tpu.memory_space<vmem_shared>> -> memref<10240x16xf32, #tpu.memory_space<vmem_shared>>
        tpu.enqueue_indirect_dma source(%dma_start3A_156 : memref<128x16xf32, #tpu.memory_space<vmem>>) target(%dma_start3A_162 : memref<10240x16xf32, #tpu.memory_space<vmem_shared>>) offsets(%dma_start3A_159 : memref<128xi32, #tpu.memory_space<vmem>>) semaphore(%run_scoped3A_152 : memref<!tpu.dma_semaphore, #tpu.memory_space<semaphore_mem>>) {add = true}
        %dma_wait3A_163 = arith.constant 0 : i32
        %dma_wait3A_164 = arith.constant 0 : i32
        %dma_wait3A_165 = tpu.memref_slice %arg9[%run_scoped3A_98, %dma_wait3A_163, %dma_wait3A_164] : memref<4x128x16xf32, #tpu.memory_space<vmem>> -> memref<1x128x16xf32, #tpu.memory_space<vmem>>
        %dma_wait3A_166 = tpu.memref_squeeze %dma_wait3A_165 : memref<1x128x16xf32, #tpu.memory_space<vmem>> -> memref<128x16xf32, #tpu.memory_space<vmem>>
        %dma_wait3A_167 = arith.constant 0 : i32
        %dma_wait3A_168 = tpu.memref_slice %arg8[%add3A_86, %dma_wait3A_167] : memref<40x128xi32, #tpu.memory_space<vmem>> -> memref<1x128xi32, #tpu.memory_space<vmem>>
        %dma_wait3A_169 = tpu.memref_squeeze %dma_wait3A_168 : memref<1x128xi32, #tpu.memory_space<vmem>> -> memref<128xi32, #tpu.memory_space<vmem>>
        %dma_wait3A_170 = arith.constant 0 : i32
        %dma_wait3A_171 = arith.constant 0 : i32
        %dma_wait3A_172 = tpu.memref_slice %arg10[%dma_wait3A_170, %dma_wait3A_171] : memref<10240x16xf32, #tpu.memory_space<vmem_shared>> -> memref<10240x16xf32, #tpu.memory_space<vmem_shared>>
        tpu.wait_indirect_dma semaphore(%run_scoped3A_152 : memref<!tpu.dma_semaphore, #tpu.memory_space<semaphore_mem>>) src(%dma_wait3A_166 : memref<128x16xf32, #tpu.memory_space<vmem>>) dst(%dma_wait3A_172 : memref<10240x16xf32, #tpu.memory_space<vmem_shared>>)
        tpu.yield
      }) : () -> ()
      %add3A_99 = arith.constant 4 : i32
      %add3A_100 = arith.addi %add3A_86, %add3A_99 : i32
      %lt3A_101 = arith.constant 40 : i32
      %lt3A_102 = arith.cmpi slt, %add3A_100, %lt3A_101 : i32
      %convert_element_type3A_103 = arith.extui %lt3A_102 : i1 to i32
      %cond3A_104 = arith.constant 0 : i32
      %cond3A_105 = arith.cmpi ne, %convert_element_type3A_103, %cond3A_104 : i32
      scf.if %cond3A_105 {
        %add3A_152 = arith.constant 4 : i32
        %add3A_153 = arith.addi %add3A_86, %add3A_152 : i32
        %dma_start3A_154 = arith.constant 1 : i32
        %dma_start3A_155 = arith.constant 0 : i32
        %dma_start3A_156 = arith.constant 0 : i32
        %dma_start3A_157 = tpu.memref_slice %arg9[%dma_start3A_154, %dma_start3A_155, %dma_start3A_156] : memref<4x128x16xf32, #tpu.memory_space<vmem>> -> memref<1x128x16xf32, #tpu.memory_space<vmem>>
        %dma_start3A_158 = tpu.memref_squeeze %dma_start3A_157 : memref<1x128x16xf32, #tpu.memory_space<vmem>> -> memref<128x16xf32, #tpu.memory_space<vmem>>
        %dma_start3A_159 = arith.constant 0 : i32
        %dma_start3A_160 = tpu.memref_slice %arg7[%add3A_153, %dma_start3A_159] : memref<40x128xi32, #tpu.memory_space<vmem>> -> memref<1x128xi32, #tpu.memory_space<vmem>>
        %dma_start3A_161 = tpu.memref_squeeze %dma_start3A_160 : memref<1x128xi32, #tpu.memory_space<vmem>> -> memref<128xi32, #tpu.memory_space<vmem>>
        %dma_start3A_162 = arith.constant 0 : i32
        %dma_start3A_163 = arith.constant 0 : i32
        %dma_start3A_164 = tpu.memref_slice %arg2[%dma_start3A_162, %dma_start3A_163] : memref<10240x16xf32, #tpu.memory_space<hbm>> -> memref<10240x16xf32, #tpu.memory_space<hbm>>
        tpu.enqueue_indirect_dma source(%dma_start3A_164 : memref<10240x16xf32, #tpu.memory_space<hbm>>) target(%dma_start3A_158 : memref<128x16xf32, #tpu.memory_space<vmem>>) offsets(%dma_start3A_161 : memref<128xi32, #tpu.memory_space<vmem>>) semaphore(%arg12 : memref<!tpu.dma_semaphore, #tpu.memory_space<semaphore_mem>>)
      } else {
      }
      %mul3A_106 = arith.constant 4 : i32
      %mul3A_107 = arith.muli %scan3A_63, %mul3A_106 : i32
      %add3A_108 = arith.constant 2 : i32
      %add3A_109 = arith.addi %mul3A_107, %add3A_108 : i32
      %dma_wait3A_110 = arith.constant 2 : i32
      %dma_wait3A_111 = arith.constant 0 : i32
      %dma_wait3A_112 = arith.constant 0 : i32
      %dma_wait3A_113 = tpu.memref_slice %arg9[%dma_wait3A_110, %dma_wait3A_111, %dma_wait3A_112] : memref<4x128x16xf32, #tpu.memory_space<vmem>> -> memref<1x128x16xf32, #tpu.memory_space<vmem>>
      %dma_wait3A_114 = tpu.memref_squeeze %dma_wait3A_113 : memref<1x128x16xf32, #tpu.memory_space<vmem>> -> memref<128x16xf32, #tpu.memory_space<vmem>>
      %dma_wait3A_115 = arith.constant 0 : i32
      %dma_wait3A_116 = tpu.memref_slice %arg7[%add3A_109, %dma_wait3A_115] : memref<40x128xi32, #tpu.memory_space<vmem>> -> memref<1x128xi32, #tpu.memory_space<vmem>>
      %dma_wait3A_117 = tpu.memref_squeeze %dma_wait3A_116 : memref<1x128xi32, #tpu.memory_space<vmem>> -> memref<128xi32, #tpu.memory_space<vmem>>
      %dma_wait3A_118 = arith.constant 0 : i32
      %dma_wait3A_119 = arith.constant 0 : i32
      %dma_wait3A_120 = tpu.memref_slice %arg2[%dma_wait3A_118, %dma_wait3A_119] : memref<10240x16xf32, #tpu.memory_space<hbm>> -> memref<10240x16xf32, #tpu.memory_space<hbm>>
      tpu.wait_indirect_dma semaphore(%arg13 : memref<!tpu.dma_semaphore, #tpu.memory_space<semaphore_mem>>) src(%dma_wait3A_120 : memref<10240x16xf32, #tpu.memory_space<hbm>>) dst(%dma_wait3A_114 : memref<128x16xf32, #tpu.memory_space<vmem>>)
      %run_scoped3A_121 = arith.constant 2 : i32
      "tpu.region"() ({
        %run_scoped3A_152 = tpu.sem_alloc : memref<!tpu.dma_semaphore, #tpu.memory_space<semaphore_mem>>
        %dma_start3A_153 = arith.constant 0 : i32
        %dma_start3A_154 = arith.constant 0 : i32
        %dma_start3A_155 = tpu.memref_slice %arg9[%run_scoped3A_121, %dma_start3A_153, %dma_start3A_154] : memref<4x128x16xf32, #tpu.memory_space<vmem>> -> memref<1x128x16xf32, #tpu.memory_space<vmem>>
        %dma_start3A_156 = tpu.memref_squeeze %dma_start3A_155 : memref<1x128x16xf32, #tpu.memory_space<vmem>> -> memref<128x16xf32, #tpu.memory_space<vmem>>
        %dma_start3A_157 = arith.constant 0 : i32
        %dma_start3A_158 = tpu.memref_slice %arg8[%add3A_109, %dma_start3A_157] : memref<40x128xi32, #tpu.memory_space<vmem>> -> memref<1x128xi32, #tpu.memory_space<vmem>>
        %dma_start3A_159 = tpu.memref_squeeze %dma_start3A_158 : memref<1x128xi32, #tpu.memory_space<vmem>> -> memref<128xi32, #tpu.memory_space<vmem>>
        %dma_start3A_160 = arith.constant 0 : i32
        %dma_start3A_161 = arith.constant 0 : i32
        %dma_start3A_162 = tpu.memref_slice %arg10[%dma_start3A_160, %dma_start3A_161] : memref<10240x16xf32, #tpu.memory_space<vmem_shared>> -> memref<10240x16xf32, #tpu.memory_space<vmem_shared>>
        tpu.enqueue_indirect_dma source(%dma_start3A_156 : memref<128x16xf32, #tpu.memory_space<vmem>>) target(%dma_start3A_162 : memref<10240x16xf32, #tpu.memory_space<vmem_shared>>) offsets(%dma_start3A_159 : memref<128xi32, #tpu.memory_space<vmem>>) semaphore(%run_scoped3A_152 : memref<!tpu.dma_semaphore, #tpu.memory_space<semaphore_mem>>) {add = true}
        %dma_wait3A_163 = arith.constant 0 : i32
        %dma_wait3A_164 = arith.constant 0 : i32
        %dma_wait3A_165 = tpu.memref_slice %arg9[%run_scoped3A_121, %dma_wait3A_163, %dma_wait3A_164] : memref<4x128x16xf32, #tpu.memory_space<vmem>> -> memref<1x128x16xf32, #tpu.memory_space<vmem>>
        %dma_wait3A_166 = tpu.memref_squeeze %dma_wait3A_165 : memref<1x128x16xf32, #tpu.memory_space<vmem>> -> memref<128x16xf32, #tpu.memory_space<vmem>>
        %dma_wait3A_167 = arith.constant 0 : i32
        %dma_wait3A_168 = tpu.memref_slice %arg8[%add3A_109, %dma_wait3A_167] : memref<40x128xi32, #tpu.memory_space<vmem>> -> memref<1x128xi32, #tpu.memory_space<vmem>>
        %dma_wait3A_169 = tpu.memref_squeeze %dma_wait3A_168 : memref<1x128xi32, #tpu.memory_space<vmem>> -> memref<128xi32, #tpu.memory_space<vmem>>
        %dma_wait3A_170 = arith.constant 0 : i32
        %dma_wait3A_171 = arith.constant 0 : i32
        %dma_wait3A_172 = tpu.memref_slice %arg10[%dma_wait3A_170, %dma_wait3A_171] : memref<10240x16xf32, #tpu.memory_space<vmem_shared>> -> memref<10240x16xf32, #tpu.memory_space<vmem_shared>>
        tpu.wait_indirect_dma semaphore(%run_scoped3A_152 : memref<!tpu.dma_semaphore, #tpu.memory_space<semaphore_mem>>) src(%dma_wait3A_166 : memref<128x16xf32, #tpu.memory_space<vmem>>) dst(%dma_wait3A_172 : memref<10240x16xf32, #tpu.memory_space<vmem_shared>>)
        tpu.yield
      }) : () -> ()
      %add3A_122 = arith.constant 4 : i32
      %add3A_123 = arith.addi %add3A_109, %add3A_122 : i32
      %lt3A_124 = arith.constant 40 : i32
      %lt3A_125 = arith.cmpi slt, %add3A_123, %lt3A_124 : i32
      %convert_element_type3A_126 = arith.extui %lt3A_125 : i1 to i32
      %cond3A_127 = arith.constant 0 : i32
      %cond3A_128 = arith.cmpi ne, %convert_element_type3A_126, %cond3A_127 : i32
      scf.if %cond3A_128 {
        %add3A_152 = arith.constant 4 : i32
        %add3A_153 = arith.addi %add3A_109, %add3A_152 : i32
        %dma_start3A_154 = arith.constant 2 : i32
        %dma_start3A_155 = arith.constant 0 : i32
        %dma_start3A_156 = arith.constant 0 : i32
        %dma_start3A_157 = tpu.memref_slice %arg9[%dma_start3A_154, %dma_start3A_155, %dma_start3A_156] : memref<4x128x16xf32, #tpu.memory_space<vmem>> -> memref<1x128x16xf32, #tpu.memory_space<vmem>>
        %dma_start3A_158 = tpu.memref_squeeze %dma_start3A_157 : memref<1x128x16xf32, #tpu.memory_space<vmem>> -> memref<128x16xf32, #tpu.memory_space<vmem>>
        %dma_start3A_159 = arith.constant 0 : i32
        %dma_start3A_160 = tpu.memref_slice %arg7[%add3A_153, %dma_start3A_159] : memref<40x128xi32, #tpu.memory_space<vmem>> -> memref<1x128xi32, #tpu.memory_space<vmem>>
        %dma_start3A_161 = tpu.memref_squeeze %dma_start3A_160 : memref<1x128xi32, #tpu.memory_space<vmem>> -> memref<128xi32, #tpu.memory_space<vmem>>
        %dma_start3A_162 = arith.constant 0 : i32
        %dma_start3A_163 = arith.constant 0 : i32
        %dma_start3A_164 = tpu.memref_slice %arg2[%dma_start3A_162, %dma_start3A_163] : memref<10240x16xf32, #tpu.memory_space<hbm>> -> memref<10240x16xf32, #tpu.memory_space<hbm>>
        tpu.enqueue_indirect_dma source(%dma_start3A_164 : memref<10240x16xf32, #tpu.memory_space<hbm>>) target(%dma_start3A_158 : memref<128x16xf32, #tpu.memory_space<vmem>>) offsets(%dma_start3A_161 : memref<128xi32, #tpu.memory_space<vmem>>) semaphore(%arg13 : memref<!tpu.dma_semaphore, #tpu.memory_space<semaphore_mem>>)
      } else {
      }
      %mul3A_129 = arith.constant 4 : i32
      %mul3A_130 = arith.muli %scan3A_63, %mul3A_129 : i32
      %add3A_131 = arith.constant 3 : i32
      %add3A_132 = arith.addi %mul3A_130, %add3A_131 : i32
      %dma_wait3A_133 = arith.constant 3 : i32
      %dma_wait3A_134 = arith.constant 0 : i32
      %dma_wait3A_135 = arith.constant 0 : i32
      %dma_wait3A_136 = tpu.memref_slice %arg9[%dma_wait3A_133, %dma_wait3A_134, %dma_wait3A_135] : memref<4x128x16xf32, #tpu.memory_space<vmem>> -> memref<1x128x16xf32, #tpu.memory_space<vmem>>
      %dma_wait3A_137 = tpu.memref_squeeze %dma_wait3A_136 : memref<1x128x16xf32, #tpu.memory_space<vmem>> -> memref<128x16xf32, #tpu.memory_space<vmem>>
      %dma_wait3A_138 = arith.constant 0 : i32
      %dma_wait3A_139 = tpu.memref_slice %arg7[%add3A_132, %dma_wait3A_138] : memref<40x128xi32, #tpu.memory_space<vmem>> -> memref<1x128xi32, #tpu.memory_space<vmem>>
      %dma_wait3A_140 = tpu.memref_squeeze %dma_wait3A_139 : memref<1x128xi32, #tpu.memory_space<vmem>> -> memref<128xi32, #tpu.memory_space<vmem>>
      %dma_wait3A_141 = arith.constant 0 : i32
      %dma_wait3A_142 = arith.constant 0 : i32
      %dma_wait3A_143 = tpu.memref_slice %arg2[%dma_wait3A_141, %dma_wait3A_142] : memref<10240x16xf32, #tpu.memory_space<hbm>> -> memref<10240x16xf32, #tpu.memory_space<hbm>>
      tpu.wait_indirect_dma semaphore(%arg14 : memref<!tpu.dma_semaphore, #tpu.memory_space<semaphore_mem>>) src(%dma_wait3A_143 : memref<10240x16xf32, #tpu.memory_space<hbm>>) dst(%dma_wait3A_137 : memref<128x16xf32, #tpu.memory_space<vmem>>)
      %run_scoped3A_144 = arith.constant 3 : i32
      "tpu.region"() ({
        %run_scoped3A_152 = tpu.sem_alloc : memref<!tpu.dma_semaphore, #tpu.memory_space<semaphore_mem>>
        %dma_start3A_153 = arith.constant 0 : i32
        %dma_start3A_154 = arith.constant 0 : i32
        %dma_start3A_155 = tpu.memref_slice %arg9[%run_scoped3A_144, %dma_start3A_153, %dma_start3A_154] : memref<4x128x16xf32, #tpu.memory_space<vmem>> -> memref<1x128x16xf32, #tpu.memory_space<vmem>>
        %dma_start3A_156 = tpu.memref_squeeze %dma_start3A_155 : memref<1x128x16xf32, #tpu.memory_space<vmem>> -> memref<128x16xf32, #tpu.memory_space<vmem>>
        %dma_start3A_157 = arith.constant 0 : i32
        %dma_start3A_158 = tpu.memref_slice %arg8[%add3A_132, %dma_start3A_157] : memref<40x128xi32, #tpu.memory_space<vmem>> -> memref<1x128xi32, #tpu.memory_space<vmem>>
        %dma_start3A_159 = tpu.memref_squeeze %dma_start3A_158 : memref<1x128xi32, #tpu.memory_space<vmem>> -> memref<128xi32, #tpu.memory_space<vmem>>
        %dma_start3A_160 = arith.constant 0 : i32
        %dma_start3A_161 = arith.constant 0 : i32
        %dma_start3A_162 = tpu.memref_slice %arg10[%dma_start3A_160, %dma_start3A_161] : memref<10240x16xf32, #tpu.memory_space<vmem_shared>> -> memref<10240x16xf32, #tpu.memory_space<vmem_shared>>
        tpu.enqueue_indirect_dma source(%dma_start3A_156 : memref<128x16xf32, #tpu.memory_space<vmem>>) target(%dma_start3A_162 : memref<10240x16xf32, #tpu.memory_space<vmem_shared>>) offsets(%dma_start3A_159 : memref<128xi32, #tpu.memory_space<vmem>>) semaphore(%run_scoped3A_152 : memref<!tpu.dma_semaphore, #tpu.memory_space<semaphore_mem>>) {add = true}
        %dma_wait3A_163 = arith.constant 0 : i32
        %dma_wait3A_164 = arith.constant 0 : i32
        %dma_wait3A_165 = tpu.memref_slice %arg9[%run_scoped3A_144, %dma_wait3A_163, %dma_wait3A_164] : memref<4x128x16xf32, #tpu.memory_space<vmem>> -> memref<1x128x16xf32, #tpu.memory_space<vmem>>
        %dma_wait3A_166 = tpu.memref_squeeze %dma_wait3A_165 : memref<1x128x16xf32, #tpu.memory_space<vmem>> -> memref<128x16xf32, #tpu.memory_space<vmem>>
        %dma_wait3A_167 = arith.constant 0 : i32
        %dma_wait3A_168 = tpu.memref_slice %arg8[%add3A_132, %dma_wait3A_167] : memref<40x128xi32, #tpu.memory_space<vmem>> -> memref<1x128xi32, #tpu.memory_space<vmem>>
        %dma_wait3A_169 = tpu.memref_squeeze %dma_wait3A_168 : memref<1x128xi32, #tpu.memory_space<vmem>> -> memref<128xi32, #tpu.memory_space<vmem>>
        %dma_wait3A_170 = arith.constant 0 : i32
        %dma_wait3A_171 = arith.constant 0 : i32
        %dma_wait3A_172 = tpu.memref_slice %arg10[%dma_wait3A_170, %dma_wait3A_171] : memref<10240x16xf32, #tpu.memory_space<vmem_shared>> -> memref<10240x16xf32, #tpu.memory_space<vmem_shared>>
        tpu.wait_indirect_dma semaphore(%run_scoped3A_152 : memref<!tpu.dma_semaphore, #tpu.memory_space<semaphore_mem>>) src(%dma_wait3A_166 : memref<128x16xf32, #tpu.memory_space<vmem>>) dst(%dma_wait3A_172 : memref<10240x16xf32, #tpu.memory_space<vmem_shared>>)
        tpu.yield
      }) : () -> ()
      %add3A_145 = arith.constant 4 : i32
      %add3A_146 = arith.addi %add3A_132, %add3A_145 : i32
      %lt3A_147 = arith.constant 40 : i32
      %lt3A_148 = arith.cmpi slt, %add3A_146, %lt3A_147 : i32
      %convert_element_type3A_149 = arith.extui %lt3A_148 : i1 to i32
      %cond3A_150 = arith.constant 0 : i32
      %cond3A_151 = arith.cmpi ne, %convert_element_type3A_149, %cond3A_150 : i32
      scf.if %cond3A_151 {
        %add3A_152 = arith.constant 4 : i32
        %add3A_153 = arith.addi %add3A_132, %add3A_152 : i32
        %dma_start3A_154 = arith.constant 3 : i32
        %dma_start3A_155 = arith.constant 0 : i32
        %dma_start3A_156 = arith.constant 0 : i32
        %dma_start3A_157 = tpu.memref_slice %arg9[%dma_start3A_154, %dma_start3A_155, %dma_start3A_156] : memref<4x128x16xf32, #tpu.memory_space<vmem>> -> memref<1x128x16xf32, #tpu.memory_space<vmem>>
        %dma_start3A_158 = tpu.memref_squeeze %dma_start3A_157 : memref<1x128x16xf32, #tpu.memory_space<vmem>> -> memref<128x16xf32, #tpu.memory_space<vmem>>
        %dma_start3A_159 = arith.constant 0 : i32
        %dma_start3A_160 = tpu.memref_slice %arg7[%add3A_153, %dma_start3A_159] : memref<40x128xi32, #tpu.memory_space<vmem>> -> memref<1x128xi32, #tpu.memory_space<vmem>>
        %dma_start3A_161 = tpu.memref_squeeze %dma_start3A_160 : memref<1x128xi32, #tpu.memory_space<vmem>> -> memref<128xi32, #tpu.memory_space<vmem>>
        %dma_start3A_162 = arith.constant 0 : i32
        %dma_start3A_163 = arith.constant 0 : i32
        %dma_start3A_164 = tpu.memref_slice %arg2[%dma_start3A_162, %dma_start3A_163] : memref<10240x16xf32, #tpu.memory_space<hbm>> -> memref<10240x16xf32, #tpu.memory_space<hbm>>
        tpu.enqueue_indirect_dma source(%dma_start3A_164 : memref<10240x16xf32, #tpu.memory_space<hbm>>) target(%dma_start3A_158 : memref<128x16xf32, #tpu.memory_space<vmem>>) offsets(%dma_start3A_161 : memref<128xi32, #tpu.memory_space<vmem>>) semaphore(%arg14 : memref<!tpu.dma_semaphore, #tpu.memory_space<semaphore_mem>>)
      } else {
      }
    }
    %scan3A_58 = arith.constant 10 : i32
    %barrier3A_59 = arith.constant 0 : index
    tpu.barrier barrier_id(%barrier3A_59)
    %mul3A = arith.constant 640 : i32
    %mul3A_60 = arith.muli %arg1, %mul3A : i32
    %mul3A_61 = arith.constant 640 : i32
    %mul3A_62 = arith.muli %arg1, %mul3A_61 : i32
    "tpu.region"() ({
      %run_scoped3A = tpu.sem_alloc : memref<!tpu.dma_semaphore, #tpu.memory_space<semaphore_mem>>
      %dma_start3A_63 = arith.constant 0 : i32
      %dma_start3A_64 = tpu.memref_slice %arg6[%arg0, %mul3A_62, %dma_start3A_63] : memref<2x10240x16xf32, #tpu.memory_space<hbm>> -> memref<1x640x16xf32, #tpu.memory_space<hbm>>
      %dma_start3A_65 = tpu.memref_squeeze %dma_start3A_64 : memref<1x640x16xf32, #tpu.memory_space<hbm>> -> memref<640x16xf32, #tpu.memory_space<hbm>>
      %dma_start3A_66 = arith.constant 0 : i32
      %dma_start3A_67 = tpu.memref_slice %arg10[%mul3A_60, %dma_start3A_66] : memref<10240x16xf32, #tpu.memory_space<vmem_shared>> -> memref<640x16xf32, #tpu.memory_space<vmem_shared>>
      tpu.enqueue_dma source(%dma_start3A_67 : memref<640x16xf32, #tpu.memory_space<vmem_shared>>) target(%dma_start3A_65 : memref<640x16xf32, #tpu.memory_space<hbm>>) target_semaphore(%run_scoped3A : memref<!tpu.dma_semaphore, #tpu.memory_space<semaphore_mem>>)
      %dma_wait3A = arith.constant 0 : i32
      %dma_wait3A_68 = tpu.memref_slice %arg6[%arg0, %mul3A_62, %dma_wait3A] : memref<2x10240x16xf32, #tpu.memory_space<hbm>> -> memref<1x640x16xf32, #tpu.memory_space<hbm>>
      %dma_wait3A_69 = tpu.memref_squeeze %dma_wait3A_68 : memref<1x640x16xf32, #tpu.memory_space<hbm>> -> memref<640x16xf32, #tpu.memory_space<hbm>>
      %dma_wait3A_70 = arith.constant 0 : i32
      %dma_wait3A_71 = tpu.memref_slice %arg10[%mul3A_60, %dma_wait3A_70] : memref<10240x16xf32, #tpu.memory_space<vmem_shared>> -> memref<640x16xf32, #tpu.memory_space<vmem_shared>>
      tpu.wait_dma2 semaphore(%run_scoped3A : memref<!tpu.dma_semaphore, #tpu.memory_space<semaphore_mem>>) src(%dma_wait3A_71 : memref<640x16xf32, #tpu.memory_space<vmem_shared>>) dst(%dma_wait3A_69 : memref<640x16xf32, #tpu.memory_space<hbm>>)
      tpu.yield
    }) : () -> ()
    return
  }
}

#map = affine_map<(d0, d1) -> (0, 0, 0, 0)>
#map1 = affine_map<(d0, d1) -> (0)>
#map2 = affine_map<(d0, d1) -> (0, 0)>
module attributes {stable_mosaic.version = 14 : i64} {
  func.func @_deg_body(%arg0: i32, %arg1: i32, %arg2: memref<2x16x40x128xi32, #tpu.memory_space<hbm>>, %arg3: memref<10240xf32, #tpu.memory_space<hbm>>, %arg4: memref<128xf32, #tpu.memory_space<hbm>>, %arg5: memref<2x10240xf32, #tpu.memory_space<hbm>>, %arg6: memref<40x128xi32, #tpu.memory_space<vmem>>, %arg7: memref<128xf32, #tpu.memory_space<vmem>>, %arg8: memref<10240xf32, #tpu.memory_space<vmem_shared>>, %arg9: memref<!tpu.dma_semaphore, #tpu.memory_space<semaphore_mem>>) attributes {dimension_semantics = [#tpu.dimension_semantics<core_parallel>, #tpu.dimension_semantics<subcore_parallel>], iteration_bounds = array<i64: 2, 16>, scalar_prefetch = 0 : i64, scratch_operands = 4 : i64, tpu.core_type = #tpu.core_type<sc_vector_subcore>, window_params = [{transform_indices = #map}, {transform_indices = #map1}, {transform_indices = #map1}, {transform_indices = #map2}]} {
    %mul3A = arith.constant 640 : i32
    %mul3A_0 = arith.muli %arg1, %mul3A : i32
    %mul3A_1 = arith.constant 640 : i32
    %mul3A_2 = arith.muli %arg1, %mul3A_1 : i32
    "tpu.region"() ({
      %run_scoped3A = tpu.sem_alloc : memref<!tpu.dma_semaphore, #tpu.memory_space<semaphore_mem>>
      %dma_start3A = tpu.memref_slice %arg8[%mul3A_2] : memref<10240xf32, #tpu.memory_space<vmem_shared>> -> memref<640xf32, #tpu.memory_space<vmem_shared>>
      %dma_start3A_19 = tpu.memref_slice %arg3[%mul3A_0] : memref<10240xf32, #tpu.memory_space<hbm>> -> memref<640xf32, #tpu.memory_space<hbm>>
      tpu.enqueue_dma source(%dma_start3A_19 : memref<640xf32, #tpu.memory_space<hbm>>) target(%dma_start3A : memref<640xf32, #tpu.memory_space<vmem_shared>>) target_semaphore(%run_scoped3A : memref<!tpu.dma_semaphore, #tpu.memory_space<semaphore_mem>>)
      %dma_wait3A = tpu.memref_slice %arg8[%mul3A_2] : memref<10240xf32, #tpu.memory_space<vmem_shared>> -> memref<640xf32, #tpu.memory_space<vmem_shared>>
      %dma_wait3A_20 = tpu.memref_slice %arg3[%mul3A_0] : memref<10240xf32, #tpu.memory_space<hbm>> -> memref<640xf32, #tpu.memory_space<hbm>>
      tpu.wait_dma2 semaphore(%run_scoped3A : memref<!tpu.dma_semaphore, #tpu.memory_space<semaphore_mem>>) src(%dma_wait3A_20 : memref<640xf32, #tpu.memory_space<hbm>>) dst(%dma_wait3A : memref<640xf32, #tpu.memory_space<vmem_shared>>)
      tpu.yield
    }) : () -> ()
    "tpu.region"() ({
      %run_scoped3A = tpu.sem_alloc : memref<!tpu.dma_semaphore, #tpu.memory_space<semaphore_mem>>
      tpu.enqueue_dma source(%arg4 : memref<128xf32, #tpu.memory_space<hbm>>) target(%arg7 : memref<128xf32, #tpu.memory_space<vmem>>) target_semaphore(%run_scoped3A : memref<!tpu.dma_semaphore, #tpu.memory_space<semaphore_mem>>)
      tpu.wait_dma2 semaphore(%run_scoped3A : memref<!tpu.dma_semaphore, #tpu.memory_space<semaphore_mem>>) src(%arg4 : memref<128xf32, #tpu.memory_space<hbm>>) dst(%arg7 : memref<128xf32, #tpu.memory_space<vmem>>)
      tpu.yield
    }) : () -> ()
    "tpu.region"() ({
      %run_scoped3A = tpu.sem_alloc : memref<!tpu.dma_semaphore, #tpu.memory_space<semaphore_mem>>
      %dma_start3A = arith.constant 0 : i32
      %dma_start3A_19 = arith.constant 0 : i32
      %dma_start3A_20 = tpu.memref_slice %arg2[%arg0, %arg1, %dma_start3A, %dma_start3A_19] : memref<2x16x40x128xi32, #tpu.memory_space<hbm>> -> memref<1x1x40x128xi32, #tpu.memory_space<hbm>>
      %dma_start3A_21 = tpu.memref_squeeze %dma_start3A_20 : memref<1x1x40x128xi32, #tpu.memory_space<hbm>> -> memref<40x128xi32, #tpu.memory_space<hbm>>
      %dma_start3A_22 = arith.constant 0 : i32
      %dma_start3A_23 = arith.constant 0 : i32
      %dma_start3A_24 = tpu.memref_slice %arg2[%arg0, %arg1, %dma_start3A_22, %dma_start3A_23] : memref<2x16x40x128xi32, #tpu.memory_space<hbm>> -> memref<1x1x40x128xi32, #tpu.memory_space<hbm>>
      %dma_start3A_25 = tpu.memref_squeeze %dma_start3A_24 : memref<1x1x40x128xi32, #tpu.memory_space<hbm>> -> memref<40x128xi32, #tpu.memory_space<hbm>>
      tpu.enqueue_dma source(%dma_start3A_25 : memref<40x128xi32, #tpu.memory_space<hbm>>) target(%arg6 : memref<40x128xi32, #tpu.memory_space<vmem>>) target_semaphore(%run_scoped3A : memref<!tpu.dma_semaphore, #tpu.memory_space<semaphore_mem>>)
      %dma_wait3A = arith.constant 0 : i32
      %dma_wait3A_26 = arith.constant 0 : i32
      %dma_wait3A_27 = tpu.memref_slice %arg2[%arg0, %arg1, %dma_wait3A, %dma_wait3A_26] : memref<2x16x40x128xi32, #tpu.memory_space<hbm>> -> memref<1x1x40x128xi32, #tpu.memory_space<hbm>>
      %dma_wait3A_28 = tpu.memref_squeeze %dma_wait3A_27 : memref<1x1x40x128xi32, #tpu.memory_space<hbm>> -> memref<40x128xi32, #tpu.memory_space<hbm>>
      %dma_wait3A_29 = arith.constant 0 : i32
      %dma_wait3A_30 = arith.constant 0 : i32
      %dma_wait3A_31 = tpu.memref_slice %arg2[%arg0, %arg1, %dma_wait3A_29, %dma_wait3A_30] : memref<2x16x40x128xi32, #tpu.memory_space<hbm>> -> memref<1x1x40x128xi32, #tpu.memory_space<hbm>>
      %dma_wait3A_32 = tpu.memref_squeeze %dma_wait3A_31 : memref<1x1x40x128xi32, #tpu.memory_space<hbm>> -> memref<40x128xi32, #tpu.memory_space<hbm>>
      tpu.wait_dma2 semaphore(%run_scoped3A : memref<!tpu.dma_semaphore, #tpu.memory_space<semaphore_mem>>) src(%dma_wait3A_32 : memref<40x128xi32, #tpu.memory_space<hbm>>) dst(%arg6 : memref<40x128xi32, #tpu.memory_space<vmem>>)
      tpu.yield
    }) : () -> ()
    %barrier3A = arith.constant 0 : index
    tpu.barrier barrier_id(%barrier3A)
    %scan3A = arith.constant 0 : i32
    %scan3A_3 = arith.constant 0 : i32
    %scan3A_4 = arith.constant 40 : i32
    %scan3A_5 = arith.addi %scan3A_3, %scan3A_4 : i32
    %scan3A_6 = arith.constant 1 : i32
    scf.for %scan3A_19 = %scan3A_3 to %scan3A_5 step %scan3A_6  : i32 {
      %dma_start3A = arith.constant 0 : i32
      %dma_start3A_20 = tpu.memref_slice %arg6[%scan3A_19, %dma_start3A] : memref<40x128xi32, #tpu.memory_space<vmem>> -> memref<1x128xi32, #tpu.memory_space<vmem>>
      %dma_start3A_21 = tpu.memref_squeeze %dma_start3A_20 : memref<1x128xi32, #tpu.memory_space<vmem>> -> memref<128xi32, #tpu.memory_space<vmem>>
      %dma_start3A_22 = arith.constant 0 : i32
      %dma_start3A_23 = tpu.memref_slice %arg8[%dma_start3A_22] : memref<10240xf32, #tpu.memory_space<vmem_shared>> -> memref<10240xf32, #tpu.memory_space<vmem_shared>>
      tpu.enqueue_indirect_dma source(%arg7 : memref<128xf32, #tpu.memory_space<vmem>>) target(%dma_start3A_23 : memref<10240xf32, #tpu.memory_space<vmem_shared>>) offsets(%dma_start3A_21 : memref<128xi32, #tpu.memory_space<vmem>>) semaphore(%arg9 : memref<!tpu.dma_semaphore, #tpu.memory_space<semaphore_mem>>) {add = true}
    }
    %scan3A_7 = arith.constant 40 : i32
    %scan3A_8 = arith.constant 0 : i32
    %scan3A_9 = arith.constant 0 : i32
    %scan3A_10 = arith.constant 40 : i32
    %scan3A_11 = arith.addi %scan3A_9, %scan3A_10 : i32
    %scan3A_12 = arith.constant 1 : i32
    scf.for %scan3A_19 = %scan3A_9 to %scan3A_11 step %scan3A_12  : i32 {
      %dma_wait3A = arith.constant 0 : i32
      %dma_wait3A_20 = arith.constant 0 : i32
      %dma_wait3A_21 = tpu.memref_slice %arg6[%dma_wait3A, %dma_wait3A_20] : memref<40x128xi32, #tpu.memory_space<vmem>> -> memref<1x128xi32, #tpu.memory_space<vmem>>
      %dma_wait3A_22 = tpu.memref_squeeze %dma_wait3A_21 : memref<1x128xi32, #tpu.memory_space<vmem>> -> memref<128xi32, #tpu.memory_space<vmem>>
      %dma_wait3A_23 = arith.constant 0 : i32
      %dma_wait3A_24 = tpu.memref_slice %arg8[%dma_wait3A_23] : memref<10240xf32, #tpu.memory_space<vmem_shared>> -> memref<10240xf32, #tpu.memory_space<vmem_shared>>
      tpu.wait_indirect_dma semaphore(%arg9 : memref<!tpu.dma_semaphore, #tpu.memory_space<semaphore_mem>>) src(%arg7 : memref<128xf32, #tpu.memory_space<vmem>>) dst(%dma_wait3A_24 : memref<10240xf32, #tpu.memory_space<vmem_shared>>)
    }
    %scan3A_13 = arith.constant 40 : i32
    %barrier3A_14 = arith.constant 0 : index
    tpu.barrier barrier_id(%barrier3A_14)
    %mul3A_15 = arith.constant 640 : i32
    %mul3A_16 = arith.muli %arg1, %mul3A_15 : i32
    %mul3A_17 = arith.constant 640 : i32
    %mul3A_18 = arith.muli %arg1, %mul3A_17 : i32
    "tpu.region"() ({
      %run_scoped3A = tpu.sem_alloc : memref<!tpu.dma_semaphore, #tpu.memory_space<semaphore_mem>>
      %dma_start3A = tpu.memref_slice %arg5[%arg0, %mul3A_18] : memref<2x10240xf32, #tpu.memory_space<hbm>> -> memref<1x640xf32, #tpu.memory_space<hbm>>
      %dma_start3A_19 = tpu.memref_squeeze %dma_start3A : memref<1x640xf32, #tpu.memory_space<hbm>> -> memref<640xf32, #tpu.memory_space<hbm>>
      %dma_start3A_20 = tpu.memref_slice %arg8[%mul3A_16] : memref<10240xf32, #tpu.memory_space<vmem_shared>> -> memref<640xf32, #tpu.memory_space<vmem_shared>>
      tpu.enqueue_dma source(%dma_start3A_20 : memref<640xf32, #tpu.memory_space<vmem_shared>>) target(%dma_start3A_19 : memref<640xf32, #tpu.memory_space<hbm>>) target_semaphore(%run_scoped3A : memref<!tpu.dma_semaphore, #tpu.memory_space<semaphore_mem>>)
      %dma_wait3A = tpu.memref_slice %arg5[%arg0, %mul3A_18] : memref<2x10240xf32, #tpu.memory_space<hbm>> -> memref<1x640xf32, #tpu.memory_space<hbm>>
      %dma_wait3A_21 = tpu.memref_squeeze %dma_wait3A : memref<1x640xf32, #tpu.memory_space<hbm>> -> memref<640xf32, #tpu.memory_space<hbm>>
      %dma_wait3A_22 = tpu.memref_slice %arg8[%mul3A_16] : memref<10240xf32, #tpu.memory_space<vmem_shared>> -> memref<640xf32, #tpu.memory_space<vmem_shared>>
      tpu.wait_dma2 semaphore(%run_scoped3A : memref<!tpu.dma_semaphore, #tpu.memory_space<semaphore_mem>>) src(%dma_wait3A_22 : memref<640xf32, #tpu.memory_space<vmem_shared>>) dst(%dma_wait3A_21 : memref<640xf32, #tpu.memory_space<hbm>>)
      tpu.yield
    }) : () -> ()
    return
  }
}

#map = affine_map<(d0, d1) -> (0, 0)>
#map1 = affine_map<(d0, d1) -> (0, 0, 0, 0)>
#map2 = affine_map<(d0, d1) -> (0, 0, 0)>
module attributes {stable_mosaic.version = 14 : i64} {
  func.func @_conv1_body(%arg0: i32, %arg1: i32, %arg2: memref<20480x128xf32, #tpu.memory_space<hbm>>, %arg3: memref<2x16x160x64xi32, #tpu.memory_space<hbm>>, %arg4: memref<16x160x64xi32, #tpu.memory_space<hbm>>, %arg5: memref<20480x128xf32, #tpu.memory_space<hbm>>, %arg6: memref<8x2x64xi32, #tpu.memory_space<vmem>>, %arg7: memref<4x64x128xf32, #tpu.memory_space<vmem>>, %arg8: memref<10240x128xf32, #tpu.memory_space<vmem_shared>>, %arg9: memref<!tpu.dma_semaphore, #tpu.memory_space<semaphore_mem>>, %arg10: memref<!tpu.dma_semaphore, #tpu.memory_space<semaphore_mem>>, %arg11: memref<!tpu.dma_semaphore, #tpu.memory_space<semaphore_mem>>, %arg12: memref<!tpu.dma_semaphore, #tpu.memory_space<semaphore_mem>>, %arg13: memref<!tpu.dma_semaphore, #tpu.memory_space<semaphore_mem>>, %arg14: memref<!tpu.dma_semaphore, #tpu.memory_space<semaphore_mem>>, %arg15: memref<!tpu.dma_semaphore, #tpu.memory_space<semaphore_mem>>, %arg16: memref<!tpu.dma_semaphore, #tpu.memory_space<semaphore_mem>>, %arg17: memref<!tpu.dma_semaphore, #tpu.memory_space<semaphore_mem>>, %arg18: memref<!tpu.dma_semaphore, #tpu.memory_space<semaphore_mem>>, %arg19: memref<!tpu.dma_semaphore, #tpu.memory_space<semaphore_mem>>, %arg20: memref<!tpu.dma_semaphore, #tpu.memory_space<semaphore_mem>>) attributes {dimension_semantics = [#tpu.dimension_semantics<core_parallel>, #tpu.dimension_semantics<subcore_parallel>], iteration_bounds = array<i64: 2, 16>, scalar_prefetch = 0 : i64, scratch_operands = 15 : i64, tpu.core_type = #tpu.core_type<sc_vector_subcore>, window_params = [{transform_indices = #map}, {transform_indices = #map1}, {transform_indices = #map2}, {transform_indices = #map}]} {
    %mul3A = arith.constant 10240 : i32
    %mul3A_0 = arith.muli %arg0, %mul3A : i32
    %mul3A_1 = arith.constant 640 : i32
    %mul3A_2 = arith.muli %arg1, %mul3A_1 : i32
    %add3A = arith.addi %mul3A_0, %mul3A_2 : i32
    %mul3A_3 = arith.constant 640 : i32
    %mul3A_4 = arith.muli %arg1, %mul3A_3 : i32
    "tpu.region"() ({
      %run_scoped3A = tpu.sem_alloc : memref<!tpu.dma_semaphore, #tpu.memory_space<semaphore_mem>>
      %dma_start3A_423 = arith.constant 0 : i32
      %dma_start3A_424 = tpu.memref_slice %arg8[%mul3A_4, %dma_start3A_423] : memref<10240x128xf32, #tpu.memory_space<vmem_shared>> -> memref<640x128xf32, #tpu.memory_space<vmem_shared>>
      %dma_start3A_425 = arith.constant 0 : i32
      %dma_start3A_426 = tpu.memref_slice %arg2[%add3A, %dma_start3A_425] : memref<20480x128xf32, #tpu.memory_space<hbm>> -> memref<640x128xf32, #tpu.memory_space<hbm>>
      tpu.enqueue_dma source(%dma_start3A_426 : memref<640x128xf32, #tpu.memory_space<hbm>>) target(%dma_start3A_424 : memref<640x128xf32, #tpu.memory_space<vmem_shared>>) target_semaphore(%run_scoped3A : memref<!tpu.dma_semaphore, #tpu.memory_space<semaphore_mem>>)
      %dma_wait3A_427 = arith.constant 0 : i32
      %dma_wait3A_428 = tpu.memref_slice %arg8[%mul3A_4, %dma_wait3A_427] : memref<10240x128xf32, #tpu.memory_space<vmem_shared>> -> memref<640x128xf32, #tpu.memory_space<vmem_shared>>
      %dma_wait3A_429 = arith.constant 0 : i32
      %dma_wait3A_430 = tpu.memref_slice %arg2[%add3A, %dma_wait3A_429] : memref<20480x128xf32, #tpu.memory_space<hbm>> -> memref<640x128xf32, #tpu.memory_space<hbm>>
      tpu.wait_dma2 semaphore(%run_scoped3A : memref<!tpu.dma_semaphore, #tpu.memory_space<semaphore_mem>>) src(%dma_wait3A_430 : memref<640x128xf32, #tpu.memory_space<hbm>>) dst(%dma_wait3A_428 : memref<640x128xf32, #tpu.memory_space<vmem_shared>>)
      tpu.yield
    }) : () -> ()
    %barrier3A = arith.constant 0 : index
    tpu.barrier barrier_id(%barrier3A)
    %dma_start3A = arith.constant 0 : i32
    %dma_start3A_5 = arith.constant 0 : i32
    %dma_start3A_6 = arith.constant 0 : i32
    %dma_start3A_7 = arith.constant 0 : i32
    %dma_start3A_8 = tpu.memref_slice %arg6[%dma_start3A_5, %dma_start3A_6, %dma_start3A_7] : memref<8x2x64xi32, #tpu.memory_space<vmem>> -> memref<1x1x64xi32, #tpu.memory_space<vmem>>
    %dma_start3A_9 = tpu.memref_squeeze %dma_start3A_8 : memref<1x1x64xi32, #tpu.memory_space<vmem>> -> memref<64xi32, #tpu.memory_space<vmem>>
    %dma_start3A_10 = arith.constant 0 : i32
    %dma_start3A_11 = tpu.memref_slice %arg3[%arg0, %arg1, %dma_start3A, %dma_start3A_10] : memref<2x16x160x64xi32, #tpu.memory_space<hbm>> -> memref<1x1x1x64xi32, #tpu.memory_space<hbm>>
    %dma_start3A_12 = tpu.memref_squeeze %dma_start3A_11 : memref<1x1x1x64xi32, #tpu.memory_space<hbm>> -> memref<64xi32, #tpu.memory_space<hbm>>
    %dma_start3A_13 = arith.constant 0 : i32
    %dma_start3A_14 = tpu.memref_slice %arg6[%dma_start3A_5, %dma_start3A_6, %dma_start3A_13] : memref<8x2x64xi32, #tpu.memory_space<vmem>> -> memref<1x1x64xi32, #tpu.memory_space<vmem>>
    %dma_start3A_15 = tpu.memref_squeeze %dma_start3A_14 : memref<1x1x64xi32, #tpu.memory_space<vmem>> -> memref<64xi32, #tpu.memory_space<vmem>>
    %dma_start3A_16 = arith.constant 0 : i32
    %dma_start3A_17 = tpu.memref_slice %arg3[%arg0, %arg1, %dma_start3A, %dma_start3A_16] : memref<2x16x160x64xi32, #tpu.memory_space<hbm>> -> memref<1x1x1x64xi32, #tpu.memory_space<hbm>>
    %dma_start3A_18 = tpu.memref_squeeze %dma_start3A_17 : memref<1x1x1x64xi32, #tpu.memory_space<hbm>> -> memref<64xi32, #tpu.memory_space<hbm>>
    tpu.enqueue_dma source(%dma_start3A_18 : memref<64xi32, #tpu.memory_space<hbm>>) target(%dma_start3A_15 : memref<64xi32, #tpu.memory_space<vmem>>) target_semaphore(%arg13 : memref<!tpu.dma_semaphore, #tpu.memory_space<semaphore_mem>>)
    %dma_start3A_19 = arith.constant 0 : i32
    %dma_start3A_20 = arith.constant 0 : i32
    %dma_start3A_21 = arith.constant 1 : i32
    %dma_start3A_22 = arith.constant 0 : i32
    %dma_start3A_23 = tpu.memref_slice %arg6[%dma_start3A_20, %dma_start3A_21, %dma_start3A_22] : memref<8x2x64xi32, #tpu.memory_space<vmem>> -> memref<1x1x64xi32, #tpu.memory_space<vmem>>
    %dma_start3A_24 = tpu.memref_squeeze %dma_start3A_23 : memref<1x1x64xi32, #tpu.memory_space<vmem>> -> memref<64xi32, #tpu.memory_space<vmem>>
    %dma_start3A_25 = arith.constant 0 : i32
    %dma_start3A_26 = tpu.memref_slice %arg4[%arg1, %dma_start3A_19, %dma_start3A_25] : memref<16x160x64xi32, #tpu.memory_space<hbm>> -> memref<1x1x64xi32, #tpu.memory_space<hbm>>
    %dma_start3A_27 = tpu.memref_squeeze %dma_start3A_26 : memref<1x1x64xi32, #tpu.memory_space<hbm>> -> memref<64xi32, #tpu.memory_space<hbm>>
    %dma_start3A_28 = arith.constant 0 : i32
    %dma_start3A_29 = tpu.memref_slice %arg6[%dma_start3A_20, %dma_start3A_21, %dma_start3A_28] : memref<8x2x64xi32, #tpu.memory_space<vmem>> -> memref<1x1x64xi32, #tpu.memory_space<vmem>>
    %dma_start3A_30 = tpu.memref_squeeze %dma_start3A_29 : memref<1x1x64xi32, #tpu.memory_space<vmem>> -> memref<64xi32, #tpu.memory_space<vmem>>
    %dma_start3A_31 = arith.constant 0 : i32
    %dma_start3A_32 = tpu.memref_slice %arg4[%arg1, %dma_start3A_19, %dma_start3A_31] : memref<16x160x64xi32, #tpu.memory_space<hbm>> -> memref<1x1x64xi32, #tpu.memory_space<hbm>>
    %dma_start3A_33 = tpu.memref_squeeze %dma_start3A_32 : memref<1x1x64xi32, #tpu.memory_space<hbm>> -> memref<64xi32, #tpu.memory_space<hbm>>
    tpu.enqueue_dma source(%dma_start3A_33 : memref<64xi32, #tpu.memory_space<hbm>>) target(%dma_start3A_30 : memref<64xi32, #tpu.memory_space<vmem>>) target_semaphore(%arg13 : memref<!tpu.dma_semaphore, #tpu.memory_space<semaphore_mem>>)
    %dma_start3A_34 = arith.constant 1 : i32
    %dma_start3A_35 = arith.constant 1 : i32
    %dma_start3A_36 = arith.constant 0 : i32
    %dma_start3A_37 = arith.constant 0 : i32
    %dma_start3A_38 = tpu.memref_slice %arg6[%dma_start3A_35, %dma_start3A_36, %dma_start3A_37] : memref<8x2x64xi32, #tpu.memory_space<vmem>> -> memref<1x1x64xi32, #tpu.memory_space<vmem>>
    %dma_start3A_39 = tpu.memref_squeeze %dma_start3A_38 : memref<1x1x64xi32, #tpu.memory_space<vmem>> -> memref<64xi32, #tpu.memory_space<vmem>>
    %dma_start3A_40 = arith.constant 0 : i32
    %dma_start3A_41 = tpu.memref_slice %arg3[%arg0, %arg1, %dma_start3A_34, %dma_start3A_40] : memref<2x16x160x64xi32, #tpu.memory_space<hbm>> -> memref<1x1x1x64xi32, #tpu.memory_space<hbm>>
    %dma_start3A_42 = tpu.memref_squeeze %dma_start3A_41 : memref<1x1x1x64xi32, #tpu.memory_space<hbm>> -> memref<64xi32, #tpu.memory_space<hbm>>
    %dma_start3A_43 = arith.constant 0 : i32
    %dma_start3A_44 = tpu.memref_slice %arg6[%dma_start3A_35, %dma_start3A_36, %dma_start3A_43] : memref<8x2x64xi32, #tpu.memory_space<vmem>> -> memref<1x1x64xi32, #tpu.memory_space<vmem>>
    %dma_start3A_45 = tpu.memref_squeeze %dma_start3A_44 : memref<1x1x64xi32, #tpu.memory_space<vmem>> -> memref<64xi32, #tpu.memory_space<vmem>>
    %dma_start3A_46 = arith.constant 0 : i32
    %dma_start3A_47 = tpu.memref_slice %arg3[%arg0, %arg1, %dma_start3A_34, %dma_start3A_46] : memref<2x16x160x64xi32, #tpu.memory_space<hbm>> -> memref<1x1x1x64xi32, #tpu.memory_space<hbm>>
    %dma_start3A_48 = tpu.memref_squeeze %dma_start3A_47 : memref<1x1x1x64xi32, #tpu.memory_space<hbm>> -> memref<64xi32, #tpu.memory_space<hbm>>
    tpu.enqueue_dma source(%dma_start3A_48 : memref<64xi32, #tpu.memory_space<hbm>>) target(%dma_start3A_45 : memref<64xi32, #tpu.memory_space<vmem>>) target_semaphore(%arg14 : memref<!tpu.dma_semaphore, #tpu.memory_space<semaphore_mem>>)
    %dma_start3A_49 = arith.constant 1 : i32
    %dma_start3A_50 = arith.constant 1 : i32
    %dma_start3A_51 = arith.constant 1 : i32
    %dma_start3A_52 = arith.constant 0 : i32
    %dma_start3A_53 = tpu.memref_slice %arg6[%dma_start3A_50, %dma_start3A_51, %dma_start3A_52] : memref<8x2x64xi32, #tpu.memory_space<vmem>> -> memref<1x1x64xi32, #tpu.memory_space<vmem>>
    %dma_start3A_54 = tpu.memref_squeeze %dma_start3A_53 : memref<1x1x64xi32, #tpu.memory_space<vmem>> -> memref<64xi32, #tpu.memory_space<vmem>>
    %dma_start3A_55 = arith.constant 0 : i32
    %dma_start3A_56 = tpu.memref_slice %arg4[%arg1, %dma_start3A_49, %dma_start3A_55] : memref<16x160x64xi32, #tpu.memory_space<hbm>> -> memref<1x1x64xi32, #tpu.memory_space<hbm>>
    %dma_start3A_57 = tpu.memref_squeeze %dma_start3A_56 : memref<1x1x64xi32, #tpu.memory_space<hbm>> -> memref<64xi32, #tpu.memory_space<hbm>>
    %dma_start3A_58 = arith.constant 0 : i32
    %dma_start3A_59 = tpu.memref_slice %arg6[%dma_start3A_50, %dma_start3A_51, %dma_start3A_58] : memref<8x2x64xi32, #tpu.memory_space<vmem>> -> memref<1x1x64xi32, #tpu.memory_space<vmem>>
    %dma_start3A_60 = tpu.memref_squeeze %dma_start3A_59 : memref<1x1x64xi32, #tpu.memory_space<vmem>> -> memref<64xi32, #tpu.memory_space<vmem>>
    %dma_start3A_61 = arith.constant 0 : i32
    %dma_start3A_62 = tpu.memref_slice %arg4[%arg1, %dma_start3A_49, %dma_start3A_61] : memref<16x160x64xi32, #tpu.memory_space<hbm>> -> memref<1x1x64xi32, #tpu.memory_space<hbm>>
    %dma_start3A_63 = tpu.memref_squeeze %dma_start3A_62 : memref<1x1x64xi32, #tpu.memory_space<hbm>> -> memref<64xi32, #tpu.memory_space<hbm>>
    tpu.enqueue_dma source(%dma_start3A_63 : memref<64xi32, #tpu.memory_space<hbm>>) target(%dma_start3A_60 : memref<64xi32, #tpu.memory_space<vmem>>) target_semaphore(%arg14 : memref<!tpu.dma_semaphore, #tpu.memory_space<semaphore_mem>>)
    %dma_start3A_64 = arith.constant 2 : i32
    %dma_start3A_65 = arith.constant 2 : i32
    %dma_start3A_66 = arith.constant 0 : i32
    %dma_start3A_67 = arith.constant 0 : i32
    %dma_start3A_68 = tpu.memref_slice %arg6[%dma_start3A_65, %dma_start3A_66, %dma_start3A_67] : memref<8x2x64xi32, #tpu.memory_space<vmem>> -> memref<1x1x64xi32, #tpu.memory_space<vmem>>
    %dma_start3A_69 = tpu.memref_squeeze %dma_start3A_68 : memref<1x1x64xi32, #tpu.memory_space<vmem>> -> memref<64xi32, #tpu.memory_space<vmem>>
    %dma_start3A_70 = arith.constant 0 : i32
    %dma_start3A_71 = tpu.memref_slice %arg3[%arg0, %arg1, %dma_start3A_64, %dma_start3A_70] : memref<2x16x160x64xi32, #tpu.memory_space<hbm>> -> memref<1x1x1x64xi32, #tpu.memory_space<hbm>>
    %dma_start3A_72 = tpu.memref_squeeze %dma_start3A_71 : memref<1x1x1x64xi32, #tpu.memory_space<hbm>> -> memref<64xi32, #tpu.memory_space<hbm>>
    %dma_start3A_73 = arith.constant 0 : i32
    %dma_start3A_74 = tpu.memref_slice %arg6[%dma_start3A_65, %dma_start3A_66, %dma_start3A_73] : memref<8x2x64xi32, #tpu.memory_space<vmem>> -> memref<1x1x64xi32, #tpu.memory_space<vmem>>
    %dma_start3A_75 = tpu.memref_squeeze %dma_start3A_74 : memref<1x1x64xi32, #tpu.memory_space<vmem>> -> memref<64xi32, #tpu.memory_space<vmem>>
    %dma_start3A_76 = arith.constant 0 : i32
    %dma_start3A_77 = tpu.memref_slice %arg3[%arg0, %arg1, %dma_start3A_64, %dma_start3A_76] : memref<2x16x160x64xi32, #tpu.memory_space<hbm>> -> memref<1x1x1x64xi32, #tpu.memory_space<hbm>>
    %dma_start3A_78 = tpu.memref_squeeze %dma_start3A_77 : memref<1x1x1x64xi32, #tpu.memory_space<hbm>> -> memref<64xi32, #tpu.memory_space<hbm>>
    tpu.enqueue_dma source(%dma_start3A_78 : memref<64xi32, #tpu.memory_space<hbm>>) target(%dma_start3A_75 : memref<64xi32, #tpu.memory_space<vmem>>) target_semaphore(%arg15 : memref<!tpu.dma_semaphore, #tpu.memory_space<semaphore_mem>>)
    %dma_start3A_79 = arith.constant 2 : i32
    %dma_start3A_80 = arith.constant 2 : i32
    %dma_start3A_81 = arith.constant 1 : i32
    %dma_start3A_82 = arith.constant 0 : i32
    %dma_start3A_83 = tpu.memref_slice %arg6[%dma_start3A_80, %dma_start3A_81, %dma_start3A_82] : memref<8x2x64xi32, #tpu.memory_space<vmem>> -> memref<1x1x64xi32, #tpu.memory_space<vmem>>
    %dma_start3A_84 = tpu.memref_squeeze %dma_start3A_83 : memref<1x1x64xi32, #tpu.memory_space<vmem>> -> memref<64xi32, #tpu.memory_space<vmem>>
    %dma_start3A_85 = arith.constant 0 : i32
    %dma_start3A_86 = tpu.memref_slice %arg4[%arg1, %dma_start3A_79, %dma_start3A_85] : memref<16x160x64xi32, #tpu.memory_space<hbm>> -> memref<1x1x64xi32, #tpu.memory_space<hbm>>
    %dma_start3A_87 = tpu.memref_squeeze %dma_start3A_86 : memref<1x1x64xi32, #tpu.memory_space<hbm>> -> memref<64xi32, #tpu.memory_space<hbm>>
    %dma_start3A_88 = arith.constant 0 : i32
    %dma_start3A_89 = tpu.memref_slice %arg6[%dma_start3A_80, %dma_start3A_81, %dma_start3A_88] : memref<8x2x64xi32, #tpu.memory_space<vmem>> -> memref<1x1x64xi32, #tpu.memory_space<vmem>>
    %dma_start3A_90 = tpu.memref_squeeze %dma_start3A_89 : memref<1x1x64xi32, #tpu.memory_space<vmem>> -> memref<64xi32, #tpu.memory_space<vmem>>
    %dma_start3A_91 = arith.constant 0 : i32
    %dma_start3A_92 = tpu.memref_slice %arg4[%arg1, %dma_start3A_79, %dma_start3A_91] : memref<16x160x64xi32, #tpu.memory_space<hbm>> -> memref<1x1x64xi32, #tpu.memory_space<hbm>>
    %dma_start3A_93 = tpu.memref_squeeze %dma_start3A_92 : memref<1x1x64xi32, #tpu.memory_space<hbm>> -> memref<64xi32, #tpu.memory_space<hbm>>
    tpu.enqueue_dma source(%dma_start3A_93 : memref<64xi32, #tpu.memory_space<hbm>>) target(%dma_start3A_90 : memref<64xi32, #tpu.memory_space<vmem>>) target_semaphore(%arg15 : memref<!tpu.dma_semaphore, #tpu.memory_space<semaphore_mem>>)
    %dma_start3A_94 = arith.constant 3 : i32
    %dma_start3A_95 = arith.constant 3 : i32
    %dma_start3A_96 = arith.constant 0 : i32
    %dma_start3A_97 = arith.constant 0 : i32
    %dma_start3A_98 = tpu.memref_slice %arg6[%dma_start3A_95, %dma_start3A_96, %dma_start3A_97] : memref<8x2x64xi32, #tpu.memory_space<vmem>> -> memref<1x1x64xi32, #tpu.memory_space<vmem>>
    %dma_start3A_99 = tpu.memref_squeeze %dma_start3A_98 : memref<1x1x64xi32, #tpu.memory_space<vmem>> -> memref<64xi32, #tpu.memory_space<vmem>>
    %dma_start3A_100 = arith.constant 0 : i32
    %dma_start3A_101 = tpu.memref_slice %arg3[%arg0, %arg1, %dma_start3A_94, %dma_start3A_100] : memref<2x16x160x64xi32, #tpu.memory_space<hbm>> -> memref<1x1x1x64xi32, #tpu.memory_space<hbm>>
    %dma_start3A_102 = tpu.memref_squeeze %dma_start3A_101 : memref<1x1x1x64xi32, #tpu.memory_space<hbm>> -> memref<64xi32, #tpu.memory_space<hbm>>
    %dma_start3A_103 = arith.constant 0 : i32
    %dma_start3A_104 = tpu.memref_slice %arg6[%dma_start3A_95, %dma_start3A_96, %dma_start3A_103] : memref<8x2x64xi32, #tpu.memory_space<vmem>> -> memref<1x1x64xi32, #tpu.memory_space<vmem>>
    %dma_start3A_105 = tpu.memref_squeeze %dma_start3A_104 : memref<1x1x64xi32, #tpu.memory_space<vmem>> -> memref<64xi32, #tpu.memory_space<vmem>>
    %dma_start3A_106 = arith.constant 0 : i32
    %dma_start3A_107 = tpu.memref_slice %arg3[%arg0, %arg1, %dma_start3A_94, %dma_start3A_106] : memref<2x16x160x64xi32, #tpu.memory_space<hbm>> -> memref<1x1x1x64xi32, #tpu.memory_space<hbm>>
    %dma_start3A_108 = tpu.memref_squeeze %dma_start3A_107 : memref<1x1x1x64xi32, #tpu.memory_space<hbm>> -> memref<64xi32, #tpu.memory_space<hbm>>
    tpu.enqueue_dma source(%dma_start3A_108 : memref<64xi32, #tpu.memory_space<hbm>>) target(%dma_start3A_105 : memref<64xi32, #tpu.memory_space<vmem>>) target_semaphore(%arg16 : memref<!tpu.dma_semaphore, #tpu.memory_space<semaphore_mem>>)
    %dma_start3A_109 = arith.constant 3 : i32
    %dma_start3A_110 = arith.constant 3 : i32
    %dma_start3A_111 = arith.constant 1 : i32
    %dma_start3A_112 = arith.constant 0 : i32
    %dma_start3A_113 = tpu.memref_slice %arg6[%dma_start3A_110, %dma_start3A_111, %dma_start3A_112] : memref<8x2x64xi32, #tpu.memory_space<vmem>> -> memref<1x1x64xi32, #tpu.memory_space<vmem>>
    %dma_start3A_114 = tpu.memref_squeeze %dma_start3A_113 : memref<1x1x64xi32, #tpu.memory_space<vmem>> -> memref<64xi32, #tpu.memory_space<vmem>>
    %dma_start3A_115 = arith.constant 0 : i32
    %dma_start3A_116 = tpu.memref_slice %arg4[%arg1, %dma_start3A_109, %dma_start3A_115] : memref<16x160x64xi32, #tpu.memory_space<hbm>> -> memref<1x1x64xi32, #tpu.memory_space<hbm>>
    %dma_start3A_117 = tpu.memref_squeeze %dma_start3A_116 : memref<1x1x64xi32, #tpu.memory_space<hbm>> -> memref<64xi32, #tpu.memory_space<hbm>>
    %dma_start3A_118 = arith.constant 0 : i32
    %dma_start3A_119 = tpu.memref_slice %arg6[%dma_start3A_110, %dma_start3A_111, %dma_start3A_118] : memref<8x2x64xi32, #tpu.memory_space<vmem>> -> memref<1x1x64xi32, #tpu.memory_space<vmem>>
    %dma_start3A_120 = tpu.memref_squeeze %dma_start3A_119 : memref<1x1x64xi32, #tpu.memory_space<vmem>> -> memref<64xi32, #tpu.memory_space<vmem>>
    %dma_start3A_121 = arith.constant 0 : i32
    %dma_start3A_122 = tpu.memref_slice %arg4[%arg1, %dma_start3A_109, %dma_start3A_121] : memref<16x160x64xi32, #tpu.memory_space<hbm>> -> memref<1x1x64xi32, #tpu.memory_space<hbm>>
    %dma_start3A_123 = tpu.memref_squeeze %dma_start3A_122 : memref<1x1x64xi32, #tpu.memory_space<hbm>> -> memref<64xi32, #tpu.memory_space<hbm>>
    tpu.enqueue_dma source(%dma_start3A_123 : memref<64xi32, #tpu.memory_space<hbm>>) target(%dma_start3A_120 : memref<64xi32, #tpu.memory_space<vmem>>) target_semaphore(%arg16 : memref<!tpu.dma_semaphore, #tpu.memory_space<semaphore_mem>>)
    %dma_start3A_124 = arith.constant 4 : i32
    %dma_start3A_125 = arith.constant 4 : i32
    %dma_start3A_126 = arith.constant 0 : i32
    %dma_start3A_127 = arith.constant 0 : i32
    %dma_start3A_128 = tpu.memref_slice %arg6[%dma_start3A_125, %dma_start3A_126, %dma_start3A_127] : memref<8x2x64xi32, #tpu.memory_space<vmem>> -> memref<1x1x64xi32, #tpu.memory_space<vmem>>
    %dma_start3A_129 = tpu.memref_squeeze %dma_start3A_128 : memref<1x1x64xi32, #tpu.memory_space<vmem>> -> memref<64xi32, #tpu.memory_space<vmem>>
    %dma_start3A_130 = arith.constant 0 : i32
    %dma_start3A_131 = tpu.memref_slice %arg3[%arg0, %arg1, %dma_start3A_124, %dma_start3A_130] : memref<2x16x160x64xi32, #tpu.memory_space<hbm>> -> memref<1x1x1x64xi32, #tpu.memory_space<hbm>>
    %dma_start3A_132 = tpu.memref_squeeze %dma_start3A_131 : memref<1x1x1x64xi32, #tpu.memory_space<hbm>> -> memref<64xi32, #tpu.memory_space<hbm>>
    %dma_start3A_133 = arith.constant 0 : i32
    %dma_start3A_134 = tpu.memref_slice %arg6[%dma_start3A_125, %dma_start3A_126, %dma_start3A_133] : memref<8x2x64xi32, #tpu.memory_space<vmem>> -> memref<1x1x64xi32, #tpu.memory_space<vmem>>
    %dma_start3A_135 = tpu.memref_squeeze %dma_start3A_134 : memref<1x1x64xi32, #tpu.memory_space<vmem>> -> memref<64xi32, #tpu.memory_space<vmem>>
    %dma_start3A_136 = arith.constant 0 : i32
    %dma_start3A_137 = tpu.memref_slice %arg3[%arg0, %arg1, %dma_start3A_124, %dma_start3A_136] : memref<2x16x160x64xi32, #tpu.memory_space<hbm>> -> memref<1x1x1x64xi32, #tpu.memory_space<hbm>>
    %dma_start3A_138 = tpu.memref_squeeze %dma_start3A_137 : memref<1x1x1x64xi32, #tpu.memory_space<hbm>> -> memref<64xi32, #tpu.memory_space<hbm>>
    tpu.enqueue_dma source(%dma_start3A_138 : memref<64xi32, #tpu.memory_space<hbm>>) target(%dma_start3A_135 : memref<64xi32, #tpu.memory_space<vmem>>) target_semaphore(%arg17 : memref<!tpu.dma_semaphore, #tpu.memory_space<semaphore_mem>>)
    %dma_start3A_139 = arith.constant 4 : i32
    %dma_start3A_140 = arith.constant 4 : i32
    %dma_start3A_141 = arith.constant 1 : i32
    %dma_start3A_142 = arith.constant 0 : i32
    %dma_start3A_143 = tpu.memref_slice %arg6[%dma_start3A_140, %dma_start3A_141, %dma_start3A_142] : memref<8x2x64xi32, #tpu.memory_space<vmem>> -> memref<1x1x64xi32, #tpu.memory_space<vmem>>
    %dma_start3A_144 = tpu.memref_squeeze %dma_start3A_143 : memref<1x1x64xi32, #tpu.memory_space<vmem>> -> memref<64xi32, #tpu.memory_space<vmem>>
    %dma_start3A_145 = arith.constant 0 : i32
    %dma_start3A_146 = tpu.memref_slice %arg4[%arg1, %dma_start3A_139, %dma_start3A_145] : memref<16x160x64xi32, #tpu.memory_space<hbm>> -> memref<1x1x64xi32, #tpu.memory_space<hbm>>
    %dma_start3A_147 = tpu.memref_squeeze %dma_start3A_146 : memref<1x1x64xi32, #tpu.memory_space<hbm>> -> memref<64xi32, #tpu.memory_space<hbm>>
    %dma_start3A_148 = arith.constant 0 : i32
    %dma_start3A_149 = tpu.memref_slice %arg6[%dma_start3A_140, %dma_start3A_141, %dma_start3A_148] : memref<8x2x64xi32, #tpu.memory_space<vmem>> -> memref<1x1x64xi32, #tpu.memory_space<vmem>>
    %dma_start3A_150 = tpu.memref_squeeze %dma_start3A_149 : memref<1x1x64xi32, #tpu.memory_space<vmem>> -> memref<64xi32, #tpu.memory_space<vmem>>
    %dma_start3A_151 = arith.constant 0 : i32
    %dma_start3A_152 = tpu.memref_slice %arg4[%arg1, %dma_start3A_139, %dma_start3A_151] : memref<16x160x64xi32, #tpu.memory_space<hbm>> -> memref<1x1x64xi32, #tpu.memory_space<hbm>>
    %dma_start3A_153 = tpu.memref_squeeze %dma_start3A_152 : memref<1x1x64xi32, #tpu.memory_space<hbm>> -> memref<64xi32, #tpu.memory_space<hbm>>
    tpu.enqueue_dma source(%dma_start3A_153 : memref<64xi32, #tpu.memory_space<hbm>>) target(%dma_start3A_150 : memref<64xi32, #tpu.memory_space<vmem>>) target_semaphore(%arg17 : memref<!tpu.dma_semaphore, #tpu.memory_space<semaphore_mem>>)
    %dma_start3A_154 = arith.constant 5 : i32
    %dma_start3A_155 = arith.constant 5 : i32
    %dma_start3A_156 = arith.constant 0 : i32
    %dma_start3A_157 = arith.constant 0 : i32
    %dma_start3A_158 = tpu.memref_slice %arg6[%dma_start3A_155, %dma_start3A_156, %dma_start3A_157] : memref<8x2x64xi32, #tpu.memory_space<vmem>> -> memref<1x1x64xi32, #tpu.memory_space<vmem>>
    %dma_start3A_159 = tpu.memref_squeeze %dma_start3A_158 : memref<1x1x64xi32, #tpu.memory_space<vmem>> -> memref<64xi32, #tpu.memory_space<vmem>>
    %dma_start3A_160 = arith.constant 0 : i32
    %dma_start3A_161 = tpu.memref_slice %arg3[%arg0, %arg1, %dma_start3A_154, %dma_start3A_160] : memref<2x16x160x64xi32, #tpu.memory_space<hbm>> -> memref<1x1x1x64xi32, #tpu.memory_space<hbm>>
    %dma_start3A_162 = tpu.memref_squeeze %dma_start3A_161 : memref<1x1x1x64xi32, #tpu.memory_space<hbm>> -> memref<64xi32, #tpu.memory_space<hbm>>
    %dma_start3A_163 = arith.constant 0 : i32
    %dma_start3A_164 = tpu.memref_slice %arg6[%dma_start3A_155, %dma_start3A_156, %dma_start3A_163] : memref<8x2x64xi32, #tpu.memory_space<vmem>> -> memref<1x1x64xi32, #tpu.memory_space<vmem>>
    %dma_start3A_165 = tpu.memref_squeeze %dma_start3A_164 : memref<1x1x64xi32, #tpu.memory_space<vmem>> -> memref<64xi32, #tpu.memory_space<vmem>>
    %dma_start3A_166 = arith.constant 0 : i32
    %dma_start3A_167 = tpu.memref_slice %arg3[%arg0, %arg1, %dma_start3A_154, %dma_start3A_166] : memref<2x16x160x64xi32, #tpu.memory_space<hbm>> -> memref<1x1x1x64xi32, #tpu.memory_space<hbm>>
    %dma_start3A_168 = tpu.memref_squeeze %dma_start3A_167 : memref<1x1x1x64xi32, #tpu.memory_space<hbm>> -> memref<64xi32, #tpu.memory_space<hbm>>
    tpu.enqueue_dma source(%dma_start3A_168 : memref<64xi32, #tpu.memory_space<hbm>>) target(%dma_start3A_165 : memref<64xi32, #tpu.memory_space<vmem>>) target_semaphore(%arg18 : memref<!tpu.dma_semaphore, #tpu.memory_space<semaphore_mem>>)
    %dma_start3A_169 = arith.constant 5 : i32
    %dma_start3A_170 = arith.constant 5 : i32
    %dma_start3A_171 = arith.constant 1 : i32
    %dma_start3A_172 = arith.constant 0 : i32
    %dma_start3A_173 = tpu.memref_slice %arg6[%dma_start3A_170, %dma_start3A_171, %dma_start3A_172] : memref<8x2x64xi32, #tpu.memory_space<vmem>> -> memref<1x1x64xi32, #tpu.memory_space<vmem>>
    %dma_start3A_174 = tpu.memref_squeeze %dma_start3A_173 : memref<1x1x64xi32, #tpu.memory_space<vmem>> -> memref<64xi32, #tpu.memory_space<vmem>>
    %dma_start3A_175 = arith.constant 0 : i32
    %dma_start3A_176 = tpu.memref_slice %arg4[%arg1, %dma_start3A_169, %dma_start3A_175] : memref<16x160x64xi32, #tpu.memory_space<hbm>> -> memref<1x1x64xi32, #tpu.memory_space<hbm>>
    %dma_start3A_177 = tpu.memref_squeeze %dma_start3A_176 : memref<1x1x64xi32, #tpu.memory_space<hbm>> -> memref<64xi32, #tpu.memory_space<hbm>>
    %dma_start3A_178 = arith.constant 0 : i32
    %dma_start3A_179 = tpu.memref_slice %arg6[%dma_start3A_170, %dma_start3A_171, %dma_start3A_178] : memref<8x2x64xi32, #tpu.memory_space<vmem>> -> memref<1x1x64xi32, #tpu.memory_space<vmem>>
    %dma_start3A_180 = tpu.memref_squeeze %dma_start3A_179 : memref<1x1x64xi32, #tpu.memory_space<vmem>> -> memref<64xi32, #tpu.memory_space<vmem>>
    %dma_start3A_181 = arith.constant 0 : i32
    %dma_start3A_182 = tpu.memref_slice %arg4[%arg1, %dma_start3A_169, %dma_start3A_181] : memref<16x160x64xi32, #tpu.memory_space<hbm>> -> memref<1x1x64xi32, #tpu.memory_space<hbm>>
    %dma_start3A_183 = tpu.memref_squeeze %dma_start3A_182 : memref<1x1x64xi32, #tpu.memory_space<hbm>> -> memref<64xi32, #tpu.memory_space<hbm>>
    tpu.enqueue_dma source(%dma_start3A_183 : memref<64xi32, #tpu.memory_space<hbm>>) target(%dma_start3A_180 : memref<64xi32, #tpu.memory_space<vmem>>) target_semaphore(%arg18 : memref<!tpu.dma_semaphore, #tpu.memory_space<semaphore_mem>>)
    %dma_start3A_184 = arith.constant 6 : i32
    %dma_start3A_185 = arith.constant 6 : i32
    %dma_start3A_186 = arith.constant 0 : i32
    %dma_start3A_187 = arith.constant 0 : i32
    %dma_start3A_188 = tpu.memref_slice %arg6[%dma_start3A_185, %dma_start3A_186, %dma_start3A_187] : memref<8x2x64xi32, #tpu.memory_space<vmem>> -> memref<1x1x64xi32, #tpu.memory_space<vmem>>
    %dma_start3A_189 = tpu.memref_squeeze %dma_start3A_188 : memref<1x1x64xi32, #tpu.memory_space<vmem>> -> memref<64xi32, #tpu.memory_space<vmem>>
    %dma_start3A_190 = arith.constant 0 : i32
    %dma_start3A_191 = tpu.memref_slice %arg3[%arg0, %arg1, %dma_start3A_184, %dma_start3A_190] : memref<2x16x160x64xi32, #tpu.memory_space<hbm>> -> memref<1x1x1x64xi32, #tpu.memory_space<hbm>>
    %dma_start3A_192 = tpu.memref_squeeze %dma_start3A_191 : memref<1x1x1x64xi32, #tpu.memory_space<hbm>> -> memref<64xi32, #tpu.memory_space<hbm>>
    %dma_start3A_193 = arith.constant 0 : i32
    %dma_start3A_194 = tpu.memref_slice %arg6[%dma_start3A_185, %dma_start3A_186, %dma_start3A_193] : memref<8x2x64xi32, #tpu.memory_space<vmem>> -> memref<1x1x64xi32, #tpu.memory_space<vmem>>
    %dma_start3A_195 = tpu.memref_squeeze %dma_start3A_194 : memref<1x1x64xi32, #tpu.memory_space<vmem>> -> memref<64xi32, #tpu.memory_space<vmem>>
    %dma_start3A_196 = arith.constant 0 : i32
    %dma_start3A_197 = tpu.memref_slice %arg3[%arg0, %arg1, %dma_start3A_184, %dma_start3A_196] : memref<2x16x160x64xi32, #tpu.memory_space<hbm>> -> memref<1x1x1x64xi32, #tpu.memory_space<hbm>>
    %dma_start3A_198 = tpu.memref_squeeze %dma_start3A_197 : memref<1x1x1x64xi32, #tpu.memory_space<hbm>> -> memref<64xi32, #tpu.memory_space<hbm>>
    tpu.enqueue_dma source(%dma_start3A_198 : memref<64xi32, #tpu.memory_space<hbm>>) target(%dma_start3A_195 : memref<64xi32, #tpu.memory_space<vmem>>) target_semaphore(%arg19 : memref<!tpu.dma_semaphore, #tpu.memory_space<semaphore_mem>>)
    %dma_start3A_199 = arith.constant 6 : i32
    %dma_start3A_200 = arith.constant 6 : i32
    %dma_start3A_201 = arith.constant 1 : i32
    %dma_start3A_202 = arith.constant 0 : i32
    %dma_start3A_203 = tpu.memref_slice %arg6[%dma_start3A_200, %dma_start3A_201, %dma_start3A_202] : memref<8x2x64xi32, #tpu.memory_space<vmem>> -> memref<1x1x64xi32, #tpu.memory_space<vmem>>
    %dma_start3A_204 = tpu.memref_squeeze %dma_start3A_203 : memref<1x1x64xi32, #tpu.memory_space<vmem>> -> memref<64xi32, #tpu.memory_space<vmem>>
    %dma_start3A_205 = arith.constant 0 : i32
    %dma_start3A_206 = tpu.memref_slice %arg4[%arg1, %dma_start3A_199, %dma_start3A_205] : memref<16x160x64xi32, #tpu.memory_space<hbm>> -> memref<1x1x64xi32, #tpu.memory_space<hbm>>
    %dma_start3A_207 = tpu.memref_squeeze %dma_start3A_206 : memref<1x1x64xi32, #tpu.memory_space<hbm>> -> memref<64xi32, #tpu.memory_space<hbm>>
    %dma_start3A_208 = arith.constant 0 : i32
    %dma_start3A_209 = tpu.memref_slice %arg6[%dma_start3A_200, %dma_start3A_201, %dma_start3A_208] : memref<8x2x64xi32, #tpu.memory_space<vmem>> -> memref<1x1x64xi32, #tpu.memory_space<vmem>>
    %dma_start3A_210 = tpu.memref_squeeze %dma_start3A_209 : memref<1x1x64xi32, #tpu.memory_space<vmem>> -> memref<64xi32, #tpu.memory_space<vmem>>
    %dma_start3A_211 = arith.constant 0 : i32
    %dma_start3A_212 = tpu.memref_slice %arg4[%arg1, %dma_start3A_199, %dma_start3A_211] : memref<16x160x64xi32, #tpu.memory_space<hbm>> -> memref<1x1x64xi32, #tpu.memory_space<hbm>>
    %dma_start3A_213 = tpu.memref_squeeze %dma_start3A_212 : memref<1x1x64xi32, #tpu.memory_space<hbm>> -> memref<64xi32, #tpu.memory_space<hbm>>
    tpu.enqueue_dma source(%dma_start3A_213 : memref<64xi32, #tpu.memory_space<hbm>>) target(%dma_start3A_210 : memref<64xi32, #tpu.memory_space<vmem>>) target_semaphore(%arg19 : memref<!tpu.dma_semaphore, #tpu.memory_space<semaphore_mem>>)
    %dma_start3A_214 = arith.constant 7 : i32
    %dma_start3A_215 = arith.constant 7 : i32
    %dma_start3A_216 = arith.constant 0 : i32
    %dma_start3A_217 = arith.constant 0 : i32
    %dma_start3A_218 = tpu.memref_slice %arg6[%dma_start3A_215, %dma_start3A_216, %dma_start3A_217] : memref<8x2x64xi32, #tpu.memory_space<vmem>> -> memref<1x1x64xi32, #tpu.memory_space<vmem>>
    %dma_start3A_219 = tpu.memref_squeeze %dma_start3A_218 : memref<1x1x64xi32, #tpu.memory_space<vmem>> -> memref<64xi32, #tpu.memory_space<vmem>>
    %dma_start3A_220 = arith.constant 0 : i32
    %dma_start3A_221 = tpu.memref_slice %arg3[%arg0, %arg1, %dma_start3A_214, %dma_start3A_220] : memref<2x16x160x64xi32, #tpu.memory_space<hbm>> -> memref<1x1x1x64xi32, #tpu.memory_space<hbm>>
    %dma_start3A_222 = tpu.memref_squeeze %dma_start3A_221 : memref<1x1x1x64xi32, #tpu.memory_space<hbm>> -> memref<64xi32, #tpu.memory_space<hbm>>
    %dma_start3A_223 = arith.constant 0 : i32
    %dma_start3A_224 = tpu.memref_slice %arg6[%dma_start3A_215, %dma_start3A_216, %dma_start3A_223] : memref<8x2x64xi32, #tpu.memory_space<vmem>> -> memref<1x1x64xi32, #tpu.memory_space<vmem>>
    %dma_start3A_225 = tpu.memref_squeeze %dma_start3A_224 : memref<1x1x64xi32, #tpu.memory_space<vmem>> -> memref<64xi32, #tpu.memory_space<vmem>>
    %dma_start3A_226 = arith.constant 0 : i32
    %dma_start3A_227 = tpu.memref_slice %arg3[%arg0, %arg1, %dma_start3A_214, %dma_start3A_226] : memref<2x16x160x64xi32, #tpu.memory_space<hbm>> -> memref<1x1x1x64xi32, #tpu.memory_space<hbm>>
    %dma_start3A_228 = tpu.memref_squeeze %dma_start3A_227 : memref<1x1x1x64xi32, #tpu.memory_space<hbm>> -> memref<64xi32, #tpu.memory_space<hbm>>
    tpu.enqueue_dma source(%dma_start3A_228 : memref<64xi32, #tpu.memory_space<hbm>>) target(%dma_start3A_225 : memref<64xi32, #tpu.memory_space<vmem>>) target_semaphore(%arg20 : memref<!tpu.dma_semaphore, #tpu.memory_space<semaphore_mem>>)
    %dma_start3A_229 = arith.constant 7 : i32
    %dma_start3A_230 = arith.constant 7 : i32
    %dma_start3A_231 = arith.constant 1 : i32
    %dma_start3A_232 = arith.constant 0 : i32
    %dma_start3A_233 = tpu.memref_slice %arg6[%dma_start3A_230, %dma_start3A_231, %dma_start3A_232] : memref<8x2x64xi32, #tpu.memory_space<vmem>> -> memref<1x1x64xi32, #tpu.memory_space<vmem>>
    %dma_start3A_234 = tpu.memref_squeeze %dma_start3A_233 : memref<1x1x64xi32, #tpu.memory_space<vmem>> -> memref<64xi32, #tpu.memory_space<vmem>>
    %dma_start3A_235 = arith.constant 0 : i32
    %dma_start3A_236 = tpu.memref_slice %arg4[%arg1, %dma_start3A_229, %dma_start3A_235] : memref<16x160x64xi32, #tpu.memory_space<hbm>> -> memref<1x1x64xi32, #tpu.memory_space<hbm>>
    %dma_start3A_237 = tpu.memref_squeeze %dma_start3A_236 : memref<1x1x64xi32, #tpu.memory_space<hbm>> -> memref<64xi32, #tpu.memory_space<hbm>>
    %dma_start3A_238 = arith.constant 0 : i32
    %dma_start3A_239 = tpu.memref_slice %arg6[%dma_start3A_230, %dma_start3A_231, %dma_start3A_238] : memref<8x2x64xi32, #tpu.memory_space<vmem>> -> memref<1x1x64xi32, #tpu.memory_space<vmem>>
    %dma_start3A_240 = tpu.memref_squeeze %dma_start3A_239 : memref<1x1x64xi32, #tpu.memory_space<vmem>> -> memref<64xi32, #tpu.memory_space<vmem>>
    %dma_start3A_241 = arith.constant 0 : i32
    %dma_start3A_242 = tpu.memref_slice %arg4[%arg1, %dma_start3A_229, %dma_start3A_241] : memref<16x160x64xi32, #tpu.memory_space<hbm>> -> memref<1x1x64xi32, #tpu.memory_space<hbm>>
    %dma_start3A_243 = tpu.memref_squeeze %dma_start3A_242 : memref<1x1x64xi32, #tpu.memory_space<hbm>> -> memref<64xi32, #tpu.memory_space<hbm>>
    tpu.enqueue_dma source(%dma_start3A_243 : memref<64xi32, #tpu.memory_space<hbm>>) target(%dma_start3A_240 : memref<64xi32, #tpu.memory_space<vmem>>) target_semaphore(%arg20 : memref<!tpu.dma_semaphore, #tpu.memory_space<semaphore_mem>>)
    %dma_wait3A = arith.constant 0 : i32
    %dma_wait3A_244 = arith.constant 0 : i32
    %dma_wait3A_245 = arith.constant 0 : i32
    %dma_wait3A_246 = arith.constant 0 : i32
    %dma_wait3A_247 = tpu.memref_slice %arg6[%dma_wait3A_244, %dma_wait3A_245, %dma_wait3A_246] : memref<8x2x64xi32, #tpu.memory_space<vmem>> -> memref<1x1x64xi32, #tpu.memory_space<vmem>>
    %dma_wait3A_248 = tpu.memref_squeeze %dma_wait3A_247 : memref<1x1x64xi32, #tpu.memory_space<vmem>> -> memref<64xi32, #tpu.memory_space<vmem>>
    %dma_wait3A_249 = arith.constant 0 : i32
    %dma_wait3A_250 = tpu.memref_slice %arg3[%arg0, %arg1, %dma_wait3A, %dma_wait3A_249] : memref<2x16x160x64xi32, #tpu.memory_space<hbm>> -> memref<1x1x1x64xi32, #tpu.memory_space<hbm>>
    %dma_wait3A_251 = tpu.memref_squeeze %dma_wait3A_250 : memref<1x1x1x64xi32, #tpu.memory_space<hbm>> -> memref<64xi32, #tpu.memory_space<hbm>>
    %dma_wait3A_252 = arith.constant 0 : i32
    %dma_wait3A_253 = tpu.memref_slice %arg6[%dma_wait3A_244, %dma_wait3A_245, %dma_wait3A_252] : memref<8x2x64xi32, #tpu.memory_space<vmem>> -> memref<1x1x64xi32, #tpu.memory_space<vmem>>
    %dma_wait3A_254 = tpu.memref_squeeze %dma_wait3A_253 : memref<1x1x64xi32, #tpu.memory_space<vmem>> -> memref<64xi32, #tpu.memory_space<vmem>>
    %dma_wait3A_255 = arith.constant 0 : i32
    %dma_wait3A_256 = tpu.memref_slice %arg3[%arg0, %arg1, %dma_wait3A, %dma_wait3A_255] : memref<2x16x160x64xi32, #tpu.memory_space<hbm>> -> memref<1x1x1x64xi32, #tpu.memory_space<hbm>>
    %dma_wait3A_257 = tpu.memref_squeeze %dma_wait3A_256 : memref<1x1x1x64xi32, #tpu.memory_space<hbm>> -> memref<64xi32, #tpu.memory_space<hbm>>
    tpu.wait_dma2 semaphore(%arg13 : memref<!tpu.dma_semaphore, #tpu.memory_space<semaphore_mem>>) src(%dma_wait3A_257 : memref<64xi32, #tpu.memory_space<hbm>>) dst(%dma_wait3A_254 : memref<64xi32, #tpu.memory_space<vmem>>)
    %dma_wait3A_258 = arith.constant 0 : i32
    %dma_wait3A_259 = arith.constant 0 : i32
    %dma_wait3A_260 = arith.constant 1 : i32
    %dma_wait3A_261 = arith.constant 0 : i32
    %dma_wait3A_262 = tpu.memref_slice %arg6[%dma_wait3A_259, %dma_wait3A_260, %dma_wait3A_261] : memref<8x2x64xi32, #tpu.memory_space<vmem>> -> memref<1x1x64xi32, #tpu.memory_space<vmem>>
    %dma_wait3A_263 = tpu.memref_squeeze %dma_wait3A_262 : memref<1x1x64xi32, #tpu.memory_space<vmem>> -> memref<64xi32, #tpu.memory_space<vmem>>
    %dma_wait3A_264 = arith.constant 0 : i32
    %dma_wait3A_265 = tpu.memref_slice %arg4[%arg1, %dma_wait3A_258, %dma_wait3A_264] : memref<16x160x64xi32, #tpu.memory_space<hbm>> -> memref<1x1x64xi32, #tpu.memory_space<hbm>>
    %dma_wait3A_266 = tpu.memref_squeeze %dma_wait3A_265 : memref<1x1x64xi32, #tpu.memory_space<hbm>> -> memref<64xi32, #tpu.memory_space<hbm>>
    %dma_wait3A_267 = arith.constant 0 : i32
    %dma_wait3A_268 = tpu.memref_slice %arg6[%dma_wait3A_259, %dma_wait3A_260, %dma_wait3A_267] : memref<8x2x64xi32, #tpu.memory_space<vmem>> -> memref<1x1x64xi32, #tpu.memory_space<vmem>>
    %dma_wait3A_269 = tpu.memref_squeeze %dma_wait3A_268 : memref<1x1x64xi32, #tpu.memory_space<vmem>> -> memref<64xi32, #tpu.memory_space<vmem>>
    %dma_wait3A_270 = arith.constant 0 : i32
    %dma_wait3A_271 = tpu.memref_slice %arg4[%arg1, %dma_wait3A_258, %dma_wait3A_270] : memref<16x160x64xi32, #tpu.memory_space<hbm>> -> memref<1x1x64xi32, #tpu.memory_space<hbm>>
    %dma_wait3A_272 = tpu.memref_squeeze %dma_wait3A_271 : memref<1x1x64xi32, #tpu.memory_space<hbm>> -> memref<64xi32, #tpu.memory_space<hbm>>
    tpu.wait_dma2 semaphore(%arg13 : memref<!tpu.dma_semaphore, #tpu.memory_space<semaphore_mem>>) src(%dma_wait3A_272 : memref<64xi32, #tpu.memory_space<hbm>>) dst(%dma_wait3A_269 : memref<64xi32, #tpu.memory_space<vmem>>)
    %dma_start3A_273 = arith.constant 0 : i32
    %dma_start3A_274 = arith.constant 0 : i32
    %dma_start3A_275 = arith.constant 0 : i32
    %dma_start3A_276 = arith.constant 0 : i32
    %dma_start3A_277 = arith.constant 0 : i32
    %dma_start3A_278 = tpu.memref_slice %arg7[%dma_start3A_275, %dma_start3A_276, %dma_start3A_277] : memref<4x64x128xf32, #tpu.memory_space<vmem>> -> memref<1x64x128xf32, #tpu.memory_space<vmem>>
    %dma_start3A_279 = tpu.memref_squeeze %dma_start3A_278 : memref<1x64x128xf32, #tpu.memory_space<vmem>> -> memref<64x128xf32, #tpu.memory_space<vmem>>
    %dma_start3A_280 = arith.constant 0 : i32
    %dma_start3A_281 = tpu.memref_slice %arg6[%dma_start3A_273, %dma_start3A_274, %dma_start3A_280] : memref<8x2x64xi32, #tpu.memory_space<vmem>> -> memref<1x1x64xi32, #tpu.memory_space<vmem>>
    %dma_start3A_282 = tpu.memref_squeeze %dma_start3A_281 : memref<1x1x64xi32, #tpu.memory_space<vmem>> -> memref<64xi32, #tpu.memory_space<vmem>>
    %dma_start3A_283 = arith.constant 0 : i32
    %dma_start3A_284 = arith.constant 0 : i32
    %dma_start3A_285 = tpu.memref_slice %arg2[%dma_start3A_283, %dma_start3A_284] : memref<20480x128xf32, #tpu.memory_space<hbm>> -> memref<20480x128xf32, #tpu.memory_space<hbm>>
    tpu.enqueue_indirect_dma source(%dma_start3A_285 : memref<20480x128xf32, #tpu.memory_space<hbm>>) target(%dma_start3A_279 : memref<64x128xf32, #tpu.memory_space<vmem>>) offsets(%dma_start3A_282 : memref<64xi32, #tpu.memory_space<vmem>>) semaphore(%arg9 : memref<!tpu.dma_semaphore, #tpu.memory_space<semaphore_mem>>)
    %dma_wait3A_286 = arith.constant 0 : i32
    %dma_wait3A_287 = arith.constant 1 : i32
    %dma_wait3A_288 = arith.constant 0 : i32
    %dma_wait3A_289 = arith.constant 0 : i32
    %dma_wait3A_290 = tpu.memref_slice %arg6[%dma_wait3A_287, %dma_wait3A_288, %dma_wait3A_289] : memref<8x2x64xi32, #tpu.memory_space<vmem>> -> memref<1x1x64xi32, #tpu.memory_space<vmem>>
    %dma_wait3A_291 = tpu.memref_squeeze %dma_wait3A_290 : memref<1x1x64xi32, #tpu.memory_space<vmem>> -> memref<64xi32, #tpu.memory_space<vmem>>
    %dma_wait3A_292 = arith.constant 0 : i32
    %dma_wait3A_293 = tpu.memref_slice %arg3[%arg0, %arg1, %dma_wait3A_286, %dma_wait3A_292] : memref<2x16x160x64xi32, #tpu.memory_space<hbm>> -> memref<1x1x1x64xi32, #tpu.memory_space<hbm>>
    %dma_wait3A_294 = tpu.memref_squeeze %dma_wait3A_293 : memref<1x1x1x64xi32, #tpu.memory_space<hbm>> -> memref<64xi32, #tpu.memory_space<hbm>>
    %dma_wait3A_295 = arith.constant 0 : i32
    %dma_wait3A_296 = tpu.memref_slice %arg6[%dma_wait3A_287, %dma_wait3A_288, %dma_wait3A_295] : memref<8x2x64xi32, #tpu.memory_space<vmem>> -> memref<1x1x64xi32, #tpu.memory_space<vmem>>
    %dma_wait3A_297 = tpu.memref_squeeze %dma_wait3A_296 : memref<1x1x64xi32, #tpu.memory_space<vmem>> -> memref<64xi32, #tpu.memory_space<vmem>>
    %dma_wait3A_298 = arith.constant 0 : i32
    %dma_wait3A_299 = tpu.memref_slice %arg3[%arg0, %arg1, %dma_wait3A_286, %dma_wait3A_298] : memref<2x16x160x64xi32, #tpu.memory_space<hbm>> -> memref<1x1x1x64xi32, #tpu.memory_space<hbm>>
    %dma_wait3A_300 = tpu.memref_squeeze %dma_wait3A_299 : memref<1x1x1x64xi32, #tpu.memory_space<hbm>> -> memref<64xi32, #tpu.memory_space<hbm>>
    tpu.wait_dma2 semaphore(%arg14 : memref<!tpu.dma_semaphore, #tpu.memory_space<semaphore_mem>>) src(%dma_wait3A_300 : memref<64xi32, #tpu.memory_space<hbm>>) dst(%dma_wait3A_297 : memref<64xi32, #tpu.memory_space<vmem>>)
    %dma_wait3A_301 = arith.constant 0 : i32
    %dma_wait3A_302 = arith.constant 1 : i32
    %dma_wait3A_303 = arith.constant 1 : i32
    %dma_wait3A_304 = arith.constant 0 : i32
    %dma_wait3A_305 = tpu.memref_slice %arg6[%dma_wait3A_302, %dma_wait3A_303, %dma_wait3A_304] : memref<8x2x64xi32, #tpu.memory_space<vmem>> -> memref<1x1x64xi32, #tpu.memory_space<vmem>>
    %dma_wait3A_306 = tpu.memref_squeeze %dma_wait3A_305 : memref<1x1x64xi32, #tpu.memory_space<vmem>> -> memref<64xi32, #tpu.memory_space<vmem>>
    %dma_wait3A_307 = arith.constant 0 : i32
    %dma_wait3A_308 = tpu.memref_slice %arg4[%arg1, %dma_wait3A_301, %dma_wait3A_307] : memref<16x160x64xi32, #tpu.memory_space<hbm>> -> memref<1x1x64xi32, #tpu.memory_space<hbm>>
    %dma_wait3A_309 = tpu.memref_squeeze %dma_wait3A_308 : memref<1x1x64xi32, #tpu.memory_space<hbm>> -> memref<64xi32, #tpu.memory_space<hbm>>
    %dma_wait3A_310 = arith.constant 0 : i32
    %dma_wait3A_311 = tpu.memref_slice %arg6[%dma_wait3A_302, %dma_wait3A_303, %dma_wait3A_310] : memref<8x2x64xi32, #tpu.memory_space<vmem>> -> memref<1x1x64xi32, #tpu.memory_space<vmem>>
    %dma_wait3A_312 = tpu.memref_squeeze %dma_wait3A_311 : memref<1x1x64xi32, #tpu.memory_space<vmem>> -> memref<64xi32, #tpu.memory_space<vmem>>
    %dma_wait3A_313 = arith.constant 0 : i32
    %dma_wait3A_314 = tpu.memref_slice %arg4[%arg1, %dma_wait3A_301, %dma_wait3A_313] : memref<16x160x64xi32, #tpu.memory_space<hbm>> -> memref<1x1x64xi32, #tpu.memory_space<hbm>>
    %dma_wait3A_315 = tpu.memref_squeeze %dma_wait3A_314 : memref<1x1x64xi32, #tpu.memory_space<hbm>> -> memref<64xi32, #tpu.memory_space<hbm>>
    tpu.wait_dma2 semaphore(%arg14 : memref<!tpu.dma_semaphore, #tpu.memory_space<semaphore_mem>>) src(%dma_wait3A_315 : memref<64xi32, #tpu.memory_space<hbm>>) dst(%dma_wait3A_312 : memref<64xi32, #tpu.memory_space<vmem>>)
    %dma_start3A_316 = arith.constant 1 : i32
    %dma_start3A_317 = arith.constant 0 : i32
    %dma_start3A_318 = arith.constant 1 : i32
    %dma_start3A_319 = arith.constant 0 : i32
    %dma_start3A_320 = arith.constant 0 : i32
    %dma_start3A_321 = tpu.memref_slice %arg7[%dma_start3A_318, %dma_start3A_319, %dma_start3A_320] : memref<4x64x128xf32, #tpu.memory_space<vmem>> -> memref<1x64x128xf32, #tpu.memory_space<vmem>>
    %dma_start3A_322 = tpu.memref_squeeze %dma_start3A_321 : memref<1x64x128xf32, #tpu.memory_space<vmem>> -> memref<64x128xf32, #tpu.memory_space<vmem>>
    %dma_start3A_323 = arith.constant 0 : i32
    %dma_start3A_324 = tpu.memref_slice %arg6[%dma_start3A_316, %dma_start3A_317, %dma_start3A_323] : memref<8x2x64xi32, #tpu.memory_space<vmem>> -> memref<1x1x64xi32, #tpu.memory_space<vmem>>
    %dma_start3A_325 = tpu.memref_squeeze %dma_start3A_324 : memref<1x1x64xi32, #tpu.memory_space<vmem>> -> memref<64xi32, #tpu.memory_space<vmem>>
    %dma_start3A_326 = arith.constant 0 : i32
    %dma_start3A_327 = arith.constant 0 : i32
    %dma_start3A_328 = tpu.memref_slice %arg2[%dma_start3A_326, %dma_start3A_327] : memref<20480x128xf32, #tpu.memory_space<hbm>> -> memref<20480x128xf32, #tpu.memory_space<hbm>>
    tpu.enqueue_indirect_dma source(%dma_start3A_328 : memref<20480x128xf32, #tpu.memory_space<hbm>>) target(%dma_start3A_322 : memref<64x128xf32, #tpu.memory_space<vmem>>) offsets(%dma_start3A_325 : memref<64xi32, #tpu.memory_space<vmem>>) semaphore(%arg10 : memref<!tpu.dma_semaphore, #tpu.memory_space<semaphore_mem>>)
    %dma_wait3A_329 = arith.constant 0 : i32
    %dma_wait3A_330 = arith.constant 2 : i32
    %dma_wait3A_331 = arith.constant 0 : i32
    %dma_wait3A_332 = arith.constant 0 : i32
    %dma_wait3A_333 = tpu.memref_slice %arg6[%dma_wait3A_330, %dma_wait3A_331, %dma_wait3A_332] : memref<8x2x64xi32, #tpu.memory_space<vmem>> -> memref<1x1x64xi32, #tpu.memory_space<vmem>>
    %dma_wait3A_334 = tpu.memref_squeeze %dma_wait3A_333 : memref<1x1x64xi32, #tpu.memory_space<vmem>> -> memref<64xi32, #tpu.memory_space<vmem>>
    %dma_wait3A_335 = arith.constant 0 : i32
    %dma_wait3A_336 = tpu.memref_slice %arg3[%arg0, %arg1, %dma_wait3A_329, %dma_wait3A_335] : memref<2x16x160x64xi32, #tpu.memory_space<hbm>> -> memref<1x1x1x64xi32, #tpu.memory_space<hbm>>
    %dma_wait3A_337 = tpu.memref_squeeze %dma_wait3A_336 : memref<1x1x1x64xi32, #tpu.memory_space<hbm>> -> memref<64xi32, #tpu.memory_space<hbm>>
    %dma_wait3A_338 = arith.constant 0 : i32
    %dma_wait3A_339 = tpu.memref_slice %arg6[%dma_wait3A_330, %dma_wait3A_331, %dma_wait3A_338] : memref<8x2x64xi32, #tpu.memory_space<vmem>> -> memref<1x1x64xi32, #tpu.memory_space<vmem>>
    %dma_wait3A_340 = tpu.memref_squeeze %dma_wait3A_339 : memref<1x1x64xi32, #tpu.memory_space<vmem>> -> memref<64xi32, #tpu.memory_space<vmem>>
    %dma_wait3A_341 = arith.constant 0 : i32
    %dma_wait3A_342 = tpu.memref_slice %arg3[%arg0, %arg1, %dma_wait3A_329, %dma_wait3A_341] : memref<2x16x160x64xi32, #tpu.memory_space<hbm>> -> memref<1x1x1x64xi32, #tpu.memory_space<hbm>>
    %dma_wait3A_343 = tpu.memref_squeeze %dma_wait3A_342 : memref<1x1x1x64xi32, #tpu.memory_space<hbm>> -> memref<64xi32, #tpu.memory_space<hbm>>
    tpu.wait_dma2 semaphore(%arg15 : memref<!tpu.dma_semaphore, #tpu.memory_space<semaphore_mem>>) src(%dma_wait3A_343 : memref<64xi32, #tpu.memory_space<hbm>>) dst(%dma_wait3A_340 : memref<64xi32, #tpu.memory_space<vmem>>)
    %dma_wait3A_344 = arith.constant 0 : i32
    %dma_wait3A_345 = arith.constant 2 : i32
    %dma_wait3A_346 = arith.constant 1 : i32
    %dma_wait3A_347 = arith.constant 0 : i32
    %dma_wait3A_348 = tpu.memref_slice %arg6[%dma_wait3A_345, %dma_wait3A_346, %dma_wait3A_347] : memref<8x2x64xi32, #tpu.memory_space<vmem>> -> memref<1x1x64xi32, #tpu.memory_space<vmem>>
    %dma_wait3A_349 = tpu.memref_squeeze %dma_wait3A_348 : memref<1x1x64xi32, #tpu.memory_space<vmem>> -> memref<64xi32, #tpu.memory_space<vmem>>
    %dma_wait3A_350 = arith.constant 0 : i32
    %dma_wait3A_351 = tpu.memref_slice %arg4[%arg1, %dma_wait3A_344, %dma_wait3A_350] : memref<16x160x64xi32, #tpu.memory_space<hbm>> -> memref<1x1x64xi32, #tpu.memory_space<hbm>>
    %dma_wait3A_352 = tpu.memref_squeeze %dma_wait3A_351 : memref<1x1x64xi32, #tpu.memory_space<hbm>> -> memref<64xi32, #tpu.memory_space<hbm>>
    %dma_wait3A_353 = arith.constant 0 : i32
    %dma_wait3A_354 = tpu.memref_slice %arg6[%dma_wait3A_345, %dma_wait3A_346, %dma_wait3A_353] : memref<8x2x64xi32, #tpu.memory_space<vmem>> -> memref<1x1x64xi32, #tpu.memory_space<vmem>>
    %dma_wait3A_355 = tpu.memref_squeeze %dma_wait3A_354 : memref<1x1x64xi32, #tpu.memory_space<vmem>> -> memref<64xi32, #tpu.memory_space<vmem>>
    %dma_wait3A_356 = arith.constant 0 : i32
    %dma_wait3A_357 = tpu.memref_slice %arg4[%arg1, %dma_wait3A_344, %dma_wait3A_356] : memref<16x160x64xi32, #tpu.memory_space<hbm>> -> memref<1x1x64xi32, #tpu.memory_space<hbm>>
    %dma_wait3A_358 = tpu.memref_squeeze %dma_wait3A_357 : memref<1x1x64xi32, #tpu.memory_space<hbm>> -> memref<64xi32, #tpu.memory_space<hbm>>
    tpu.wait_dma2 semaphore(%arg15 : memref<!tpu.dma_semaphore, #tpu.memory_space<semaphore_mem>>) src(%dma_wait3A_358 : memref<64xi32, #tpu.memory_space<hbm>>) dst(%dma_wait3A_355 : memref<64xi32, #tpu.memory_space<vmem>>)
    %dma_start3A_359 = arith.constant 2 : i32
    %dma_start3A_360 = arith.constant 0 : i32
    %dma_start3A_361 = arith.constant 2 : i32
    %dma_start3A_362 = arith.constant 0 : i32
    %dma_start3A_363 = arith.constant 0 : i32
    %dma_start3A_364 = tpu.memref_slice %arg7[%dma_start3A_361, %dma_start3A_362, %dma_start3A_363] : memref<4x64x128xf32, #tpu.memory_space<vmem>> -> memref<1x64x128xf32, #tpu.memory_space<vmem>>
    %dma_start3A_365 = tpu.memref_squeeze %dma_start3A_364 : memref<1x64x128xf32, #tpu.memory_space<vmem>> -> memref<64x128xf32, #tpu.memory_space<vmem>>
    %dma_start3A_366 = arith.constant 0 : i32
    %dma_start3A_367 = tpu.memref_slice %arg6[%dma_start3A_359, %dma_start3A_360, %dma_start3A_366] : memref<8x2x64xi32, #tpu.memory_space<vmem>> -> memref<1x1x64xi32, #tpu.memory_space<vmem>>
    %dma_start3A_368 = tpu.memref_squeeze %dma_start3A_367 : memref<1x1x64xi32, #tpu.memory_space<vmem>> -> memref<64xi32, #tpu.memory_space<vmem>>
    %dma_start3A_369 = arith.constant 0 : i32
    %dma_start3A_370 = arith.constant 0 : i32
    %dma_start3A_371 = tpu.memref_slice %arg2[%dma_start3A_369, %dma_start3A_370] : memref<20480x128xf32, #tpu.memory_space<hbm>> -> memref<20480x128xf32, #tpu.memory_space<hbm>>
    tpu.enqueue_indirect_dma source(%dma_start3A_371 : memref<20480x128xf32, #tpu.memory_space<hbm>>) target(%dma_start3A_365 : memref<64x128xf32, #tpu.memory_space<vmem>>) offsets(%dma_start3A_368 : memref<64xi32, #tpu.memory_space<vmem>>) semaphore(%arg11 : memref<!tpu.dma_semaphore, #tpu.memory_space<semaphore_mem>>)
    %dma_wait3A_372 = arith.constant 0 : i32
    %dma_wait3A_373 = arith.constant 3 : i32
    %dma_wait3A_374 = arith.constant 0 : i32
    %dma_wait3A_375 = arith.constant 0 : i32
    %dma_wait3A_376 = tpu.memref_slice %arg6[%dma_wait3A_373, %dma_wait3A_374, %dma_wait3A_375] : memref<8x2x64xi32, #tpu.memory_space<vmem>> -> memref<1x1x64xi32, #tpu.memory_space<vmem>>
    %dma_wait3A_377 = tpu.memref_squeeze %dma_wait3A_376 : memref<1x1x64xi32, #tpu.memory_space<vmem>> -> memref<64xi32, #tpu.memory_space<vmem>>
    %dma_wait3A_378 = arith.constant 0 : i32
    %dma_wait3A_379 = tpu.memref_slice %arg3[%arg0, %arg1, %dma_wait3A_372, %dma_wait3A_378] : memref<2x16x160x64xi32, #tpu.memory_space<hbm>> -> memref<1x1x1x64xi32, #tpu.memory_space<hbm>>
    %dma_wait3A_380 = tpu.memref_squeeze %dma_wait3A_379 : memref<1x1x1x64xi32, #tpu.memory_space<hbm>> -> memref<64xi32, #tpu.memory_space<hbm>>
    %dma_wait3A_381 = arith.constant 0 : i32
    %dma_wait3A_382 = tpu.memref_slice %arg6[%dma_wait3A_373, %dma_wait3A_374, %dma_wait3A_381] : memref<8x2x64xi32, #tpu.memory_space<vmem>> -> memref<1x1x64xi32, #tpu.memory_space<vmem>>
    %dma_wait3A_383 = tpu.memref_squeeze %dma_wait3A_382 : memref<1x1x64xi32, #tpu.memory_space<vmem>> -> memref<64xi32, #tpu.memory_space<vmem>>
    %dma_wait3A_384 = arith.constant 0 : i32
    %dma_wait3A_385 = tpu.memref_slice %arg3[%arg0, %arg1, %dma_wait3A_372, %dma_wait3A_384] : memref<2x16x160x64xi32, #tpu.memory_space<hbm>> -> memref<1x1x1x64xi32, #tpu.memory_space<hbm>>
    %dma_wait3A_386 = tpu.memref_squeeze %dma_wait3A_385 : memref<1x1x1x64xi32, #tpu.memory_space<hbm>> -> memref<64xi32, #tpu.memory_space<hbm>>
    tpu.wait_dma2 semaphore(%arg16 : memref<!tpu.dma_semaphore, #tpu.memory_space<semaphore_mem>>) src(%dma_wait3A_386 : memref<64xi32, #tpu.memory_space<hbm>>) dst(%dma_wait3A_383 : memref<64xi32, #tpu.memory_space<vmem>>)
    %dma_wait3A_387 = arith.constant 0 : i32
    %dma_wait3A_388 = arith.constant 3 : i32
    %dma_wait3A_389 = arith.constant 1 : i32
    %dma_wait3A_390 = arith.constant 0 : i32
    %dma_wait3A_391 = tpu.memref_slice %arg6[%dma_wait3A_388, %dma_wait3A_389, %dma_wait3A_390] : memref<8x2x64xi32, #tpu.memory_space<vmem>> -> memref<1x1x64xi32, #tpu.memory_space<vmem>>
    %dma_wait3A_392 = tpu.memref_squeeze %dma_wait3A_391 : memref<1x1x64xi32, #tpu.memory_space<vmem>> -> memref<64xi32, #tpu.memory_space<vmem>>
    %dma_wait3A_393 = arith.constant 0 : i32
    %dma_wait3A_394 = tpu.memref_slice %arg4[%arg1, %dma_wait3A_387, %dma_wait3A_393] : memref<16x160x64xi32, #tpu.memory_space<hbm>> -> memref<1x1x64xi32, #tpu.memory_space<hbm>>
    %dma_wait3A_395 = tpu.memref_squeeze %dma_wait3A_394 : memref<1x1x64xi32, #tpu.memory_space<hbm>> -> memref<64xi32, #tpu.memory_space<hbm>>
    %dma_wait3A_396 = arith.constant 0 : i32
    %dma_wait3A_397 = tpu.memref_slice %arg6[%dma_wait3A_388, %dma_wait3A_389, %dma_wait3A_396] : memref<8x2x64xi32, #tpu.memory_space<vmem>> -> memref<1x1x64xi32, #tpu.memory_space<vmem>>
    %dma_wait3A_398 = tpu.memref_squeeze %dma_wait3A_397 : memref<1x1x64xi32, #tpu.memory_space<vmem>> -> memref<64xi32, #tpu.memory_space<vmem>>
    %dma_wait3A_399 = arith.constant 0 : i32
    %dma_wait3A_400 = tpu.memref_slice %arg4[%arg1, %dma_wait3A_387, %dma_wait3A_399] : memref<16x160x64xi32, #tpu.memory_space<hbm>> -> memref<1x1x64xi32, #tpu.memory_space<hbm>>
    %dma_wait3A_401 = tpu.memref_squeeze %dma_wait3A_400 : memref<1x1x64xi32, #tpu.memory_space<hbm>> -> memref<64xi32, #tpu.memory_space<hbm>>
    tpu.wait_dma2 semaphore(%arg16 : memref<!tpu.dma_semaphore, #tpu.memory_space<semaphore_mem>>) src(%dma_wait3A_401 : memref<64xi32, #tpu.memory_space<hbm>>) dst(%dma_wait3A_398 : memref<64xi32, #tpu.memory_space<vmem>>)
    %dma_start3A_402 = arith.constant 3 : i32
    %dma_start3A_403 = arith.constant 0 : i32
    %dma_start3A_404 = arith.constant 3 : i32
    %dma_start3A_405 = arith.constant 0 : i32
    %dma_start3A_406 = arith.constant 0 : i32
    %dma_start3A_407 = tpu.memref_slice %arg7[%dma_start3A_404, %dma_start3A_405, %dma_start3A_406] : memref<4x64x128xf32, #tpu.memory_space<vmem>> -> memref<1x64x128xf32, #tpu.memory_space<vmem>>
    %dma_start3A_408 = tpu.memref_squeeze %dma_start3A_407 : memref<1x64x128xf32, #tpu.memory_space<vmem>> -> memref<64x128xf32, #tpu.memory_space<vmem>>
    %dma_start3A_409 = arith.constant 0 : i32
    %dma_start3A_410 = tpu.memref_slice %arg6[%dma_start3A_402, %dma_start3A_403, %dma_start3A_409] : memref<8x2x64xi32, #tpu.memory_space<vmem>> -> memref<1x1x64xi32, #tpu.memory_space<vmem>>
    %dma_start3A_411 = tpu.memref_squeeze %dma_start3A_410 : memref<1x1x64xi32, #tpu.memory_space<vmem>> -> memref<64xi32, #tpu.memory_space<vmem>>
    %dma_start3A_412 = arith.constant 0 : i32
    %dma_start3A_413 = arith.constant 0 : i32
    %dma_start3A_414 = tpu.memref_slice %arg2[%dma_start3A_412, %dma_start3A_413] : memref<20480x128xf32, #tpu.memory_space<hbm>> -> memref<20480x128xf32, #tpu.memory_space<hbm>>
    tpu.enqueue_indirect_dma source(%dma_start3A_414 : memref<20480x128xf32, #tpu.memory_space<hbm>>) target(%dma_start3A_408 : memref<64x128xf32, #tpu.memory_space<vmem>>) offsets(%dma_start3A_411 : memref<64xi32, #tpu.memory_space<vmem>>) semaphore(%arg12 : memref<!tpu.dma_semaphore, #tpu.memory_space<semaphore_mem>>)
    %scan3A = arith.constant 0 : i32
    %scan3A_415 = arith.constant 0 : i32
    %scan3A_416 = arith.constant 20 : i32
    %scan3A_417 = arith.addi %scan3A_415, %scan3A_416 : i32
    %scan3A_418 = arith.constant 1 : i32
    scf.for %scan3A_423 = %scan3A_415 to %scan3A_417 step %scan3A_418  : i32 {
      %mul3A_424 = arith.constant 8 : i32
      %mul3A_425 = arith.muli %scan3A_423, %mul3A_424 : i32
      %add3A_426 = arith.constant 0 : i32
      %add3A_427 = arith.addi %mul3A_425, %add3A_426 : i32
      %dma_wait3A_428 = arith.constant 0 : i32
      %dma_wait3A_429 = arith.constant 0 : i32
      %dma_wait3A_430 = arith.constant 0 : i32
      %dma_wait3A_431 = arith.constant 0 : i32
      %dma_wait3A_432 = arith.constant 0 : i32
      %dma_wait3A_433 = tpu.memref_slice %arg7[%dma_wait3A_430, %dma_wait3A_431, %dma_wait3A_432] : memref<4x64x128xf32, #tpu.memory_space<vmem>> -> memref<1x64x128xf32, #tpu.memory_space<vmem>>
      %dma_wait3A_434 = tpu.memref_squeeze %dma_wait3A_433 : memref<1x64x128xf32, #tpu.memory_space<vmem>> -> memref<64x128xf32, #tpu.memory_space<vmem>>
      %dma_wait3A_435 = arith.constant 0 : i32
      %dma_wait3A_436 = tpu.memref_slice %arg6[%dma_wait3A_428, %dma_wait3A_429, %dma_wait3A_435] : memref<8x2x64xi32, #tpu.memory_space<vmem>> -> memref<1x1x64xi32, #tpu.memory_space<vmem>>
      %dma_wait3A_437 = tpu.memref_squeeze %dma_wait3A_436 : memref<1x1x64xi32, #tpu.memory_space<vmem>> -> memref<64xi32, #tpu.memory_space<vmem>>
      %dma_wait3A_438 = arith.constant 0 : i32
      %dma_wait3A_439 = arith.constant 0 : i32
      %dma_wait3A_440 = tpu.memref_slice %arg2[%dma_wait3A_438, %dma_wait3A_439] : memref<20480x128xf32, #tpu.memory_space<hbm>> -> memref<20480x128xf32, #tpu.memory_space<hbm>>
      tpu.wait_indirect_dma semaphore(%arg9 : memref<!tpu.dma_semaphore, #tpu.memory_space<semaphore_mem>>) src(%dma_wait3A_440 : memref<20480x128xf32, #tpu.memory_space<hbm>>) dst(%dma_wait3A_434 : memref<64x128xf32, #tpu.memory_space<vmem>>)
      %run_scoped3A = arith.constant 0 : i32
      %run_scoped3A_441 = arith.constant 0 : i32
      %run_scoped3A_442 = arith.constant 1 : i32
      "tpu.region"() ({
        %run_scoped3A_692 = tpu.sem_alloc : memref<!tpu.dma_semaphore, #tpu.memory_space<semaphore_mem>>
        %dma_start3A_693 = arith.constant 0 : i32
        %dma_start3A_694 = arith.constant 0 : i32
        %dma_start3A_695 = tpu.memref_slice %arg7[%run_scoped3A, %dma_start3A_693, %dma_start3A_694] : memref<4x64x128xf32, #tpu.memory_space<vmem>> -> memref<1x64x128xf32, #tpu.memory_space<vmem>>
        %dma_start3A_696 = tpu.memref_squeeze %dma_start3A_695 : memref<1x64x128xf32, #tpu.memory_space<vmem>> -> memref<64x128xf32, #tpu.memory_space<vmem>>
        %dma_start3A_697 = arith.constant 0 : i32
        %dma_start3A_698 = tpu.memref_slice %arg6[%run_scoped3A_441, %run_scoped3A_442, %dma_start3A_697] : memref<8x2x64xi32, #tpu.memory_space<vmem>> -> memref<1x1x64xi32, #tpu.memory_space<vmem>>
        %dma_start3A_699 = tpu.memref_squeeze %dma_start3A_698 : memref<1x1x64xi32, #tpu.memory_space<vmem>> -> memref<64xi32, #tpu.memory_space<vmem>>
        %dma_start3A_700 = arith.constant 0 : i32
        %dma_start3A_701 = arith.constant 0 : i32
        %dma_start3A_702 = tpu.memref_slice %arg8[%dma_start3A_700, %dma_start3A_701] : memref<10240x128xf32, #tpu.memory_space<vmem_shared>> -> memref<10240x128xf32, #tpu.memory_space<vmem_shared>>
        tpu.enqueue_indirect_dma source(%dma_start3A_696 : memref<64x128xf32, #tpu.memory_space<vmem>>) target(%dma_start3A_702 : memref<10240x128xf32, #tpu.memory_space<vmem_shared>>) offsets(%dma_start3A_699 : memref<64xi32, #tpu.memory_space<vmem>>) semaphore(%run_scoped3A_692 : memref<!tpu.dma_semaphore, #tpu.memory_space<semaphore_mem>>) {add = true}
        %dma_wait3A_703 = arith.constant 0 : i32
        %dma_wait3A_704 = arith.constant 0 : i32
        %dma_wait3A_705 = tpu.memref_slice %arg7[%run_scoped3A, %dma_wait3A_703, %dma_wait3A_704] : memref<4x64x128xf32, #tpu.memory_space<vmem>> -> memref<1x64x128xf32, #tpu.memory_space<vmem>>
        %dma_wait3A_706 = tpu.memref_squeeze %dma_wait3A_705 : memref<1x64x128xf32, #tpu.memory_space<vmem>> -> memref<64x128xf32, #tpu.memory_space<vmem>>
        %dma_wait3A_707 = arith.constant 0 : i32
        %dma_wait3A_708 = tpu.memref_slice %arg6[%run_scoped3A_441, %run_scoped3A_442, %dma_wait3A_707] : memref<8x2x64xi32, #tpu.memory_space<vmem>> -> memref<1x1x64xi32, #tpu.memory_space<vmem>>
        %dma_wait3A_709 = tpu.memref_squeeze %dma_wait3A_708 : memref<1x1x64xi32, #tpu.memory_space<vmem>> -> memref<64xi32, #tpu.memory_space<vmem>>
        %dma_wait3A_710 = arith.constant 0 : i32
        %dma_wait3A_711 = arith.constant 0 : i32
        %dma_wait3A_712 = tpu.memref_slice %arg8[%dma_wait3A_710, %dma_wait3A_711] : memref<10240x128xf32, #tpu.memory_space<vmem_shared>> -> memref<10240x128xf32, #tpu.memory_space<vmem_shared>>
        tpu.wait_indirect_dma semaphore(%run_scoped3A_692 : memref<!tpu.dma_semaphore, #tpu.memory_space<semaphore_mem>>) src(%dma_wait3A_706 : memref<64x128xf32, #tpu.memory_space<vmem>>) dst(%dma_wait3A_712 : memref<10240x128xf32, #tpu.memory_space<vmem_shared>>)
        tpu.yield
      }) : () -> ()
      %add3A_443 = arith.constant 4 : i32
      %add3A_444 = arith.addi %add3A_427, %add3A_443 : i32
      %lt3A = arith.constant 160 : i32
      %lt3A_445 = arith.cmpi slt, %add3A_444, %lt3A : i32
      %convert_element_type3A = arith.extui %lt3A_445 : i1 to i32
      %cond3A = arith.constant 0 : i32
      %cond3A_446 = arith.cmpi ne, %convert_element_type3A, %cond3A : i32
      scf.if %cond3A_446 {
        %dma_wait3A_692 = arith.constant 0 : i32
        %dma_wait3A_693 = arith.constant 4 : i32
        %dma_wait3A_694 = arith.constant 0 : i32
        %dma_wait3A_695 = arith.constant 0 : i32
        %dma_wait3A_696 = tpu.memref_slice %arg6[%dma_wait3A_693, %dma_wait3A_694, %dma_wait3A_695] : memref<8x2x64xi32, #tpu.memory_space<vmem>> -> memref<1x1x64xi32, #tpu.memory_space<vmem>>
        %dma_wait3A_697 = tpu.memref_squeeze %dma_wait3A_696 : memref<1x1x64xi32, #tpu.memory_space<vmem>> -> memref<64xi32, #tpu.memory_space<vmem>>
        %dma_wait3A_698 = arith.constant 0 : i32
        %dma_wait3A_699 = tpu.memref_slice %arg3[%arg0, %arg1, %dma_wait3A_692, %dma_wait3A_698] : memref<2x16x160x64xi32, #tpu.memory_space<hbm>> -> memref<1x1x1x64xi32, #tpu.memory_space<hbm>>
        %dma_wait3A_700 = tpu.memref_squeeze %dma_wait3A_699 : memref<1x1x1x64xi32, #tpu.memory_space<hbm>> -> memref<64xi32, #tpu.memory_space<hbm>>
        %dma_wait3A_701 = arith.constant 0 : i32
        %dma_wait3A_702 = tpu.memref_slice %arg6[%dma_wait3A_693, %dma_wait3A_694, %dma_wait3A_701] : memref<8x2x64xi32, #tpu.memory_space<vmem>> -> memref<1x1x64xi32, #tpu.memory_space<vmem>>
        %dma_wait3A_703 = tpu.memref_squeeze %dma_wait3A_702 : memref<1x1x64xi32, #tpu.memory_space<vmem>> -> memref<64xi32, #tpu.memory_space<vmem>>
        %dma_wait3A_704 = arith.constant 0 : i32
        %dma_wait3A_705 = tpu.memref_slice %arg3[%arg0, %arg1, %dma_wait3A_692, %dma_wait3A_704] : memref<2x16x160x64xi32, #tpu.memory_space<hbm>> -> memref<1x1x1x64xi32, #tpu.memory_space<hbm>>
        %dma_wait3A_706 = tpu.memref_squeeze %dma_wait3A_705 : memref<1x1x1x64xi32, #tpu.memory_space<hbm>> -> memref<64xi32, #tpu.memory_space<hbm>>
        tpu.wait_dma2 semaphore(%arg17 : memref<!tpu.dma_semaphore, #tpu.memory_space<semaphore_mem>>) src(%dma_wait3A_706 : memref<64xi32, #tpu.memory_space<hbm>>) dst(%dma_wait3A_703 : memref<64xi32, #tpu.memory_space<vmem>>)
        %dma_wait3A_707 = arith.constant 0 : i32
        %dma_wait3A_708 = arith.constant 4 : i32
        %dma_wait3A_709 = arith.constant 1 : i32
        %dma_wait3A_710 = arith.constant 0 : i32
        %dma_wait3A_711 = tpu.memref_slice %arg6[%dma_wait3A_708, %dma_wait3A_709, %dma_wait3A_710] : memref<8x2x64xi32, #tpu.memory_space<vmem>> -> memref<1x1x64xi32, #tpu.memory_space<vmem>>
        %dma_wait3A_712 = tpu.memref_squeeze %dma_wait3A_711 : memref<1x1x64xi32, #tpu.memory_space<vmem>> -> memref<64xi32, #tpu.memory_space<vmem>>
        %dma_wait3A_713 = arith.constant 0 : i32
        %dma_wait3A_714 = tpu.memref_slice %arg4[%arg1, %dma_wait3A_707, %dma_wait3A_713] : memref<16x160x64xi32, #tpu.memory_space<hbm>> -> memref<1x1x64xi32, #tpu.memory_space<hbm>>
        %dma_wait3A_715 = tpu.memref_squeeze %dma_wait3A_714 : memref<1x1x64xi32, #tpu.memory_space<hbm>> -> memref<64xi32, #tpu.memory_space<hbm>>
        %dma_wait3A_716 = arith.constant 0 : i32
        %dma_wait3A_717 = tpu.memref_slice %arg6[%dma_wait3A_708, %dma_wait3A_709, %dma_wait3A_716] : memref<8x2x64xi32, #tpu.memory_space<vmem>> -> memref<1x1x64xi32, #tpu.memory_space<vmem>>
        %dma_wait3A_718 = tpu.memref_squeeze %dma_wait3A_717 : memref<1x1x64xi32, #tpu.memory_space<vmem>> -> memref<64xi32, #tpu.memory_space<vmem>>
        %dma_wait3A_719 = arith.constant 0 : i32
        %dma_wait3A_720 = tpu.memref_slice %arg4[%arg1, %dma_wait3A_707, %dma_wait3A_719] : memref<16x160x64xi32, #tpu.memory_space<hbm>> -> memref<1x1x64xi32, #tpu.memory_space<hbm>>
        %dma_wait3A_721 = tpu.memref_squeeze %dma_wait3A_720 : memref<1x1x64xi32, #tpu.memory_space<hbm>> -> memref<64xi32, #tpu.memory_space<hbm>>
        tpu.wait_dma2 semaphore(%arg17 : memref<!tpu.dma_semaphore, #tpu.memory_space<semaphore_mem>>) src(%dma_wait3A_721 : memref<64xi32, #tpu.memory_space<hbm>>) dst(%dma_wait3A_718 : memref<64xi32, #tpu.memory_space<vmem>>)
        %dma_start3A_722 = arith.constant 4 : i32
        %dma_start3A_723 = arith.constant 0 : i32
        %dma_start3A_724 = arith.constant 0 : i32
        %dma_start3A_725 = arith.constant 0 : i32
        %dma_start3A_726 = arith.constant 0 : i32
        %dma_start3A_727 = tpu.memref_slice %arg7[%dma_start3A_724, %dma_start3A_725, %dma_start3A_726] : memref<4x64x128xf32, #tpu.memory_space<vmem>> -> memref<1x64x128xf32, #tpu.memory_space<vmem>>
        %dma_start3A_728 = tpu.memref_squeeze %dma_start3A_727 : memref<1x64x128xf32, #tpu.memory_space<vmem>> -> memref<64x128xf32, #tpu.memory_space<vmem>>
        %dma_start3A_729 = arith.constant 0 : i32
        %dma_start3A_730 = tpu.memref_slice %arg6[%dma_start3A_722, %dma_start3A_723, %dma_start3A_729] : memref<8x2x64xi32, #tpu.memory_space<vmem>> -> memref<1x1x64xi32, #tpu.memory_space<vmem>>
        %dma_start3A_731 = tpu.memref_squeeze %dma_start3A_730 : memref<1x1x64xi32, #tpu.memory_space<vmem>> -> memref<64xi32, #tpu.memory_space<vmem>>
        %dma_start3A_732 = arith.constant 0 : i32
        %dma_start3A_733 = arith.constant 0 : i32
        %dma_start3A_734 = tpu.memref_slice %arg2[%dma_start3A_732, %dma_start3A_733] : memref<20480x128xf32, #tpu.memory_space<hbm>> -> memref<20480x128xf32, #tpu.memory_space<hbm>>
        tpu.enqueue_indirect_dma source(%dma_start3A_734 : memref<20480x128xf32, #tpu.memory_space<hbm>>) target(%dma_start3A_728 : memref<64x128xf32, #tpu.memory_space<vmem>>) offsets(%dma_start3A_731 : memref<64xi32, #tpu.memory_space<vmem>>) semaphore(%arg9 : memref<!tpu.dma_semaphore, #tpu.memory_space<semaphore_mem>>)
      } else {
      }
      %add3A_447 = arith.constant 8 : i32
      %add3A_448 = arith.addi %add3A_427, %add3A_447 : i32
      %lt3A_449 = arith.constant 160 : i32
      %lt3A_450 = arith.cmpi slt, %add3A_448, %lt3A_449 : i32
      %convert_element_type3A_451 = arith.extui %lt3A_450 : i1 to i32
      %cond3A_452 = arith.constant 0 : i32
      %cond3A_453 = arith.cmpi ne, %convert_element_type3A_451, %cond3A_452 : i32
      scf.if %cond3A_453 {
        %add3A_692 = arith.constant 8 : i32
        %add3A_693 = arith.addi %add3A_427, %add3A_692 : i32
        %dma_start3A_694 = arith.constant 0 : i32
        %dma_start3A_695 = arith.constant 0 : i32
        %dma_start3A_696 = arith.constant 0 : i32
        %dma_start3A_697 = tpu.memref_slice %arg6[%dma_start3A_694, %dma_start3A_695, %dma_start3A_696] : memref<8x2x64xi32, #tpu.memory_space<vmem>> -> memref<1x1x64xi32, #tpu.memory_space<vmem>>
        %dma_start3A_698 = tpu.memref_squeeze %dma_start3A_697 : memref<1x1x64xi32, #tpu.memory_space<vmem>> -> memref<64xi32, #tpu.memory_space<vmem>>
        %dma_start3A_699 = arith.constant 0 : i32
        %dma_start3A_700 = tpu.memref_slice %arg3[%arg0, %arg1, %add3A_693, %dma_start3A_699] : memref<2x16x160x64xi32, #tpu.memory_space<hbm>> -> memref<1x1x1x64xi32, #tpu.memory_space<hbm>>
        %dma_start3A_701 = tpu.memref_squeeze %dma_start3A_700 : memref<1x1x1x64xi32, #tpu.memory_space<hbm>> -> memref<64xi32, #tpu.memory_space<hbm>>
        %dma_start3A_702 = arith.constant 0 : i32
        %dma_start3A_703 = tpu.memref_slice %arg6[%dma_start3A_694, %dma_start3A_695, %dma_start3A_702] : memref<8x2x64xi32, #tpu.memory_space<vmem>> -> memref<1x1x64xi32, #tpu.memory_space<vmem>>
        %dma_start3A_704 = tpu.memref_squeeze %dma_start3A_703 : memref<1x1x64xi32, #tpu.memory_space<vmem>> -> memref<64xi32, #tpu.memory_space<vmem>>
        %dma_start3A_705 = arith.constant 0 : i32
        %dma_start3A_706 = tpu.memref_slice %arg3[%arg0, %arg1, %add3A_693, %dma_start3A_705] : memref<2x16x160x64xi32, #tpu.memory_space<hbm>> -> memref<1x1x1x64xi32, #tpu.memory_space<hbm>>
        %dma_start3A_707 = tpu.memref_squeeze %dma_start3A_706 : memref<1x1x1x64xi32, #tpu.memory_space<hbm>> -> memref<64xi32, #tpu.memory_space<hbm>>
        tpu.enqueue_dma source(%dma_start3A_707 : memref<64xi32, #tpu.memory_space<hbm>>) target(%dma_start3A_704 : memref<64xi32, #tpu.memory_space<vmem>>) target_semaphore(%arg13 : memref<!tpu.dma_semaphore, #tpu.memory_space<semaphore_mem>>)
        %dma_start3A_708 = arith.constant 0 : i32
        %dma_start3A_709 = arith.constant 1 : i32
        %dma_start3A_710 = arith.constant 0 : i32
        %dma_start3A_711 = tpu.memref_slice %arg6[%dma_start3A_708, %dma_start3A_709, %dma_start3A_710] : memref<8x2x64xi32, #tpu.memory_space<vmem>> -> memref<1x1x64xi32, #tpu.memory_space<vmem>>
        %dma_start3A_712 = tpu.memref_squeeze %dma_start3A_711 : memref<1x1x64xi32, #tpu.memory_space<vmem>> -> memref<64xi32, #tpu.memory_space<vmem>>
        %dma_start3A_713 = arith.constant 0 : i32
        %dma_start3A_714 = tpu.memref_slice %arg4[%arg1, %add3A_693, %dma_start3A_713] : memref<16x160x64xi32, #tpu.memory_space<hbm>> -> memref<1x1x64xi32, #tpu.memory_space<hbm>>
        %dma_start3A_715 = tpu.memref_squeeze %dma_start3A_714 : memref<1x1x64xi32, #tpu.memory_space<hbm>> -> memref<64xi32, #tpu.memory_space<hbm>>
        %dma_start3A_716 = arith.constant 0 : i32
        %dma_start3A_717 = tpu.memref_slice %arg6[%dma_start3A_708, %dma_start3A_709, %dma_start3A_716] : memref<8x2x64xi32, #tpu.memory_space<vmem>> -> memref<1x1x64xi32, #tpu.memory_space<vmem>>
        %dma_start3A_718 = tpu.memref_squeeze %dma_start3A_717 : memref<1x1x64xi32, #tpu.memory_space<vmem>> -> memref<64xi32, #tpu.memory_space<vmem>>
        %dma_start3A_719 = arith.constant 0 : i32
        %dma_start3A_720 = tpu.memref_slice %arg4[%arg1, %add3A_693, %dma_start3A_719] : memref<16x160x64xi32, #tpu.memory_space<hbm>> -> memref<1x1x64xi32, #tpu.memory_space<hbm>>
        %dma_start3A_721 = tpu.memref_squeeze %dma_start3A_720 : memref<1x1x64xi32, #tpu.memory_space<hbm>> -> memref<64xi32, #tpu.memory_space<hbm>>
        tpu.enqueue_dma source(%dma_start3A_721 : memref<64xi32, #tpu.memory_space<hbm>>) target(%dma_start3A_718 : memref<64xi32, #tpu.memory_space<vmem>>) target_semaphore(%arg13 : memref<!tpu.dma_semaphore, #tpu.memory_space<semaphore_mem>>)
      } else {
      }
      %mul3A_454 = arith.constant 8 : i32
      %mul3A_455 = arith.muli %scan3A_423, %mul3A_454 : i32
      %add3A_456 = arith.constant 1 : i32
      %add3A_457 = arith.addi %mul3A_455, %add3A_456 : i32
      %dma_wait3A_458 = arith.constant 1 : i32
      %dma_wait3A_459 = arith.constant 0 : i32
      %dma_wait3A_460 = arith.constant 1 : i32
      %dma_wait3A_461 = arith.constant 0 : i32
      %dma_wait3A_462 = arith.constant 0 : i32
      %dma_wait3A_463 = tpu.memref_slice %arg7[%dma_wait3A_460, %dma_wait3A_461, %dma_wait3A_462] : memref<4x64x128xf32, #tpu.memory_space<vmem>> -> memref<1x64x128xf32, #tpu.memory_space<vmem>>
      %dma_wait3A_464 = tpu.memref_squeeze %dma_wait3A_463 : memref<1x64x128xf32, #tpu.memory_space<vmem>> -> memref<64x128xf32, #tpu.memory_space<vmem>>
      %dma_wait3A_465 = arith.constant 0 : i32
      %dma_wait3A_466 = tpu.memref_slice %arg6[%dma_wait3A_458, %dma_wait3A_459, %dma_wait3A_465] : memref<8x2x64xi32, #tpu.memory_space<vmem>> -> memref<1x1x64xi32, #tpu.memory_space<vmem>>
      %dma_wait3A_467 = tpu.memref_squeeze %dma_wait3A_466 : memref<1x1x64xi32, #tpu.memory_space<vmem>> -> memref<64xi32, #tpu.memory_space<vmem>>
      %dma_wait3A_468 = arith.constant 0 : i32
      %dma_wait3A_469 = arith.constant 0 : i32
      %dma_wait3A_470 = tpu.memref_slice %arg2[%dma_wait3A_468, %dma_wait3A_469] : memref<20480x128xf32, #tpu.memory_space<hbm>> -> memref<20480x128xf32, #tpu.memory_space<hbm>>
      tpu.wait_indirect_dma semaphore(%arg10 : memref<!tpu.dma_semaphore, #tpu.memory_space<semaphore_mem>>) src(%dma_wait3A_470 : memref<20480x128xf32, #tpu.memory_space<hbm>>) dst(%dma_wait3A_464 : memref<64x128xf32, #tpu.memory_space<vmem>>)
      %run_scoped3A_471 = arith.constant 1 : i32
      %run_scoped3A_472 = arith.constant 1 : i32
      %run_scoped3A_473 = arith.constant 1 : i32
      "tpu.region"() ({
        %run_scoped3A_692 = tpu.sem_alloc : memref<!tpu.dma_semaphore, #tpu.memory_space<semaphore_mem>>
        %dma_start3A_693 = arith.constant 0 : i32
        %dma_start3A_694 = arith.constant 0 : i32
        %dma_start3A_695 = tpu.memref_slice %arg7[%run_scoped3A_471, %dma_start3A_693, %dma_start3A_694] : memref<4x64x128xf32, #tpu.memory_space<vmem>> -> memref<1x64x128xf32, #tpu.memory_space<vmem>>
        %dma_start3A_696 = tpu.memref_squeeze %dma_start3A_695 : memref<1x64x128xf32, #tpu.memory_space<vmem>> -> memref<64x128xf32, #tpu.memory_space<vmem>>
        %dma_start3A_697 = arith.constant 0 : i32
        %dma_start3A_698 = tpu.memref_slice %arg6[%run_scoped3A_472, %run_scoped3A_473, %dma_start3A_697] : memref<8x2x64xi32, #tpu.memory_space<vmem>> -> memref<1x1x64xi32, #tpu.memory_space<vmem>>
        %dma_start3A_699 = tpu.memref_squeeze %dma_start3A_698 : memref<1x1x64xi32, #tpu.memory_space<vmem>> -> memref<64xi32, #tpu.memory_space<vmem>>
        %dma_start3A_700 = arith.constant 0 : i32
        %dma_start3A_701 = arith.constant 0 : i32
        %dma_start3A_702 = tpu.memref_slice %arg8[%dma_start3A_700, %dma_start3A_701] : memref<10240x128xf32, #tpu.memory_space<vmem_shared>> -> memref<10240x128xf32, #tpu.memory_space<vmem_shared>>
        tpu.enqueue_indirect_dma source(%dma_start3A_696 : memref<64x128xf32, #tpu.memory_space<vmem>>) target(%dma_start3A_702 : memref<10240x128xf32, #tpu.memory_space<vmem_shared>>) offsets(%dma_start3A_699 : memref<64xi32, #tpu.memory_space<vmem>>) semaphore(%run_scoped3A_692 : memref<!tpu.dma_semaphore, #tpu.memory_space<semaphore_mem>>) {add = true}
        %dma_wait3A_703 = arith.constant 0 : i32
        %dma_wait3A_704 = arith.constant 0 : i32
        %dma_wait3A_705 = tpu.memref_slice %arg7[%run_scoped3A_471, %dma_wait3A_703, %dma_wait3A_704] : memref<4x64x128xf32, #tpu.memory_space<vmem>> -> memref<1x64x128xf32, #tpu.memory_space<vmem>>
        %dma_wait3A_706 = tpu.memref_squeeze %dma_wait3A_705 : memref<1x64x128xf32, #tpu.memory_space<vmem>> -> memref<64x128xf32, #tpu.memory_space<vmem>>
        %dma_wait3A_707 = arith.constant 0 : i32
        %dma_wait3A_708 = tpu.memref_slice %arg6[%run_scoped3A_472, %run_scoped3A_473, %dma_wait3A_707] : memref<8x2x64xi32, #tpu.memory_space<vmem>> -> memref<1x1x64xi32, #tpu.memory_space<vmem>>
        %dma_wait3A_709 = tpu.memref_squeeze %dma_wait3A_708 : memref<1x1x64xi32, #tpu.memory_space<vmem>> -> memref<64xi32, #tpu.memory_space<vmem>>
        %dma_wait3A_710 = arith.constant 0 : i32
        %dma_wait3A_711 = arith.constant 0 : i32
        %dma_wait3A_712 = tpu.memref_slice %arg8[%dma_wait3A_710, %dma_wait3A_711] : memref<10240x128xf32, #tpu.memory_space<vmem_shared>> -> memref<10240x128xf32, #tpu.memory_space<vmem_shared>>
        tpu.wait_indirect_dma semaphore(%run_scoped3A_692 : memref<!tpu.dma_semaphore, #tpu.memory_space<semaphore_mem>>) src(%dma_wait3A_706 : memref<64x128xf32, #tpu.memory_space<vmem>>) dst(%dma_wait3A_712 : memref<10240x128xf32, #tpu.memory_space<vmem_shared>>)
        tpu.yield
      }) : () -> ()
      %add3A_474 = arith.constant 4 : i32
      %add3A_475 = arith.addi %add3A_457, %add3A_474 : i32
      %lt3A_476 = arith.constant 160 : i32
      %lt3A_477 = arith.cmpi slt, %add3A_475, %lt3A_476 : i32
      %convert_element_type3A_478 = arith.extui %lt3A_477 : i1 to i32
      %cond3A_479 = arith.constant 0 : i32
      %cond3A_480 = arith.cmpi ne, %convert_element_type3A_478, %cond3A_479 : i32
      scf.if %cond3A_480 {
        %dma_wait3A_692 = arith.constant 0 : i32
        %dma_wait3A_693 = arith.constant 5 : i32
        %dma_wait3A_694 = arith.constant 0 : i32
        %dma_wait3A_695 = arith.constant 0 : i32
        %dma_wait3A_696 = tpu.memref_slice %arg6[%dma_wait3A_693, %dma_wait3A_694, %dma_wait3A_695] : memref<8x2x64xi32, #tpu.memory_space<vmem>> -> memref<1x1x64xi32, #tpu.memory_space<vmem>>
        %dma_wait3A_697 = tpu.memref_squeeze %dma_wait3A_696 : memref<1x1x64xi32, #tpu.memory_space<vmem>> -> memref<64xi32, #tpu.memory_space<vmem>>
        %dma_wait3A_698 = arith.constant 0 : i32
        %dma_wait3A_699 = tpu.memref_slice %arg3[%arg0, %arg1, %dma_wait3A_692, %dma_wait3A_698] : memref<2x16x160x64xi32, #tpu.memory_space<hbm>> -> memref<1x1x1x64xi32, #tpu.memory_space<hbm>>
        %dma_wait3A_700 = tpu.memref_squeeze %dma_wait3A_699 : memref<1x1x1x64xi32, #tpu.memory_space<hbm>> -> memref<64xi32, #tpu.memory_space<hbm>>
        %dma_wait3A_701 = arith.constant 0 : i32
        %dma_wait3A_702 = tpu.memref_slice %arg6[%dma_wait3A_693, %dma_wait3A_694, %dma_wait3A_701] : memref<8x2x64xi32, #tpu.memory_space<vmem>> -> memref<1x1x64xi32, #tpu.memory_space<vmem>>
        %dma_wait3A_703 = tpu.memref_squeeze %dma_wait3A_702 : memref<1x1x64xi32, #tpu.memory_space<vmem>> -> memref<64xi32, #tpu.memory_space<vmem>>
        %dma_wait3A_704 = arith.constant 0 : i32
        %dma_wait3A_705 = tpu.memref_slice %arg3[%arg0, %arg1, %dma_wait3A_692, %dma_wait3A_704] : memref<2x16x160x64xi32, #tpu.memory_space<hbm>> -> memref<1x1x1x64xi32, #tpu.memory_space<hbm>>
        %dma_wait3A_706 = tpu.memref_squeeze %dma_wait3A_705 : memref<1x1x1x64xi32, #tpu.memory_space<hbm>> -> memref<64xi32, #tpu.memory_space<hbm>>
        tpu.wait_dma2 semaphore(%arg18 : memref<!tpu.dma_semaphore, #tpu.memory_space<semaphore_mem>>) src(%dma_wait3A_706 : memref<64xi32, #tpu.memory_space<hbm>>) dst(%dma_wait3A_703 : memref<64xi32, #tpu.memory_space<vmem>>)
        %dma_wait3A_707 = arith.constant 0 : i32
        %dma_wait3A_708 = arith.constant 5 : i32
        %dma_wait3A_709 = arith.constant 1 : i32
        %dma_wait3A_710 = arith.constant 0 : i32
        %dma_wait3A_711 = tpu.memref_slice %arg6[%dma_wait3A_708, %dma_wait3A_709, %dma_wait3A_710] : memref<8x2x64xi32, #tpu.memory_space<vmem>> -> memref<1x1x64xi32, #tpu.memory_space<vmem>>
        %dma_wait3A_712 = tpu.memref_squeeze %dma_wait3A_711 : memref<1x1x64xi32, #tpu.memory_space<vmem>> -> memref<64xi32, #tpu.memory_space<vmem>>
        %dma_wait3A_713 = arith.constant 0 : i32
        %dma_wait3A_714 = tpu.memref_slice %arg4[%arg1, %dma_wait3A_707, %dma_wait3A_713] : memref<16x160x64xi32, #tpu.memory_space<hbm>> -> memref<1x1x64xi32, #tpu.memory_space<hbm>>
        %dma_wait3A_715 = tpu.memref_squeeze %dma_wait3A_714 : memref<1x1x64xi32, #tpu.memory_space<hbm>> -> memref<64xi32, #tpu.memory_space<hbm>>
        %dma_wait3A_716 = arith.constant 0 : i32
        %dma_wait3A_717 = tpu.memref_slice %arg6[%dma_wait3A_708, %dma_wait3A_709, %dma_wait3A_716] : memref<8x2x64xi32, #tpu.memory_space<vmem>> -> memref<1x1x64xi32, #tpu.memory_space<vmem>>
        %dma_wait3A_718 = tpu.memref_squeeze %dma_wait3A_717 : memref<1x1x64xi32, #tpu.memory_space<vmem>> -> memref<64xi32, #tpu.memory_space<vmem>>
        %dma_wait3A_719 = arith.constant 0 : i32
        %dma_wait3A_720 = tpu.memref_slice %arg4[%arg1, %dma_wait3A_707, %dma_wait3A_719] : memref<16x160x64xi32, #tpu.memory_space<hbm>> -> memref<1x1x64xi32, #tpu.memory_space<hbm>>
        %dma_wait3A_721 = tpu.memref_squeeze %dma_wait3A_720 : memref<1x1x64xi32, #tpu.memory_space<hbm>> -> memref<64xi32, #tpu.memory_space<hbm>>
        tpu.wait_dma2 semaphore(%arg18 : memref<!tpu.dma_semaphore, #tpu.memory_space<semaphore_mem>>) src(%dma_wait3A_721 : memref<64xi32, #tpu.memory_space<hbm>>) dst(%dma_wait3A_718 : memref<64xi32, #tpu.memory_space<vmem>>)
        %dma_start3A_722 = arith.constant 5 : i32
        %dma_start3A_723 = arith.constant 0 : i32
        %dma_start3A_724 = arith.constant 1 : i32
        %dma_start3A_725 = arith.constant 0 : i32
        %dma_start3A_726 = arith.constant 0 : i32
        %dma_start3A_727 = tpu.memref_slice %arg7[%dma_start3A_724, %dma_start3A_725, %dma_start3A_726] : memref<4x64x128xf32, #tpu.memory_space<vmem>> -> memref<1x64x128xf32, #tpu.memory_space<vmem>>
        %dma_start3A_728 = tpu.memref_squeeze %dma_start3A_727 : memref<1x64x128xf32, #tpu.memory_space<vmem>> -> memref<64x128xf32, #tpu.memory_space<vmem>>
        %dma_start3A_729 = arith.constant 0 : i32
        %dma_start3A_730 = tpu.memref_slice %arg6[%dma_start3A_722, %dma_start3A_723, %dma_start3A_729] : memref<8x2x64xi32, #tpu.memory_space<vmem>> -> memref<1x1x64xi32, #tpu.memory_space<vmem>>
        %dma_start3A_731 = tpu.memref_squeeze %dma_start3A_730 : memref<1x1x64xi32, #tpu.memory_space<vmem>> -> memref<64xi32, #tpu.memory_space<vmem>>
        %dma_start3A_732 = arith.constant 0 : i32
        %dma_start3A_733 = arith.constant 0 : i32
        %dma_start3A_734 = tpu.memref_slice %arg2[%dma_start3A_732, %dma_start3A_733] : memref<20480x128xf32, #tpu.memory_space<hbm>> -> memref<20480x128xf32, #tpu.memory_space<hbm>>
        tpu.enqueue_indirect_dma source(%dma_start3A_734 : memref<20480x128xf32, #tpu.memory_space<hbm>>) target(%dma_start3A_728 : memref<64x128xf32, #tpu.memory_space<vmem>>) offsets(%dma_start3A_731 : memref<64xi32, #tpu.memory_space<vmem>>) semaphore(%arg10 : memref<!tpu.dma_semaphore, #tpu.memory_space<semaphore_mem>>)
      } else {
      }
      %add3A_481 = arith.constant 8 : i32
      %add3A_482 = arith.addi %add3A_457, %add3A_481 : i32
      %lt3A_483 = arith.constant 160 : i32
      %lt3A_484 = arith.cmpi slt, %add3A_482, %lt3A_483 : i32
      %convert_element_type3A_485 = arith.extui %lt3A_484 : i1 to i32
      %cond3A_486 = arith.constant 0 : i32
      %cond3A_487 = arith.cmpi ne, %convert_element_type3A_485, %cond3A_486 : i32
      scf.if %cond3A_487 {
        %add3A_692 = arith.constant 8 : i32
        %add3A_693 = arith.addi %add3A_457, %add3A_692 : i32
        %dma_start3A_694 = arith.constant 1 : i32
        %dma_start3A_695 = arith.constant 0 : i32
        %dma_start3A_696 = arith.constant 0 : i32
        %dma_start3A_697 = tpu.memref_slice %arg6[%dma_start3A_694, %dma_start3A_695, %dma_start3A_696] : memref<8x2x64xi32, #tpu.memory_space<vmem>> -> memref<1x1x64xi32, #tpu.memory_space<vmem>>
        %dma_start3A_698 = tpu.memref_squeeze %dma_start3A_697 : memref<1x1x64xi32, #tpu.memory_space<vmem>> -> memref<64xi32, #tpu.memory_space<vmem>>
        %dma_start3A_699 = arith.constant 0 : i32
        %dma_start3A_700 = tpu.memref_slice %arg3[%arg0, %arg1, %add3A_693, %dma_start3A_699] : memref<2x16x160x64xi32, #tpu.memory_space<hbm>> -> memref<1x1x1x64xi32, #tpu.memory_space<hbm>>
        %dma_start3A_701 = tpu.memref_squeeze %dma_start3A_700 : memref<1x1x1x64xi32, #tpu.memory_space<hbm>> -> memref<64xi32, #tpu.memory_space<hbm>>
        %dma_start3A_702 = arith.constant 0 : i32
        %dma_start3A_703 = tpu.memref_slice %arg6[%dma_start3A_694, %dma_start3A_695, %dma_start3A_702] : memref<8x2x64xi32, #tpu.memory_space<vmem>> -> memref<1x1x64xi32, #tpu.memory_space<vmem>>
        %dma_start3A_704 = tpu.memref_squeeze %dma_start3A_703 : memref<1x1x64xi32, #tpu.memory_space<vmem>> -> memref<64xi32, #tpu.memory_space<vmem>>
        %dma_start3A_705 = arith.constant 0 : i32
        %dma_start3A_706 = tpu.memref_slice %arg3[%arg0, %arg1, %add3A_693, %dma_start3A_705] : memref<2x16x160x64xi32, #tpu.memory_space<hbm>> -> memref<1x1x1x64xi32, #tpu.memory_space<hbm>>
        %dma_start3A_707 = tpu.memref_squeeze %dma_start3A_706 : memref<1x1x1x64xi32, #tpu.memory_space<hbm>> -> memref<64xi32, #tpu.memory_space<hbm>>
        tpu.enqueue_dma source(%dma_start3A_707 : memref<64xi32, #tpu.memory_space<hbm>>) target(%dma_start3A_704 : memref<64xi32, #tpu.memory_space<vmem>>) target_semaphore(%arg14 : memref<!tpu.dma_semaphore, #tpu.memory_space<semaphore_mem>>)
        %dma_start3A_708 = arith.constant 1 : i32
        %dma_start3A_709 = arith.constant 1 : i32
        %dma_start3A_710 = arith.constant 0 : i32
        %dma_start3A_711 = tpu.memref_slice %arg6[%dma_start3A_708, %dma_start3A_709, %dma_start3A_710] : memref<8x2x64xi32, #tpu.memory_space<vmem>> -> memref<1x1x64xi32, #tpu.memory_space<vmem>>
        %dma_start3A_712 = tpu.memref_squeeze %dma_start3A_711 : memref<1x1x64xi32, #tpu.memory_space<vmem>> -> memref<64xi32, #tpu.memory_space<vmem>>
        %dma_start3A_713 = arith.constant 0 : i32
        %dma_start3A_714 = tpu.memref_slice %arg4[%arg1, %add3A_693, %dma_start3A_713] : memref<16x160x64xi32, #tpu.memory_space<hbm>> -> memref<1x1x64xi32, #tpu.memory_space<hbm>>
        %dma_start3A_715 = tpu.memref_squeeze %dma_start3A_714 : memref<1x1x64xi32, #tpu.memory_space<hbm>> -> memref<64xi32, #tpu.memory_space<hbm>>
        %dma_start3A_716 = arith.constant 0 : i32
        %dma_start3A_717 = tpu.memref_slice %arg6[%dma_start3A_708, %dma_start3A_709, %dma_start3A_716] : memref<8x2x64xi32, #tpu.memory_space<vmem>> -> memref<1x1x64xi32, #tpu.memory_space<vmem>>
        %dma_start3A_718 = tpu.memref_squeeze %dma_start3A_717 : memref<1x1x64xi32, #tpu.memory_space<vmem>> -> memref<64xi32, #tpu.memory_space<vmem>>
        %dma_start3A_719 = arith.constant 0 : i32
        %dma_start3A_720 = tpu.memref_slice %arg4[%arg1, %add3A_693, %dma_start3A_719] : memref<16x160x64xi32, #tpu.memory_space<hbm>> -> memref<1x1x64xi32, #tpu.memory_space<hbm>>
        %dma_start3A_721 = tpu.memref_squeeze %dma_start3A_720 : memref<1x1x64xi32, #tpu.memory_space<hbm>> -> memref<64xi32, #tpu.memory_space<hbm>>
        tpu.enqueue_dma source(%dma_start3A_721 : memref<64xi32, #tpu.memory_space<hbm>>) target(%dma_start3A_718 : memref<64xi32, #tpu.memory_space<vmem>>) target_semaphore(%arg14 : memref<!tpu.dma_semaphore, #tpu.memory_space<semaphore_mem>>)
      } else {
      }
      %mul3A_488 = arith.constant 8 : i32
      %mul3A_489 = arith.muli %scan3A_423, %mul3A_488 : i32
      %add3A_490 = arith.constant 2 : i32
      %add3A_491 = arith.addi %mul3A_489, %add3A_490 : i32
      %dma_wait3A_492 = arith.constant 2 : i32
      %dma_wait3A_493 = arith.constant 0 : i32
      %dma_wait3A_494 = arith.constant 2 : i32
      %dma_wait3A_495 = arith.constant 0 : i32
      %dma_wait3A_496 = arith.constant 0 : i32
      %dma_wait3A_497 = tpu.memref_slice %arg7[%dma_wait3A_494, %dma_wait3A_495, %dma_wait3A_496] : memref<4x64x128xf32, #tpu.memory_space<vmem>> -> memref<1x64x128xf32, #tpu.memory_space<vmem>>
      %dma_wait3A_498 = tpu.memref_squeeze %dma_wait3A_497 : memref<1x64x128xf32, #tpu.memory_space<vmem>> -> memref<64x128xf32, #tpu.memory_space<vmem>>
      %dma_wait3A_499 = arith.constant 0 : i32
      %dma_wait3A_500 = tpu.memref_slice %arg6[%dma_wait3A_492, %dma_wait3A_493, %dma_wait3A_499] : memref<8x2x64xi32, #tpu.memory_space<vmem>> -> memref<1x1x64xi32, #tpu.memory_space<vmem>>
      %dma_wait3A_501 = tpu.memref_squeeze %dma_wait3A_500 : memref<1x1x64xi32, #tpu.memory_space<vmem>> -> memref<64xi32, #tpu.memory_space<vmem>>
      %dma_wait3A_502 = arith.constant 0 : i32
      %dma_wait3A_503 = arith.constant 0 : i32
      %dma_wait3A_504 = tpu.memref_slice %arg2[%dma_wait3A_502, %dma_wait3A_503] : memref<20480x128xf32, #tpu.memory_space<hbm>> -> memref<20480x128xf32, #tpu.memory_space<hbm>>
      tpu.wait_indirect_dma semaphore(%arg11 : memref<!tpu.dma_semaphore, #tpu.memory_space<semaphore_mem>>) src(%dma_wait3A_504 : memref<20480x128xf32, #tpu.memory_space<hbm>>) dst(%dma_wait3A_498 : memref<64x128xf32, #tpu.memory_space<vmem>>)
      %run_scoped3A_505 = arith.constant 2 : i32
      %run_scoped3A_506 = arith.constant 2 : i32
      %run_scoped3A_507 = arith.constant 1 : i32
      "tpu.region"() ({
        %run_scoped3A_692 = tpu.sem_alloc : memref<!tpu.dma_semaphore, #tpu.memory_space<semaphore_mem>>
        %dma_start3A_693 = arith.constant 0 : i32
        %dma_start3A_694 = arith.constant 0 : i32
        %dma_start3A_695 = tpu.memref_slice %arg7[%run_scoped3A_505, %dma_start3A_693, %dma_start3A_694] : memref<4x64x128xf32, #tpu.memory_space<vmem>> -> memref<1x64x128xf32, #tpu.memory_space<vmem>>
        %dma_start3A_696 = tpu.memref_squeeze %dma_start3A_695 : memref<1x64x128xf32, #tpu.memory_space<vmem>> -> memref<64x128xf32, #tpu.memory_space<vmem>>
        %dma_start3A_697 = arith.constant 0 : i32
        %dma_start3A_698 = tpu.memref_slice %arg6[%run_scoped3A_506, %run_scoped3A_507, %dma_start3A_697] : memref<8x2x64xi32, #tpu.memory_space<vmem>> -> memref<1x1x64xi32, #tpu.memory_space<vmem>>
        %dma_start3A_699 = tpu.memref_squeeze %dma_start3A_698 : memref<1x1x64xi32, #tpu.memory_space<vmem>> -> memref<64xi32, #tpu.memory_space<vmem>>
        %dma_start3A_700 = arith.constant 0 : i32
        %dma_start3A_701 = arith.constant 0 : i32
        %dma_start3A_702 = tpu.memref_slice %arg8[%dma_start3A_700, %dma_start3A_701] : memref<10240x128xf32, #tpu.memory_space<vmem_shared>> -> memref<10240x128xf32, #tpu.memory_space<vmem_shared>>
        tpu.enqueue_indirect_dma source(%dma_start3A_696 : memref<64x128xf32, #tpu.memory_space<vmem>>) target(%dma_start3A_702 : memref<10240x128xf32, #tpu.memory_space<vmem_shared>>) offsets(%dma_start3A_699 : memref<64xi32, #tpu.memory_space<vmem>>) semaphore(%run_scoped3A_692 : memref<!tpu.dma_semaphore, #tpu.memory_space<semaphore_mem>>) {add = true}
        %dma_wait3A_703 = arith.constant 0 : i32
        %dma_wait3A_704 = arith.constant 0 : i32
        %dma_wait3A_705 = tpu.memref_slice %arg7[%run_scoped3A_505, %dma_wait3A_703, %dma_wait3A_704] : memref<4x64x128xf32, #tpu.memory_space<vmem>> -> memref<1x64x128xf32, #tpu.memory_space<vmem>>
        %dma_wait3A_706 = tpu.memref_squeeze %dma_wait3A_705 : memref<1x64x128xf32, #tpu.memory_space<vmem>> -> memref<64x128xf32, #tpu.memory_space<vmem>>
        %dma_wait3A_707 = arith.constant 0 : i32
        %dma_wait3A_708 = tpu.memref_slice %arg6[%run_scoped3A_506, %run_scoped3A_507, %dma_wait3A_707] : memref<8x2x64xi32, #tpu.memory_space<vmem>> -> memref<1x1x64xi32, #tpu.memory_space<vmem>>
        %dma_wait3A_709 = tpu.memref_squeeze %dma_wait3A_708 : memref<1x1x64xi32, #tpu.memory_space<vmem>> -> memref<64xi32, #tpu.memory_space<vmem>>
        %dma_wait3A_710 = arith.constant 0 : i32
        %dma_wait3A_711 = arith.constant 0 : i32
        %dma_wait3A_712 = tpu.memref_slice %arg8[%dma_wait3A_710, %dma_wait3A_711] : memref<10240x128xf32, #tpu.memory_space<vmem_shared>> -> memref<10240x128xf32, #tpu.memory_space<vmem_shared>>
        tpu.wait_indirect_dma semaphore(%run_scoped3A_692 : memref<!tpu.dma_semaphore, #tpu.memory_space<semaphore_mem>>) src(%dma_wait3A_706 : memref<64x128xf32, #tpu.memory_space<vmem>>) dst(%dma_wait3A_712 : memref<10240x128xf32, #tpu.memory_space<vmem_shared>>)
        tpu.yield
      }) : () -> ()
      %add3A_508 = arith.constant 4 : i32
      %add3A_509 = arith.addi %add3A_491, %add3A_508 : i32
      %lt3A_510 = arith.constant 160 : i32
      %lt3A_511 = arith.cmpi slt, %add3A_509, %lt3A_510 : i32
      %convert_element_type3A_512 = arith.extui %lt3A_511 : i1 to i32
      %cond3A_513 = arith.constant 0 : i32
      %cond3A_514 = arith.cmpi ne, %convert_element_type3A_512, %cond3A_513 : i32
      scf.if %cond3A_514 {
        %dma_wait3A_692 = arith.constant 0 : i32
        %dma_wait3A_693 = arith.constant 6 : i32
        %dma_wait3A_694 = arith.constant 0 : i32
        %dma_wait3A_695 = arith.constant 0 : i32
        %dma_wait3A_696 = tpu.memref_slice %arg6[%dma_wait3A_693, %dma_wait3A_694, %dma_wait3A_695] : memref<8x2x64xi32, #tpu.memory_space<vmem>> -> memref<1x1x64xi32, #tpu.memory_space<vmem>>
        %dma_wait3A_697 = tpu.memref_squeeze %dma_wait3A_696 : memref<1x1x64xi32, #tpu.memory_space<vmem>> -> memref<64xi32, #tpu.memory_space<vmem>>
        %dma_wait3A_698 = arith.constant 0 : i32
        %dma_wait3A_699 = tpu.memref_slice %arg3[%arg0, %arg1, %dma_wait3A_692, %dma_wait3A_698] : memref<2x16x160x64xi32, #tpu.memory_space<hbm>> -> memref<1x1x1x64xi32, #tpu.memory_space<hbm>>
        %dma_wait3A_700 = tpu.memref_squeeze %dma_wait3A_699 : memref<1x1x1x64xi32, #tpu.memory_space<hbm>> -> memref<64xi32, #tpu.memory_space<hbm>>
        %dma_wait3A_701 = arith.constant 0 : i32
        %dma_wait3A_702 = tpu.memref_slice %arg6[%dma_wait3A_693, %dma_wait3A_694, %dma_wait3A_701] : memref<8x2x64xi32, #tpu.memory_space<vmem>> -> memref<1x1x64xi32, #tpu.memory_space<vmem>>
        %dma_wait3A_703 = tpu.memref_squeeze %dma_wait3A_702 : memref<1x1x64xi32, #tpu.memory_space<vmem>> -> memref<64xi32, #tpu.memory_space<vmem>>
        %dma_wait3A_704 = arith.constant 0 : i32
        %dma_wait3A_705 = tpu.memref_slice %arg3[%arg0, %arg1, %dma_wait3A_692, %dma_wait3A_704] : memref<2x16x160x64xi32, #tpu.memory_space<hbm>> -> memref<1x1x1x64xi32, #tpu.memory_space<hbm>>
        %dma_wait3A_706 = tpu.memref_squeeze %dma_wait3A_705 : memref<1x1x1x64xi32, #tpu.memory_space<hbm>> -> memref<64xi32, #tpu.memory_space<hbm>>
        tpu.wait_dma2 semaphore(%arg19 : memref<!tpu.dma_semaphore, #tpu.memory_space<semaphore_mem>>) src(%dma_wait3A_706 : memref<64xi32, #tpu.memory_space<hbm>>) dst(%dma_wait3A_703 : memref<64xi32, #tpu.memory_space<vmem>>)
        %dma_wait3A_707 = arith.constant 0 : i32
        %dma_wait3A_708 = arith.constant 6 : i32
        %dma_wait3A_709 = arith.constant 1 : i32
        %dma_wait3A_710 = arith.constant 0 : i32
        %dma_wait3A_711 = tpu.memref_slice %arg6[%dma_wait3A_708, %dma_wait3A_709, %dma_wait3A_710] : memref<8x2x64xi32, #tpu.memory_space<vmem>> -> memref<1x1x64xi32, #tpu.memory_space<vmem>>
        %dma_wait3A_712 = tpu.memref_squeeze %dma_wait3A_711 : memref<1x1x64xi32, #tpu.memory_space<vmem>> -> memref<64xi32, #tpu.memory_space<vmem>>
        %dma_wait3A_713 = arith.constant 0 : i32
        %dma_wait3A_714 = tpu.memref_slice %arg4[%arg1, %dma_wait3A_707, %dma_wait3A_713] : memref<16x160x64xi32, #tpu.memory_space<hbm>> -> memref<1x1x64xi32, #tpu.memory_space<hbm>>
        %dma_wait3A_715 = tpu.memref_squeeze %dma_wait3A_714 : memref<1x1x64xi32, #tpu.memory_space<hbm>> -> memref<64xi32, #tpu.memory_space<hbm>>
        %dma_wait3A_716 = arith.constant 0 : i32
        %dma_wait3A_717 = tpu.memref_slice %arg6[%dma_wait3A_708, %dma_wait3A_709, %dma_wait3A_716] : memref<8x2x64xi32, #tpu.memory_space<vmem>> -> memref<1x1x64xi32, #tpu.memory_space<vmem>>
        %dma_wait3A_718 = tpu.memref_squeeze %dma_wait3A_717 : memref<1x1x64xi32, #tpu.memory_space<vmem>> -> memref<64xi32, #tpu.memory_space<vmem>>
        %dma_wait3A_719 = arith.constant 0 : i32
        %dma_wait3A_720 = tpu.memref_slice %arg4[%arg1, %dma_wait3A_707, %dma_wait3A_719] : memref<16x160x64xi32, #tpu.memory_space<hbm>> -> memref<1x1x64xi32, #tpu.memory_space<hbm>>
        %dma_wait3A_721 = tpu.memref_squeeze %dma_wait3A_720 : memref<1x1x64xi32, #tpu.memory_space<hbm>> -> memref<64xi32, #tpu.memory_space<hbm>>
        tpu.wait_dma2 semaphore(%arg19 : memref<!tpu.dma_semaphore, #tpu.memory_space<semaphore_mem>>) src(%dma_wait3A_721 : memref<64xi32, #tpu.memory_space<hbm>>) dst(%dma_wait3A_718 : memref<64xi32, #tpu.memory_space<vmem>>)
        %dma_start3A_722 = arith.constant 6 : i32
        %dma_start3A_723 = arith.constant 0 : i32
        %dma_start3A_724 = arith.constant 2 : i32
        %dma_start3A_725 = arith.constant 0 : i32
        %dma_start3A_726 = arith.constant 0 : i32
        %dma_start3A_727 = tpu.memref_slice %arg7[%dma_start3A_724, %dma_start3A_725, %dma_start3A_726] : memref<4x64x128xf32, #tpu.memory_space<vmem>> -> memref<1x64x128xf32, #tpu.memory_space<vmem>>
        %dma_start3A_728 = tpu.memref_squeeze %dma_start3A_727 : memref<1x64x128xf32, #tpu.memory_space<vmem>> -> memref<64x128xf32, #tpu.memory_space<vmem>>
        %dma_start3A_729 = arith.constant 0 : i32
        %dma_start3A_730 = tpu.memref_slice %arg6[%dma_start3A_722, %dma_start3A_723, %dma_start3A_729] : memref<8x2x64xi32, #tpu.memory_space<vmem>> -> memref<1x1x64xi32, #tpu.memory_space<vmem>>
        %dma_start3A_731 = tpu.memref_squeeze %dma_start3A_730 : memref<1x1x64xi32, #tpu.memory_space<vmem>> -> memref<64xi32, #tpu.memory_space<vmem>>
        %dma_start3A_732 = arith.constant 0 : i32
        %dma_start3A_733 = arith.constant 0 : i32
        %dma_start3A_734 = tpu.memref_slice %arg2[%dma_start3A_732, %dma_start3A_733] : memref<20480x128xf32, #tpu.memory_space<hbm>> -> memref<20480x128xf32, #tpu.memory_space<hbm>>
        tpu.enqueue_indirect_dma source(%dma_start3A_734 : memref<20480x128xf32, #tpu.memory_space<hbm>>) target(%dma_start3A_728 : memref<64x128xf32, #tpu.memory_space<vmem>>) offsets(%dma_start3A_731 : memref<64xi32, #tpu.memory_space<vmem>>) semaphore(%arg11 : memref<!tpu.dma_semaphore, #tpu.memory_space<semaphore_mem>>)
      } else {
      }
      %add3A_515 = arith.constant 8 : i32
      %add3A_516 = arith.addi %add3A_491, %add3A_515 : i32
      %lt3A_517 = arith.constant 160 : i32
      %lt3A_518 = arith.cmpi slt, %add3A_516, %lt3A_517 : i32
      %convert_element_type3A_519 = arith.extui %lt3A_518 : i1 to i32
      %cond3A_520 = arith.constant 0 : i32
      %cond3A_521 = arith.cmpi ne, %convert_element_type3A_519, %cond3A_520 : i32
      scf.if %cond3A_521 {
        %add3A_692 = arith.constant 8 : i32
        %add3A_693 = arith.addi %add3A_491, %add3A_692 : i32
        %dma_start3A_694 = arith.constant 2 : i32
        %dma_start3A_695 = arith.constant 0 : i32
        %dma_start3A_696 = arith.constant 0 : i32
        %dma_start3A_697 = tpu.memref_slice %arg6[%dma_start3A_694, %dma_start3A_695, %dma_start3A_696] : memref<8x2x64xi32, #tpu.memory_space<vmem>> -> memref<1x1x64xi32, #tpu.memory_space<vmem>>
        %dma_start3A_698 = tpu.memref_squeeze %dma_start3A_697 : memref<1x1x64xi32, #tpu.memory_space<vmem>> -> memref<64xi32, #tpu.memory_space<vmem>>
        %dma_start3A_699 = arith.constant 0 : i32
        %dma_start3A_700 = tpu.memref_slice %arg3[%arg0, %arg1, %add3A_693, %dma_start3A_699] : memref<2x16x160x64xi32, #tpu.memory_space<hbm>> -> memref<1x1x1x64xi32, #tpu.memory_space<hbm>>
        %dma_start3A_701 = tpu.memref_squeeze %dma_start3A_700 : memref<1x1x1x64xi32, #tpu.memory_space<hbm>> -> memref<64xi32, #tpu.memory_space<hbm>>
        %dma_start3A_702 = arith.constant 0 : i32
        %dma_start3A_703 = tpu.memref_slice %arg6[%dma_start3A_694, %dma_start3A_695, %dma_start3A_702] : memref<8x2x64xi32, #tpu.memory_space<vmem>> -> memref<1x1x64xi32, #tpu.memory_space<vmem>>
        %dma_start3A_704 = tpu.memref_squeeze %dma_start3A_703 : memref<1x1x64xi32, #tpu.memory_space<vmem>> -> memref<64xi32, #tpu.memory_space<vmem>>
        %dma_start3A_705 = arith.constant 0 : i32
        %dma_start3A_706 = tpu.memref_slice %arg3[%arg0, %arg1, %add3A_693, %dma_start3A_705] : memref<2x16x160x64xi32, #tpu.memory_space<hbm>> -> memref<1x1x1x64xi32, #tpu.memory_space<hbm>>
        %dma_start3A_707 = tpu.memref_squeeze %dma_start3A_706 : memref<1x1x1x64xi32, #tpu.memory_space<hbm>> -> memref<64xi32, #tpu.memory_space<hbm>>
        tpu.enqueue_dma source(%dma_start3A_707 : memref<64xi32, #tpu.memory_space<hbm>>) target(%dma_start3A_704 : memref<64xi32, #tpu.memory_space<vmem>>) target_semaphore(%arg15 : memref<!tpu.dma_semaphore, #tpu.memory_space<semaphore_mem>>)
        %dma_start3A_708 = arith.constant 2 : i32
        %dma_start3A_709 = arith.constant 1 : i32
        %dma_start3A_710 = arith.constant 0 : i32
        %dma_start3A_711 = tpu.memref_slice %arg6[%dma_start3A_708, %dma_start3A_709, %dma_start3A_710] : memref<8x2x64xi32, #tpu.memory_space<vmem>> -> memref<1x1x64xi32, #tpu.memory_space<vmem>>
        %dma_start3A_712 = tpu.memref_squeeze %dma_start3A_711 : memref<1x1x64xi32, #tpu.memory_space<vmem>> -> memref<64xi32, #tpu.memory_space<vmem>>
        %dma_start3A_713 = arith.constant 0 : i32
        %dma_start3A_714 = tpu.memref_slice %arg4[%arg1, %add3A_693, %dma_start3A_713] : memref<16x160x64xi32, #tpu.memory_space<hbm>> -> memref<1x1x64xi32, #tpu.memory_space<hbm>>
        %dma_start3A_715 = tpu.memref_squeeze %dma_start3A_714 : memref<1x1x64xi32, #tpu.memory_space<hbm>> -> memref<64xi32, #tpu.memory_space<hbm>>
        %dma_start3A_716 = arith.constant 0 : i32
        %dma_start3A_717 = tpu.memref_slice %arg6[%dma_start3A_708, %dma_start3A_709, %dma_start3A_716] : memref<8x2x64xi32, #tpu.memory_space<vmem>> -> memref<1x1x64xi32, #tpu.memory_space<vmem>>
        %dma_start3A_718 = tpu.memref_squeeze %dma_start3A_717 : memref<1x1x64xi32, #tpu.memory_space<vmem>> -> memref<64xi32, #tpu.memory_space<vmem>>
        %dma_start3A_719 = arith.constant 0 : i32
        %dma_start3A_720 = tpu.memref_slice %arg4[%arg1, %add3A_693, %dma_start3A_719] : memref<16x160x64xi32, #tpu.memory_space<hbm>> -> memref<1x1x64xi32, #tpu.memory_space<hbm>>
        %dma_start3A_721 = tpu.memref_squeeze %dma_start3A_720 : memref<1x1x64xi32, #tpu.memory_space<hbm>> -> memref<64xi32, #tpu.memory_space<hbm>>
        tpu.enqueue_dma source(%dma_start3A_721 : memref<64xi32, #tpu.memory_space<hbm>>) target(%dma_start3A_718 : memref<64xi32, #tpu.memory_space<vmem>>) target_semaphore(%arg15 : memref<!tpu.dma_semaphore, #tpu.memory_space<semaphore_mem>>)
      } else {
      }
      %mul3A_522 = arith.constant 8 : i32
      %mul3A_523 = arith.muli %scan3A_423, %mul3A_522 : i32
      %add3A_524 = arith.constant 3 : i32
      %add3A_525 = arith.addi %mul3A_523, %add3A_524 : i32
      %dma_wait3A_526 = arith.constant 3 : i32
      %dma_wait3A_527 = arith.constant 0 : i32
      %dma_wait3A_528 = arith.constant 3 : i32
      %dma_wait3A_529 = arith.constant 0 : i32
      %dma_wait3A_530 = arith.constant 0 : i32
      %dma_wait3A_531 = tpu.memref_slice %arg7[%dma_wait3A_528, %dma_wait3A_529, %dma_wait3A_530] : memref<4x64x128xf32, #tpu.memory_space<vmem>> -> memref<1x64x128xf32, #tpu.memory_space<vmem>>
      %dma_wait3A_532 = tpu.memref_squeeze %dma_wait3A_531 : memref<1x64x128xf32, #tpu.memory_space<vmem>> -> memref<64x128xf32, #tpu.memory_space<vmem>>
      %dma_wait3A_533 = arith.constant 0 : i32
      %dma_wait3A_534 = tpu.memref_slice %arg6[%dma_wait3A_526, %dma_wait3A_527, %dma_wait3A_533] : memref<8x2x64xi32, #tpu.memory_space<vmem>> -> memref<1x1x64xi32, #tpu.memory_space<vmem>>
      %dma_wait3A_535 = tpu.memref_squeeze %dma_wait3A_534 : memref<1x1x64xi32, #tpu.memory_space<vmem>> -> memref<64xi32, #tpu.memory_space<vmem>>
      %dma_wait3A_536 = arith.constant 0 : i32
      %dma_wait3A_537 = arith.constant 0 : i32
      %dma_wait3A_538 = tpu.memref_slice %arg2[%dma_wait3A_536, %dma_wait3A_537] : memref<20480x128xf32, #tpu.memory_space<hbm>> -> memref<20480x128xf32, #tpu.memory_space<hbm>>
      tpu.wait_indirect_dma semaphore(%arg12 : memref<!tpu.dma_semaphore, #tpu.memory_space<semaphore_mem>>) src(%dma_wait3A_538 : memref<20480x128xf32, #tpu.memory_space<hbm>>) dst(%dma_wait3A_532 : memref<64x128xf32, #tpu.memory_space<vmem>>)
      %run_scoped3A_539 = arith.constant 3 : i32
      %run_scoped3A_540 = arith.constant 3 : i32
      %run_scoped3A_541 = arith.constant 1 : i32
      "tpu.region"() ({
        %run_scoped3A_692 = tpu.sem_alloc : memref<!tpu.dma_semaphore, #tpu.memory_space<semaphore_mem>>
        %dma_start3A_693 = arith.constant 0 : i32
        %dma_start3A_694 = arith.constant 0 : i32
        %dma_start3A_695 = tpu.memref_slice %arg7[%run_scoped3A_539, %dma_start3A_693, %dma_start3A_694] : memref<4x64x128xf32, #tpu.memory_space<vmem>> -> memref<1x64x128xf32, #tpu.memory_space<vmem>>
        %dma_start3A_696 = tpu.memref_squeeze %dma_start3A_695 : memref<1x64x128xf32, #tpu.memory_space<vmem>> -> memref<64x128xf32, #tpu.memory_space<vmem>>
        %dma_start3A_697 = arith.constant 0 : i32
        %dma_start3A_698 = tpu.memref_slice %arg6[%run_scoped3A_540, %run_scoped3A_541, %dma_start3A_697] : memref<8x2x64xi32, #tpu.memory_space<vmem>> -> memref<1x1x64xi32, #tpu.memory_space<vmem>>
        %dma_start3A_699 = tpu.memref_squeeze %dma_start3A_698 : memref<1x1x64xi32, #tpu.memory_space<vmem>> -> memref<64xi32, #tpu.memory_space<vmem>>
        %dma_start3A_700 = arith.constant 0 : i32
        %dma_start3A_701 = arith.constant 0 : i32
        %dma_start3A_702 = tpu.memref_slice %arg8[%dma_start3A_700, %dma_start3A_701] : memref<10240x128xf32, #tpu.memory_space<vmem_shared>> -> memref<10240x128xf32, #tpu.memory_space<vmem_shared>>
        tpu.enqueue_indirect_dma source(%dma_start3A_696 : memref<64x128xf32, #tpu.memory_space<vmem>>) target(%dma_start3A_702 : memref<10240x128xf32, #tpu.memory_space<vmem_shared>>) offsets(%dma_start3A_699 : memref<64xi32, #tpu.memory_space<vmem>>) semaphore(%run_scoped3A_692 : memref<!tpu.dma_semaphore, #tpu.memory_space<semaphore_mem>>) {add = true}
        %dma_wait3A_703 = arith.constant 0 : i32
        %dma_wait3A_704 = arith.constant 0 : i32
        %dma_wait3A_705 = tpu.memref_slice %arg7[%run_scoped3A_539, %dma_wait3A_703, %dma_wait3A_704] : memref<4x64x128xf32, #tpu.memory_space<vmem>> -> memref<1x64x128xf32, #tpu.memory_space<vmem>>
        %dma_wait3A_706 = tpu.memref_squeeze %dma_wait3A_705 : memref<1x64x128xf32, #tpu.memory_space<vmem>> -> memref<64x128xf32, #tpu.memory_space<vmem>>
        %dma_wait3A_707 = arith.constant 0 : i32
        %dma_wait3A_708 = tpu.memref_slice %arg6[%run_scoped3A_540, %run_scoped3A_541, %dma_wait3A_707] : memref<8x2x64xi32, #tpu.memory_space<vmem>> -> memref<1x1x64xi32, #tpu.memory_space<vmem>>
        %dma_wait3A_709 = tpu.memref_squeeze %dma_wait3A_708 : memref<1x1x64xi32, #tpu.memory_space<vmem>> -> memref<64xi32, #tpu.memory_space<vmem>>
        %dma_wait3A_710 = arith.constant 0 : i32
        %dma_wait3A_711 = arith.constant 0 : i32
        %dma_wait3A_712 = tpu.memref_slice %arg8[%dma_wait3A_710, %dma_wait3A_711] : memref<10240x128xf32, #tpu.memory_space<vmem_shared>> -> memref<10240x128xf32, #tpu.memory_space<vmem_shared>>
        tpu.wait_indirect_dma semaphore(%run_scoped3A_692 : memref<!tpu.dma_semaphore, #tpu.memory_space<semaphore_mem>>) src(%dma_wait3A_706 : memref<64x128xf32, #tpu.memory_space<vmem>>) dst(%dma_wait3A_712 : memref<10240x128xf32, #tpu.memory_space<vmem_shared>>)
        tpu.yield
      }) : () -> ()
      %add3A_542 = arith.constant 4 : i32
      %add3A_543 = arith.addi %add3A_525, %add3A_542 : i32
      %lt3A_544 = arith.constant 160 : i32
      %lt3A_545 = arith.cmpi slt, %add3A_543, %lt3A_544 : i32
      %convert_element_type3A_546 = arith.extui %lt3A_545 : i1 to i32
      %cond3A_547 = arith.constant 0 : i32
      %cond3A_548 = arith.cmpi ne, %convert_element_type3A_546, %cond3A_547 : i32
      scf.if %cond3A_548 {
        %dma_wait3A_692 = arith.constant 0 : i32
        %dma_wait3A_693 = arith.constant 7 : i32
        %dma_wait3A_694 = arith.constant 0 : i32
        %dma_wait3A_695 = arith.constant 0 : i32
        %dma_wait3A_696 = tpu.memref_slice %arg6[%dma_wait3A_693, %dma_wait3A_694, %dma_wait3A_695] : memref<8x2x64xi32, #tpu.memory_space<vmem>> -> memref<1x1x64xi32, #tpu.memory_space<vmem>>
        %dma_wait3A_697 = tpu.memref_squeeze %dma_wait3A_696 : memref<1x1x64xi32, #tpu.memory_space<vmem>> -> memref<64xi32, #tpu.memory_space<vmem>>
        %dma_wait3A_698 = arith.constant 0 : i32
        %dma_wait3A_699 = tpu.memref_slice %arg3[%arg0, %arg1, %dma_wait3A_692, %dma_wait3A_698] : memref<2x16x160x64xi32, #tpu.memory_space<hbm>> -> memref<1x1x1x64xi32, #tpu.memory_space<hbm>>
        %dma_wait3A_700 = tpu.memref_squeeze %dma_wait3A_699 : memref<1x1x1x64xi32, #tpu.memory_space<hbm>> -> memref<64xi32, #tpu.memory_space<hbm>>
        %dma_wait3A_701 = arith.constant 0 : i32
        %dma_wait3A_702 = tpu.memref_slice %arg6[%dma_wait3A_693, %dma_wait3A_694, %dma_wait3A_701] : memref<8x2x64xi32, #tpu.memory_space<vmem>> -> memref<1x1x64xi32, #tpu.memory_space<vmem>>
        %dma_wait3A_703 = tpu.memref_squeeze %dma_wait3A_702 : memref<1x1x64xi32, #tpu.memory_space<vmem>> -> memref<64xi32, #tpu.memory_space<vmem>>
        %dma_wait3A_704 = arith.constant 0 : i32
        %dma_wait3A_705 = tpu.memref_slice %arg3[%arg0, %arg1, %dma_wait3A_692, %dma_wait3A_704] : memref<2x16x160x64xi32, #tpu.memory_space<hbm>> -> memref<1x1x1x64xi32, #tpu.memory_space<hbm>>
        %dma_wait3A_706 = tpu.memref_squeeze %dma_wait3A_705 : memref<1x1x1x64xi32, #tpu.memory_space<hbm>> -> memref<64xi32, #tpu.memory_space<hbm>>
        tpu.wait_dma2 semaphore(%arg20 : memref<!tpu.dma_semaphore, #tpu.memory_space<semaphore_mem>>) src(%dma_wait3A_706 : memref<64xi32, #tpu.memory_space<hbm>>) dst(%dma_wait3A_703 : memref<64xi32, #tpu.memory_space<vmem>>)
        %dma_wait3A_707 = arith.constant 0 : i32
        %dma_wait3A_708 = arith.constant 7 : i32
        %dma_wait3A_709 = arith.constant 1 : i32
        %dma_wait3A_710 = arith.constant 0 : i32
        %dma_wait3A_711 = tpu.memref_slice %arg6[%dma_wait3A_708, %dma_wait3A_709, %dma_wait3A_710] : memref<8x2x64xi32, #tpu.memory_space<vmem>> -> memref<1x1x64xi32, #tpu.memory_space<vmem>>
        %dma_wait3A_712 = tpu.memref_squeeze %dma_wait3A_711 : memref<1x1x64xi32, #tpu.memory_space<vmem>> -> memref<64xi32, #tpu.memory_space<vmem>>
        %dma_wait3A_713 = arith.constant 0 : i32
        %dma_wait3A_714 = tpu.memref_slice %arg4[%arg1, %dma_wait3A_707, %dma_wait3A_713] : memref<16x160x64xi32, #tpu.memory_space<hbm>> -> memref<1x1x64xi32, #tpu.memory_space<hbm>>
        %dma_wait3A_715 = tpu.memref_squeeze %dma_wait3A_714 : memref<1x1x64xi32, #tpu.memory_space<hbm>> -> memref<64xi32, #tpu.memory_space<hbm>>
        %dma_wait3A_716 = arith.constant 0 : i32
        %dma_wait3A_717 = tpu.memref_slice %arg6[%dma_wait3A_708, %dma_wait3A_709, %dma_wait3A_716] : memref<8x2x64xi32, #tpu.memory_space<vmem>> -> memref<1x1x64xi32, #tpu.memory_space<vmem>>
        %dma_wait3A_718 = tpu.memref_squeeze %dma_wait3A_717 : memref<1x1x64xi32, #tpu.memory_space<vmem>> -> memref<64xi32, #tpu.memory_space<vmem>>
        %dma_wait3A_719 = arith.constant 0 : i32
        %dma_wait3A_720 = tpu.memref_slice %arg4[%arg1, %dma_wait3A_707, %dma_wait3A_719] : memref<16x160x64xi32, #tpu.memory_space<hbm>> -> memref<1x1x64xi32, #tpu.memory_space<hbm>>
        %dma_wait3A_721 = tpu.memref_squeeze %dma_wait3A_720 : memref<1x1x64xi32, #tpu.memory_space<hbm>> -> memref<64xi32, #tpu.memory_space<hbm>>
        tpu.wait_dma2 semaphore(%arg20 : memref<!tpu.dma_semaphore, #tpu.memory_space<semaphore_mem>>) src(%dma_wait3A_721 : memref<64xi32, #tpu.memory_space<hbm>>) dst(%dma_wait3A_718 : memref<64xi32, #tpu.memory_space<vmem>>)
        %dma_start3A_722 = arith.constant 7 : i32
        %dma_start3A_723 = arith.constant 0 : i32
        %dma_start3A_724 = arith.constant 3 : i32
        %dma_start3A_725 = arith.constant 0 : i32
        %dma_start3A_726 = arith.constant 0 : i32
        %dma_start3A_727 = tpu.memref_slice %arg7[%dma_start3A_724, %dma_start3A_725, %dma_start3A_726] : memref<4x64x128xf32, #tpu.memory_space<vmem>> -> memref<1x64x128xf32, #tpu.memory_space<vmem>>
        %dma_start3A_728 = tpu.memref_squeeze %dma_start3A_727 : memref<1x64x128xf32, #tpu.memory_space<vmem>> -> memref<64x128xf32, #tpu.memory_space<vmem>>
        %dma_start3A_729 = arith.constant 0 : i32
        %dma_start3A_730 = tpu.memref_slice %arg6[%dma_start3A_722, %dma_start3A_723, %dma_start3A_729] : memref<8x2x64xi32, #tpu.memory_space<vmem>> -> memref<1x1x64xi32, #tpu.memory_space<vmem>>
        %dma_start3A_731 = tpu.memref_squeeze %dma_start3A_730 : memref<1x1x64xi32, #tpu.memory_space<vmem>> -> memref<64xi32, #tpu.memory_space<vmem>>
        %dma_start3A_732 = arith.constant 0 : i32
        %dma_start3A_733 = arith.constant 0 : i32
        %dma_start3A_734 = tpu.memref_slice %arg2[%dma_start3A_732, %dma_start3A_733] : memref<20480x128xf32, #tpu.memory_space<hbm>> -> memref<20480x128xf32, #tpu.memory_space<hbm>>
        tpu.enqueue_indirect_dma source(%dma_start3A_734 : memref<20480x128xf32, #tpu.memory_space<hbm>>) target(%dma_start3A_728 : memref<64x128xf32, #tpu.memory_space<vmem>>) offsets(%dma_start3A_731 : memref<64xi32, #tpu.memory_space<vmem>>) semaphore(%arg12 : memref<!tpu.dma_semaphore, #tpu.memory_space<semaphore_mem>>)
      } else {
      }
      %add3A_549 = arith.constant 8 : i32
      %add3A_550 = arith.addi %add3A_525, %add3A_549 : i32
      %lt3A_551 = arith.constant 160 : i32
      %lt3A_552 = arith.cmpi slt, %add3A_550, %lt3A_551 : i32
      %convert_element_type3A_553 = arith.extui %lt3A_552 : i1 to i32
      %cond3A_554 = arith.constant 0 : i32
      %cond3A_555 = arith.cmpi ne, %convert_element_type3A_553, %cond3A_554 : i32
      scf.if %cond3A_555 {
        %add3A_692 = arith.constant 8 : i32
        %add3A_693 = arith.addi %add3A_525, %add3A_692 : i32
        %dma_start3A_694 = arith.constant 3 : i32
        %dma_start3A_695 = arith.constant 0 : i32
        %dma_start3A_696 = arith.constant 0 : i32
        %dma_start3A_697 = tpu.memref_slice %arg6[%dma_start3A_694, %dma_start3A_695, %dma_start3A_696] : memref<8x2x64xi32, #tpu.memory_space<vmem>> -> memref<1x1x64xi32, #tpu.memory_space<vmem>>
        %dma_start3A_698 = tpu.memref_squeeze %dma_start3A_697 : memref<1x1x64xi32, #tpu.memory_space<vmem>> -> memref<64xi32, #tpu.memory_space<vmem>>
        %dma_start3A_699 = arith.constant 0 : i32
        %dma_start3A_700 = tpu.memref_slice %arg3[%arg0, %arg1, %add3A_693, %dma_start3A_699] : memref<2x16x160x64xi32, #tpu.memory_space<hbm>> -> memref<1x1x1x64xi32, #tpu.memory_space<hbm>>
        %dma_start3A_701 = tpu.memref_squeeze %dma_start3A_700 : memref<1x1x1x64xi32, #tpu.memory_space<hbm>> -> memref<64xi32, #tpu.memory_space<hbm>>
        %dma_start3A_702 = arith.constant 0 : i32
        %dma_start3A_703 = tpu.memref_slice %arg6[%dma_start3A_694, %dma_start3A_695, %dma_start3A_702] : memref<8x2x64xi32, #tpu.memory_space<vmem>> -> memref<1x1x64xi32, #tpu.memory_space<vmem>>
        %dma_start3A_704 = tpu.memref_squeeze %dma_start3A_703 : memref<1x1x64xi32, #tpu.memory_space<vmem>> -> memref<64xi32, #tpu.memory_space<vmem>>
        %dma_start3A_705 = arith.constant 0 : i32
        %dma_start3A_706 = tpu.memref_slice %arg3[%arg0, %arg1, %add3A_693, %dma_start3A_705] : memref<2x16x160x64xi32, #tpu.memory_space<hbm>> -> memref<1x1x1x64xi32, #tpu.memory_space<hbm>>
        %dma_start3A_707 = tpu.memref_squeeze %dma_start3A_706 : memref<1x1x1x64xi32, #tpu.memory_space<hbm>> -> memref<64xi32, #tpu.memory_space<hbm>>
        tpu.enqueue_dma source(%dma_start3A_707 : memref<64xi32, #tpu.memory_space<hbm>>) target(%dma_start3A_704 : memref<64xi32, #tpu.memory_space<vmem>>) target_semaphore(%arg16 : memref<!tpu.dma_semaphore, #tpu.memory_space<semaphore_mem>>)
        %dma_start3A_708 = arith.constant 3 : i32
        %dma_start3A_709 = arith.constant 1 : i32
        %dma_start3A_710 = arith.constant 0 : i32
        %dma_start3A_711 = tpu.memref_slice %arg6[%dma_start3A_708, %dma_start3A_709, %dma_start3A_710] : memref<8x2x64xi32, #tpu.memory_space<vmem>> -> memref<1x1x64xi32, #tpu.memory_space<vmem>>
        %dma_start3A_712 = tpu.memref_squeeze %dma_start3A_711 : memref<1x1x64xi32, #tpu.memory_space<vmem>> -> memref<64xi32, #tpu.memory_space<vmem>>
        %dma_start3A_713 = arith.constant 0 : i32
        %dma_start3A_714 = tpu.memref_slice %arg4[%arg1, %add3A_693, %dma_start3A_713] : memref<16x160x64xi32, #tpu.memory_space<hbm>> -> memref<1x1x64xi32, #tpu.memory_space<hbm>>
        %dma_start3A_715 = tpu.memref_squeeze %dma_start3A_714 : memref<1x1x64xi32, #tpu.memory_space<hbm>> -> memref<64xi32, #tpu.memory_space<hbm>>
        %dma_start3A_716 = arith.constant 0 : i32
        %dma_start3A_717 = tpu.memref_slice %arg6[%dma_start3A_708, %dma_start3A_709, %dma_start3A_716] : memref<8x2x64xi32, #tpu.memory_space<vmem>> -> memref<1x1x64xi32, #tpu.memory_space<vmem>>
        %dma_start3A_718 = tpu.memref_squeeze %dma_start3A_717 : memref<1x1x64xi32, #tpu.memory_space<vmem>> -> memref<64xi32, #tpu.memory_space<vmem>>
        %dma_start3A_719 = arith.constant 0 : i32
        %dma_start3A_720 = tpu.memref_slice %arg4[%arg1, %add3A_693, %dma_start3A_719] : memref<16x160x64xi32, #tpu.memory_space<hbm>> -> memref<1x1x64xi32, #tpu.memory_space<hbm>>
        %dma_start3A_721 = tpu.memref_squeeze %dma_start3A_720 : memref<1x1x64xi32, #tpu.memory_space<hbm>> -> memref<64xi32, #tpu.memory_space<hbm>>
        tpu.enqueue_dma source(%dma_start3A_721 : memref<64xi32, #tpu.memory_space<hbm>>) target(%dma_start3A_718 : memref<64xi32, #tpu.memory_space<vmem>>) target_semaphore(%arg16 : memref<!tpu.dma_semaphore, #tpu.memory_space<semaphore_mem>>)
      } else {
      }
      %mul3A_556 = arith.constant 8 : i32
      %mul3A_557 = arith.muli %scan3A_423, %mul3A_556 : i32
      %add3A_558 = arith.constant 4 : i32
      %add3A_559 = arith.addi %mul3A_557, %add3A_558 : i32
      %dma_wait3A_560 = arith.constant 4 : i32
      %dma_wait3A_561 = arith.constant 0 : i32
      %dma_wait3A_562 = arith.constant 0 : i32
      %dma_wait3A_563 = arith.constant 0 : i32
      %dma_wait3A_564 = arith.constant 0 : i32
      %dma_wait3A_565 = tpu.memref_slice %arg7[%dma_wait3A_562, %dma_wait3A_563, %dma_wait3A_564] : memref<4x64x128xf32, #tpu.memory_space<vmem>> -> memref<1x64x128xf32, #tpu.memory_space<vmem>>
      %dma_wait3A_566 = tpu.memref_squeeze %dma_wait3A_565 : memref<1x64x128xf32, #tpu.memory_space<vmem>> -> memref<64x128xf32, #tpu.memory_space<vmem>>
      %dma_wait3A_567 = arith.constant 0 : i32
      %dma_wait3A_568 = tpu.memref_slice %arg6[%dma_wait3A_560, %dma_wait3A_561, %dma_wait3A_567] : memref<8x2x64xi32, #tpu.memory_space<vmem>> -> memref<1x1x64xi32, #tpu.memory_space<vmem>>
      %dma_wait3A_569 = tpu.memref_squeeze %dma_wait3A_568 : memref<1x1x64xi32, #tpu.memory_space<vmem>> -> memref<64xi32, #tpu.memory_space<vmem>>
      %dma_wait3A_570 = arith.constant 0 : i32
      %dma_wait3A_571 = arith.constant 0 : i32
      %dma_wait3A_572 = tpu.memref_slice %arg2[%dma_wait3A_570, %dma_wait3A_571] : memref<20480x128xf32, #tpu.memory_space<hbm>> -> memref<20480x128xf32, #tpu.memory_space<hbm>>
      tpu.wait_indirect_dma semaphore(%arg9 : memref<!tpu.dma_semaphore, #tpu.memory_space<semaphore_mem>>) src(%dma_wait3A_572 : memref<20480x128xf32, #tpu.memory_space<hbm>>) dst(%dma_wait3A_566 : memref<64x128xf32, #tpu.memory_space<vmem>>)
      %run_scoped3A_573 = arith.constant 0 : i32
      %run_scoped3A_574 = arith.constant 4 : i32
      %run_scoped3A_575 = arith.constant 1 : i32
      "tpu.region"() ({
        %run_scoped3A_692 = tpu.sem_alloc : memref<!tpu.dma_semaphore, #tpu.memory_space<semaphore_mem>>
        %dma_start3A_693 = arith.constant 0 : i32
        %dma_start3A_694 = arith.constant 0 : i32
        %dma_start3A_695 = tpu.memref_slice %arg7[%run_scoped3A_573, %dma_start3A_693, %dma_start3A_694] : memref<4x64x128xf32, #tpu.memory_space<vmem>> -> memref<1x64x128xf32, #tpu.memory_space<vmem>>
        %dma_start3A_696 = tpu.memref_squeeze %dma_start3A_695 : memref<1x64x128xf32, #tpu.memory_space<vmem>> -> memref<64x128xf32, #tpu.memory_space<vmem>>
        %dma_start3A_697 = arith.constant 0 : i32
        %dma_start3A_698 = tpu.memref_slice %arg6[%run_scoped3A_574, %run_scoped3A_575, %dma_start3A_697] : memref<8x2x64xi32, #tpu.memory_space<vmem>> -> memref<1x1x64xi32, #tpu.memory_space<vmem>>
        %dma_start3A_699 = tpu.memref_squeeze %dma_start3A_698 : memref<1x1x64xi32, #tpu.memory_space<vmem>> -> memref<64xi32, #tpu.memory_space<vmem>>
        %dma_start3A_700 = arith.constant 0 : i32
        %dma_start3A_701 = arith.constant 0 : i32
        %dma_start3A_702 = tpu.memref_slice %arg8[%dma_start3A_700, %dma_start3A_701] : memref<10240x128xf32, #tpu.memory_space<vmem_shared>> -> memref<10240x128xf32, #tpu.memory_space<vmem_shared>>
        tpu.enqueue_indirect_dma source(%dma_start3A_696 : memref<64x128xf32, #tpu.memory_space<vmem>>) target(%dma_start3A_702 : memref<10240x128xf32, #tpu.memory_space<vmem_shared>>) offsets(%dma_start3A_699 : memref<64xi32, #tpu.memory_space<vmem>>) semaphore(%run_scoped3A_692 : memref<!tpu.dma_semaphore, #tpu.memory_space<semaphore_mem>>) {add = true}
        %dma_wait3A_703 = arith.constant 0 : i32
        %dma_wait3A_704 = arith.constant 0 : i32
        %dma_wait3A_705 = tpu.memref_slice %arg7[%run_scoped3A_573, %dma_wait3A_703, %dma_wait3A_704] : memref<4x64x128xf32, #tpu.memory_space<vmem>> -> memref<1x64x128xf32, #tpu.memory_space<vmem>>
        %dma_wait3A_706 = tpu.memref_squeeze %dma_wait3A_705 : memref<1x64x128xf32, #tpu.memory_space<vmem>> -> memref<64x128xf32, #tpu.memory_space<vmem>>
        %dma_wait3A_707 = arith.constant 0 : i32
        %dma_wait3A_708 = tpu.memref_slice %arg6[%run_scoped3A_574, %run_scoped3A_575, %dma_wait3A_707] : memref<8x2x64xi32, #tpu.memory_space<vmem>> -> memref<1x1x64xi32, #tpu.memory_space<vmem>>
        %dma_wait3A_709 = tpu.memref_squeeze %dma_wait3A_708 : memref<1x1x64xi32, #tpu.memory_space<vmem>> -> memref<64xi32, #tpu.memory_space<vmem>>
        %dma_wait3A_710 = arith.constant 0 : i32
        %dma_wait3A_711 = arith.constant 0 : i32
        %dma_wait3A_712 = tpu.memref_slice %arg8[%dma_wait3A_710, %dma_wait3A_711] : memref<10240x128xf32, #tpu.memory_space<vmem_shared>> -> memref<10240x128xf32, #tpu.memory_space<vmem_shared>>
        tpu.wait_indirect_dma semaphore(%run_scoped3A_692 : memref<!tpu.dma_semaphore, #tpu.memory_space<semaphore_mem>>) src(%dma_wait3A_706 : memref<64x128xf32, #tpu.memory_space<vmem>>) dst(%dma_wait3A_712 : memref<10240x128xf32, #tpu.memory_space<vmem_shared>>)
        tpu.yield
      }) : () -> ()
      %add3A_576 = arith.constant 4 : i32
      %add3A_577 = arith.addi %add3A_559, %add3A_576 : i32
      %lt3A_578 = arith.constant 160 : i32
      %lt3A_579 = arith.cmpi slt, %add3A_577, %lt3A_578 : i32
      %convert_element_type3A_580 = arith.extui %lt3A_579 : i1 to i32
      %cond3A_581 = arith.constant 0 : i32
      %cond3A_582 = arith.cmpi ne, %convert_element_type3A_580, %cond3A_581 : i32
      scf.if %cond3A_582 {
        %dma_wait3A_692 = arith.constant 0 : i32
        %dma_wait3A_693 = arith.constant 0 : i32
        %dma_wait3A_694 = arith.constant 0 : i32
        %dma_wait3A_695 = arith.constant 0 : i32
        %dma_wait3A_696 = tpu.memref_slice %arg6[%dma_wait3A_693, %dma_wait3A_694, %dma_wait3A_695] : memref<8x2x64xi32, #tpu.memory_space<vmem>> -> memref<1x1x64xi32, #tpu.memory_space<vmem>>
        %dma_wait3A_697 = tpu.memref_squeeze %dma_wait3A_696 : memref<1x1x64xi32, #tpu.memory_space<vmem>> -> memref<64xi32, #tpu.memory_space<vmem>>
        %dma_wait3A_698 = arith.constant 0 : i32
        %dma_wait3A_699 = tpu.memref_slice %arg3[%arg0, %arg1, %dma_wait3A_692, %dma_wait3A_698] : memref<2x16x160x64xi32, #tpu.memory_space<hbm>> -> memref<1x1x1x64xi32, #tpu.memory_space<hbm>>
        %dma_wait3A_700 = tpu.memref_squeeze %dma_wait3A_699 : memref<1x1x1x64xi32, #tpu.memory_space<hbm>> -> memref<64xi32, #tpu.memory_space<hbm>>
        %dma_wait3A_701 = arith.constant 0 : i32
        %dma_wait3A_702 = tpu.memref_slice %arg6[%dma_wait3A_693, %dma_wait3A_694, %dma_wait3A_701] : memref<8x2x64xi32, #tpu.memory_space<vmem>> -> memref<1x1x64xi32, #tpu.memory_space<vmem>>
        %dma_wait3A_703 = tpu.memref_squeeze %dma_wait3A_702 : memref<1x1x64xi32, #tpu.memory_space<vmem>> -> memref<64xi32, #tpu.memory_space<vmem>>
        %dma_wait3A_704 = arith.constant 0 : i32
        %dma_wait3A_705 = tpu.memref_slice %arg3[%arg0, %arg1, %dma_wait3A_692, %dma_wait3A_704] : memref<2x16x160x64xi32, #tpu.memory_space<hbm>> -> memref<1x1x1x64xi32, #tpu.memory_space<hbm>>
        %dma_wait3A_706 = tpu.memref_squeeze %dma_wait3A_705 : memref<1x1x1x64xi32, #tpu.memory_space<hbm>> -> memref<64xi32, #tpu.memory_space<hbm>>
        tpu.wait_dma2 semaphore(%arg13 : memref<!tpu.dma_semaphore, #tpu.memory_space<semaphore_mem>>) src(%dma_wait3A_706 : memref<64xi32, #tpu.memory_space<hbm>>) dst(%dma_wait3A_703 : memref<64xi32, #tpu.memory_space<vmem>>)
        %dma_wait3A_707 = arith.constant 0 : i32
        %dma_wait3A_708 = arith.constant 0 : i32
        %dma_wait3A_709 = arith.constant 1 : i32
        %dma_wait3A_710 = arith.constant 0 : i32
        %dma_wait3A_711 = tpu.memref_slice %arg6[%dma_wait3A_708, %dma_wait3A_709, %dma_wait3A_710] : memref<8x2x64xi32, #tpu.memory_space<vmem>> -> memref<1x1x64xi32, #tpu.memory_space<vmem>>
        %dma_wait3A_712 = tpu.memref_squeeze %dma_wait3A_711 : memref<1x1x64xi32, #tpu.memory_space<vmem>> -> memref<64xi32, #tpu.memory_space<vmem>>
        %dma_wait3A_713 = arith.constant 0 : i32
        %dma_wait3A_714 = tpu.memref_slice %arg4[%arg1, %dma_wait3A_707, %dma_wait3A_713] : memref<16x160x64xi32, #tpu.memory_space<hbm>> -> memref<1x1x64xi32, #tpu.memory_space<hbm>>
        %dma_wait3A_715 = tpu.memref_squeeze %dma_wait3A_714 : memref<1x1x64xi32, #tpu.memory_space<hbm>> -> memref<64xi32, #tpu.memory_space<hbm>>
        %dma_wait3A_716 = arith.constant 0 : i32
        %dma_wait3A_717 = tpu.memref_slice %arg6[%dma_wait3A_708, %dma_wait3A_709, %dma_wait3A_716] : memref<8x2x64xi32, #tpu.memory_space<vmem>> -> memref<1x1x64xi32, #tpu.memory_space<vmem>>
        %dma_wait3A_718 = tpu.memref_squeeze %dma_wait3A_717 : memref<1x1x64xi32, #tpu.memory_space<vmem>> -> memref<64xi32, #tpu.memory_space<vmem>>
        %dma_wait3A_719 = arith.constant 0 : i32
        %dma_wait3A_720 = tpu.memref_slice %arg4[%arg1, %dma_wait3A_707, %dma_wait3A_719] : memref<16x160x64xi32, #tpu.memory_space<hbm>> -> memref<1x1x64xi32, #tpu.memory_space<hbm>>
        %dma_wait3A_721 = tpu.memref_squeeze %dma_wait3A_720 : memref<1x1x64xi32, #tpu.memory_space<hbm>> -> memref<64xi32, #tpu.memory_space<hbm>>
        tpu.wait_dma2 semaphore(%arg13 : memref<!tpu.dma_semaphore, #tpu.memory_space<semaphore_mem>>) src(%dma_wait3A_721 : memref<64xi32, #tpu.memory_space<hbm>>) dst(%dma_wait3A_718 : memref<64xi32, #tpu.memory_space<vmem>>)
        %dma_start3A_722 = arith.constant 0 : i32
        %dma_start3A_723 = arith.constant 0 : i32
        %dma_start3A_724 = arith.constant 0 : i32
        %dma_start3A_725 = arith.constant 0 : i32
        %dma_start3A_726 = arith.constant 0 : i32
        %dma_start3A_727 = tpu.memref_slice %arg7[%dma_start3A_724, %dma_start3A_725, %dma_start3A_726] : memref<4x64x128xf32, #tpu.memory_space<vmem>> -> memref<1x64x128xf32, #tpu.memory_space<vmem>>
        %dma_start3A_728 = tpu.memref_squeeze %dma_start3A_727 : memref<1x64x128xf32, #tpu.memory_space<vmem>> -> memref<64x128xf32, #tpu.memory_space<vmem>>
        %dma_start3A_729 = arith.constant 0 : i32
        %dma_start3A_730 = tpu.memref_slice %arg6[%dma_start3A_722, %dma_start3A_723, %dma_start3A_729] : memref<8x2x64xi32, #tpu.memory_space<vmem>> -> memref<1x1x64xi32, #tpu.memory_space<vmem>>
        %dma_start3A_731 = tpu.memref_squeeze %dma_start3A_730 : memref<1x1x64xi32, #tpu.memory_space<vmem>> -> memref<64xi32, #tpu.memory_space<vmem>>
        %dma_start3A_732 = arith.constant 0 : i32
        %dma_start3A_733 = arith.constant 0 : i32
        %dma_start3A_734 = tpu.memref_slice %arg2[%dma_start3A_732, %dma_start3A_733] : memref<20480x128xf32, #tpu.memory_space<hbm>> -> memref<20480x128xf32, #tpu.memory_space<hbm>>
        tpu.enqueue_indirect_dma source(%dma_start3A_734 : memref<20480x128xf32, #tpu.memory_space<hbm>>) target(%dma_start3A_728 : memref<64x128xf32, #tpu.memory_space<vmem>>) offsets(%dma_start3A_731 : memref<64xi32, #tpu.memory_space<vmem>>) semaphore(%arg9 : memref<!tpu.dma_semaphore, #tpu.memory_space<semaphore_mem>>)
      } else {
      }
      %add3A_583 = arith.constant 8 : i32
      %add3A_584 = arith.addi %add3A_559, %add3A_583 : i32
      %lt3A_585 = arith.constant 160 : i32
      %lt3A_586 = arith.cmpi slt, %add3A_584, %lt3A_585 : i32
      %convert_element_type3A_587 = arith.extui %lt3A_586 : i1 to i32
      %cond3A_588 = arith.constant 0 : i32
      %cond3A_589 = arith.cmpi ne, %convert_element_type3A_587, %cond3A_588 : i32
      scf.if %cond3A_589 {
        %add3A_692 = arith.constant 8 : i32
        %add3A_693 = arith.addi %add3A_559, %add3A_692 : i32
        %dma_start3A_694 = arith.constant 4 : i32
        %dma_start3A_695 = arith.constant 0 : i32
        %dma_start3A_696 = arith.constant 0 : i32
        %dma_start3A_697 = tpu.memref_slice %arg6[%dma_start3A_694, %dma_start3A_695, %dma_start3A_696] : memref<8x2x64xi32, #tpu.memory_space<vmem>> -> memref<1x1x64xi32, #tpu.memory_space<vmem>>
        %dma_start3A_698 = tpu.memref_squeeze %dma_start3A_697 : memref<1x1x64xi32, #tpu.memory_space<vmem>> -> memref<64xi32, #tpu.memory_space<vmem>>
        %dma_start3A_699 = arith.constant 0 : i32
        %dma_start3A_700 = tpu.memref_slice %arg3[%arg0, %arg1, %add3A_693, %dma_start3A_699] : memref<2x16x160x64xi32, #tpu.memory_space<hbm>> -> memref<1x1x1x64xi32, #tpu.memory_space<hbm>>
        %dma_start3A_701 = tpu.memref_squeeze %dma_start3A_700 : memref<1x1x1x64xi32, #tpu.memory_space<hbm>> -> memref<64xi32, #tpu.memory_space<hbm>>
        %dma_start3A_702 = arith.constant 0 : i32
        %dma_start3A_703 = tpu.memref_slice %arg6[%dma_start3A_694, %dma_start3A_695, %dma_start3A_702] : memref<8x2x64xi32, #tpu.memory_space<vmem>> -> memref<1x1x64xi32, #tpu.memory_space<vmem>>
        %dma_start3A_704 = tpu.memref_squeeze %dma_start3A_703 : memref<1x1x64xi32, #tpu.memory_space<vmem>> -> memref<64xi32, #tpu.memory_space<vmem>>
        %dma_start3A_705 = arith.constant 0 : i32
        %dma_start3A_706 = tpu.memref_slice %arg3[%arg0, %arg1, %add3A_693, %dma_start3A_705] : memref<2x16x160x64xi32, #tpu.memory_space<hbm>> -> memref<1x1x1x64xi32, #tpu.memory_space<hbm>>
        %dma_start3A_707 = tpu.memref_squeeze %dma_start3A_706 : memref<1x1x1x64xi32, #tpu.memory_space<hbm>> -> memref<64xi32, #tpu.memory_space<hbm>>
        tpu.enqueue_dma source(%dma_start3A_707 : memref<64xi32, #tpu.memory_space<hbm>>) target(%dma_start3A_704 : memref<64xi32, #tpu.memory_space<vmem>>) target_semaphore(%arg17 : memref<!tpu.dma_semaphore, #tpu.memory_space<semaphore_mem>>)
        %dma_start3A_708 = arith.constant 4 : i32
        %dma_start3A_709 = arith.constant 1 : i32
        %dma_start3A_710 = arith.constant 0 : i32
        %dma_start3A_711 = tpu.memref_slice %arg6[%dma_start3A_708, %dma_start3A_709, %dma_start3A_710] : memref<8x2x64xi32, #tpu.memory_space<vmem>> -> memref<1x1x64xi32, #tpu.memory_space<vmem>>
        %dma_start3A_712 = tpu.memref_squeeze %dma_start3A_711 : memref<1x1x64xi32, #tpu.memory_space<vmem>> -> memref<64xi32, #tpu.memory_space<vmem>>
        %dma_start3A_713 = arith.constant 0 : i32
        %dma_start3A_714 = tpu.memref_slice %arg4[%arg1, %add3A_693, %dma_start3A_713] : memref<16x160x64xi32, #tpu.memory_space<hbm>> -> memref<1x1x64xi32, #tpu.memory_space<hbm>>
        %dma_start3A_715 = tpu.memref_squeeze %dma_start3A_714 : memref<1x1x64xi32, #tpu.memory_space<hbm>> -> memref<64xi32, #tpu.memory_space<hbm>>
        %dma_start3A_716 = arith.constant 0 : i32
        %dma_start3A_717 = tpu.memref_slice %arg6[%dma_start3A_708, %dma_start3A_709, %dma_start3A_716] : memref<8x2x64xi32, #tpu.memory_space<vmem>> -> memref<1x1x64xi32, #tpu.memory_space<vmem>>
        %dma_start3A_718 = tpu.memref_squeeze %dma_start3A_717 : memref<1x1x64xi32, #tpu.memory_space<vmem>> -> memref<64xi32, #tpu.memory_space<vmem>>
        %dma_start3A_719 = arith.constant 0 : i32
        %dma_start3A_720 = tpu.memref_slice %arg4[%arg1, %add3A_693, %dma_start3A_719] : memref<16x160x64xi32, #tpu.memory_space<hbm>> -> memref<1x1x64xi32, #tpu.memory_space<hbm>>
        %dma_start3A_721 = tpu.memref_squeeze %dma_start3A_720 : memref<1x1x64xi32, #tpu.memory_space<hbm>> -> memref<64xi32, #tpu.memory_space<hbm>>
        tpu.enqueue_dma source(%dma_start3A_721 : memref<64xi32, #tpu.memory_space<hbm>>) target(%dma_start3A_718 : memref<64xi32, #tpu.memory_space<vmem>>) target_semaphore(%arg17 : memref<!tpu.dma_semaphore, #tpu.memory_space<semaphore_mem>>)
      } else {
      }
      %mul3A_590 = arith.constant 8 : i32
      %mul3A_591 = arith.muli %scan3A_423, %mul3A_590 : i32
      %add3A_592 = arith.constant 5 : i32
      %add3A_593 = arith.addi %mul3A_591, %add3A_592 : i32
      %dma_wait3A_594 = arith.constant 5 : i32
      %dma_wait3A_595 = arith.constant 0 : i32
      %dma_wait3A_596 = arith.constant 1 : i32
      %dma_wait3A_597 = arith.constant 0 : i32
      %dma_wait3A_598 = arith.constant 0 : i32
      %dma_wait3A_599 = tpu.memref_slice %arg7[%dma_wait3A_596, %dma_wait3A_597, %dma_wait3A_598] : memref<4x64x128xf32, #tpu.memory_space<vmem>> -> memref<1x64x128xf32, #tpu.memory_space<vmem>>
      %dma_wait3A_600 = tpu.memref_squeeze %dma_wait3A_599 : memref<1x64x128xf32, #tpu.memory_space<vmem>> -> memref<64x128xf32, #tpu.memory_space<vmem>>
      %dma_wait3A_601 = arith.constant 0 : i32
      %dma_wait3A_602 = tpu.memref_slice %arg6[%dma_wait3A_594, %dma_wait3A_595, %dma_wait3A_601] : memref<8x2x64xi32, #tpu.memory_space<vmem>> -> memref<1x1x64xi32, #tpu.memory_space<vmem>>
      %dma_wait3A_603 = tpu.memref_squeeze %dma_wait3A_602 : memref<1x1x64xi32, #tpu.memory_space<vmem>> -> memref<64xi32, #tpu.memory_space<vmem>>
      %dma_wait3A_604 = arith.constant 0 : i32
      %dma_wait3A_605 = arith.constant 0 : i32
      %dma_wait3A_606 = tpu.memref_slice %arg2[%dma_wait3A_604, %dma_wait3A_605] : memref<20480x128xf32, #tpu.memory_space<hbm>> -> memref<20480x128xf32, #tpu.memory_space<hbm>>
      tpu.wait_indirect_dma semaphore(%arg10 : memref<!tpu.dma_semaphore, #tpu.memory_space<semaphore_mem>>) src(%dma_wait3A_606 : memref<20480x128xf32, #tpu.memory_space<hbm>>) dst(%dma_wait3A_600 : memref<64x128xf32, #tpu.memory_space<vmem>>)
      %run_scoped3A_607 = arith.constant 1 : i32
      %run_scoped3A_608 = arith.constant 5 : i32
      %run_scoped3A_609 = arith.constant 1 : i32
      "tpu.region"() ({
        %run_scoped3A_692 = tpu.sem_alloc : memref<!tpu.dma_semaphore, #tpu.memory_space<semaphore_mem>>
        %dma_start3A_693 = arith.constant 0 : i32
        %dma_start3A_694 = arith.constant 0 : i32
        %dma_start3A_695 = tpu.memref_slice %arg7[%run_scoped3A_607, %dma_start3A_693, %dma_start3A_694] : memref<4x64x128xf32, #tpu.memory_space<vmem>> -> memref<1x64x128xf32, #tpu.memory_space<vmem>>
        %dma_start3A_696 = tpu.memref_squeeze %dma_start3A_695 : memref<1x64x128xf32, #tpu.memory_space<vmem>> -> memref<64x128xf32, #tpu.memory_space<vmem>>
        %dma_start3A_697 = arith.constant 0 : i32
        %dma_start3A_698 = tpu.memref_slice %arg6[%run_scoped3A_608, %run_scoped3A_609, %dma_start3A_697] : memref<8x2x64xi32, #tpu.memory_space<vmem>> -> memref<1x1x64xi32, #tpu.memory_space<vmem>>
        %dma_start3A_699 = tpu.memref_squeeze %dma_start3A_698 : memref<1x1x64xi32, #tpu.memory_space<vmem>> -> memref<64xi32, #tpu.memory_space<vmem>>
        %dma_start3A_700 = arith.constant 0 : i32
        %dma_start3A_701 = arith.constant 0 : i32
        %dma_start3A_702 = tpu.memref_slice %arg8[%dma_start3A_700, %dma_start3A_701] : memref<10240x128xf32, #tpu.memory_space<vmem_shared>> -> memref<10240x128xf32, #tpu.memory_space<vmem_shared>>
        tpu.enqueue_indirect_dma source(%dma_start3A_696 : memref<64x128xf32, #tpu.memory_space<vmem>>) target(%dma_start3A_702 : memref<10240x128xf32, #tpu.memory_space<vmem_shared>>) offsets(%dma_start3A_699 : memref<64xi32, #tpu.memory_space<vmem>>) semaphore(%run_scoped3A_692 : memref<!tpu.dma_semaphore, #tpu.memory_space<semaphore_mem>>) {add = true}
        %dma_wait3A_703 = arith.constant 0 : i32
        %dma_wait3A_704 = arith.constant 0 : i32
        %dma_wait3A_705 = tpu.memref_slice %arg7[%run_scoped3A_607, %dma_wait3A_703, %dma_wait3A_704] : memref<4x64x128xf32, #tpu.memory_space<vmem>> -> memref<1x64x128xf32, #tpu.memory_space<vmem>>
        %dma_wait3A_706 = tpu.memref_squeeze %dma_wait3A_705 : memref<1x64x128xf32, #tpu.memory_space<vmem>> -> memref<64x128xf32, #tpu.memory_space<vmem>>
        %dma_wait3A_707 = arith.constant 0 : i32
        %dma_wait3A_708 = tpu.memref_slice %arg6[%run_scoped3A_608, %run_scoped3A_609, %dma_wait3A_707] : memref<8x2x64xi32, #tpu.memory_space<vmem>> -> memref<1x1x64xi32, #tpu.memory_space<vmem>>
        %dma_wait3A_709 = tpu.memref_squeeze %dma_wait3A_708 : memref<1x1x64xi32, #tpu.memory_space<vmem>> -> memref<64xi32, #tpu.memory_space<vmem>>
        %dma_wait3A_710 = arith.constant 0 : i32
        %dma_wait3A_711 = arith.constant 0 : i32
        %dma_wait3A_712 = tpu.memref_slice %arg8[%dma_wait3A_710, %dma_wait3A_711] : memref<10240x128xf32, #tpu.memory_space<vmem_shared>> -> memref<10240x128xf32, #tpu.memory_space<vmem_shared>>
        tpu.wait_indirect_dma semaphore(%run_scoped3A_692 : memref<!tpu.dma_semaphore, #tpu.memory_space<semaphore_mem>>) src(%dma_wait3A_706 : memref<64x128xf32, #tpu.memory_space<vmem>>) dst(%dma_wait3A_712 : memref<10240x128xf32, #tpu.memory_space<vmem_shared>>)
        tpu.yield
      }) : () -> ()
      %add3A_610 = arith.constant 4 : i32
      %add3A_611 = arith.addi %add3A_593, %add3A_610 : i32
      %lt3A_612 = arith.constant 160 : i32
      %lt3A_613 = arith.cmpi slt, %add3A_611, %lt3A_612 : i32
      %convert_element_type3A_614 = arith.extui %lt3A_613 : i1 to i32
      %cond3A_615 = arith.constant 0 : i32
      %cond3A_616 = arith.cmpi ne, %convert_element_type3A_614, %cond3A_615 : i32
      scf.if %cond3A_616 {
        %dma_wait3A_692 = arith.constant 0 : i32
        %dma_wait3A_693 = arith.constant 1 : i32
        %dma_wait3A_694 = arith.constant 0 : i32
        %dma_wait3A_695 = arith.constant 0 : i32
        %dma_wait3A_696 = tpu.memref_slice %arg6[%dma_wait3A_693, %dma_wait3A_694, %dma_wait3A_695] : memref<8x2x64xi32, #tpu.memory_space<vmem>> -> memref<1x1x64xi32, #tpu.memory_space<vmem>>
        %dma_wait3A_697 = tpu.memref_squeeze %dma_wait3A_696 : memref<1x1x64xi32, #tpu.memory_space<vmem>> -> memref<64xi32, #tpu.memory_space<vmem>>
        %dma_wait3A_698 = arith.constant 0 : i32
        %dma_wait3A_699 = tpu.memref_slice %arg3[%arg0, %arg1, %dma_wait3A_692, %dma_wait3A_698] : memref<2x16x160x64xi32, #tpu.memory_space<hbm>> -> memref<1x1x1x64xi32, #tpu.memory_space<hbm>>
        %dma_wait3A_700 = tpu.memref_squeeze %dma_wait3A_699 : memref<1x1x1x64xi32, #tpu.memory_space<hbm>> -> memref<64xi32, #tpu.memory_space<hbm>>
        %dma_wait3A_701 = arith.constant 0 : i32
        %dma_wait3A_702 = tpu.memref_slice %arg6[%dma_wait3A_693, %dma_wait3A_694, %dma_wait3A_701] : memref<8x2x64xi32, #tpu.memory_space<vmem>> -> memref<1x1x64xi32, #tpu.memory_space<vmem>>
        %dma_wait3A_703 = tpu.memref_squeeze %dma_wait3A_702 : memref<1x1x64xi32, #tpu.memory_space<vmem>> -> memref<64xi32, #tpu.memory_space<vmem>>
        %dma_wait3A_704 = arith.constant 0 : i32
        %dma_wait3A_705 = tpu.memref_slice %arg3[%arg0, %arg1, %dma_wait3A_692, %dma_wait3A_704] : memref<2x16x160x64xi32, #tpu.memory_space<hbm>> -> memref<1x1x1x64xi32, #tpu.memory_space<hbm>>
        %dma_wait3A_706 = tpu.memref_squeeze %dma_wait3A_705 : memref<1x1x1x64xi32, #tpu.memory_space<hbm>> -> memref<64xi32, #tpu.memory_space<hbm>>
        tpu.wait_dma2 semaphore(%arg14 : memref<!tpu.dma_semaphore, #tpu.memory_space<semaphore_mem>>) src(%dma_wait3A_706 : memref<64xi32, #tpu.memory_space<hbm>>) dst(%dma_wait3A_703 : memref<64xi32, #tpu.memory_space<vmem>>)
        %dma_wait3A_707 = arith.constant 0 : i32
        %dma_wait3A_708 = arith.constant 1 : i32
        %dma_wait3A_709 = arith.constant 1 : i32
        %dma_wait3A_710 = arith.constant 0 : i32
        %dma_wait3A_711 = tpu.memref_slice %arg6[%dma_wait3A_708, %dma_wait3A_709, %dma_wait3A_710] : memref<8x2x64xi32, #tpu.memory_space<vmem>> -> memref<1x1x64xi32, #tpu.memory_space<vmem>>
        %dma_wait3A_712 = tpu.memref_squeeze %dma_wait3A_711 : memref<1x1x64xi32, #tpu.memory_space<vmem>> -> memref<64xi32, #tpu.memory_space<vmem>>
        %dma_wait3A_713 = arith.constant 0 : i32
        %dma_wait3A_714 = tpu.memref_slice %arg4[%arg1, %dma_wait3A_707, %dma_wait3A_713] : memref<16x160x64xi32, #tpu.memory_space<hbm>> -> memref<1x1x64xi32, #tpu.memory_space<hbm>>
        %dma_wait3A_715 = tpu.memref_squeeze %dma_wait3A_714 : memref<1x1x64xi32, #tpu.memory_space<hbm>> -> memref<64xi32, #tpu.memory_space<hbm>>
        %dma_wait3A_716 = arith.constant 0 : i32
        %dma_wait3A_717 = tpu.memref_slice %arg6[%dma_wait3A_708, %dma_wait3A_709, %dma_wait3A_716] : memref<8x2x64xi32, #tpu.memory_space<vmem>> -> memref<1x1x64xi32, #tpu.memory_space<vmem>>
        %dma_wait3A_718 = tpu.memref_squeeze %dma_wait3A_717 : memref<1x1x64xi32, #tpu.memory_space<vmem>> -> memref<64xi32, #tpu.memory_space<vmem>>
        %dma_wait3A_719 = arith.constant 0 : i32
        %dma_wait3A_720 = tpu.memref_slice %arg4[%arg1, %dma_wait3A_707, %dma_wait3A_719] : memref<16x160x64xi32, #tpu.memory_space<hbm>> -> memref<1x1x64xi32, #tpu.memory_space<hbm>>
        %dma_wait3A_721 = tpu.memref_squeeze %dma_wait3A_720 : memref<1x1x64xi32, #tpu.memory_space<hbm>> -> memref<64xi32, #tpu.memory_space<hbm>>
        tpu.wait_dma2 semaphore(%arg14 : memref<!tpu.dma_semaphore, #tpu.memory_space<semaphore_mem>>) src(%dma_wait3A_721 : memref<64xi32, #tpu.memory_space<hbm>>) dst(%dma_wait3A_718 : memref<64xi32, #tpu.memory_space<vmem>>)
        %dma_start3A_722 = arith.constant 1 : i32
        %dma_start3A_723 = arith.constant 0 : i32
        %dma_start3A_724 = arith.constant 1 : i32
        %dma_start3A_725 = arith.constant 0 : i32
        %dma_start3A_726 = arith.constant 0 : i32
        %dma_start3A_727 = tpu.memref_slice %arg7[%dma_start3A_724, %dma_start3A_725, %dma_start3A_726] : memref<4x64x128xf32, #tpu.memory_space<vmem>> -> memref<1x64x128xf32, #tpu.memory_space<vmem>>
        %dma_start3A_728 = tpu.memref_squeeze %dma_start3A_727 : memref<1x64x128xf32, #tpu.memory_space<vmem>> -> memref<64x128xf32, #tpu.memory_space<vmem>>
        %dma_start3A_729 = arith.constant 0 : i32
        %dma_start3A_730 = tpu.memref_slice %arg6[%dma_start3A_722, %dma_start3A_723, %dma_start3A_729] : memref<8x2x64xi32, #tpu.memory_space<vmem>> -> memref<1x1x64xi32, #tpu.memory_space<vmem>>
        %dma_start3A_731 = tpu.memref_squeeze %dma_start3A_730 : memref<1x1x64xi32, #tpu.memory_space<vmem>> -> memref<64xi32, #tpu.memory_space<vmem>>
        %dma_start3A_732 = arith.constant 0 : i32
        %dma_start3A_733 = arith.constant 0 : i32
        %dma_start3A_734 = tpu.memref_slice %arg2[%dma_start3A_732, %dma_start3A_733] : memref<20480x128xf32, #tpu.memory_space<hbm>> -> memref<20480x128xf32, #tpu.memory_space<hbm>>
        tpu.enqueue_indirect_dma source(%dma_start3A_734 : memref<20480x128xf32, #tpu.memory_space<hbm>>) target(%dma_start3A_728 : memref<64x128xf32, #tpu.memory_space<vmem>>) offsets(%dma_start3A_731 : memref<64xi32, #tpu.memory_space<vmem>>) semaphore(%arg10 : memref<!tpu.dma_semaphore, #tpu.memory_space<semaphore_mem>>)
      } else {
      }
      %add3A_617 = arith.constant 8 : i32
      %add3A_618 = arith.addi %add3A_593, %add3A_617 : i32
      %lt3A_619 = arith.constant 160 : i32
      %lt3A_620 = arith.cmpi slt, %add3A_618, %lt3A_619 : i32
      %convert_element_type3A_621 = arith.extui %lt3A_620 : i1 to i32
      %cond3A_622 = arith.constant 0 : i32
      %cond3A_623 = arith.cmpi ne, %convert_element_type3A_621, %cond3A_622 : i32
      scf.if %cond3A_623 {
        %add3A_692 = arith.constant 8 : i32
        %add3A_693 = arith.addi %add3A_593, %add3A_692 : i32
        %dma_start3A_694 = arith.constant 5 : i32
        %dma_start3A_695 = arith.constant 0 : i32
        %dma_start3A_696 = arith.constant 0 : i32
        %dma_start3A_697 = tpu.memref_slice %arg6[%dma_start3A_694, %dma_start3A_695, %dma_start3A_696] : memref<8x2x64xi32, #tpu.memory_space<vmem>> -> memref<1x1x64xi32, #tpu.memory_space<vmem>>
        %dma_start3A_698 = tpu.memref_squeeze %dma_start3A_697 : memref<1x1x64xi32, #tpu.memory_space<vmem>> -> memref<64xi32, #tpu.memory_space<vmem>>
        %dma_start3A_699 = arith.constant 0 : i32
        %dma_start3A_700 = tpu.memref_slice %arg3[%arg0, %arg1, %add3A_693, %dma_start3A_699] : memref<2x16x160x64xi32, #tpu.memory_space<hbm>> -> memref<1x1x1x64xi32, #tpu.memory_space<hbm>>
        %dma_start3A_701 = tpu.memref_squeeze %dma_start3A_700 : memref<1x1x1x64xi32, #tpu.memory_space<hbm>> -> memref<64xi32, #tpu.memory_space<hbm>>
        %dma_start3A_702 = arith.constant 0 : i32
        %dma_start3A_703 = tpu.memref_slice %arg6[%dma_start3A_694, %dma_start3A_695, %dma_start3A_702] : memref<8x2x64xi32, #tpu.memory_space<vmem>> -> memref<1x1x64xi32, #tpu.memory_space<vmem>>
        %dma_start3A_704 = tpu.memref_squeeze %dma_start3A_703 : memref<1x1x64xi32, #tpu.memory_space<vmem>> -> memref<64xi32, #tpu.memory_space<vmem>>
        %dma_start3A_705 = arith.constant 0 : i32
        %dma_start3A_706 = tpu.memref_slice %arg3[%arg0, %arg1, %add3A_693, %dma_start3A_705] : memref<2x16x160x64xi32, #tpu.memory_space<hbm>> -> memref<1x1x1x64xi32, #tpu.memory_space<hbm>>
        %dma_start3A_707 = tpu.memref_squeeze %dma_start3A_706 : memref<1x1x1x64xi32, #tpu.memory_space<hbm>> -> memref<64xi32, #tpu.memory_space<hbm>>
        tpu.enqueue_dma source(%dma_start3A_707 : memref<64xi32, #tpu.memory_space<hbm>>) target(%dma_start3A_704 : memref<64xi32, #tpu.memory_space<vmem>>) target_semaphore(%arg18 : memref<!tpu.dma_semaphore, #tpu.memory_space<semaphore_mem>>)
        %dma_start3A_708 = arith.constant 5 : i32
        %dma_start3A_709 = arith.constant 1 : i32
        %dma_start3A_710 = arith.constant 0 : i32
        %dma_start3A_711 = tpu.memref_slice %arg6[%dma_start3A_708, %dma_start3A_709, %dma_start3A_710] : memref<8x2x64xi32, #tpu.memory_space<vmem>> -> memref<1x1x64xi32, #tpu.memory_space<vmem>>
        %dma_start3A_712 = tpu.memref_squeeze %dma_start3A_711 : memref<1x1x64xi32, #tpu.memory_space<vmem>> -> memref<64xi32, #tpu.memory_space<vmem>>
        %dma_start3A_713 = arith.constant 0 : i32
        %dma_start3A_714 = tpu.memref_slice %arg4[%arg1, %add3A_693, %dma_start3A_713] : memref<16x160x64xi32, #tpu.memory_space<hbm>> -> memref<1x1x64xi32, #tpu.memory_space<hbm>>
        %dma_start3A_715 = tpu.memref_squeeze %dma_start3A_714 : memref<1x1x64xi32, #tpu.memory_space<hbm>> -> memref<64xi32, #tpu.memory_space<hbm>>
        %dma_start3A_716 = arith.constant 0 : i32
        %dma_start3A_717 = tpu.memref_slice %arg6[%dma_start3A_708, %dma_start3A_709, %dma_start3A_716] : memref<8x2x64xi32, #tpu.memory_space<vmem>> -> memref<1x1x64xi32, #tpu.memory_space<vmem>>
        %dma_start3A_718 = tpu.memref_squeeze %dma_start3A_717 : memref<1x1x64xi32, #tpu.memory_space<vmem>> -> memref<64xi32, #tpu.memory_space<vmem>>
        %dma_start3A_719 = arith.constant 0 : i32
        %dma_start3A_720 = tpu.memref_slice %arg4[%arg1, %add3A_693, %dma_start3A_719] : memref<16x160x64xi32, #tpu.memory_space<hbm>> -> memref<1x1x64xi32, #tpu.memory_space<hbm>>
        %dma_start3A_721 = tpu.memref_squeeze %dma_start3A_720 : memref<1x1x64xi32, #tpu.memory_space<hbm>> -> memref<64xi32, #tpu.memory_space<hbm>>
        tpu.enqueue_dma source(%dma_start3A_721 : memref<64xi32, #tpu.memory_space<hbm>>) target(%dma_start3A_718 : memref<64xi32, #tpu.memory_space<vmem>>) target_semaphore(%arg18 : memref<!tpu.dma_semaphore, #tpu.memory_space<semaphore_mem>>)
      } else {
      }
      %mul3A_624 = arith.constant 8 : i32
      %mul3A_625 = arith.muli %scan3A_423, %mul3A_624 : i32
      %add3A_626 = arith.constant 6 : i32
      %add3A_627 = arith.addi %mul3A_625, %add3A_626 : i32
      %dma_wait3A_628 = arith.constant 6 : i32
      %dma_wait3A_629 = arith.constant 0 : i32
      %dma_wait3A_630 = arith.constant 2 : i32
      %dma_wait3A_631 = arith.constant 0 : i32
      %dma_wait3A_632 = arith.constant 0 : i32
      %dma_wait3A_633 = tpu.memref_slice %arg7[%dma_wait3A_630, %dma_wait3A_631, %dma_wait3A_632] : memref<4x64x128xf32, #tpu.memory_space<vmem>> -> memref<1x64x128xf32, #tpu.memory_space<vmem>>
      %dma_wait3A_634 = tpu.memref_squeeze %dma_wait3A_633 : memref<1x64x128xf32, #tpu.memory_space<vmem>> -> memref<64x128xf32, #tpu.memory_space<vmem>>
      %dma_wait3A_635 = arith.constant 0 : i32
      %dma_wait3A_636 = tpu.memref_slice %arg6[%dma_wait3A_628, %dma_wait3A_629, %dma_wait3A_635] : memref<8x2x64xi32, #tpu.memory_space<vmem>> -> memref<1x1x64xi32, #tpu.memory_space<vmem>>
      %dma_wait3A_637 = tpu.memref_squeeze %dma_wait3A_636 : memref<1x1x64xi32, #tpu.memory_space<vmem>> -> memref<64xi32, #tpu.memory_space<vmem>>
      %dma_wait3A_638 = arith.constant 0 : i32
      %dma_wait3A_639 = arith.constant 0 : i32
      %dma_wait3A_640 = tpu.memref_slice %arg2[%dma_wait3A_638, %dma_wait3A_639] : memref<20480x128xf32, #tpu.memory_space<hbm>> -> memref<20480x128xf32, #tpu.memory_space<hbm>>
      tpu.wait_indirect_dma semaphore(%arg11 : memref<!tpu.dma_semaphore, #tpu.memory_space<semaphore_mem>>) src(%dma_wait3A_640 : memref<20480x128xf32, #tpu.memory_space<hbm>>) dst(%dma_wait3A_634 : memref<64x128xf32, #tpu.memory_space<vmem>>)
      %run_scoped3A_641 = arith.constant 2 : i32
      %run_scoped3A_642 = arith.constant 6 : i32
      %run_scoped3A_643 = arith.constant 1 : i32
      "tpu.region"() ({
        %run_scoped3A_692 = tpu.sem_alloc : memref<!tpu.dma_semaphore, #tpu.memory_space<semaphore_mem>>
        %dma_start3A_693 = arith.constant 0 : i32
        %dma_start3A_694 = arith.constant 0 : i32
        %dma_start3A_695 = tpu.memref_slice %arg7[%run_scoped3A_641, %dma_start3A_693, %dma_start3A_694] : memref<4x64x128xf32, #tpu.memory_space<vmem>> -> memref<1x64x128xf32, #tpu.memory_space<vmem>>
        %dma_start3A_696 = tpu.memref_squeeze %dma_start3A_695 : memref<1x64x128xf32, #tpu.memory_space<vmem>> -> memref<64x128xf32, #tpu.memory_space<vmem>>
        %dma_start3A_697 = arith.constant 0 : i32
        %dma_start3A_698 = tpu.memref_slice %arg6[%run_scoped3A_642, %run_scoped3A_643, %dma_start3A_697] : memref<8x2x64xi32, #tpu.memory_space<vmem>> -> memref<1x1x64xi32, #tpu.memory_space<vmem>>
        %dma_start3A_699 = tpu.memref_squeeze %dma_start3A_698 : memref<1x1x64xi32, #tpu.memory_space<vmem>> -> memref<64xi32, #tpu.memory_space<vmem>>
        %dma_start3A_700 = arith.constant 0 : i32
        %dma_start3A_701 = arith.constant 0 : i32
        %dma_start3A_702 = tpu.memref_slice %arg8[%dma_start3A_700, %dma_start3A_701] : memref<10240x128xf32, #tpu.memory_space<vmem_shared>> -> memref<10240x128xf32, #tpu.memory_space<vmem_shared>>
        tpu.enqueue_indirect_dma source(%dma_start3A_696 : memref<64x128xf32, #tpu.memory_space<vmem>>) target(%dma_start3A_702 : memref<10240x128xf32, #tpu.memory_space<vmem_shared>>) offsets(%dma_start3A_699 : memref<64xi32, #tpu.memory_space<vmem>>) semaphore(%run_scoped3A_692 : memref<!tpu.dma_semaphore, #tpu.memory_space<semaphore_mem>>) {add = true}
        %dma_wait3A_703 = arith.constant 0 : i32
        %dma_wait3A_704 = arith.constant 0 : i32
        %dma_wait3A_705 = tpu.memref_slice %arg7[%run_scoped3A_641, %dma_wait3A_703, %dma_wait3A_704] : memref<4x64x128xf32, #tpu.memory_space<vmem>> -> memref<1x64x128xf32, #tpu.memory_space<vmem>>
        %dma_wait3A_706 = tpu.memref_squeeze %dma_wait3A_705 : memref<1x64x128xf32, #tpu.memory_space<vmem>> -> memref<64x128xf32, #tpu.memory_space<vmem>>
        %dma_wait3A_707 = arith.constant 0 : i32
        %dma_wait3A_708 = tpu.memref_slice %arg6[%run_scoped3A_642, %run_scoped3A_643, %dma_wait3A_707] : memref<8x2x64xi32, #tpu.memory_space<vmem>> -> memref<1x1x64xi32, #tpu.memory_space<vmem>>
        %dma_wait3A_709 = tpu.memref_squeeze %dma_wait3A_708 : memref<1x1x64xi32, #tpu.memory_space<vmem>> -> memref<64xi32, #tpu.memory_space<vmem>>
        %dma_wait3A_710 = arith.constant 0 : i32
        %dma_wait3A_711 = arith.constant 0 : i32
        %dma_wait3A_712 = tpu.memref_slice %arg8[%dma_wait3A_710, %dma_wait3A_711] : memref<10240x128xf32, #tpu.memory_space<vmem_shared>> -> memref<10240x128xf32, #tpu.memory_space<vmem_shared>>
        tpu.wait_indirect_dma semaphore(%run_scoped3A_692 : memref<!tpu.dma_semaphore, #tpu.memory_space<semaphore_mem>>) src(%dma_wait3A_706 : memref<64x128xf32, #tpu.memory_space<vmem>>) dst(%dma_wait3A_712 : memref<10240x128xf32, #tpu.memory_space<vmem_shared>>)
        tpu.yield
      }) : () -> ()
      %add3A_644 = arith.constant 4 : i32
      %add3A_645 = arith.addi %add3A_627, %add3A_644 : i32
      %lt3A_646 = arith.constant 160 : i32
      %lt3A_647 = arith.cmpi slt, %add3A_645, %lt3A_646 : i32
      %convert_element_type3A_648 = arith.extui %lt3A_647 : i1 to i32
      %cond3A_649 = arith.constant 0 : i32
      %cond3A_650 = arith.cmpi ne, %convert_element_type3A_648, %cond3A_649 : i32
      scf.if %cond3A_650 {
        %dma_wait3A_692 = arith.constant 0 : i32
        %dma_wait3A_693 = arith.constant 2 : i32
        %dma_wait3A_694 = arith.constant 0 : i32
        %dma_wait3A_695 = arith.constant 0 : i32
        %dma_wait3A_696 = tpu.memref_slice %arg6[%dma_wait3A_693, %dma_wait3A_694, %dma_wait3A_695] : memref<8x2x64xi32, #tpu.memory_space<vmem>> -> memref<1x1x64xi32, #tpu.memory_space<vmem>>
        %dma_wait3A_697 = tpu.memref_squeeze %dma_wait3A_696 : memref<1x1x64xi32, #tpu.memory_space<vmem>> -> memref<64xi32, #tpu.memory_space<vmem>>
        %dma_wait3A_698 = arith.constant 0 : i32
        %dma_wait3A_699 = tpu.memref_slice %arg3[%arg0, %arg1, %dma_wait3A_692, %dma_wait3A_698] : memref<2x16x160x64xi32, #tpu.memory_space<hbm>> -> memref<1x1x1x64xi32, #tpu.memory_space<hbm>>
        %dma_wait3A_700 = tpu.memref_squeeze %dma_wait3A_699 : memref<1x1x1x64xi32, #tpu.memory_space<hbm>> -> memref<64xi32, #tpu.memory_space<hbm>>
        %dma_wait3A_701 = arith.constant 0 : i32
        %dma_wait3A_702 = tpu.memref_slice %arg6[%dma_wait3A_693, %dma_wait3A_694, %dma_wait3A_701] : memref<8x2x64xi32, #tpu.memory_space<vmem>> -> memref<1x1x64xi32, #tpu.memory_space<vmem>>
        %dma_wait3A_703 = tpu.memref_squeeze %dma_wait3A_702 : memref<1x1x64xi32, #tpu.memory_space<vmem>> -> memref<64xi32, #tpu.memory_space<vmem>>
        %dma_wait3A_704 = arith.constant 0 : i32
        %dma_wait3A_705 = tpu.memref_slice %arg3[%arg0, %arg1, %dma_wait3A_692, %dma_wait3A_704] : memref<2x16x160x64xi32, #tpu.memory_space<hbm>> -> memref<1x1x1x64xi32, #tpu.memory_space<hbm>>
        %dma_wait3A_706 = tpu.memref_squeeze %dma_wait3A_705 : memref<1x1x1x64xi32, #tpu.memory_space<hbm>> -> memref<64xi32, #tpu.memory_space<hbm>>
        tpu.wait_dma2 semaphore(%arg15 : memref<!tpu.dma_semaphore, #tpu.memory_space<semaphore_mem>>) src(%dma_wait3A_706 : memref<64xi32, #tpu.memory_space<hbm>>) dst(%dma_wait3A_703 : memref<64xi32, #tpu.memory_space<vmem>>)
        %dma_wait3A_707 = arith.constant 0 : i32
        %dma_wait3A_708 = arith.constant 2 : i32
        %dma_wait3A_709 = arith.constant 1 : i32
        %dma_wait3A_710 = arith.constant 0 : i32
        %dma_wait3A_711 = tpu.memref_slice %arg6[%dma_wait3A_708, %dma_wait3A_709, %dma_wait3A_710] : memref<8x2x64xi32, #tpu.memory_space<vmem>> -> memref<1x1x64xi32, #tpu.memory_space<vmem>>
        %dma_wait3A_712 = tpu.memref_squeeze %dma_wait3A_711 : memref<1x1x64xi32, #tpu.memory_space<vmem>> -> memref<64xi32, #tpu.memory_space<vmem>>
        %dma_wait3A_713 = arith.constant 0 : i32
        %dma_wait3A_714 = tpu.memref_slice %arg4[%arg1, %dma_wait3A_707, %dma_wait3A_713] : memref<16x160x64xi32, #tpu.memory_space<hbm>> -> memref<1x1x64xi32, #tpu.memory_space<hbm>>
        %dma_wait3A_715 = tpu.memref_squeeze %dma_wait3A_714 : memref<1x1x64xi32, #tpu.memory_space<hbm>> -> memref<64xi32, #tpu.memory_space<hbm>>
        %dma_wait3A_716 = arith.constant 0 : i32
        %dma_wait3A_717 = tpu.memref_slice %arg6[%dma_wait3A_708, %dma_wait3A_709, %dma_wait3A_716] : memref<8x2x64xi32, #tpu.memory_space<vmem>> -> memref<1x1x64xi32, #tpu.memory_space<vmem>>
        %dma_wait3A_718 = tpu.memref_squeeze %dma_wait3A_717 : memref<1x1x64xi32, #tpu.memory_space<vmem>> -> memref<64xi32, #tpu.memory_space<vmem>>
        %dma_wait3A_719 = arith.constant 0 : i32
        %dma_wait3A_720 = tpu.memref_slice %arg4[%arg1, %dma_wait3A_707, %dma_wait3A_719] : memref<16x160x64xi32, #tpu.memory_space<hbm>> -> memref<1x1x64xi32, #tpu.memory_space<hbm>>
        %dma_wait3A_721 = tpu.memref_squeeze %dma_wait3A_720 : memref<1x1x64xi32, #tpu.memory_space<hbm>> -> memref<64xi32, #tpu.memory_space<hbm>>
        tpu.wait_dma2 semaphore(%arg15 : memref<!tpu.dma_semaphore, #tpu.memory_space<semaphore_mem>>) src(%dma_wait3A_721 : memref<64xi32, #tpu.memory_space<hbm>>) dst(%dma_wait3A_718 : memref<64xi32, #tpu.memory_space<vmem>>)
        %dma_start3A_722 = arith.constant 2 : i32
        %dma_start3A_723 = arith.constant 0 : i32
        %dma_start3A_724 = arith.constant 2 : i32
        %dma_start3A_725 = arith.constant 0 : i32
        %dma_start3A_726 = arith.constant 0 : i32
        %dma_start3A_727 = tpu.memref_slice %arg7[%dma_start3A_724, %dma_start3A_725, %dma_start3A_726] : memref<4x64x128xf32, #tpu.memory_space<vmem>> -> memref<1x64x128xf32, #tpu.memory_space<vmem>>
        %dma_start3A_728 = tpu.memref_squeeze %dma_start3A_727 : memref<1x64x128xf32, #tpu.memory_space<vmem>> -> memref<64x128xf32, #tpu.memory_space<vmem>>
        %dma_start3A_729 = arith.constant 0 : i32
        %dma_start3A_730 = tpu.memref_slice %arg6[%dma_start3A_722, %dma_start3A_723, %dma_start3A_729] : memref<8x2x64xi32, #tpu.memory_space<vmem>> -> memref<1x1x64xi32, #tpu.memory_space<vmem>>
        %dma_start3A_731 = tpu.memref_squeeze %dma_start3A_730 : memref<1x1x64xi32, #tpu.memory_space<vmem>> -> memref<64xi32, #tpu.memory_space<vmem>>
        %dma_start3A_732 = arith.constant 0 : i32
        %dma_start3A_733 = arith.constant 0 : i32
        %dma_start3A_734 = tpu.memref_slice %arg2[%dma_start3A_732, %dma_start3A_733] : memref<20480x128xf32, #tpu.memory_space<hbm>> -> memref<20480x128xf32, #tpu.memory_space<hbm>>
        tpu.enqueue_indirect_dma source(%dma_start3A_734 : memref<20480x128xf32, #tpu.memory_space<hbm>>) target(%dma_start3A_728 : memref<64x128xf32, #tpu.memory_space<vmem>>) offsets(%dma_start3A_731 : memref<64xi32, #tpu.memory_space<vmem>>) semaphore(%arg11 : memref<!tpu.dma_semaphore, #tpu.memory_space<semaphore_mem>>)
      } else {
      }
      %add3A_651 = arith.constant 8 : i32
      %add3A_652 = arith.addi %add3A_627, %add3A_651 : i32
      %lt3A_653 = arith.constant 160 : i32
      %lt3A_654 = arith.cmpi slt, %add3A_652, %lt3A_653 : i32
      %convert_element_type3A_655 = arith.extui %lt3A_654 : i1 to i32
      %cond3A_656 = arith.constant 0 : i32
      %cond3A_657 = arith.cmpi ne, %convert_element_type3A_655, %cond3A_656 : i32
      scf.if %cond3A_657 {
        %add3A_692 = arith.constant 8 : i32
        %add3A_693 = arith.addi %add3A_627, %add3A_692 : i32
        %dma_start3A_694 = arith.constant 6 : i32
        %dma_start3A_695 = arith.constant 0 : i32
        %dma_start3A_696 = arith.constant 0 : i32
        %dma_start3A_697 = tpu.memref_slice %arg6[%dma_start3A_694, %dma_start3A_695, %dma_start3A_696] : memref<8x2x64xi32, #tpu.memory_space<vmem>> -> memref<1x1x64xi32, #tpu.memory_space<vmem>>
        %dma_start3A_698 = tpu.memref_squeeze %dma_start3A_697 : memref<1x1x64xi32, #tpu.memory_space<vmem>> -> memref<64xi32, #tpu.memory_space<vmem>>
        %dma_start3A_699 = arith.constant 0 : i32
        %dma_start3A_700 = tpu.memref_slice %arg3[%arg0, %arg1, %add3A_693, %dma_start3A_699] : memref<2x16x160x64xi32, #tpu.memory_space<hbm>> -> memref<1x1x1x64xi32, #tpu.memory_space<hbm>>
        %dma_start3A_701 = tpu.memref_squeeze %dma_start3A_700 : memref<1x1x1x64xi32, #tpu.memory_space<hbm>> -> memref<64xi32, #tpu.memory_space<hbm>>
        %dma_start3A_702 = arith.constant 0 : i32
        %dma_start3A_703 = tpu.memref_slice %arg6[%dma_start3A_694, %dma_start3A_695, %dma_start3A_702] : memref<8x2x64xi32, #tpu.memory_space<vmem>> -> memref<1x1x64xi32, #tpu.memory_space<vmem>>
        %dma_start3A_704 = tpu.memref_squeeze %dma_start3A_703 : memref<1x1x64xi32, #tpu.memory_space<vmem>> -> memref<64xi32, #tpu.memory_space<vmem>>
        %dma_start3A_705 = arith.constant 0 : i32
        %dma_start3A_706 = tpu.memref_slice %arg3[%arg0, %arg1, %add3A_693, %dma_start3A_705] : memref<2x16x160x64xi32, #tpu.memory_space<hbm>> -> memref<1x1x1x64xi32, #tpu.memory_space<hbm>>
        %dma_start3A_707 = tpu.memref_squeeze %dma_start3A_706 : memref<1x1x1x64xi32, #tpu.memory_space<hbm>> -> memref<64xi32, #tpu.memory_space<hbm>>
        tpu.enqueue_dma source(%dma_start3A_707 : memref<64xi32, #tpu.memory_space<hbm>>) target(%dma_start3A_704 : memref<64xi32, #tpu.memory_space<vmem>>) target_semaphore(%arg19 : memref<!tpu.dma_semaphore, #tpu.memory_space<semaphore_mem>>)
        %dma_start3A_708 = arith.constant 6 : i32
        %dma_start3A_709 = arith.constant 1 : i32
        %dma_start3A_710 = arith.constant 0 : i32
        %dma_start3A_711 = tpu.memref_slice %arg6[%dma_start3A_708, %dma_start3A_709, %dma_start3A_710] : memref<8x2x64xi32, #tpu.memory_space<vmem>> -> memref<1x1x64xi32, #tpu.memory_space<vmem>>
        %dma_start3A_712 = tpu.memref_squeeze %dma_start3A_711 : memref<1x1x64xi32, #tpu.memory_space<vmem>> -> memref<64xi32, #tpu.memory_space<vmem>>
        %dma_start3A_713 = arith.constant 0 : i32
        %dma_start3A_714 = tpu.memref_slice %arg4[%arg1, %add3A_693, %dma_start3A_713] : memref<16x160x64xi32, #tpu.memory_space<hbm>> -> memref<1x1x64xi32, #tpu.memory_space<hbm>>
        %dma_start3A_715 = tpu.memref_squeeze %dma_start3A_714 : memref<1x1x64xi32, #tpu.memory_space<hbm>> -> memref<64xi32, #tpu.memory_space<hbm>>
        %dma_start3A_716 = arith.constant 0 : i32
        %dma_start3A_717 = tpu.memref_slice %arg6[%dma_start3A_708, %dma_start3A_709, %dma_start3A_716] : memref<8x2x64xi32, #tpu.memory_space<vmem>> -> memref<1x1x64xi32, #tpu.memory_space<vmem>>
        %dma_start3A_718 = tpu.memref_squeeze %dma_start3A_717 : memref<1x1x64xi32, #tpu.memory_space<vmem>> -> memref<64xi32, #tpu.memory_space<vmem>>
        %dma_start3A_719 = arith.constant 0 : i32
        %dma_start3A_720 = tpu.memref_slice %arg4[%arg1, %add3A_693, %dma_start3A_719] : memref<16x160x64xi32, #tpu.memory_space<hbm>> -> memref<1x1x64xi32, #tpu.memory_space<hbm>>
        %dma_start3A_721 = tpu.memref_squeeze %dma_start3A_720 : memref<1x1x64xi32, #tpu.memory_space<hbm>> -> memref<64xi32, #tpu.memory_space<hbm>>
        tpu.enqueue_dma source(%dma_start3A_721 : memref<64xi32, #tpu.memory_space<hbm>>) target(%dma_start3A_718 : memref<64xi32, #tpu.memory_space<vmem>>) target_semaphore(%arg19 : memref<!tpu.dma_semaphore, #tpu.memory_space<semaphore_mem>>)
      } else {
      }
      %mul3A_658 = arith.constant 8 : i32
      %mul3A_659 = arith.muli %scan3A_423, %mul3A_658 : i32
      %add3A_660 = arith.constant 7 : i32
      %add3A_661 = arith.addi %mul3A_659, %add3A_660 : i32
      %dma_wait3A_662 = arith.constant 7 : i32
      %dma_wait3A_663 = arith.constant 0 : i32
      %dma_wait3A_664 = arith.constant 3 : i32
      %dma_wait3A_665 = arith.constant 0 : i32
      %dma_wait3A_666 = arith.constant 0 : i32
      %dma_wait3A_667 = tpu.memref_slice %arg7[%dma_wait3A_664, %dma_wait3A_665, %dma_wait3A_666] : memref<4x64x128xf32, #tpu.memory_space<vmem>> -> memref<1x64x128xf32, #tpu.memory_space<vmem>>
      %dma_wait3A_668 = tpu.memref_squeeze %dma_wait3A_667 : memref<1x64x128xf32, #tpu.memory_space<vmem>> -> memref<64x128xf32, #tpu.memory_space<vmem>>
      %dma_wait3A_669 = arith.constant 0 : i32
      %dma_wait3A_670 = tpu.memref_slice %arg6[%dma_wait3A_662, %dma_wait3A_663, %dma_wait3A_669] : memref<8x2x64xi32, #tpu.memory_space<vmem>> -> memref<1x1x64xi32, #tpu.memory_space<vmem>>
      %dma_wait3A_671 = tpu.memref_squeeze %dma_wait3A_670 : memref<1x1x64xi32, #tpu.memory_space<vmem>> -> memref<64xi32, #tpu.memory_space<vmem>>
      %dma_wait3A_672 = arith.constant 0 : i32
      %dma_wait3A_673 = arith.constant 0 : i32
      %dma_wait3A_674 = tpu.memref_slice %arg2[%dma_wait3A_672, %dma_wait3A_673] : memref<20480x128xf32, #tpu.memory_space<hbm>> -> memref<20480x128xf32, #tpu.memory_space<hbm>>
      tpu.wait_indirect_dma semaphore(%arg12 : memref<!tpu.dma_semaphore, #tpu.memory_space<semaphore_mem>>) src(%dma_wait3A_674 : memref<20480x128xf32, #tpu.memory_space<hbm>>) dst(%dma_wait3A_668 : memref<64x128xf32, #tpu.memory_space<vmem>>)
      %run_scoped3A_675 = arith.constant 3 : i32
      %run_scoped3A_676 = arith.constant 7 : i32
      %run_scoped3A_677 = arith.constant 1 : i32
      "tpu.region"() ({
        %run_scoped3A_692 = tpu.sem_alloc : memref<!tpu.dma_semaphore, #tpu.memory_space<semaphore_mem>>
        %dma_start3A_693 = arith.constant 0 : i32
        %dma_start3A_694 = arith.constant 0 : i32
        %dma_start3A_695 = tpu.memref_slice %arg7[%run_scoped3A_675, %dma_start3A_693, %dma_start3A_694] : memref<4x64x128xf32, #tpu.memory_space<vmem>> -> memref<1x64x128xf32, #tpu.memory_space<vmem>>
        %dma_start3A_696 = tpu.memref_squeeze %dma_start3A_695 : memref<1x64x128xf32, #tpu.memory_space<vmem>> -> memref<64x128xf32, #tpu.memory_space<vmem>>
        %dma_start3A_697 = arith.constant 0 : i32
        %dma_start3A_698 = tpu.memref_slice %arg6[%run_scoped3A_676, %run_scoped3A_677, %dma_start3A_697] : memref<8x2x64xi32, #tpu.memory_space<vmem>> -> memref<1x1x64xi32, #tpu.memory_space<vmem>>
        %dma_start3A_699 = tpu.memref_squeeze %dma_start3A_698 : memref<1x1x64xi32, #tpu.memory_space<vmem>> -> memref<64xi32, #tpu.memory_space<vmem>>
        %dma_start3A_700 = arith.constant 0 : i32
        %dma_start3A_701 = arith.constant 0 : i32
        %dma_start3A_702 = tpu.memref_slice %arg8[%dma_start3A_700, %dma_start3A_701] : memref<10240x128xf32, #tpu.memory_space<vmem_shared>> -> memref<10240x128xf32, #tpu.memory_space<vmem_shared>>
        tpu.enqueue_indirect_dma source(%dma_start3A_696 : memref<64x128xf32, #tpu.memory_space<vmem>>) target(%dma_start3A_702 : memref<10240x128xf32, #tpu.memory_space<vmem_shared>>) offsets(%dma_start3A_699 : memref<64xi32, #tpu.memory_space<vmem>>) semaphore(%run_scoped3A_692 : memref<!tpu.dma_semaphore, #tpu.memory_space<semaphore_mem>>) {add = true}
        %dma_wait3A_703 = arith.constant 0 : i32
        %dma_wait3A_704 = arith.constant 0 : i32
        %dma_wait3A_705 = tpu.memref_slice %arg7[%run_scoped3A_675, %dma_wait3A_703, %dma_wait3A_704] : memref<4x64x128xf32, #tpu.memory_space<vmem>> -> memref<1x64x128xf32, #tpu.memory_space<vmem>>
        %dma_wait3A_706 = tpu.memref_squeeze %dma_wait3A_705 : memref<1x64x128xf32, #tpu.memory_space<vmem>> -> memref<64x128xf32, #tpu.memory_space<vmem>>
        %dma_wait3A_707 = arith.constant 0 : i32
        %dma_wait3A_708 = tpu.memref_slice %arg6[%run_scoped3A_676, %run_scoped3A_677, %dma_wait3A_707] : memref<8x2x64xi32, #tpu.memory_space<vmem>> -> memref<1x1x64xi32, #tpu.memory_space<vmem>>
        %dma_wait3A_709 = tpu.memref_squeeze %dma_wait3A_708 : memref<1x1x64xi32, #tpu.memory_space<vmem>> -> memref<64xi32, #tpu.memory_space<vmem>>
        %dma_wait3A_710 = arith.constant 0 : i32
        %dma_wait3A_711 = arith.constant 0 : i32
        %dma_wait3A_712 = tpu.memref_slice %arg8[%dma_wait3A_710, %dma_wait3A_711] : memref<10240x128xf32, #tpu.memory_space<vmem_shared>> -> memref<10240x128xf32, #tpu.memory_space<vmem_shared>>
        tpu.wait_indirect_dma semaphore(%run_scoped3A_692 : memref<!tpu.dma_semaphore, #tpu.memory_space<semaphore_mem>>) src(%dma_wait3A_706 : memref<64x128xf32, #tpu.memory_space<vmem>>) dst(%dma_wait3A_712 : memref<10240x128xf32, #tpu.memory_space<vmem_shared>>)
        tpu.yield
      }) : () -> ()
      %add3A_678 = arith.constant 4 : i32
      %add3A_679 = arith.addi %add3A_661, %add3A_678 : i32
      %lt3A_680 = arith.constant 160 : i32
      %lt3A_681 = arith.cmpi slt, %add3A_679, %lt3A_680 : i32
      %convert_element_type3A_682 = arith.extui %lt3A_681 : i1 to i32
      %cond3A_683 = arith.constant 0 : i32
      %cond3A_684 = arith.cmpi ne, %convert_element_type3A_682, %cond3A_683 : i32
      scf.if %cond3A_684 {
        %dma_wait3A_692 = arith.constant 0 : i32
        %dma_wait3A_693 = arith.constant 3 : i32
        %dma_wait3A_694 = arith.constant 0 : i32
        %dma_wait3A_695 = arith.constant 0 : i32
        %dma_wait3A_696 = tpu.memref_slice %arg6[%dma_wait3A_693, %dma_wait3A_694, %dma_wait3A_695] : memref<8x2x64xi32, #tpu.memory_space<vmem>> -> memref<1x1x64xi32, #tpu.memory_space<vmem>>
        %dma_wait3A_697 = tpu.memref_squeeze %dma_wait3A_696 : memref<1x1x64xi32, #tpu.memory_space<vmem>> -> memref<64xi32, #tpu.memory_space<vmem>>
        %dma_wait3A_698 = arith.constant 0 : i32
        %dma_wait3A_699 = tpu.memref_slice %arg3[%arg0, %arg1, %dma_wait3A_692, %dma_wait3A_698] : memref<2x16x160x64xi32, #tpu.memory_space<hbm>> -> memref<1x1x1x64xi32, #tpu.memory_space<hbm>>
        %dma_wait3A_700 = tpu.memref_squeeze %dma_wait3A_699 : memref<1x1x1x64xi32, #tpu.memory_space<hbm>> -> memref<64xi32, #tpu.memory_space<hbm>>
        %dma_wait3A_701 = arith.constant 0 : i32
        %dma_wait3A_702 = tpu.memref_slice %arg6[%dma_wait3A_693, %dma_wait3A_694, %dma_wait3A_701] : memref<8x2x64xi32, #tpu.memory_space<vmem>> -> memref<1x1x64xi32, #tpu.memory_space<vmem>>
        %dma_wait3A_703 = tpu.memref_squeeze %dma_wait3A_702 : memref<1x1x64xi32, #tpu.memory_space<vmem>> -> memref<64xi32, #tpu.memory_space<vmem>>
        %dma_wait3A_704 = arith.constant 0 : i32
        %dma_wait3A_705 = tpu.memref_slice %arg3[%arg0, %arg1, %dma_wait3A_692, %dma_wait3A_704] : memref<2x16x160x64xi32, #tpu.memory_space<hbm>> -> memref<1x1x1x64xi32, #tpu.memory_space<hbm>>
        %dma_wait3A_706 = tpu.memref_squeeze %dma_wait3A_705 : memref<1x1x1x64xi32, #tpu.memory_space<hbm>> -> memref<64xi32, #tpu.memory_space<hbm>>
        tpu.wait_dma2 semaphore(%arg16 : memref<!tpu.dma_semaphore, #tpu.memory_space<semaphore_mem>>) src(%dma_wait3A_706 : memref<64xi32, #tpu.memory_space<hbm>>) dst(%dma_wait3A_703 : memref<64xi32, #tpu.memory_space<vmem>>)
        %dma_wait3A_707 = arith.constant 0 : i32
        %dma_wait3A_708 = arith.constant 3 : i32
        %dma_wait3A_709 = arith.constant 1 : i32
        %dma_wait3A_710 = arith.constant 0 : i32
        %dma_wait3A_711 = tpu.memref_slice %arg6[%dma_wait3A_708, %dma_wait3A_709, %dma_wait3A_710] : memref<8x2x64xi32, #tpu.memory_space<vmem>> -> memref<1x1x64xi32, #tpu.memory_space<vmem>>
        %dma_wait3A_712 = tpu.memref_squeeze %dma_wait3A_711 : memref<1x1x64xi32, #tpu.memory_space<vmem>> -> memref<64xi32, #tpu.memory_space<vmem>>
        %dma_wait3A_713 = arith.constant 0 : i32
        %dma_wait3A_714 = tpu.memref_slice %arg4[%arg1, %dma_wait3A_707, %dma_wait3A_713] : memref<16x160x64xi32, #tpu.memory_space<hbm>> -> memref<1x1x64xi32, #tpu.memory_space<hbm>>
        %dma_wait3A_715 = tpu.memref_squeeze %dma_wait3A_714 : memref<1x1x64xi32, #tpu.memory_space<hbm>> -> memref<64xi32, #tpu.memory_space<hbm>>
        %dma_wait3A_716 = arith.constant 0 : i32
        %dma_wait3A_717 = tpu.memref_slice %arg6[%dma_wait3A_708, %dma_wait3A_709, %dma_wait3A_716] : memref<8x2x64xi32, #tpu.memory_space<vmem>> -> memref<1x1x64xi32, #tpu.memory_space<vmem>>
        %dma_wait3A_718 = tpu.memref_squeeze %dma_wait3A_717 : memref<1x1x64xi32, #tpu.memory_space<vmem>> -> memref<64xi32, #tpu.memory_space<vmem>>
        %dma_wait3A_719 = arith.constant 0 : i32
        %dma_wait3A_720 = tpu.memref_slice %arg4[%arg1, %dma_wait3A_707, %dma_wait3A_719] : memref<16x160x64xi32, #tpu.memory_space<hbm>> -> memref<1x1x64xi32, #tpu.memory_space<hbm>>
        %dma_wait3A_721 = tpu.memref_squeeze %dma_wait3A_720 : memref<1x1x64xi32, #tpu.memory_space<hbm>> -> memref<64xi32, #tpu.memory_space<hbm>>
        tpu.wait_dma2 semaphore(%arg16 : memref<!tpu.dma_semaphore, #tpu.memory_space<semaphore_mem>>) src(%dma_wait3A_721 : memref<64xi32, #tpu.memory_space<hbm>>) dst(%dma_wait3A_718 : memref<64xi32, #tpu.memory_space<vmem>>)
        %dma_start3A_722 = arith.constant 3 : i32
        %dma_start3A_723 = arith.constant 0 : i32
        %dma_start3A_724 = arith.constant 3 : i32
        %dma_start3A_725 = arith.constant 0 : i32
        %dma_start3A_726 = arith.constant 0 : i32
        %dma_start3A_727 = tpu.memref_slice %arg7[%dma_start3A_724, %dma_start3A_725, %dma_start3A_726] : memref<4x64x128xf32, #tpu.memory_space<vmem>> -> memref<1x64x128xf32, #tpu.memory_space<vmem>>
        %dma_start3A_728 = tpu.memref_squeeze %dma_start3A_727 : memref<1x64x128xf32, #tpu.memory_space<vmem>> -> memref<64x128xf32, #tpu.memory_space<vmem>>
        %dma_start3A_729 = arith.constant 0 : i32
        %dma_start3A_730 = tpu.memref_slice %arg6[%dma_start3A_722, %dma_start3A_723, %dma_start3A_729] : memref<8x2x64xi32, #tpu.memory_space<vmem>> -> memref<1x1x64xi32, #tpu.memory_space<vmem>>
        %dma_start3A_731 = tpu.memref_squeeze %dma_start3A_730 : memref<1x1x64xi32, #tpu.memory_space<vmem>> -> memref<64xi32, #tpu.memory_space<vmem>>
        %dma_start3A_732 = arith.constant 0 : i32
        %dma_start3A_733 = arith.constant 0 : i32
        %dma_start3A_734 = tpu.memref_slice %arg2[%dma_start3A_732, %dma_start3A_733] : memref<20480x128xf32, #tpu.memory_space<hbm>> -> memref<20480x128xf32, #tpu.memory_space<hbm>>
        tpu.enqueue_indirect_dma source(%dma_start3A_734 : memref<20480x128xf32, #tpu.memory_space<hbm>>) target(%dma_start3A_728 : memref<64x128xf32, #tpu.memory_space<vmem>>) offsets(%dma_start3A_731 : memref<64xi32, #tpu.memory_space<vmem>>) semaphore(%arg12 : memref<!tpu.dma_semaphore, #tpu.memory_space<semaphore_mem>>)
      } else {
      }
      %add3A_685 = arith.constant 8 : i32
      %add3A_686 = arith.addi %add3A_661, %add3A_685 : i32
      %lt3A_687 = arith.constant 160 : i32
      %lt3A_688 = arith.cmpi slt, %add3A_686, %lt3A_687 : i32
      %convert_element_type3A_689 = arith.extui %lt3A_688 : i1 to i32
      %cond3A_690 = arith.constant 0 : i32
      %cond3A_691 = arith.cmpi ne, %convert_element_type3A_689, %cond3A_690 : i32
      scf.if %cond3A_691 {
        %add3A_692 = arith.constant 8 : i32
        %add3A_693 = arith.addi %add3A_661, %add3A_692 : i32
        %dma_start3A_694 = arith.constant 7 : i32
        %dma_start3A_695 = arith.constant 0 : i32
        %dma_start3A_696 = arith.constant 0 : i32
        %dma_start3A_697 = tpu.memref_slice %arg6[%dma_start3A_694, %dma_start3A_695, %dma_start3A_696] : memref<8x2x64xi32, #tpu.memory_space<vmem>> -> memref<1x1x64xi32, #tpu.memory_space<vmem>>
        %dma_start3A_698 = tpu.memref_squeeze %dma_start3A_697 : memref<1x1x64xi32, #tpu.memory_space<vmem>> -> memref<64xi32, #tpu.memory_space<vmem>>
        %dma_start3A_699 = arith.constant 0 : i32
        %dma_start3A_700 = tpu.memref_slice %arg3[%arg0, %arg1, %add3A_693, %dma_start3A_699] : memref<2x16x160x64xi32, #tpu.memory_space<hbm>> -> memref<1x1x1x64xi32, #tpu.memory_space<hbm>>
        %dma_start3A_701 = tpu.memref_squeeze %dma_start3A_700 : memref<1x1x1x64xi32, #tpu.memory_space<hbm>> -> memref<64xi32, #tpu.memory_space<hbm>>
        %dma_start3A_702 = arith.constant 0 : i32
        %dma_start3A_703 = tpu.memref_slice %arg6[%dma_start3A_694, %dma_start3A_695, %dma_start3A_702] : memref<8x2x64xi32, #tpu.memory_space<vmem>> -> memref<1x1x64xi32, #tpu.memory_space<vmem>>
        %dma_start3A_704 = tpu.memref_squeeze %dma_start3A_703 : memref<1x1x64xi32, #tpu.memory_space<vmem>> -> memref<64xi32, #tpu.memory_space<vmem>>
        %dma_start3A_705 = arith.constant 0 : i32
        %dma_start3A_706 = tpu.memref_slice %arg3[%arg0, %arg1, %add3A_693, %dma_start3A_705] : memref<2x16x160x64xi32, #tpu.memory_space<hbm>> -> memref<1x1x1x64xi32, #tpu.memory_space<hbm>>
        %dma_start3A_707 = tpu.memref_squeeze %dma_start3A_706 : memref<1x1x1x64xi32, #tpu.memory_space<hbm>> -> memref<64xi32, #tpu.memory_space<hbm>>
        tpu.enqueue_dma source(%dma_start3A_707 : memref<64xi32, #tpu.memory_space<hbm>>) target(%dma_start3A_704 : memref<64xi32, #tpu.memory_space<vmem>>) target_semaphore(%arg20 : memref<!tpu.dma_semaphore, #tpu.memory_space<semaphore_mem>>)
        %dma_start3A_708 = arith.constant 7 : i32
        %dma_start3A_709 = arith.constant 1 : i32
        %dma_start3A_710 = arith.constant 0 : i32
        %dma_start3A_711 = tpu.memref_slice %arg6[%dma_start3A_708, %dma_start3A_709, %dma_start3A_710] : memref<8x2x64xi32, #tpu.memory_space<vmem>> -> memref<1x1x64xi32, #tpu.memory_space<vmem>>
        %dma_start3A_712 = tpu.memref_squeeze %dma_start3A_711 : memref<1x1x64xi32, #tpu.memory_space<vmem>> -> memref<64xi32, #tpu.memory_space<vmem>>
        %dma_start3A_713 = arith.constant 0 : i32
        %dma_start3A_714 = tpu.memref_slice %arg4[%arg1, %add3A_693, %dma_start3A_713] : memref<16x160x64xi32, #tpu.memory_space<hbm>> -> memref<1x1x64xi32, #tpu.memory_space<hbm>>
        %dma_start3A_715 = tpu.memref_squeeze %dma_start3A_714 : memref<1x1x64xi32, #tpu.memory_space<hbm>> -> memref<64xi32, #tpu.memory_space<hbm>>
        %dma_start3A_716 = arith.constant 0 : i32
        %dma_start3A_717 = tpu.memref_slice %arg6[%dma_start3A_708, %dma_start3A_709, %dma_start3A_716] : memref<8x2x64xi32, #tpu.memory_space<vmem>> -> memref<1x1x64xi32, #tpu.memory_space<vmem>>
        %dma_start3A_718 = tpu.memref_squeeze %dma_start3A_717 : memref<1x1x64xi32, #tpu.memory_space<vmem>> -> memref<64xi32, #tpu.memory_space<vmem>>
        %dma_start3A_719 = arith.constant 0 : i32
        %dma_start3A_720 = tpu.memref_slice %arg4[%arg1, %add3A_693, %dma_start3A_719] : memref<16x160x64xi32, #tpu.memory_space<hbm>> -> memref<1x1x64xi32, #tpu.memory_space<hbm>>
        %dma_start3A_721 = tpu.memref_squeeze %dma_start3A_720 : memref<1x1x64xi32, #tpu.memory_space<hbm>> -> memref<64xi32, #tpu.memory_space<hbm>>
        tpu.enqueue_dma source(%dma_start3A_721 : memref<64xi32, #tpu.memory_space<hbm>>) target(%dma_start3A_718 : memref<64xi32, #tpu.memory_space<vmem>>) target_semaphore(%arg20 : memref<!tpu.dma_semaphore, #tpu.memory_space<semaphore_mem>>)
      } else {
      }
    }
    %scan3A_419 = arith.constant 20 : i32
    %barrier3A_420 = arith.constant 0 : index
    tpu.barrier barrier_id(%barrier3A_420)
    %mul3A_421 = arith.constant 640 : i32
    %mul3A_422 = arith.muli %arg1, %mul3A_421 : i32
    "tpu.region"() ({
      %run_scoped3A = tpu.sem_alloc : memref<!tpu.dma_semaphore, #tpu.memory_space<semaphore_mem>>
      %dma_start3A_423 = arith.constant 0 : i32
      %dma_start3A_424 = tpu.memref_slice %arg5[%add3A, %dma_start3A_423] : memref<20480x128xf32, #tpu.memory_space<hbm>> -> memref<640x128xf32, #tpu.memory_space<hbm>>
      %dma_start3A_425 = arith.constant 0 : i32
      %dma_start3A_426 = tpu.memref_slice %arg8[%mul3A_422, %dma_start3A_425] : memref<10240x128xf32, #tpu.memory_space<vmem_shared>> -> memref<640x128xf32, #tpu.memory_space<vmem_shared>>
      tpu.enqueue_dma source(%dma_start3A_426 : memref<640x128xf32, #tpu.memory_space<vmem_shared>>) target(%dma_start3A_424 : memref<640x128xf32, #tpu.memory_space<hbm>>) target_semaphore(%run_scoped3A : memref<!tpu.dma_semaphore, #tpu.memory_space<semaphore_mem>>)
      %dma_wait3A_427 = arith.constant 0 : i32
      %dma_wait3A_428 = tpu.memref_slice %arg5[%add3A, %dma_wait3A_427] : memref<20480x128xf32, #tpu.memory_space<hbm>> -> memref<640x128xf32, #tpu.memory_space<hbm>>
      %dma_wait3A_429 = arith.constant 0 : i32
      %dma_wait3A_430 = tpu.memref_slice %arg8[%mul3A_422, %dma_wait3A_429] : memref<10240x128xf32, #tpu.memory_space<vmem_shared>> -> memref<640x128xf32, #tpu.memory_space<vmem_shared>>
      tpu.wait_dma2 semaphore(%run_scoped3A : memref<!tpu.dma_semaphore, #tpu.memory_space<semaphore_mem>>) src(%dma_wait3A_430 : memref<640x128xf32, #tpu.memory_space<vmem_shared>>) dst(%dma_wait3A_428 : memref<640x128xf32, #tpu.memory_space<hbm>>)
      tpu.yield
    }) : () -> ()
    return
  }
}

module attributes {stable_mosaic.version = 14 : i64} {
  func.func @_stageB_body(%arg0: i32, %arg1: memref<512x256xf32, #tpu.memory_space<vmem>>, %arg2: memref<2x512xf32, #tpu.memory_space<vmem>>, %arg3: memref<256x256xf32, #tpu.memory_space<vmem>>, %arg4: memref<1x256xf32, #tpu.memory_space<vmem>>, %arg5: memref<256x256xf32, #tpu.memory_space<vmem>>, %arg6: memref<2x512x128xf32, #tpu.memory_space<vmem>>) attributes {dimension_semantics = [#tpu.dimension_semantics<arbitrary>], iteration_bounds = array<i64: 20>, scalar_prefetch = 0 : i64, scratch_operands = 0 : i64, tpu.core_type = #tpu.core_type<tc>, window_params = [{transform_indices = @transform_0, window_bounds = array<i64: 512, 256>}, {transform_indices = @transform_1, window_bounds = array<i64: 2, 512>}, {pipeline_mode = #tpu.pipeline_mode<synchronous>, transform_indices = @transform_2, window_bounds = array<i64: 256, 256>}, {pipeline_mode = #tpu.pipeline_mode<synchronous>, transform_indices = @transform_3, window_bounds = array<i64: 1, 256>}, {pipeline_mode = #tpu.pipeline_mode<synchronous>, transform_indices = @transform_4, window_bounds = array<i64: 256, 256>}, {transform_indices = @transform_5, window_bounds = array<i64: 2, 512, 128>}]} {
    %get3A = arith.constant 0 : index
    %get3A_0 = arith.constant 0 : index
    %get3A_1 = vector.load %arg2[%get3A, %get3A_0] : memref<2x512xf32, #tpu.memory_space<vmem>>, vector<1x512xf32>
    %get3A_2 = vector.shape_cast %get3A_1 : vector<1x512xf32> to vector<512xf32>
    %get3A_3 = arith.constant 1 : index
    %get3A_4 = arith.constant 0 : index
    %get3A_5 = vector.load %arg2[%get3A_3, %get3A_4] : memref<2x512xf32, #tpu.memory_space<vmem>>, vector<1x512xf32>
    %get3A_6 = vector.shape_cast %get3A_5 : vector<1x512xf32> to vector<512xf32>
    %add3A = arith.addf %get3A_2, %get3A_6 : vector<512xf32>
    %add3A_7 = arith.constant 1.000000e+00 : f32
    %add3A_8 = vector.broadcast %add3A_7 : f32 to vector<512xf32>
    %add3A_9 = arith.addf %add3A, %add3A_8 : vector<512xf32>
    %rsqrt3A = math.rsqrt %add3A_9 : vector<512xf32>
    %broadcast_in_dim3A = vector.shape_cast %rsqrt3A : vector<512xf32> to vector<512x1xf32>
    %get3A_10 = arith.constant 0 : index
    %get3A_11 = arith.constant 0 : index
    %get3A_12 = vector.load %arg1[%get3A_10, %get3A_11] : memref<512x256xf32, #tpu.memory_space<vmem>>, vector<512x256xf32>
    %get3A_13 = arith.constant 0 : index
    %get3A_14 = arith.constant 0 : index
    %get3A_15 = vector.load %arg3[%get3A_13, %get3A_14] : memref<256x256xf32, #tpu.memory_space<vmem>>, vector<256x256xf32>
    %dot_general3A = arith.constant dense<0.000000e+00> : vector<512x256xf32>
    %dot_general3A_16 = tpu.matmul %get3A_12, %get3A_15, %dot_general3A {dimension_numbers = #tpu.dot_dimension_numbers<[1], [0], [0], [1], [0, 0, 1, 1], [], []>, transpose_lhs_hint = false} : vector<512x256xf32>, vector<256x256xf32>, vector<512x256xf32> -> vector<512x256xf32>
    %get3A_17 = arith.constant 0 : index
    %get3A_18 = arith.constant 0 : index
    %get3A_19 = vector.load %arg4[%get3A_17, %get3A_18] : memref<1x256xf32, #tpu.memory_space<vmem>>, vector<1x256xf32>
    %add3A_20 = vector.broadcast %get3A_19 : vector<1x256xf32> to vector<512x256xf32>
    %add3A_21 = arith.addf %dot_general3A_16, %add3A_20 : vector<512x256xf32>
    %max3A = arith.constant 0.000000e+00 : f32
    %max3A_22 = vector.broadcast %max3A : f32 to vector<512x256xf32>
    %max3A_23 = arith.maximumf %add3A_21, %max3A_22 : vector<512x256xf32>
    %get3A_24 = arith.constant 0 : index
    %get3A_25 = arith.constant 0 : index
    %get3A_26 = vector.load %arg5[%get3A_24, %get3A_25] : memref<256x256xf32, #tpu.memory_space<vmem>>, vector<256x256xf32>
    %dot_general3A_27 = arith.constant dense<0.000000e+00> : vector<512x256xf32>
    %dot_general3A_28 = tpu.matmul %max3A_23, %get3A_26, %dot_general3A_27 {dimension_numbers = #tpu.dot_dimension_numbers<[1], [0], [0], [1], [0, 0, 1, 1], [], []>, transpose_lhs_hint = false} : vector<512x256xf32>, vector<256x256xf32>, vector<512x256xf32> -> vector<512x256xf32>
    %mul3A = vector.broadcast %broadcast_in_dim3A : vector<512x1xf32> to vector<512x256xf32>
    %mul3A_29 = arith.mulf %dot_general3A_28, %mul3A : vector<512x256xf32>
    %slice3A = vector.extract_strided_slice %mul3A_29 {offsets = [0, 0], sizes = [512, 128], strides = [1, 1]} : vector<512x256xf32> to vector<512x128xf32>
    %swap3A = arith.constant 0 : index
    %swap3A_30 = arith.constant 0 : index
    %swap3A_31 = arith.constant 0 : index
    %swap3A_32 = vector.load %arg6[%swap3A, %swap3A_30, %swap3A_31] : memref<2x512x128xf32, #tpu.memory_space<vmem>>, vector<1x512x128xf32>
    %swap3A_33 = vector.shape_cast %swap3A_32 : vector<1x512x128xf32> to vector<512x128xf32>
    %swap3A_34 = vector.shape_cast %slice3A : vector<512x128xf32> to vector<1x512x128xf32>
    tpu.vector_store %arg6[%swap3A, %swap3A_30, %swap3A_31], %swap3A_34 {strides = array<i32>} : memref<2x512x128xf32, #tpu.memory_space<vmem>>, vector<1x512x128xf32>,
    %slice3A_35 = vector.extract_strided_slice %mul3A_29 {offsets = [0, 128], sizes = [512, 128], strides = [1, 1]} : vector<512x256xf32> to vector<512x128xf32>
    %swap3A_36 = arith.constant 1 : index
    %swap3A_37 = arith.constant 0 : index
    %swap3A_38 = arith.constant 0 : index
    %swap3A_39 = vector.load %arg6[%swap3A_36, %swap3A_37, %swap3A_38] : memref<2x512x128xf32, #tpu.memory_space<vmem>>, vector<1x512x128xf32>
    %swap3A_40 = vector.shape_cast %swap3A_39 : vector<1x512x128xf32> to vector<512x128xf32>
    %swap3A_41 = vector.shape_cast %slice3A_35 : vector<512x128xf32> to vector<1x512x128xf32>
    tpu.vector_store %arg6[%swap3A_36, %swap3A_37, %swap3A_38], %swap3A_41 {strides = array<i32>} : memref<2x512x128xf32, #tpu.memory_space<vmem>>, vector<1x512x128xf32>,
    return
  }
  func.func @transform_0(%arg0: i32) -> (i32, i32) {
    %c0_i32 = arith.constant 0 : i32
    %c0_i32_0 = arith.constant 0 : i32
    return %arg0, %c0_i32 : i32, i32
  }
  func.func @transform_1(%arg0: i32) -> (i32, i32) {
    %c0_i32 = arith.constant 0 : i32
    %c0_i32_0 = arith.constant 0 : i32
    return %c0_i32, %arg0 : i32, i32
  }
  func.func @transform_2(%arg0: i32) -> (i32, i32) {
    %c0_i32 = arith.constant 0 : i32
    %c0_i32_0 = arith.constant 0 : i32
    %c0_i32_1 = arith.constant 0 : i32
    return %c0_i32, %c0_i32_0 : i32, i32
  }
  func.func @transform_3(%arg0: i32) -> (i32, i32) {
    %c0_i32 = arith.constant 0 : i32
    %c0_i32_0 = arith.constant 0 : i32
    %c0_i32_1 = arith.constant 0 : i32
    return %c0_i32, %c0_i32_0 : i32, i32
  }
  func.func @transform_4(%arg0: i32) -> (i32, i32) {
    %c0_i32 = arith.constant 0 : i32
    %c0_i32_0 = arith.constant 0 : i32
    %c0_i32_1 = arith.constant 0 : i32
    return %c0_i32, %c0_i32_0 : i32, i32
  }
  func.func @transform_5(%arg0: i32) -> (i32, i32, i32) {
    %c0_i32 = arith.constant 0 : i32
    %c0_i32_0 = arith.constant 0 : i32
    %c0_i32_1 = arith.constant 0 : i32
    return %c0_i32, %arg0, %c0_i32_0 : i32, i32, i32
  }
}

module attributes {stable_mosaic.version = 14 : i64} {
  func.func @_stageD_body(%arg0: i32, %arg1: memref<2x512x128xf32, #tpu.memory_space<vmem>>, %arg2: memref<2x512xf32, #tpu.memory_space<vmem>>, %arg3: memref<1x256xf32, #tpu.memory_space<vmem>>, %arg4: memref<256x16xf32, #tpu.memory_space<vmem>>, %arg5: memref<512x16xf32, #tpu.memory_space<vmem>>) attributes {dimension_semantics = [#tpu.dimension_semantics<arbitrary>], iteration_bounds = array<i64: 20>, scalar_prefetch = 0 : i64, scratch_operands = 0 : i64, tpu.core_type = #tpu.core_type<tc>, window_params = [{transform_indices = @transform_0, window_bounds = array<i64: 2, 512, 128>}, {transform_indices = @transform_1, window_bounds = array<i64: 2, 512>}, {pipeline_mode = #tpu.pipeline_mode<synchronous>, transform_indices = @transform_2, window_bounds = array<i64: 1, 256>}, {pipeline_mode = #tpu.pipeline_mode<synchronous>, transform_indices = @transform_3, window_bounds = array<i64: 256, 16>}, {transform_indices = @transform_4, window_bounds = array<i64: 512, 16>}]} {
    %get3A = arith.constant 0 : index
    %get3A_0 = arith.constant 0 : index
    %get3A_1 = vector.load %arg2[%get3A, %get3A_0] : memref<2x512xf32, #tpu.memory_space<vmem>>, vector<1x512xf32>
    %get3A_2 = vector.shape_cast %get3A_1 : vector<1x512xf32> to vector<512xf32>
    %get3A_3 = arith.constant 1 : index
    %get3A_4 = arith.constant 0 : index
    %get3A_5 = vector.load %arg2[%get3A_3, %get3A_4] : memref<2x512xf32, #tpu.memory_space<vmem>>, vector<1x512xf32>
    %get3A_6 = vector.shape_cast %get3A_5 : vector<1x512xf32> to vector<512xf32>
    %add3A = arith.addf %get3A_2, %get3A_6 : vector<512xf32>
    %add3A_7 = arith.constant 1.000000e+00 : f32
    %add3A_8 = vector.broadcast %add3A_7 : f32 to vector<512xf32>
    %add3A_9 = arith.addf %add3A, %add3A_8 : vector<512xf32>
    %rsqrt3A = math.rsqrt %add3A_9 : vector<512xf32>
    %broadcast_in_dim3A = vector.shape_cast %rsqrt3A : vector<512xf32> to vector<512x1xf32>
    %get3A_10 = arith.constant 0 : index
    %get3A_11 = arith.constant 0 : index
    %get3A_12 = arith.constant 0 : index
    %get3A_13 = vector.load %arg1[%get3A_10, %get3A_11, %get3A_12] : memref<2x512x128xf32, #tpu.memory_space<vmem>>, vector<1x512x128xf32>
    %get3A_14 = vector.shape_cast %get3A_13 : vector<1x512x128xf32> to vector<512x128xf32>
    %get3A_15 = arith.constant 1 : index
    %get3A_16 = arith.constant 0 : index
    %get3A_17 = arith.constant 0 : index
    %get3A_18 = vector.load %arg1[%get3A_15, %get3A_16, %get3A_17] : memref<2x512x128xf32, #tpu.memory_space<vmem>>, vector<1x512x128xf32>
    %get3A_19 = vector.shape_cast %get3A_18 : vector<1x512x128xf32> to vector<512x128xf32>
    %concatenate3A = tpu.concatenate %get3A_14, %get3A_19 in 1 : vector<512x128xf32>, vector<512x128xf32> -> vector<512x256xf32>
    %mul3A = vector.broadcast %broadcast_in_dim3A : vector<512x1xf32> to vector<512x256xf32>
    %mul3A_20 = arith.mulf %concatenate3A, %mul3A : vector<512x256xf32>
    %get3A_21 = arith.constant 0 : index
    %get3A_22 = arith.constant 0 : index
    %get3A_23 = vector.load %arg3[%get3A_21, %get3A_22] : memref<1x256xf32, #tpu.memory_space<vmem>>, vector<1x256xf32>
    %add3A_24 = vector.broadcast %get3A_23 : vector<1x256xf32> to vector<512x256xf32>
    %add3A_25 = arith.addf %mul3A_20, %add3A_24 : vector<512x256xf32>
    %max3A = arith.constant 0.000000e+00 : f32
    %max3A_26 = vector.broadcast %max3A : f32 to vector<512x256xf32>
    %max3A_27 = arith.maximumf %add3A_25, %max3A_26 : vector<512x256xf32>
    %get3A_28 = arith.constant 0 : index
    %get3A_29 = arith.constant 0 : index
    %get3A_30 = vector.load %arg4[%get3A_28, %get3A_29] : memref<256x16xf32, #tpu.memory_space<vmem>>, vector<256x16xf32>
    %dot_general3A = arith.constant dense<0.000000e+00> : vector<512x16xf32>
    %dot_general3A_31 = tpu.matmul %max3A_27, %get3A_30, %dot_general3A {dimension_numbers = #tpu.dot_dimension_numbers<[1], [0], [0], [1], [0, 0, 1, 1], [], []>, transpose_lhs_hint = false} : vector<512x256xf32>, vector<256x16xf32>, vector<512x16xf32> -> vector<512x16xf32>
    %mul3A_32 = vector.broadcast %broadcast_in_dim3A : vector<512x1xf32> to vector<512x16xf32>
    %mul3A_33 = arith.mulf %dot_general3A_31, %mul3A_32 : vector<512x16xf32>
    %swap3A = arith.constant 0 : index
    %swap3A_34 = arith.constant 0 : index
    %swap3A_35 = vector.load %arg5[%swap3A, %swap3A_34] : memref<512x16xf32, #tpu.memory_space<vmem>>, vector<512x16xf32>
    tpu.vector_store %arg5[%swap3A, %swap3A_34], %mul3A_33 {strides = array<i32>} : memref<512x16xf32, #tpu.memory_space<vmem>>, vector<512x16xf32>,
    return
  }
  func.func @transform_0(%arg0: i32) -> (i32, i32, i32) {
    %c0_i32 = arith.constant 0 : i32
    %c0_i32_0 = arith.constant 0 : i32
    %c0_i32_1 = arith.constant 0 : i32
    return %c0_i32, %arg0, %c0_i32_0 : i32, i32, i32
  }
  func.func @transform_1(%arg0: i32) -> (i32, i32) {
    %c0_i32 = arith.constant 0 : i32
    %c0_i32_0 = arith.constant 0 : i32
    return %c0_i32, %arg0 : i32, i32
  }
  func.func @transform_2(%arg0: i32) -> (i32, i32) {
    %c0_i32 = arith.constant 0 : i32
    %c0_i32_0 = arith.constant 0 : i32
    %c0_i32_1 = arith.constant 0 : i32
    return %c0_i32, %c0_i32_0 : i32, i32
  }
  func.func @transform_3(%arg0: i32) -> (i32, i32) {
    %c0_i32 = arith.constant 0 : i32
    %c0_i32_0 = arith.constant 0 : i32
    %c0_i32_1 = arith.constant 0 : i32
    return %c0_i32, %c0_i32_0 : i32, i32
  }
  func.func @transform_4(%arg0: i32) -> (i32, i32) {
    %c0_i32 = arith.constant 0 : i32
    %c0_i32_0 = arith.constant 0 : i32
    return %arg0, %c0_i32 : i32, i32
  }
}

module attributes {stable_mosaic.version = 14 : i64} {
  func.func @_stageF_body(%arg0: i32, %arg1: memref<2x512x16xf32, #tpu.memory_space<vmem>>, %arg2: memref<2x512xf32, #tpu.memory_space<vmem>>, %arg3: memref<1x16xf32, #tpu.memory_space<vmem>>, %arg4: memref<512x16xf32, #tpu.memory_space<vmem>>) attributes {dimension_semantics = [#tpu.dimension_semantics<arbitrary>], iteration_bounds = array<i64: 20>, scalar_prefetch = 0 : i64, scratch_operands = 0 : i64, tpu.core_type = #tpu.core_type<tc>, window_params = [{transform_indices = @transform_0, window_bounds = array<i64: 2, 512, 16>}, {transform_indices = @transform_1, window_bounds = array<i64: 2, 512>}, {pipeline_mode = #tpu.pipeline_mode<synchronous>, transform_indices = @transform_2, window_bounds = array<i64: 1, 16>}, {transform_indices = @transform_3, window_bounds = array<i64: 512, 16>}]} {
    %get3A = arith.constant 0 : index
    %get3A_0 = arith.constant 0 : index
    %get3A_1 = vector.load %arg2[%get3A, %get3A_0] : memref<2x512xf32, #tpu.memory_space<vmem>>, vector<1x512xf32>
    %get3A_2 = vector.shape_cast %get3A_1 : vector<1x512xf32> to vector<512xf32>
    %get3A_3 = arith.constant 1 : index
    %get3A_4 = arith.constant 0 : index
    %get3A_5 = vector.load %arg2[%get3A_3, %get3A_4] : memref<2x512xf32, #tpu.memory_space<vmem>>, vector<1x512xf32>
    %get3A_6 = vector.shape_cast %get3A_5 : vector<1x512xf32> to vector<512xf32>
    %add3A = arith.addf %get3A_2, %get3A_6 : vector<512xf32>
    %add3A_7 = arith.constant 1.000000e+00 : f32
    %add3A_8 = vector.broadcast %add3A_7 : f32 to vector<512xf32>
    %add3A_9 = arith.addf %add3A, %add3A_8 : vector<512xf32>
    %rsqrt3A = math.rsqrt %add3A_9 : vector<512xf32>
    %broadcast_in_dim3A = vector.shape_cast %rsqrt3A : vector<512xf32> to vector<512x1xf32>
    %get3A_10 = arith.constant 0 : index
    %get3A_11 = arith.constant 0 : index
    %get3A_12 = arith.constant 0 : index
    %get3A_13 = vector.load %arg1[%get3A_10, %get3A_11, %get3A_12] : memref<2x512x16xf32, #tpu.memory_space<vmem>>, vector<1x512x16xf32>
    %get3A_14 = vector.shape_cast %get3A_13 : vector<1x512x16xf32> to vector<512x16xf32>
    %get3A_15 = arith.constant 1 : index
    %get3A_16 = arith.constant 0 : index
    %get3A_17 = arith.constant 0 : index
    %get3A_18 = vector.load %arg1[%get3A_15, %get3A_16, %get3A_17] : memref<2x512x16xf32, #tpu.memory_space<vmem>>, vector<1x512x16xf32>
    %get3A_19 = vector.shape_cast %get3A_18 : vector<1x512x16xf32> to vector<512x16xf32>
    %add3A_20 = arith.addf %get3A_14, %get3A_19 : vector<512x16xf32>
    %mul3A = vector.broadcast %broadcast_in_dim3A : vector<512x1xf32> to vector<512x16xf32>
    %mul3A_21 = arith.mulf %add3A_20, %mul3A : vector<512x16xf32>
    %get3A_22 = arith.constant 0 : index
    %get3A_23 = arith.constant 0 : index
    %get3A_24 = vector.load %arg3[%get3A_22, %get3A_23] : memref<1x16xf32, #tpu.memory_space<vmem>>, vector<1x16xf32>
    %add3A_25 = vector.broadcast %get3A_24 : vector<1x16xf32> to vector<512x16xf32>
    %add3A_26 = arith.addf %mul3A_21, %add3A_25 : vector<512x16xf32>
    %swap3A = arith.constant 0 : index
    %swap3A_27 = arith.constant 0 : index
    %swap3A_28 = vector.load %arg4[%swap3A, %swap3A_27] : memref<512x16xf32, #tpu.memory_space<vmem>>, vector<512x16xf32>
    tpu.vector_store %arg4[%swap3A, %swap3A_27], %add3A_26 {strides = array<i32>} : memref<512x16xf32, #tpu.memory_space<vmem>>, vector<512x16xf32>,
    return
  }
  func.func @transform_0(%arg0: i32) -> (i32, i32, i32) {
    %c0_i32 = arith.constant 0 : i32
    %c0_i32_0 = arith.constant 0 : i32
    %c0_i32_1 = arith.constant 0 : i32
    return %c0_i32, %arg0, %c0_i32_0 : i32, i32, i32
  }
  func.func @transform_1(%arg0: i32) -> (i32, i32) {
    %c0_i32 = arith.constant 0 : i32
    %c0_i32_0 = arith.constant 0 : i32
    return %c0_i32, %arg0 : i32, i32
  }
  func.func @transform_2(%arg0: i32) -> (i32, i32) {
    %c0_i32 = arith.constant 0 : i32
    %c0_i32_0 = arith.constant 0 : i32
    %c0_i32_1 = arith.constant 0 : i32
    return %c0_i32, %c0_i32_0 : i32, i32
  }
  func.func @transform_3(%arg0: i32) -> (i32, i32) {
    %c0_i32 = arith.constant 0 : i32
    %c0_i32_0 = arith.constant 0 : i32
    return %arg0, %c0_i32 : i32, i32
  }
}

</mosaic_0001>

<sc_bundles>
// kernel: kernel.11.cloned.1.call-start
scs
__scs_entry_jumppad:
0x0: {  	(pc) =	sbr.rel $0x88, $3  }
0x1: {  	(tag) =	ssettag $0x0;
	lr =	simm.s32 $0x1  }
0x2: {  	[smem:$0x3F99] =	sst lr;
	_ =	strace $0xD0000000  }
0x3: {  	_ = 	snop  }
0x4: {  	_ = 	snop  }
0x5: {  	_ = 	snop  }
0x6: {  	_ = 	snop  }
0x7: {  	_ = 	snop  }
__scs_overlays_trampoline_lowered:
0x8: {  	[smem:$0x3FA8] =	sst s0  }
0x9: {  	[smem:$0x3FA9] =	sst s1  }
0xa: {  	[smem:$0x3FAA] =	sst s2  }
0xb: {  	[smem:$0x3FAB] =	sst s3  }
0xc: {  	[smem:$0x3FAC] =	sst s4  }
0xd: {  	[smem:$0x3FAD] =	sst s5  }
0xe: {  	[smem:$0x3FAE] =	sst s6  }
0xf: {  	[smem:$0x3FAF] =	sst s7  }
0x10: {  	[smem:$0x3FB0] =	sst s8  }
0x11: {  	[smem:$0x3FB1] =	sst s9;
	s0 =	simm.s32 @!p0 $0x0  }
0x12: {  	s1 =	sld [smem:$0x3F97];
	s0 =	simm.s32 @p0 $0x1  }
0x13: {  	[smem:$0x3FB2] =	sst s0;
	s0 =	simm.s32 @!p1 $0x0  }
0x14: {  	s2 =	sld [smem:$0x3F96];
	s0 =	simm.s32 @p1 $0x1  }
0x15: {  	[smem:$0x3FB3] =	sst s0;
	s0 =	simm.s32 @!p2 $0x0  }
0x16: {  	s3 =	sld [smem:$0x3FDB];
	s0 =	simm.s32 @p2 $0x1  }
0x17: {  	s4 =	simm.s32 $0x1BF5;
	[smem:$0x3FB5] =	sst s0  }
0x18: {  	s0 =	sld [smem:$0x3F98];
	_ =	swait.ge [sflag:s4], $0x0  }
0x19: {  	s7 =	sld [smem:$0x3F99]  }
0x1a: {  	s8 =	sadd.s32 $0xFFFFE003, lr  }
0x1b: {  	s9 =	sadd.s32 $0xFFFFFEF7, lr;
	s5 =	simm.s32 $0xFFFFFFFF;
	p2 =	slt.u32 s8, $0xFFFFF086  }
0x1c: {  	p1 =	slt.u32 s9, $0xF7A;
	s5 =	simm.s32 @!p2 $0x0  }
0x1d: {  	s5 =	simm.s32 @p1 $0x1;
	p0 =	seq.s32 s7, s2  }
0x1e: {  	s7 =	smul.u32 @!p0 $0xF7A, s2;
	p2 =	seq.s32 @!p0 s5, $0x0  }
0x1f: {  	s9 =	smul.u32 $0xF7A, s1;
	s8 =	simm.s32 @!p0 $0x1BF5;
	p2 =	por !p2, p0  }
0x20: {  	[sflag:s8] =	ssyncset.s32 @!p0 $0xFFFFF086;
	s6 =	sadd.s32 @!p0 s3, s7;
	s7 =	simm.s32 @!p0 $0x108  }
0x21: {  	s3 =	sadd.s32 s3, s9;
	s6 =	sadd.s32 @!p0 $0x88, s6;
	s7 =	simm.s32 @p2 $0x1082  }
0x22: {  	[simem:s7], [sflag:s8] =	dma.local @!p0 [hbm:s6], $0xF7A  }
0x23: {  	s9 =	sor.u32 $0xD0000000, s2;
	s6 =	simm.s32 $0x108;
	_ =	swait.ge @!p0 [sflag:s8], $0x0  }
0x24: {  	s3 =	sadd.s32 $0x88, s3;
	s6 =	simm.s32 @!p1 $0x1082;
	[sflag:s4] =	ssyncset.s32 $0xFFFFF086  }
0x25: {  	[simem:s6], [sflag:s4] =	dma.local [hbm:s3], $0xF7A  }
0x26: {  	[smem:$0x3F99] =	sst s1;
	(tag) =	ssettag s2;
	_ =	strace s9  }
0x27: {  	s1 =	sld [smem:$0x3FA9]  }
0x28: {  	s2 =	sld [smem:$0x3FAA]  }
0x29: {  	s4 =	sld [smem:$0x3FAC]  }
0x2a: {  	p0 =	seq.s32 s5, $0x0;
	s5 =	sld [smem:$0x3FAD]  }
0x2b: {  	s6 =	sld [smem:$0x3FAE]  }
0x2c: {  	s7 =	sld [smem:$0x3FAF]  }
0x2d: {  	s3 =	simm.s32 $0x108;
	s8 =	sld [smem:$0x3FB0]  }
0x2e: {  	s3 =	simm.s32 @!p0 $0x1082;
	s9 =	sld [smem:$0x3FB1]  }
0x2f: {  	lr =	sadd.s32 s0, s3;
	s0 =	sld [smem:$0x3FA8]  }
0x30: {  	s3 =	sld [smem:$0x3FAB]  }
0x31: {  	[smem:$0x3FB4] =	sst s10  }
0x32: {  	s10 =	sld [smem:$0x3FB2];
	_ =	sdelay $0x3  }
0x33: {  	p0 =	seq.s32 s10, $0x1;
	s10 =	sld [smem:$0x3FB4];
	_ =	sdelay $0x3  }
0x34: {  	[smem:$0x3FB4] =	sst s10  }
0x35: {  	s10 =	sld [smem:$0x3FB3];
	_ =	sdelay $0x3  }
0x36: {  	p1 =	seq.s32 s10, $0x1;
	s10 =	sld [smem:$0x3FB4];
	_ =	sdelay $0x3  }
0x37: {  	[smem:$0x3FB4] =	sst s10  }
0x38: {  	s10 =	sld [smem:$0x3FB5]  }
0x39: {  	_ = 	snop;
	(pc) =	sbr.ind lr, $3  }
0x3a: {  	_ = 	snop  }
0x3b: {  	_ = 	snop  }
0x3c: {  	p2 =	seq.s32 s10, $0x1;
	s10 =	sld [smem:$0x3FB4]  }
0x3d: {  	_ =	shalt  }
0x3e: {  	_ =	shalt  }
0x3f: {  	_ =	shalt  }
0x40: {  	_ =	shalt  }
0x41: {  	_ =	shalt  }
0x42: {  	_ =	shalt  }
0x43: {  	_ =	shalt  }
0x44: {  	_ =	shalt  }
0x45: {  	_ =	shalt  }
0x46: {  	_ =	shalt  }
0x47: {  	_ =	shalt  }
0x48: {  	_ =	shalt  }
0x49: {  	_ =	shalt  }
0x4a: {  	_ =	shalt  }
0x4b: {  	_ =	shalt  }
0x4c: {  	_ =	shalt  }
0x4d: {  	_ =	shalt  }
0x4e: {  	_ =	shalt  }
0x4f: {  	_ =	shalt  }
0x50: {  	_ =	shalt  }
0x51: {  	_ =	shalt  }
0x52: {  	_ =	shalt  }
0x53: {  	_ =	shalt  }
0x54: {  	_ =	shalt  }
0x55: {  	_ =	shalt  }
0x56: {  	_ =	shalt  }
0x57: {  	_ =	shalt  }
0x58: {  	_ =	shalt  }
0x59: {  	_ =	shalt  }
0x5a: {  	_ =	shalt  }
0x5b: {  	_ =	shalt  }
0x5c: {  	_ =	shalt  }
0x5d: {  	_ =	shalt  }
0x5e: {  	_ =	shalt  }
0x5f: {  	_ =	shalt  }
0x60: {  	_ =	shalt  }
0x61: {  	_ =	shalt  }
0x62: {  	_ =	shalt  }
0x63: {  	_ =	shalt  }
0x64: {  	_ =	shalt  }
0x65: {  	_ =	shalt  }
0x66: {  	_ =	shalt  }
0x67: {  	_ =	shalt  }
0x68: {  	_ =	shalt  }
0x69: {  	_ =	shalt  }
0x6a: {  	_ =	shalt  }
0x6b: {  	_ =	shalt  }
0x6c: {  	_ =	shalt  }
0x6d: {  	_ =	shalt  }
0x6e: {  	_ =	shalt  }
0x6f: {  	_ =	shalt  }
0x70: {  	_ =	shalt  }
0x71: {  	_ =	shalt  }
0x72: {  	_ =	shalt  }
0x73: {  	_ =	shalt  }
0x74: {  	_ =	shalt  }
0x75: {  	_ =	shalt  }
0x76: {  	_ =	shalt  }
0x77: {  	_ =	shalt  }
0x78: {  	_ =	shalt  }
0x79: {  	_ =	shalt  }
0x7a: {  	_ =	shalt  }
0x7b: {  	_ =	shalt  }
0x7c: {  	_ =	shalt  }
0x7d: {  	_ =	shalt  }
0x7e: {  	_ =	shalt  }
0x7f: {  	_ =	shalt  }
0x80: {  	_ =	shalt  }
0x81: {  	_ =	shalt  }
0x82: {  	_ =	shalt  }
0x83: {  	_ =	shalt  }
0x84: {  	_ =	shalt  }
0x85: {  	_ =	shalt  }
0x86: {  	_ =	shalt  }
0x87: {  	_ =	shalt  }
.Lfunc_end0:
.L_simem_size_0:
called_computation.1_lowered:
.L_overlay_start_0:
0x88: {  	s2 =	sld [smem:$0x3FD9]  }
0x89: {  	s3 =	sld [smem:$0x3FFE];
	_ =	sdelay $0x1  }
0x8a: {  	s1 =	srdreg.scid  }
0x8b: {  	s0 =	sand.u32 $0x1, s1  }
0x8c: {  	s16 =	sshll.u32 s0, $0xA;
	s2 =	sadd.s32 s3, s2  }
0x8d: {  	s2 =	sadd.s32 s2, s16  }
0x8e: {  	[smem:$0x3FC0] =	sst s2  }
0x8f: {  	_ = 	snop  }
0x90: {  	(tm) =	ssettm $0x1  }
0x91: {  	s17 =	sld [smem:$0x3FFB];
	_ =	sdelay $0x3  }
0x92: {  	_ =	strace s17  }
0x93: {  	s2 =	sld [smem:$0x3FFC];
	_ =	sdelay $0x3  }
0x94: {  	_ =	strace s2  }
0x95: {  	s2 =	sld [smem:$0x3FFD];
	_ =	sdelay $0x3  }
0x96: {  	_ =	strace s2  }
0x97: {  	_ =	strace $0x8FFFFFFF  }
0x98: {  	s18 =	sld [smem:$0x3FDB];
	_ =	sdelay $0x1  }
0x99: {  	s19 =	simm.s32 $_scs_section_size  }
0x9a: {  	s4 =	simm.s32 $_size__tile_overlayer_lowered;
	s5 =	simm.s32 $_tile_overlayer_lowered  }
0x9b: {  	s22 =	simm.s32 $0x1BFF;
	s21 =	sshll.u32 s5, $0x1;
	s2 =	sadd.s32 s19, s18  }
0x9c: {  	s6 =	simm.s32 $0x0;
	s20 =	sshll.u32 s4, $0x1;
	s4 =	sadd.s32 s21, s2  }
0x9d: {  	[timem:s6], [sflag:s22] =	dma.local [hbm:s4], s20  }
0x9e: {  	_ =	swait.ge [sflag:s22], s20  }
0x9f: {  	s3 =	ssub.s32 $0x0, s20;
	[sflag:s22] =	ssyncset.done $0x0  }
0xa0: {  	[sflag:s22] =	ssyncadd.s32 s3;
	_ =	sdelay $0x1  }
0xa1: {  	s23 =	simm.s32 $0x1B8B  }
0xa2: {  	_ =	swait.ge [sflag:s23], $0x1  }
0xa3: {  	[sflag:s23] =	ssyncset.done $0x0  }
0xa4: {  	s25 =	simm.s32 $0x1B8E;
	s24 =	sld [smem:$0x3FFE];
	[sflag:s23] =	ssyncadd.s32 $0xFFFFFFFF  }
0xa5: {  	s26 =	simm.s32 $execute0_lowered;
	[smem:$0x3FD2] =	sst s25  }
0xa6: {  	s4 =	sshll.u32 s26, $0x1;
	_ =	strace $0x80000049;
	[dreg:$0x1] =	wrdreg $0xFFFFFFFF  }
0xa7: {  	s28 =	simm.s32 $_size_execute0_lowered;
	s2 =	sadd.s32 s2, s4;
	[dreg:$0x0] =	wrdreg $0x0  }
0xa8: {  	s4 =	sshll.u32 s28, $0x1;
	[dreg:$0x2] =	wrdreg s2  }
0xa9: {  	[dreg:$0x3] =	wrdreg s4  }
0xaa: {  	[dreg:$0x4] =	wrdreg $0xC0  }
0xab: {  	_ =	task [dreg:s6], $0x5FFFF  }
0xac: {  	[dreg:$0x1] =	wrdreg $0xFFFFFFFF  }
0xad: {  	[dreg:$0x0] =	wrdreg $0x60  }
0xae: {  	[dreg:$0x2] =	wrdreg s24  }
0xaf: {  	[dreg:$0x3] =	wrdreg $0x88000  }
0xb0: {  	[dreg:$0x4] =	wrdreg $0x9  }
0xb1: {  	_ =	task.clear_ibuf [dreg:s6], $0x5FFFF;
	_ =	strace $0x90000049  }
0xb2: {  	s29 =	simm.s32 $0x9;
	_ =	strace $0x8000004B  }
0xb3: {  	_ =	swait.ge [sflag:s29], $0x1  }
0xb4: {  	[sflag:s29] =	ssyncadd.s32 $0xFFFFFFFF  }
0xb5: {  	_ =	strace $0x9000004B  }
0xb6: {  	_ =	sfence  }
0xb7: {  	s30 =	sld [smem:$0x0];
	_ =	sdelay $0x2  }
0xb8: {  	s31 =	sshll.u32 s1, $0xD;
	s1 =	sshrl.u32 s1, $0x2  }
0xb9: {  	s3 =	sand.u32 $0x4000, s31;
	s1 =	sadd.s32 s1, s30  }
0xba: {  	s0 =	sor.u32 s3, s0;
	s1 =	sshll.u32 s1, $0x11  }
0xbb: {  	s0 =	sor.u32 s1, s0  }
0xbc: {  	s0 =	sadd.s32 $0x8F2B, s0  }
0xbd: {  	[sflag:s0] =	ssyncadd.remote.s32 $0x1  }
0xbe: {  	_ =	sfence.sel $0xFFFF  }
0xbf: {  	[dreg:$0x0] =	wrdreg $0xFFFFFFFF;
	(pc) =	sbr.abs _section_cstart, $3  }
0xc0: {  	[dreg:$0x1] =	wrdreg $0xFFFFFFFF  }
0xc1: {  	_ =	task.clear_ibuf [dreg:s6], $0x2FFFF;
	_ =	strace $0x9FFFFFFF  }
0xc2: {  	(tm) =	ssettm $0x7FFFFFFF  }
0xc3: {  	_ =	shalt  }
tec
execute0_lowered:
.L_overlay_start_1:
0x0: {  	(tag) =	ssettag $0x1  }
0x1: {  	s0 =	rddreg [dreg:$0x0]  }
0x2: {  	s1 =	rddreg [dreg:$0x1];
	s3 =	stileid.u32  }
0x3: {  	s2 =	srdreg.scid;
	s4 =	simm.s32 $0x0;
	s6 =	smul.u32 $0x280, s3  }
0x4: {  	s29 =	simm.s32 $0xD;
	s28 =	simm.s32 $0x800;
	s7 =	smul.u32 $0x50000, s3  }
0x5: {  	s31 =	simm.s32 $0x8;
	s2 =	sand.u32 $0x1, s2;
	s9 =	smul.u32 $0x5000, s3  }
0x6: {  	[smem:$0x7FF] =	sst s4;
	s4 =	sadd.s32 $0x2A400, s0;
	s18 =	smul.u32 $0xA00, s3  }
0x7: {  	s8 =	sadd.s32 $0x16400, s0;
	s10 =	sadd.s32 $0x7400, s0;
	s5 =	smul.u32 $0x2800, s2  }
0x8: {  	s23 =	sshll.u32 s3, $0x6;
	s21 =	smul.u32 $0x50000, s2;
	s2 =	ssub.s32 $0x2, s2  }
0x9: {  	_ =	strace $0x8000004A;
	s12 =	sor.u32 $0x1C0D, s23;
	s11 =	sshrl.u32 s2, $0x1  }
0xa: {  	s7 =	sshrl.u32 s7, $0x2;
	s24 =	sshrl.u32 s9, $0x3;
	[dreg:$0x6] =	wrdreg s12  }
0xb: {  	s5 =	sadd.s32 s6, s5;
	s2 =	ssub.s32 s2, s11;
	s7 =	sadd.s32 s7, s1  }
0xc: {  	[dreg:$0x3] =	wrdreg s7;
	s7 =	sadd.s32 s10, s24;
	s24 =	smax.u32 s2, $0x1  }
0xd: {  	s3 =	simm.s32 $0x0;
	s5 =	sshll.u32 s5, $0x4;
	[dreg:$0x15] =	wrdreg s24  }
0xe: {  	s0 =	sadd.s32 s5, s0;
	s5 =	sadd.s32 s4, s5;
	[dreg:$0x7] =	wrdreg s7  }
0xf: {  	s6 =	sadd.s32 s9, s21;
	s26 =	sadd.s32 $0x10, s7;
	[dreg:$0x4] =	wrdreg s5  }
0x10: {  	s22 =	sshrl.u32 s6, $0x3;
	s9 =	sadd.s32 $0x20, s7;
	[dreg:$0x9] =	wrdreg s26  }
0x11: {  	s17 =	sor.u32 $0x400, s6;
	s14 =	sadd.s32 $0x30, s7;
	[dreg:$0xb] =	wrdreg s9  }
0x12: {  	s2 =	simm.s32 $0x9;
	s16 =	sadd.s32 $0x40, s7;
	[dreg:$0xd] =	wrdreg s14  }
0x13: {  	s11 =	sadd.s32 s8, s22;
	s20 =	sadd.s32 $0x50, s7;
	[dreg:$0xf] =	wrdreg s16  }
0x14: {  	s23 =	sadd.s32 $0x60, s7;
	s24 =	simm.s32 $0xC;
	[dreg:$0x11] =	wrdreg s20  }
0x15: {  	s25 =	sadd.s32 $0x10, s11;
	s30 =	sadd.s32 $0x20, s11;
	[dreg:$0x13] =	wrdreg s23  }
0x16: {  	s13 =	sadd.s32 $0x30, s11;
	s15 =	sadd.s32 $0x40, s11;
	[dreg:$0x5] =	wrdreg s11  }
0x17: {  	s19 =	sadd.s32 $0x50, s11;
	s5 =	sshrl.u32 s17, $0x3;
	[dreg:$0x8] =	wrdreg s25  }
0x18: {  	s21 =	sadd.s32 $0x60, s11;
	s26 =	sadd.s32 s18, s10;
	[dreg:$0xa] =	wrdreg s30  }
0x19: {  	s0 =	sadd.s32 $0x7A400, s0;
	s14 =	simm.s32 $0x700;
	[dreg:$0xc] =	wrdreg s13  }
0x1a: {  	s18 =	simm.s32 $0x40;
	s20 =	simm.s32 $0x4800;
	[dreg:$0xe] =	wrdreg s15  }
0x1b: {  	s9 =	simm.s32 $0xA;
	s17 =	simm.s32 $0xB;
	[dreg:$0x10] =	wrdreg s19  }
.Ltmp0:
0x1c: {  	s22 =	sadd.s32 s5, s8;
	[dreg:$0x12] =	wrdreg s21;
	(pc) =	sbr.rel .LBB2_1-.Ltmp0, $4  }
0x1d: {  	[dreg:$0x14] =	wrdreg s0;
	s25 =	sadd.s32 $0x70, s11;
	s30 =	sadd.s32 $0x70, s7  }
0x1e: {  	s13 =	simm.s32 $0x780;
	s19 =	simm.s32 $0x2800;
	s15 =	simm.s32 $0x6800  }
0x1f: {  	s7 =	simm.s32 $0x2;
	s21 =	simm.s32 $0x4;
	[dreg:$0x16] =	wrdreg s25  }
0x20: {  	s8 =	simm.s32 $0x2800;
	[dreg:$0x17] =	wrdreg s30;
	s25 =	simm.s32 $0x700  }
.LBB2_4:
0x21: {  	[bflag:$0x0] =	sbarrier.arrive $0xFFFF  }
0x22: {  	s12 =	rddreg [dreg:$0x6]  }
0x23: {  	s0 =	rddreg [dreg:$0x14]  }
0x24: {  	s3 =	rddreg [dreg:$0x19]  }
0x25: {  	[hbm:s0], [sflag:s12] =	dma.local [spmem:s3], $0x2800  }
0x26: {  	_ =	swait.ge [sflag:s29], $0x2800  }
0x27: {  	s23 =	rddreg [dreg:$0x18]  }
0x28: {  	s30 =	rddreg [dreg:$0x15];
	s3 =	sadd.s32 $0x1, s23  }
0x29: {  	p0 =	sne.s32 s3, s30  }
.Ltmp1:
0x2a: {  	_ = 	snop;
	(pc) =	sbr.rel @!p0 .LBB2_5-.Ltmp1, $3  }
0x2b: {  	_ =	sdelay $0x1  }
0x2c: {  	[sflag:s29] =	ssyncset.done $0x0  }
0x2d: {  	s14 =	simm.s32 $0x700;
	[sflag:s29] =	ssyncadd.s32 $0xFFFFD800  }
.LBB2_1:
0x2e: {  	[dreg:$0x18] =	wrdreg s3  }
0x2f: {  	s0 =	rddreg [dreg:$0x3]  }
0x30: {  	s11 =	rddreg [dreg:$0x4];
	s10 =	sshrl.u32 s0, $0x3  }
0x31: {  	[dreg:$0x19] =	wrdreg s10  }
0x32: {  	[spmem:s10], [sflag:s12] =	dma.local [hbm:s11], $0x2800  }
0x33: {  	_ =	swait.ge [sflag:s29], $0x2800  }
0x34: {  	[sflag:s29] =	ssyncset.done $0x0  }
0x35: {  	[sflag:s29] =	ssyncadd.s32 $0xFFFFD800  }
0x36: {  	[bflag:$0x0] =	sbarrier.arrive $0xFFFF  }
0x37: {  	s0 =	simm.s32 $0x0;
	s16 =	rddreg [dreg:$0x5]  }
0x38: {  	[tilespmem:s0], [sflag:$0x5] =	stream.linear.gather [hbm4b:s16+s0], $0x80, $0x38;
	[tilespmem:$0x1C800] =	vst v63  }
0x39: {  	s5 =	simm.s32 $0x80;
	s23 =	rddreg [dreg:$0x7]  }
0x3a: {  	[tilespmem:s5], [sflag:$0x5] =	stream.linear.gather [hbm4b:s23+s0], $0x80, $0x38;
	[tilespmem:$0x1C800] =	vst v63  }
0x3b: {  	s6 =	rddreg [dreg:$0x8];
	s5 =	simm.s32 $0x100  }
0x3c: {  	[tilespmem:s5], [sflag:$0x6] =	stream.linear.gather [hbm4b:s6+s0], $0x80, $0x38;
	[tilespmem:$0x1C800] =	vst v63  }
0x3d: {  	s10 =	rddreg [dreg:$0x9];
	s6 =	simm.s32 $0x180  }
0x3e: {  	[tilespmem:s6], [sflag:$0x6] =	stream.linear.gather [hbm4b:s10+s0], $0x80, $0x38;
	[tilespmem:$0x1C800] =	vst v63  }
0x3f: {  	s11 =	rddreg [dreg:$0xa];
	s6 =	simm.s32 $0x200  }
0x40: {  	[tilespmem:s6], [sflag:$0x7] =	stream.linear.gather [hbm4b:s11+s0], $0x80, $0x38;
	[tilespmem:$0x1C800] =	vst v63  }
0x41: {  	s12 =	rddreg [dreg:$0xb];
	s10 =	simm.s32 $0x280  }
0x42: {  	[tilespmem:s10], [sflag:$0x7] =	stream.linear.gather [hbm4b:s12+s0], $0x80, $0x38;
	[tilespmem:$0x1C800] =	vst v63  }
0x43: {  	s16 =	rddreg [dreg:$0xc];
	s10 =	simm.s32 $0x300  }
0x44: {  	[tilespmem:s10], [sflag:$0x8] =	stream.linear.gather [hbm4b:s16+s0], $0x80, $0x38;
	[tilespmem:$0x1C800] =	vst v63  }
0x45: {  	s23 =	rddreg [dreg:$0xd];
	s11 =	simm.s32 $0x380  }
0x46: {  	[tilespmem:s11], [sflag:$0x8] =	stream.linear.gather [hbm4b:s23+s0], $0x80, $0x38;
	[tilespmem:$0x1C800] =	vst v63  }
0x47: {  	s12 =	simm.s32 $0x400;
	s11 =	rddreg [dreg:$0xe]  }
0x48: {  	[tilespmem:s12], [sflag:$0x9] =	stream.linear.gather [hbm4b:s11+s0], $0x80, $0x38;
	[tilespmem:$0x1C800] =	vst v63  }
0x49: {  	s16 =	rddreg [dreg:$0xf];
	s23 =	simm.s32 $0x480  }
0x4a: {  	[tilespmem:s23], [sflag:$0x9] =	stream.linear.gather [hbm4b:s16+s0], $0x80, $0x38;
	[tilespmem:$0x1C800] =	vst v63  }
0x4b: {  	s11 =	rddreg [dreg:$0x10];
	s12 =	simm.s32 $0x500  }
0x4c: {  	[tilespmem:s12], [sflag:$0xA] =	stream.linear.gather [hbm4b:s11+s0], $0x80, $0x38;
	[tilespmem:$0x1C800] =	vst v63  }
0x4d: {  	s16 =	rddreg [dreg:$0x11];
	s23 =	simm.s32 $0x580  }
0x4e: {  	[tilespmem:s23], [sflag:$0xA] =	stream.linear.gather [hbm4b:s16+s0], $0x80, $0x38;
	[tilespmem:$0x1C800] =	vst v63  }
0x4f: {  	s11 =	rddreg [dreg:$0x12];
	s12 =	simm.s32 $0x600  }
0x50: {  	[tilespmem:s12], [sflag:$0xB] =	stream.linear.gather [hbm4b:s11+s0], $0x80, $0x38;
	[tilespmem:$0x1C800] =	vst v63  }
0x51: {  	s16 =	rddreg [dreg:$0x13];
	s23 =	simm.s32 $0x680  }
0x52: {  	[tilespmem:s23], [sflag:$0xB] =	stream.linear.gather [hbm4b:s16+s0], $0x80, $0x38;
	[tilespmem:$0x1C800] =	vst v63  }
0x53: {  	s11 =	rddreg [dreg:$0x16]  }
0x54: {  	[tilespmem:s14], [sflag:$0xC] =	stream.linear.gather [hbm4b:s11+s0], $0x80, $0x38;
	[tilespmem:$0x1C800] =	vst v63  }
0x55: {  	s12 =	rddreg [dreg:$0x17];
	s16 =	simm.s32 $0x5  }
0x56: {  	[tilespmem:s13], [sflag:$0xC] =	stream.linear.gather [hbm4b:s12+s0], $0x80, $0x38;
	[tilespmem:$0x1C800] =	vst v63  }
0x57: {  	_ =	swait.ge [sflag:s16], $0x80  }
0x58: {  	[sflag:s16] =	ssyncset.done $0x0  }
0x59: {  	[sflag:s16] =	ssyncadd.s32 $0xFFFFFF80  }
0x5a: {  	_ =	swait.ge [sflag:s16], $0x80  }
0x5b: {  	[sflag:s16] =	ssyncset.done $0x0  }
0x5c: {  	s23 =	simm.s32 $0x6;
	[sflag:s16] =	ssyncadd.s32 $0xFFFFFF80  }
0x5d: {  	[tilespmem:s28], [sflag:$0x1] =	stream.indirect.gather [hbm4b:s4+s18], $0x80, s0, s18, $0xb8;
	[tilespmem:$0x1C800] =	vst v63  }
0x5e: {  	_ =	swait.ge [sflag:s23], $0x80  }
0x5f: {  	[sflag:s23] =	ssyncset.done $0x0  }
0x60: {  	[sflag:s23] =	ssyncadd.s32 $0xFFFFFF80  }
0x61: {  	_ =	swait.ge [sflag:s23], $0x80  }
0x62: {  	[sflag:s23] =	ssyncset.done $0x0  }
0x63: {  	s28 =	simm.s32 $0x7;
	[sflag:s23] =	ssyncadd.s32 $0xFFFFFF80  }
0x64: {  	[tilespmem:s19], [sflag:$0x2] =	stream.indirect.gather [hbm4b:s4+s18], $0x80, s5, s18, $0xb8;
	[tilespmem:$0x1C800] =	vst v63  }
0x65: {  	_ =	swait.ge [sflag:s28], $0x80  }
0x66: {  	[sflag:s28] =	ssyncset.done $0x0  }
0x67: {  	[sflag:s28] =	ssyncadd.s32 $0xFFFFFF80  }
0x68: {  	_ =	swait.ge [sflag:s28], $0x80  }
0x69: {  	[sflag:s28] =	ssyncset.done $0x0  }
0x6a: {  	[sflag:s28] =	ssyncadd.s32 $0xFFFFFF80  }
0x6b: {  	[tilespmem:s20], [sflag:$0x3] =	stream.indirect.gather [hbm4b:s4+s18], $0x80, s6, s18, $0xb8;
	[tilespmem:$0x1C800] =	vst v63  }
0x6c: {  	_ =	swait.ge [sflag:s31], $0x80  }
0x6d: {  	[sflag:s31] =	ssyncset.done $0x0  }
0x6e: {  	[sflag:s31] =	ssyncadd.s32 $0xFFFFFF80  }
0x6f: {  	_ =	swait.ge [sflag:s31], $0x80  }
0x70: {  	[sflag:s31] =	ssyncset.done $0x0  }
0x71: {  	s30 =	simm.s32 $0x0;
	s23 =	simm.s32 $0x780;
	[sflag:s31] =	ssyncadd.s32 $0xFFFFFF80  }
0x72: {  	[tilespmem:s15], [sflag:$0x4] =	stream.indirect.gather [hbm4b:s4+s18], $0x80, s10, s18, $0xb8;
	[tilespmem:$0x1C800] =	vst v63  }
.LBB2_2:
0x73: {  	s0 =	simm.s32 $0x1  }
0x74: {  	_ =	swait.ge [sflag:s0], $0x2000  }
0x75: {  	[sflag:s0] =	ssyncset.done $0x0  }
0x76: {  	s6 =	simm.s32 $0x80;
	s3 =	simm.s32 $0x800;
	[sflag:s0] =	ssyncadd.s32 $0xFFFFE000  }
0x77: {  	[spmem:s1] =	stream.indirect.scatter.add.f32 [tilespmem:s3], [sflag:$0xD], $0x80, s6, s18, $0xb8;
	[tilespmem:$0x1C800] =	vst v63  }
0x78: {  	_ =	swait.ge [sflag:s29], $0x2000  }
0x79: {  	[sflag:s29] =	ssyncset.done $0x0  }
0x7a: {  	[sflag:s29] =	ssyncadd.s32 $0xFFFFE000  }
0x7b: {  	_ =	swait.ge [sflag:s2], $0x80  }
0x7c: {  	[sflag:s2] =	ssyncset.done $0x0  }
0x7d: {  	[sflag:s2] =	ssyncadd.s32 $0xFFFFFF80  }
0x7e: {  	_ =	swait.ge [sflag:s2], $0x80  }
0x7f: {  	[sflag:s2] =	ssyncset.done $0x0  }
0x80: {  	s10 =	simm.s32 $0x400;
	p0 =	seq.s32 s30, $0x980;
	[sflag:s2] =	ssyncadd.s32 $0xFFFFFF80  }
0x81: {  	[tilespmem:s3], [sflag:$0x1] =	stream.indirect.gather [hbm4b:s4+s18], $0x80, s10, s18, $0xb8;
	[tilespmem:$0x1C800] =	vst v63  }
0x82: {  	s5 =	sadd.s32 @!p0 s30, s22;
	s0 =	simm.s32 @!p0 $0x0;
	s6 =	sadd.s32 @!p0 s30, s26  }
0x83: {  	[tilespmem:s0], [sflag:$0x5] =	stream.linear.gather @!p0 [hbm4b:s5+s0], $0x80, $0x38;
	[tilespmem:$0x1C800] =	vst v63  }
0x84: {  	s11 =	simm.s32 @!p0 $0x80;
	s10 =	sadd.s32 @!p0 $0x80, s6  }
0x85: {  	[tilespmem:s11], [sflag:$0x5] =	stream.linear.gather @!p0 [hbm4b:s10+s0], $0x80, $0x38;
	[tilespmem:$0x1C800] =	vst v63  }
0x86: {  	_ =	swait.ge [sflag:s7], $0x2000  }
0x87: {  	[sflag:s7] =	ssyncset.done $0x0  }
0x88: {  	s11 =	simm.s32 $0x180;
	[sflag:s7] =	ssyncadd.s32 $0xFFFFE000  }
0x89: {  	[spmem:s1] =	stream.indirect.scatter.add.f32 [tilespmem:s8], [sflag:$0xD], $0x80, s11, s18, $0xb8;
	[tilespmem:$0x1C800] =	vst v63  }
0x8a: {  	_ =	swait.ge [sflag:s29], $0x2000  }
0x8b: {  	[sflag:s29] =	ssyncset.done $0x0  }
0x8c: {  	[sflag:s29] =	ssyncadd.s32 $0xFFFFE000  }
0x8d: {  	_ =	swait.ge [sflag:s9], $0x80  }
0x8e: {  	[sflag:s9] =	ssyncset.done $0x0  }
0x8f: {  	[sflag:s9] =	ssyncadd.s32 $0xFFFFFF80  }
0x90: {  	_ =	swait.ge [sflag:s9], $0x80  }
0x91: {  	[sflag:s9] =	ssyncset.done $0x0  }
0x92: {  	s12 =	simm.s32 $0x500;
	[sflag:s9] =	ssyncadd.s32 $0xFFFFFF80  }
0x93: {  	[tilespmem:s8], [sflag:$0x2] =	stream.indirect.gather [hbm4b:s4+s18], $0x80, s12, s18, $0xb8;
	[tilespmem:$0x1C800] =	vst v63  }
0x94: {  	s10 =	sadd.s32 @!p0 $0x10, s5;
	s11 =	simm.s32 @!p0 $0x100  }
0x95: {  	[tilespmem:s11], [sflag:$0x6] =	stream.linear.gather @!p0 [hbm4b:s10+s0], $0x80, $0x38;
	[tilespmem:$0x1C800] =	vst v63  }
0x96: {  	s13 =	simm.s32 $0x3;
	s12 =	simm.s32 @!p0 $0x180;
	s10 =	sadd.s32 @!p0 $0x90, s6  }
0x97: {  	[tilespmem:s12], [sflag:$0x6] =	stream.linear.gather @!p0 [hbm4b:s10+s0], $0x80, $0x38;
	[tilespmem:$0x1C800] =	vst v63  }
0x98: {  	_ =	swait.ge [sflag:s13], $0x2000  }
0x99: {  	[sflag:s13] =	ssyncset.done $0x0  }
0x9a: {  	s16 =	simm.s32 $0x280;
	s19 =	simm.s32 $0x4800;
	[sflag:s13] =	ssyncadd.s32 $0xFFFFE000  }
0x9b: {  	[spmem:s1] =	stream.indirect.scatter.add.f32 [tilespmem:s19], [sflag:$0xD], $0x80, s16, s18, $0xb8;
	[tilespmem:$0x1C800] =	vst v63  }
0x9c: {  	_ =	swait.ge [sflag:s29], $0x2000  }
0x9d: {  	[sflag:s29] =	ssyncset.done $0x0  }
0x9e: {  	[sflag:s29] =	ssyncadd.s32 $0xFFFFE000  }
0x9f: {  	_ =	swait.ge [sflag:s17], $0x80  }
0xa0: {  	[sflag:s17] =	ssyncset.done $0x0  }
0xa1: {  	[sflag:s17] =	ssyncadd.s32 $0xFFFFFF80  }
0xa2: {  	_ =	swait.ge [sflag:s17], $0x80  }
0xa3: {  	[sflag:s17] =	ssyncset.done $0x0  }
0xa4: {  	s12 =	simm.s32 $0x600;
	[sflag:s17] =	ssyncadd.s32 $0xFFFFFF80  }
0xa5: {  	[tilespmem:s19], [sflag:$0x3] =	stream.indirect.gather [hbm4b:s4+s18], $0x80, s12, s18, $0xb8;
	[tilespmem:$0x1C800] =	vst v63  }
0xa6: {  	s10 =	simm.s32 @!p0 $0x200;
	s12 =	sadd.s32 @!p0 $0x20, s5  }
0xa7: {  	[tilespmem:s10], [sflag:$0x7] =	stream.linear.gather @!p0 [hbm4b:s12+s0], $0x80, $0x38;
	[tilespmem:$0x1C800] =	vst v63  }
0xa8: {  	s13 =	simm.s32 @!p0 $0x280;
	s12 =	sadd.s32 @!p0 $0xA0, s6  }
0xa9: {  	[tilespmem:s13], [sflag:$0x7] =	stream.linear.gather @!p0 [hbm4b:s12+s0], $0x80, $0x38;
	[tilespmem:$0x1C800] =	vst v63  }
0xaa: {  	_ =	swait.ge [sflag:s21], $0x2000  }
0xab: {  	[sflag:s21] =	ssyncset.done $0x0  }
0xac: {  	s13 =	simm.s32 $0x380;
	[sflag:s21] =	ssyncadd.s32 $0xFFFFE000  }
0xad: {  	[spmem:s1] =	stream.indirect.scatter.add.f32 [tilespmem:s15], [sflag:$0xD], $0x80, s13, s18, $0xb8;
	[tilespmem:$0x1C800] =	vst v63  }
0xae: {  	_ =	swait.ge [sflag:s29], $0x2000  }
0xaf: {  	[sflag:s29] =	ssyncset.done $0x0  }
0xb0: {  	[sflag:s29] =	ssyncadd.s32 $0xFFFFE000  }
0xb1: {  	_ =	swait.ge [sflag:s24], $0x80  }
0xb2: {  	[sflag:s24] =	ssyncset.done $0x0  }
0xb3: {  	[sflag:s24] =	ssyncadd.s32 $0xFFFFFF80  }
0xb4: {  	_ =	swait.ge [sflag:s24], $0x80  }
0xb5: {  	[sflag:s24] =	ssyncset.done $0x0  }
0xb6: {  	s12 =	simm.s32 @p0 $0x1;
	[sflag:s24] =	ssyncadd.s32 $0xFFFFFF80  }
0xb7: {  	[tilespmem:s15], [sflag:$0x4] =	stream.indirect.gather [hbm4b:s4+s18], $0x80, s14, s18, $0xb8;
	[tilespmem:$0x1C800] =	vst v63  }
0xb8: {  	_ =	swait.ge @p0 [sflag:s12], $0x2000  }
0xb9: {  	s13 =	simm.s32 @p0 $0x40;
	[sflag:s12] =	ssyncset.done @p0 $0x0  }
0xba: {  	s14 =	simm.s32 @p0 $0x800;
	[sflag:s12] =	ssyncadd.s32 @p0 $0xFFFFE000;
	s12 =	simm.s32 @p0 $0x480  }
0xbb: {  	[spmem:s1] =	stream.indirect.scatter.add.f32 @p0 [tilespmem:s14], [sflag:$0xD], $0x80, s12, s13, $0xb8;
	[tilespmem:$0x1C800] =	vst v63  }
0xbc: {  	s14 =	simm.s32 @p0 $0xD  }
0xbd: {  	_ =	swait.ge @p0 [sflag:s14], $0x2000  }
0xbe: {  	[sflag:s14] =	ssyncset.done @p0 $0x0  }
0xbf: {  	s15 =	simm.s32 @!p0 $0x300;
	s12 =	sadd.s32 @!p0 $0x30, s5;
	[sflag:s14] =	ssyncadd.s32 @p0 $0xFFFFE000  }
0xc0: {  	[tilespmem:s15], [sflag:$0x8] =	stream.linear.gather @!p0 [hbm4b:s12+s0], $0x80, $0x38;
	[tilespmem:$0x1C800] =	vst v63  }
0xc1: {  	s12 =	sadd.s32 @!p0 $0xB0, s6;
	s15 =	simm.s32 @!p0 $0x380  }
0xc2: {  	[tilespmem:s15], [sflag:$0x8] =	stream.linear.gather @!p0 [hbm4b:s12+s0], $0x80, $0x38;
	[tilespmem:$0x1C800] =	vst v63  }
0xc3: {  	s12 =	simm.s32 @!p0 $0x1  }
0xc4: {  	_ =	swait.ge @!p0 [sflag:s12], $0x2000  }
0xc5: {  	s3 =	simm.s32 @!p0 $0xD;
	s16 =	simm.s32 @!p0 $0x800;
	[sflag:s12] =	ssyncset.done @!p0 $0x0  }
0xc6: {  	s15 =	simm.s32 @!p0 $0x480;
	[sflag:s12] =	ssyncadd.s32 @!p0 $0xFFFFE000;
	s12 =	simm.s32 @!p0 $0x40  }
0xc7: {  	[spmem:s1] =	stream.indirect.scatter.add.f32 @!p0 [tilespmem:s16], [sflag:$0xD], $0x80, s15, s12, $0xb8;
	[tilespmem:$0x1C800] =	vst v63  }
0xc8: {  	_ =	swait.ge @!p0 [sflag:s3], $0x2000  }
0xc9: {  	[sflag:s3] =	ssyncset.done @!p0 $0x0  }
0xca: {  	s19 =	simm.s32 @!p0 $0x5;
	[sflag:s3] =	ssyncadd.s32 @!p0 $0xFFFFE000  }
0xcb: {  	_ =	swait.ge @!p0 [sflag:s19], $0x80  }
0xcc: {  	[sflag:s19] =	ssyncset.done @!p0 $0x0  }
0xcd: {  	[sflag:s19] =	ssyncadd.s32 @!p0 $0xFFFFFF80  }
0xce: {  	_ =	swait.ge @!p0 [sflag:s19], $0x80  }
0xcf: {  	[sflag:s19] =	ssyncset.done @!p0 $0x0  }
0xd0: {  	[sflag:s19] =	ssyncadd.s32 @!p0 $0xFFFFFF80  }
0xd1: {  	[tilespmem:s16], [sflag:$0x1] =	stream.indirect.gather @!p0 [hbm4b:s4+s12], $0x80, s0, s12, $0xb8;
	[tilespmem:$0x1C800] =	vst v63  }
0xd2: {  	s19 =	simm.s32 @!p0 $0x400;
	s16 =	sadd.s32 @!p0 $0x40, s5  }
0xd3: {  	[tilespmem:s19], [sflag:$0x9] =	stream.linear.gather @!p0 [hbm4b:s16+s0], $0x80, $0x38;
	[tilespmem:$0x1C800] =	vst v63  }
0xd4: {  	s16 =	sadd.s32 @!p0 $0xC0, s6  }
0xd5: {  	[tilespmem:s15], [sflag:$0x9] =	stream.linear.gather @!p0 [hbm4b:s16+s0], $0x80, $0x38;
	[tilespmem:$0x1C800] =	vst v63  }
0xd6: {  	_ =	swait.ge [sflag:s7], $0x2000  }
0xd7: {  	[sflag:s7] =	ssyncset.done $0x0  }
0xd8: {  	s16 =	simm.s32 $0x580;
	[sflag:s7] =	ssyncadd.s32 $0xFFFFE000  }
0xd9: {  	[spmem:s1] =	stream.indirect.scatter.add.f32 [tilespmem:s8], [sflag:$0xD], $0x80, s16, s18, $0xb8;
	[tilespmem:$0x1C800] =	vst v63  }
0xda: {  	_ =	swait.ge [sflag:s29], $0x2000  }
0xdb: {  	[sflag:s29] =	ssyncset.done $0x0  }
0xdc: {  	s15 =	simm.s32 @p0 $0x3;
	[sflag:s29] =	ssyncadd.s32 $0xFFFFE000  }
0xdd: {  	_ =	swait.ge @p0 [sflag:s15], $0x2000  }
0xde: {  	[sflag:s15] =	ssyncset.done @p0 $0x0  }
0xdf: {  	s16 =	simm.s32 @p0 $0x4800;
	[sflag:s15] =	ssyncadd.s32 @p0 $0xFFFFE000;
	s15 =	simm.s32 @p0 $0x680  }
0xe0: {  	[spmem:s1] =	stream.indirect.scatter.add.f32 @p0 [tilespmem:s16], [sflag:$0xD], $0x80, s15, s13, $0xb8;
	[tilespmem:$0x1C800] =	vst v63  }
0xe1: {  	_ =	swait.ge @p0 [sflag:s14], $0x2000  }
0xe2: {  	[sflag:s14] =	ssyncset.done @p0 $0x0  }
0xe3: {  	s13 =	simm.s32 @!p0 $0x6;
	[sflag:s14] =	ssyncadd.s32 @p0 $0xFFFFE000  }
0xe4: {  	_ =	swait.ge @!p0 [sflag:s13], $0x80  }
0xe5: {  	[sflag:s13] =	ssyncset.done @!p0 $0x0  }
0xe6: {  	[sflag:s13] =	ssyncadd.s32 @!p0 $0xFFFFFF80  }
0xe7: {  	_ =	swait.ge @!p0 [sflag:s13], $0x80  }
0xe8: {  	[sflag:s13] =	ssyncset.done @!p0 $0x0  }
0xe9: {  	[sflag:s13] =	ssyncadd.s32 @!p0 $0xFFFFFF80;
	s13 =	simm.s32 @!p0 $0x2800  }
0xea: {  	[tilespmem:s13], [sflag:$0x2] =	stream.indirect.gather @!p0 [hbm4b:s4+s12], $0x80, s11, s12, $0xb8;
	[tilespmem:$0x1C800] =	vst v63  }
0xeb: {  	s11 =	sadd.s32 @!p0 $0x50, s5;
	s13 =	simm.s32 @!p0 $0x500  }
0xec: {  	[tilespmem:s13], [sflag:$0xA] =	stream.linear.gather @!p0 [hbm4b:s11+s0], $0x80, $0x38;
	[tilespmem:$0x1C800] =	vst v63  }
0xed: {  	s11 =	sadd.s32 @!p0 $0xD0, s6;
	s13 =	simm.s32 @!p0 $0x580  }
0xee: {  	[tilespmem:s13], [sflag:$0xA] =	stream.linear.gather @!p0 [hbm4b:s11+s0], $0x80, $0x38;
	[tilespmem:$0x1C800] =	vst v63  }
0xef: {  	s11 =	simm.s32 @!p0 $0x3  }
0xf0: {  	_ =	swait.ge @!p0 [sflag:s11], $0x2000  }
0xf1: {  	[sflag:s11] =	ssyncset.done @!p0 $0x0  }
0xf2: {  	s13 =	simm.s32 @!p0 $0x4800;
	[sflag:s11] =	ssyncadd.s32 @!p0 $0xFFFFE000;
	s11 =	simm.s32 @!p0 $0x680  }
0xf3: {  	[spmem:s1] =	stream.indirect.scatter.add.f32 @!p0 [tilespmem:s13], [sflag:$0xD], $0x80, s11, s12, $0xb8;
	[tilespmem:$0x1C800] =	vst v63  }
0xf4: {  	_ =	swait.ge @!p0 [sflag:s3], $0x2000  }
0xf5: {  	[sflag:s3] =	ssyncset.done @!p0 $0x0  }
0xf6: {  	[sflag:s3] =	ssyncadd.s32 @!p0 $0xFFFFE000;
	s3 =	simm.s32 @!p0 $0x7  }
0xf7: {  	_ =	swait.ge @!p0 [sflag:s3], $0x80  }
0xf8: {  	[sflag:s3] =	ssyncset.done @!p0 $0x0  }
0xf9: {  	[sflag:s3] =	ssyncadd.s32 @!p0 $0xFFFFFF80  }
0xfa: {  	_ =	swait.ge @!p0 [sflag:s3], $0x80  }
0xfb: {  	[sflag:s3] =	ssyncset.done @!p0 $0x0  }
0xfc: {  	[sflag:s3] =	ssyncadd.s32 @!p0 $0xFFFFFF80  }
0xfd: {  	[tilespmem:s13], [sflag:$0x3] =	stream.indirect.gather @!p0 [hbm4b:s4+s12], $0x80, s10, s12, $0xb8;
	[tilespmem:$0x1C800] =	vst v63  }
0xfe: {  	s3 =	sadd.s32 @!p0 $0x60, s5;
	s5 =	simm.s32 @!p0 $0x600  }
0xff: {  	[tilespmem:s5], [sflag:$0xB] =	stream.linear.gather @!p0 [hbm4b:s3+s0], $0x80, $0x38;
	[tilespmem:$0x1C800] =	vst v63  }
0x100: {  	s3 =	sadd.s32 @!p0 $0xE0, s6  }
0x101: {  	[tilespmem:s11], [sflag:$0xB] =	stream.linear.gather @!p0 [hbm4b:s3+s0], $0x80, $0x38;
	[tilespmem:$0x1C800] =	vst v63  }
0x102: {  	_ =	swait.ge [sflag:s21], $0x2000  }
0x103: {  	[sflag:s21] =	ssyncset.done $0x0  }
.Ltmp2:
0x104: {  	s15 =	simm.s32 $0x6800;
	[sflag:s21] =	ssyncadd.s32 $0xFFFFE000;
	(pc) =	sbr.rel @p0 .LBB2_4-.Ltmp2, $4  }
0x105: {  	[spmem:s1] =	stream.indirect.scatter.add.f32 [tilespmem:s15], [sflag:$0xD], $0x80, s23, s18, $0xb8;
	[tilespmem:$0x1C800] =	vst v63  }
0x106: {  	_ =	swait.ge [sflag:s29], $0x2000  }
0x107: {  	s28 =	simm.s32 $0x800;
	s20 =	simm.s32 $0x4800;
	[sflag:s29] =	ssyncset.done $0x0  }
0x108: {  	s19 =	simm.s32 $0x2800;
	s13 =	simm.s32 $0x780;
	[sflag:s29] =	ssyncadd.s32 $0xFFFFE000  }
0x109: {  	_ =	swait.ge [sflag:s31], $0x80  }
0x10a: {  	[sflag:s31] =	ssyncset.done $0x0  }
0x10b: {  	[sflag:s31] =	ssyncadd.s32 $0xFFFFFF80  }
0x10c: {  	_ =	swait.ge [sflag:s31], $0x80  }
0x10d: {  	[sflag:s31] =	ssyncset.done $0x0  }
0x10e: {  	s0 =	simm.s32 $0x300;
	[sflag:s31] =	ssyncadd.s32 $0xFFFFFF80  }
0x10f: {  	[tilespmem:s15], [sflag:$0x4] =	stream.indirect.gather [hbm4b:s4+s18], $0x80, s0, s18, $0xb8;
	[tilespmem:$0x1C800] =	vst v63  }
.Ltmp3:
0x110: {  	s23 =	sadd.s32 s30, s22;
	s3 =	simm.s32 $0x0;
	(pc) =	sbr.rel .LBB2_2-.Ltmp3, $4  }
0x111: {  	s28 =	sadd.s32 s30, s26;
	s30 =	sadd.s32 $0x80, s30;
	s0 =	sadd.s32 $0x70, s23  }
0x112: {  	[tilespmem:s25], [sflag:$0xC] =	stream.linear.gather [hbm4b:s0+s3], $0x80, $0x38;
	[tilespmem:$0x1C800] =	vst v63  }
0x113: {  	s14 =	simm.s32 $0x700;
	s23 =	simm.s32 $0x780;
	s0 =	sadd.s32 $0xF0, s28  }
0x114: {  	[tilespmem:s13], [sflag:$0xC] =	stream.linear.gather [hbm4b:s0+s3], $0x80, $0x38;
	[tilespmem:$0x1C800] =	vst v63  }
.LBB2_5:
0x115: {  	_ =	sfence.sel $0x180000  }
0x116: {  	[bflag:$0x0] =	sbarrier.arrive $0xFFFF  }
0x117: {  	_ =	strace $0x9000004A  }
0x118: {  	s0 =	stileid.u32;
	[bflag:$0x2] =	sbarrier.arrive $0xFFFF  }
0x119: {  	p0 =	sne.s32 s0, $0x0;
	s0 =	rddreg [dreg:$0x2]  }
0x11a: {  	s0 =	sadd.s32 @!p0 $0x100000, s0  }
0x11b: {  	[sflag:s0] =	ssyncadd.tile.s32 @!p0 $0x1;
	_ =	shalt  }
.Lfunc_end2:
_tile_overlayer_lowered:
.L_overlay_start_2:
0x11c: {  	(tag) =	ssettag $0x2  }
0x11d: {  	s0 =	rddreg [dreg:$0x0];
	s2 =	stileid.u32  }
0x11e: {  	s1 =	rddreg [dreg:$0x1];
	p0 =	sne.s32 s2, $0x0  }
0x11f: {  	s3 =	rddreg [dreg:$0x2];
	[bflag:$0x3] =	sbarrier.arrive $0xFFFF;
	s2 =	simm.s32 @!p0 $0x1C0D  }
0x120: {  	[timem:s3], [sflag:s2] =	dma.local @!p0 [hbm:s0], s1  }
0x121: {  	s0 =	simm.s32 @!p0 $0xD  }
0x122: {  	_ =	swait.ge @!p0 [sflag:s0], s1  }
0x123: {  	s1 =	ssub.s32 @!p0 $0x0, s1;
	[sflag:s0] =	ssyncset.done @!p0 $0x0  }
0x124: {  	[sflag:s0] =	ssyncadd.s32 @!p0 s1  }
0x125: {  	[bflag:$0x3] =	sbarrier.arrive $0xFFFF  }
0x126: {  	_ =	shalt  }

// kernel: kernel.14.cloned.1.call-start
scs
__scs_entry_jumppad:
0x0: {  	(pc) =	sbr.rel $0x88, $3  }
0x1: {  	(tag) =	ssettag $0x0;
	lr =	simm.s32 $0x1  }
0x2: {  	[smem:$0x3F99] =	sst lr;
	_ =	strace $0xD0000000  }
0x3: {  	_ = 	snop  }
0x4: {  	_ = 	snop  }
0x5: {  	_ = 	snop  }
0x6: {  	_ = 	snop  }
0x7: {  	_ = 	snop  }
__scs_overlays_trampoline_lowered:
0x8: {  	[smem:$0x3FA8] =	sst s0  }
0x9: {  	[smem:$0x3FA9] =	sst s1  }
0xa: {  	[smem:$0x3FAA] =	sst s2  }
0xb: {  	[smem:$0x3FAB] =	sst s3  }
0xc: {  	[smem:$0x3FAC] =	sst s4  }
0xd: {  	[smem:$0x3FAD] =	sst s5  }
0xe: {  	[smem:$0x3FAE] =	sst s6  }
0xf: {  	[smem:$0x3FAF] =	sst s7  }
0x10: {  	[smem:$0x3FB0] =	sst s8  }
0x11: {  	[smem:$0x3FB1] =	sst s9;
	s0 =	simm.s32 @!p0 $0x0  }
0x12: {  	s1 =	sld [smem:$0x3F97];
	s0 =	simm.s32 @p0 $0x1  }
0x13: {  	[smem:$0x3FB2] =	sst s0;
	s0 =	simm.s32 @!p1 $0x0  }
0x14: {  	s2 =	sld [smem:$0x3F96];
	s0 =	simm.s32 @p1 $0x1  }
0x15: {  	[smem:$0x3FB3] =	sst s0;
	s0 =	simm.s32 @!p2 $0x0  }
0x16: {  	s3 =	sld [smem:$0x3FDB];
	s0 =	simm.s32 @p2 $0x1  }
0x17: {  	s4 =	simm.s32 $0x1BF5;
	[smem:$0x3FB5] =	sst s0  }
0x18: {  	s0 =	sld [smem:$0x3F98];
	_ =	swait.ge [sflag:s4], $0x0  }
0x19: {  	s7 =	sld [smem:$0x3F99]  }
0x1a: {  	s8 =	sadd.s32 $0xFFFFE003, lr  }
0x1b: {  	s9 =	sadd.s32 $0xFFFFFEF7, lr;
	s5 =	simm.s32 $0xFFFFFFFF;
	p2 =	slt.u32 s8, $0xFFFFF086  }
0x1c: {  	p1 =	slt.u32 s9, $0xF7A;
	s5 =	simm.s32 @!p2 $0x0  }
0x1d: {  	s5 =	simm.s32 @p1 $0x1;
	p0 =	seq.s32 s7, s2  }
0x1e: {  	s7 =	smul.u32 @!p0 $0xF7A, s2;
	p2 =	seq.s32 @!p0 s5, $0x0  }
0x1f: {  	s9 =	smul.u32 $0xF7A, s1;
	s8 =	simm.s32 @!p0 $0x1BF5;
	p2 =	por !p2, p0  }
0x20: {  	[sflag:s8] =	ssyncset.s32 @!p0 $0xFFFFF086;
	s6 =	sadd.s32 @!p0 s3, s7;
	s7 =	simm.s32 @!p0 $0x108  }
0x21: {  	s3 =	sadd.s32 s3, s9;
	s6 =	sadd.s32 @!p0 $0x88, s6;
	s7 =	simm.s32 @p2 $0x1082  }
0x22: {  	[simem:s7], [sflag:s8] =	dma.local @!p0 [hbm:s6], $0xF7A  }
0x23: {  	s9 =	sor.u32 $0xD0000000, s2;
	s6 =	simm.s32 $0x108;
	_ =	swait.ge @!p0 [sflag:s8], $0x0  }
0x24: {  	s3 =	sadd.s32 $0x88, s3;
	s6 =	simm.s32 @!p1 $0x1082;
	[sflag:s4] =	ssyncset.s32 $0xFFFFF086  }
0x25: {  	[simem:s6], [sflag:s4] =	dma.local [hbm:s3], $0xF7A  }
0x26: {  	[smem:$0x3F99] =	sst s1;
	(tag) =	ssettag s2;
	_ =	strace s9  }
0x27: {  	s1 =	sld [smem:$0x3FA9]  }
0x28: {  	s2 =	sld [smem:$0x3FAA]  }
0x29: {  	s4 =	sld [smem:$0x3FAC]  }
0x2a: {  	p0 =	seq.s32 s5, $0x0;
	s5 =	sld [smem:$0x3FAD]  }
0x2b: {  	s6 =	sld [smem:$0x3FAE]  }
0x2c: {  	s7 =	sld [smem:$0x3FAF]  }
0x2d: {  	s3 =	simm.s32 $0x108;
	s8 =	sld [smem:$0x3FB0]  }
0x2e: {  	s3 =	simm.s32 @!p0 $0x1082;
	s9 =	sld [smem:$0x3FB1]  }
0x2f: {  	lr =	sadd.s32 s0, s3;
	s0 =	sld [smem:$0x3FA8]  }
0x30: {  	s3 =	sld [smem:$0x3FAB]  }
0x31: {  	[smem:$0x3FB4] =	sst s10  }
0x32: {  	s10 =	sld [smem:$0x3FB2];
	_ =	sdelay $0x3  }
0x33: {  	p0 =	seq.s32 s10, $0x1;
	s10 =	sld [smem:$0x3FB4];
	_ =	sdelay $0x3  }
0x34: {  	[smem:$0x3FB4] =	sst s10  }
0x35: {  	s10 =	sld [smem:$0x3FB3];
	_ =	sdelay $0x3  }
0x36: {  	p1 =	seq.s32 s10, $0x1;
	s10 =	sld [smem:$0x3FB4];
	_ =	sdelay $0x3  }
0x37: {  	[smem:$0x3FB4] =	sst s10  }
0x38: {  	s10 =	sld [smem:$0x3FB5]  }
0x39: {  	_ = 	snop;
	(pc) =	sbr.ind lr, $3  }
0x3a: {  	_ = 	snop  }
0x3b: {  	_ = 	snop  }
0x3c: {  	p2 =	seq.s32 s10, $0x1;
	s10 =	sld [smem:$0x3FB4]  }
0x3d: {  	_ =	shalt  }
0x3e: {  	_ =	shalt  }
0x3f: {  	_ =	shalt  }
0x40: {  	_ =	shalt  }
0x41: {  	_ =	shalt  }
0x42: {  	_ =	shalt  }
0x43: {  	_ =	shalt  }
0x44: {  	_ =	shalt  }
0x45: {  	_ =	shalt  }
0x46: {  	_ =	shalt  }
0x47: {  	_ =	shalt  }
0x48: {  	_ =	shalt  }
0x49: {  	_ =	shalt  }
0x4a: {  	_ =	shalt  }
0x4b: {  	_ =	shalt  }
0x4c: {  	_ =	shalt  }
0x4d: {  	_ =	shalt  }
0x4e: {  	_ =	shalt  }
0x4f: {  	_ =	shalt  }
0x50: {  	_ =	shalt  }
0x51: {  	_ =	shalt  }
0x52: {  	_ =	shalt  }
0x53: {  	_ =	shalt  }
0x54: {  	_ =	shalt  }
0x55: {  	_ =	shalt  }
0x56: {  	_ =	shalt  }
0x57: {  	_ =	shalt  }
0x58: {  	_ =	shalt  }
0x59: {  	_ =	shalt  }
0x5a: {  	_ =	shalt  }
0x5b: {  	_ =	shalt  }
0x5c: {  	_ =	shalt  }
0x5d: {  	_ =	shalt  }
0x5e: {  	_ =	shalt  }
0x5f: {  	_ =	shalt  }
0x60: {  	_ =	shalt  }
0x61: {  	_ =	shalt  }
0x62: {  	_ =	shalt  }
0x63: {  	_ =	shalt  }
0x64: {  	_ =	shalt  }
0x65: {  	_ =	shalt  }
0x66: {  	_ =	shalt  }
0x67: {  	_ =	shalt  }
0x68: {  	_ =	shalt  }
0x69: {  	_ =	shalt  }
0x6a: {  	_ =	shalt  }
0x6b: {  	_ =	shalt  }
0x6c: {  	_ =	shalt  }
0x6d: {  	_ =	shalt  }
0x6e: {  	_ =	shalt  }
0x6f: {  	_ =	shalt  }
0x70: {  	_ =	shalt  }
0x71: {  	_ =	shalt  }
0x72: {  	_ =	shalt  }
0x73: {  	_ =	shalt  }
0x74: {  	_ =	shalt  }
0x75: {  	_ =	shalt  }
0x76: {  	_ =	shalt  }
0x77: {  	_ =	shalt  }
0x78: {  	_ =	shalt  }
0x79: {  	_ =	shalt  }
0x7a: {  	_ =	shalt  }
0x7b: {  	_ =	shalt  }
0x7c: {  	_ =	shalt  }
0x7d: {  	_ =	shalt  }
0x7e: {  	_ =	shalt  }
0x7f: {  	_ =	shalt  }
0x80: {  	_ =	shalt  }
0x81: {  	_ =	shalt  }
0x82: {  	_ =	shalt  }
0x83: {  	_ =	shalt  }
0x84: {  	_ =	shalt  }
0x85: {  	_ =	shalt  }
0x86: {  	_ =	shalt  }
0x87: {  	_ =	shalt  }
.Lfunc_end0:
.L_simem_size_0:
called_computation.2_lowered:
.L_overlay_start_0:
0x88: {  	s2 =	sld [smem:$0x3FD9]  }
0x89: {  	s3 =	sld [smem:$0x3FFE];
	_ =	sdelay $0x1  }
0x8a: {  	s1 =	srdreg.scid  }
0x8b: {  	s0 =	sand.u32 $0x1, s1  }
0x8c: {  	s16 =	sshll.u32 s0, $0xA;
	s2 =	sadd.s32 s3, s2  }
0x8d: {  	s2 =	sadd.s32 s2, s16  }
0x8e: {  	[smem:$0x3FC0] =	sst s2  }
0x8f: {  	_ = 	snop  }
0x90: {  	(tm) =	ssettm $0x1  }
0x91: {  	s17 =	sld [smem:$0x3FFB];
	_ =	sdelay $0x3  }
0x92: {  	_ =	strace s17  }
0x93: {  	s2 =	sld [smem:$0x3FFC];
	_ =	sdelay $0x3  }
0x94: {  	_ =	strace s2  }
0x95: {  	s2 =	sld [smem:$0x3FFD];
	_ =	sdelay $0x3  }
0x96: {  	_ =	strace s2  }
0x97: {  	_ =	strace $0x8FFFFFFF  }
0x98: {  	s18 =	sld [smem:$0x3FDB];
	_ =	sdelay $0x1  }
0x99: {  	s19 =	simm.s32 $_scs_section_size  }
0x9a: {  	s4 =	simm.s32 $_size__tile_overlayer_lowered;
	s5 =	simm.s32 $_tile_overlayer_lowered  }
0x9b: {  	s22 =	simm.s32 $0x1BFF;
	s21 =	sshll.u32 s5, $0x1;
	s2 =	sadd.s32 s19, s18  }
0x9c: {  	s6 =	simm.s32 $0x0;
	s20 =	sshll.u32 s4, $0x1;
	s4 =	sadd.s32 s21, s2  }
0x9d: {  	[timem:s6], [sflag:s22] =	dma.local [hbm:s4], s20  }
0x9e: {  	_ =	swait.ge [sflag:s22], s20  }
0x9f: {  	s3 =	ssub.s32 $0x0, s20;
	[sflag:s22] =	ssyncset.done $0x0  }
0xa0: {  	[sflag:s22] =	ssyncadd.s32 s3;
	_ =	sdelay $0x1  }
0xa1: {  	s23 =	simm.s32 $0x1B8B  }
0xa2: {  	_ =	swait.ge [sflag:s23], $0x1  }
0xa3: {  	[sflag:s23] =	ssyncset.done $0x0  }
0xa4: {  	s25 =	simm.s32 $0x1B8E;
	s24 =	sld [smem:$0x3FFE];
	[sflag:s23] =	ssyncadd.s32 $0xFFFFFFFF  }
0xa5: {  	s26 =	simm.s32 $execute0_lowered;
	[smem:$0x3FD2] =	sst s25  }
0xa6: {  	s4 =	sshll.u32 s26, $0x1;
	_ =	strace $0x8000004C;
	[dreg:$0x1] =	wrdreg $0xFFFFFFFF  }
0xa7: {  	s28 =	simm.s32 $_size_execute0_lowered;
	s2 =	sadd.s32 s2, s4;
	[dreg:$0x0] =	wrdreg $0x0  }
0xa8: {  	s4 =	sshll.u32 s28, $0x1;
	[dreg:$0x2] =	wrdreg s2  }
0xa9: {  	[dreg:$0x3] =	wrdreg s4  }
0xaa: {  	[dreg:$0x4] =	wrdreg $0xC0  }
0xab: {  	_ =	task [dreg:s6], $0x5FFFF  }
0xac: {  	[dreg:$0x1] =	wrdreg $0xFFFFFFFF  }
0xad: {  	[dreg:$0x0] =	wrdreg $0x60  }
0xae: {  	[dreg:$0x2] =	wrdreg s24  }
0xaf: {  	[dreg:$0x3] =	wrdreg $0x48000  }
0xb0: {  	[dreg:$0x4] =	wrdreg $0x9  }
0xb1: {  	_ =	task.clear_ibuf [dreg:s6], $0x5FFFF;
	_ =	strace $0x9000004C  }
0xb2: {  	s29 =	simm.s32 $0x9;
	_ =	strace $0x8000004E  }
0xb3: {  	_ =	swait.ge [sflag:s29], $0x1  }
0xb4: {  	[sflag:s29] =	ssyncadd.s32 $0xFFFFFFFF  }
0xb5: {  	_ =	strace $0x9000004E  }
0xb6: {  	_ =	sfence  }
0xb7: {  	s30 =	sld [smem:$0x0];
	_ =	sdelay $0x2  }
0xb8: {  	s31 =	sshll.u32 s1, $0xD;
	s1 =	sshrl.u32 s1, $0x2  }
0xb9: {  	s3 =	sand.u32 $0x4000, s31;
	s1 =	sadd.s32 s1, s30  }
0xba: {  	s0 =	sor.u32 s3, s0;
	s1 =	sshll.u32 s1, $0x11  }
0xbb: {  	s0 =	sor.u32 s1, s0  }
0xbc: {  	s0 =	sadd.s32 $0x8F2B, s0  }
0xbd: {  	[sflag:s0] =	ssyncadd.remote.s32 $0x1  }
0xbe: {  	_ =	sfence.sel $0xFFFF  }
0xbf: {  	[dreg:$0x0] =	wrdreg $0xFFFFFFFF;
	(pc) =	sbr.abs _section_cstart, $3  }
0xc0: {  	[dreg:$0x1] =	wrdreg $0xFFFFFFFF  }
0xc1: {  	_ =	task.clear_ibuf [dreg:s6], $0x2FFFF;
	_ =	strace $0x9FFFFFFF  }
0xc2: {  	(tm) =	ssettm $0x7FFFFFFF  }
0xc3: {  	_ =	shalt  }
tec
execute0_lowered:
.L_overlay_start_1:
0x0: {  	(tag) =	ssettag $0x1  }
0x1: {  	s0 =	srdreg.scid  }
0x2: {  	s1 =	rddreg [dreg:$0x0];
	s23 =	stileid.u32  }
0x3: {  	s2 =	rddreg [dreg:$0x1];
	s3 =	simm.s32 $0x0;
	s13 =	simm.s32 $0x1400  }
0x4: {  	s14 =	simm.s32 $0x80;
	s15 =	simm.s32 $0x2800;
	s16 =	simm.s32 $0x3000  }
0x5: {  	s17 =	simm.s32 $0x100;
	s18 =	simm.s32 $0x3800;
	s19 =	simm.s32 $0x180  }
0x6: {  	s20 =	simm.s32 $0x4000;
	s21 =	simm.s32 $0x1;
	s22 =	simm.s32 $0x2  }
0x7: {  	s28 =	simm.s32 $0x2700;
	s29 =	simm.s32 $0x2780;
	s7 =	smul.u32 $0x1400, s23  }
0x8: {  	s30 =	simm.s32 $0x0;
	s5 =	sand.u32 $0x1, s0;
	s8 =	smul.u32 $0x2800, s23  }
0x9: {  	[smem:$0x7FF] =	sst s3;
	s4 =	sadd.s32 $0x6C00, s1;
	s10 =	sadd.s32 $0xBC00, s1  }
0xa: {  	s31 =	sshll.u32 s23, $0x6;
	s23 =	simm.s32 $0x3;
	s6 =	smul.u32 $0x14000, s5  }
0xb: {  	s9 =	smul.u32 $0x28000, s5;
	_ =	strace $0x8000004D;
	s25 =	ssub.s32 $0x2, s5  }
0xc: {  	p0 =	seq.s32 s5, $0x1;
	s11 =	sshrl.u32 s25, $0x1;
	s26 =	sadd.s32 s8, s2  }
0xd: {  	s12 =	sshrl.u32 s8, $0x3;
	s6 =	sadd.s32 s7, s6;
	s24 =	sadd.s32 s8, s9  }
0xe: {  	s9 =	ssub.s32 s25, s11;
	s11 =	sshrl.u32 s26, $0x3;
	s25 =	simm.s32 $0x2600  }
0xf: {  	s26 =	simm.s32 $0x2680;
	s6 =	sshrl.u32 s6, $0x3;
	s7 =	sshrl.u32 s24, $0x3  }
0x10: {  	s8 =	smax.u32 s9, $0x1;
	s6 =	sadd.s32 s6, s1;
	s1 =	sadd.s32 s7, s1  }
0x11: {  	s24 =	simm.s32 $0x4;
	s7 =	sadd.s32 $0x16400, s1;
	s1 =	smov.u32 s4  }
0x12: {  	s5 =	sadd.s32 $0x11400, s6;
	s6 =	sadd.s32 $0x1C00, s6;
	s1 =	smov.u32 @p0 s10  }
0x13: {  	s10 =	sor.u32 $0x1C05, s31;
	s9 =	sadd.s32 s1, s12;
	s12 =	simm.s32 $0x5  }
.LBB2_1:
0x14: {  	[spmem:s11], [sflag:s10] =	dma.local [hbm:s9], $0x500  }
0x15: {  	_ =	swait.ge [sflag:s12], $0x500  }
0x16: {  	[sflag:s12] =	ssyncset.done $0x0  }
0x17: {  	[sflag:s12] =	ssyncadd.s32 $0xFFFFFB00  }
0x18: {  	[tilespmem:s3], [sflag:$0x5] =	stream.linear.gather [hbm4b:s5+s3], $0x1400, $0x38;
	[tilespmem:$0x7000] =	vst v63  }
0x19: {  	_ =	swait.ge [sflag:s12], $0x1400  }
0x1a: {  	[sflag:s12] =	ssyncset.done $0x0  }
0x1b: {  	[sflag:s12] =	ssyncadd.s32 $0xFFFFEC00  }
0x1c: {  	[tilespmem:s13], [sflag:$0x5] =	stream.linear.gather [hbm4b:s6+s3], $0x1400, $0x38;
	[tilespmem:$0x7000] =	vst v63  }
0x1d: {  	_ =	swait.ge [sflag:s12], $0x1400  }
0x1e: {  	[sflag:s12] =	ssyncset.done $0x0  }
0x1f: {  	[sflag:s12] =	ssyncadd.s32 $0xFFFFEC00  }
0x20: {  	[bflag:$0x0] =	sbarrier.arrive $0xFFFF  }
0x21: {  	[tilespmem:s15], [sflag:$0x1] =	stream.indirect.gather [hbm4b:s4+s14], $0x10, s3, s14, $0xb8;
	[tilespmem:$0x7000] =	vst v63  }
0x22: {  	_ = 	snop  }
0x23: {  	[tilespmem:s16], [sflag:$0x2] =	stream.indirect.gather [hbm4b:s4+s14], $0x10, s14, s14, $0xb8;
	[tilespmem:$0x7000] =	vst v63  }
0x24: {  	_ = 	snop  }
0x25: {  	[tilespmem:s18], [sflag:$0x3] =	stream.indirect.gather [hbm4b:s4+s14], $0x10, s17, s14, $0xb8;
	[tilespmem:$0x7000] =	vst v63  }
0x26: {  	_ = 	snop  }
0x27: {  	[tilespmem:s20], [sflag:$0x4] =	stream.indirect.gather [hbm4b:s4+s14], $0x10, s19, s14, $0xb8;
	[tilespmem:$0x7000] =	vst v63  }
0x28: {  	_ =	swait.ge [sflag:s21], $0x800  }
0x29: {  	[sflag:s21] =	ssyncset.done $0x0  }
0x2a: {  	s1 =	simm.s32 $0x1400;
	[sflag:s21] =	ssyncadd.s32 $0xFFFFF800  }
0x2b: {  	[spmem:s2] =	stream.indirect.scatter.add.f32 [tilespmem:s15], [sflag:$0x5], $0x10, s1, s14, $0xb8;
	[tilespmem:$0x7000] =	vst v63  }
0x2c: {  	_ =	swait.ge [sflag:s12], $0x800  }
0x2d: {  	[sflag:s12] =	ssyncset.done $0x0  }
0x2e: {  	s0 =	simm.s32 $0x200;
	[sflag:s12] =	ssyncadd.s32 $0xFFFFF800  }
0x2f: {  	[tilespmem:s15], [sflag:$0x1] =	stream.indirect.gather [hbm4b:s4+s14], $0x10, s0, s14, $0xb8;
	[tilespmem:$0x7000] =	vst v63  }
0x30: {  	_ =	swait.ge [sflag:s22], $0x800  }
0x31: {  	[sflag:s22] =	ssyncset.done $0x0  }
0x32: {  	s0 =	simm.s32 $0x1480;
	[sflag:s22] =	ssyncadd.s32 $0xFFFFF800  }
0x33: {  	[spmem:s2] =	stream.indirect.scatter.add.f32 [tilespmem:s16], [sflag:$0x5], $0x10, s0, s14, $0xb8;
	[tilespmem:$0x7000] =	vst v63  }
0x34: {  	_ =	swait.ge [sflag:s12], $0x800  }
0x35: {  	[sflag:s12] =	ssyncset.done $0x0  }
0x36: {  	s0 =	simm.s32 $0x280;
	[sflag:s12] =	ssyncadd.s32 $0xFFFFF800  }
0x37: {  	[tilespmem:s16], [sflag:$0x2] =	stream.indirect.gather [hbm4b:s4+s14], $0x10, s0, s14, $0xb8;
	[tilespmem:$0x7000] =	vst v63  }
0x38: {  	_ =	swait.ge [sflag:s23], $0x800  }
0x39: {  	[sflag:s23] =	ssyncset.done $0x0  }
0x3a: {  	s0 =	simm.s32 $0x1500;
	[sflag:s23] =	ssyncadd.s32 $0xFFFFF800  }
0x3b: {  	[spmem:s2] =	stream.indirect.scatter.add.f32 [tilespmem:s18], [sflag:$0x5], $0x10, s0, s14, $0xb8;
	[tilespmem:$0x7000] =	vst v63  }
0x3c: {  	_ =	swait.ge [sflag:s12], $0x800  }
0x3d: {  	[sflag:s12] =	ssyncset.done $0x0  }
0x3e: {  	s0 =	simm.s32 $0x300;
	[sflag:s12] =	ssyncadd.s32 $0xFFFFF800  }
0x3f: {  	[tilespmem:s18], [sflag:$0x3] =	stream.indirect.gather [hbm4b:s4+s14], $0x10, s0, s14, $0xb8;
	[tilespmem:$0x7000] =	vst v63  }
0x40: {  	_ =	swait.ge [sflag:s24], $0x800  }
0x41: {  	[sflag:s24] =	ssyncset.done $0x0  }
0x42: {  	s0 =	simm.s32 $0x1580;
	[sflag:s24] =	ssyncadd.s32 $0xFFFFF800  }
0x43: {  	[spmem:s2] =	stream.indirect.scatter.add.f32 [tilespmem:s20], [sflag:$0x5], $0x10, s0, s14, $0xb8;
	[tilespmem:$0x7000] =	vst v63  }
0x44: {  	_ =	swait.ge [sflag:s12], $0x800  }
0x45: {  	[sflag:s12] =	ssyncset.done $0x0  }
0x46: {  	s31 =	simm.s32 $0x800;
	s1 =	simm.s32 $0x380;
	[sflag:s12] =	ssyncadd.s32 $0xFFFFF800  }
.LBB2_2:
0x47: {  	[tilespmem:s20], [sflag:$0x4] =	stream.indirect.gather [hbm4b:s4+s14], $0x10, s1, s14, $0xb8;
	[tilespmem:$0x7000] =	vst v63  }
0x48: {  	s1 =	smov.u32 s31  }
0x49: {  	p0 =	sne.s32 s31, $0x4000;
	s31 =	sadd.s32 $0x800, s31;
	_ =	swait.ge [sflag:s21], $0x800  }
0x4a: {  	s1 =	sshra.s32 s1, $0x2;
	[sflag:s21] =	ssyncset.done $0x0  }
0x4b: {  	s0 =	sadd.s32 $0x1400, s1;
	[sflag:s21] =	ssyncadd.s32 $0xFFFFF800  }
0x4c: {  	[spmem:s2] =	stream.indirect.scatter.add.f32 [tilespmem:s15], [sflag:$0x5], $0x10, s0, s14, $0xb8;
	[tilespmem:$0x7000] =	vst v63  }
0x4d: {  	_ =	swait.ge [sflag:s12], $0x800  }
0x4e: {  	[sflag:s12] =	ssyncset.done $0x0  }
0x4f: {  	s0 =	sadd.s32 $0x200, s1;
	[sflag:s12] =	ssyncadd.s32 $0xFFFFF800  }
0x50: {  	[tilespmem:s15], [sflag:$0x1] =	stream.indirect.gather [hbm4b:s4+s14], $0x10, s0, s14, $0xb8;
	[tilespmem:$0x7000] =	vst v63  }
0x51: {  	_ =	swait.ge [sflag:s22], $0x800  }
0x52: {  	[sflag:s22] =	ssyncset.done $0x0  }
0x53: {  	s0 =	sadd.s32 $0x1480, s1;
	[sflag:s22] =	ssyncadd.s32 $0xFFFFF800  }
0x54: {  	[spmem:s2] =	stream.indirect.scatter.add.f32 [tilespmem:s16], [sflag:$0x5], $0x10, s0, s14, $0xb8;
	[tilespmem:$0x7000] =	vst v63  }
0x55: {  	_ =	swait.ge [sflag:s12], $0x800  }
0x56: {  	[sflag:s12] =	ssyncset.done $0x0  }
0x57: {  	s0 =	sadd.s32 $0x280, s1;
	[sflag:s12] =	ssyncadd.s32 $0xFFFFF800  }
0x58: {  	[tilespmem:s16], [sflag:$0x2] =	stream.indirect.gather [hbm4b:s4+s14], $0x10, s0, s14, $0xb8;
	[tilespmem:$0x7000] =	vst v63  }
0x59: {  	_ =	swait.ge [sflag:s23], $0x800  }
0x5a: {  	[sflag:s23] =	ssyncset.done $0x0  }
0x5b: {  	s0 =	sadd.s32 $0x1500, s1;
	[sflag:s23] =	ssyncadd.s32 $0xFFFFF800  }
0x5c: {  	[spmem:s2] =	stream.indirect.scatter.add.f32 [tilespmem:s18], [sflag:$0x5], $0x10, s0, s14, $0xb8;
	[tilespmem:$0x7000] =	vst v63  }
0x5d: {  	_ =	swait.ge [sflag:s12], $0x800  }
0x5e: {  	[sflag:s12] =	ssyncset.done $0x0  }
0x5f: {  	s0 =	sadd.s32 $0x300, s1;
	[sflag:s12] =	ssyncadd.s32 $0xFFFFF800  }
0x60: {  	[tilespmem:s18], [sflag:$0x3] =	stream.indirect.gather [hbm4b:s4+s14], $0x10, s0, s14, $0xb8;
	[tilespmem:$0x7000] =	vst v63  }
0x61: {  	_ =	swait.ge [sflag:s24], $0x800  }
0x62: {  	[sflag:s24] =	ssyncset.done $0x0  }
.Ltmp0:
0x63: {  	s0 =	sadd.s32 $0x1580, s1;
	[sflag:s24] =	ssyncadd.s32 $0xFFFFF800;
	(pc) =	sbr.rel @p0 .LBB2_2-.Ltmp0, $4  }
0x64: {  	[spmem:s2] =	stream.indirect.scatter.add.f32 [tilespmem:s20], [sflag:$0x5], $0x10, s0, s14, $0xb8;
	[tilespmem:$0x7000] =	vst v63  }
0x65: {  	_ =	swait.ge [sflag:s12], $0x800  }
0x66: {  	[sflag:s12] =	ssyncset.done $0x0  }
0x67: {  	s1 =	sadd.s32 $0x380, s1;
	[sflag:s12] =	ssyncadd.s32 $0xFFFFF800  }
0x68: {  	[tilespmem:s20], [sflag:$0x4] =	stream.indirect.gather [hbm4b:s4+s14], $0x10, s1, s14, $0xb8;
	[tilespmem:$0x7000] =	vst v63  }
0x69: {  	_ =	swait.ge [sflag:s21], $0x800  }
0x6a: {  	[sflag:s21] =	ssyncset.done $0x0  }
0x6b: {  	[sflag:s21] =	ssyncadd.s32 $0xFFFFF800  }
0x6c: {  	[spmem:s2] =	stream.indirect.scatter.add.f32 [tilespmem:s15], [sflag:$0x5], $0x10, s25, s14, $0xb8;
	[tilespmem:$0x7000] =	vst v63  }
0x6d: {  	_ =	swait.ge [sflag:s12], $0x800  }
0x6e: {  	[sflag:s12] =	ssyncset.done $0x0  }
0x6f: {  	[sflag:s12] =	ssyncadd.s32 $0xFFFFF800  }
0x70: {  	_ =	swait.ge [sflag:s22], $0x800  }
0x71: {  	[sflag:s22] =	ssyncset.done $0x0  }
0x72: {  	[sflag:s22] =	ssyncadd.s32 $0xFFFFF800  }
0x73: {  	[spmem:s2] =	stream.indirect.scatter.add.f32 [tilespmem:s16], [sflag:$0x5], $0x10, s26, s14, $0xb8;
	[tilespmem:$0x7000] =	vst v63  }
0x74: {  	_ =	swait.ge [sflag:s12], $0x800  }
0x75: {  	[sflag:s12] =	ssyncset.done $0x0  }
0x76: {  	[sflag:s12] =	ssyncadd.s32 $0xFFFFF800  }
0x77: {  	_ =	swait.ge [sflag:s23], $0x800  }
0x78: {  	[sflag:s23] =	ssyncset.done $0x0  }
0x79: {  	[sflag:s23] =	ssyncadd.s32 $0xFFFFF800  }
0x7a: {  	[spmem:s2] =	stream.indirect.scatter.add.f32 [tilespmem:s18], [sflag:$0x5], $0x10, s28, s14, $0xb8;
	[tilespmem:$0x7000] =	vst v63  }
0x7b: {  	_ =	swait.ge [sflag:s12], $0x800  }
0x7c: {  	[sflag:s12] =	ssyncset.done $0x0  }
0x7d: {  	[sflag:s12] =	ssyncadd.s32 $0xFFFFF800  }
0x7e: {  	_ =	swait.ge [sflag:s24], $0x800  }
0x7f: {  	[sflag:s24] =	ssyncset.done $0x0  }
0x80: {  	[sflag:s24] =	ssyncadd.s32 $0xFFFFF800  }
0x81: {  	[spmem:s2] =	stream.indirect.scatter.add.f32 [tilespmem:s20], [sflag:$0x5], $0x10, s29, s14, $0xb8;
	[tilespmem:$0x7000] =	vst v63  }
0x82: {  	_ =	swait.ge [sflag:s12], $0x800  }
0x83: {  	s30 =	sadd.s32 $0x1, s30;
	[sflag:s12] =	ssyncset.done $0x0  }
0x84: {  	p0 =	sne.s32 s30, s8;
	[sflag:s12] =	ssyncadd.s32 $0xFFFFF800  }
.Ltmp1:
0x85: {  	[bflag:$0x0] =	sbarrier.arrive $0xFFFF;
	(pc) =	sbr.rel @p0 .LBB2_1-.Ltmp1, $4  }
0x86: {  	[hbm:s7], [sflag:s10] =	dma.local [spmem:s11], $0x500  }
0x87: {  	_ =	swait.ge [sflag:s12], $0x500  }
0x88: {  	[sflag:s12] =	ssyncset.done $0x0  }
0x89: {  	[sflag:s12] =	ssyncadd.s32 $0xFFFFFB00  }
0x8a: {  	_ =	sfence.sel $0x180000  }
0x8b: {  	[bflag:$0x0] =	sbarrier.arrive $0xFFFF  }
0x8c: {  	_ =	strace $0x9000004D  }
0x8d: {  	s0 =	stileid.u32;
	[bflag:$0x2] =	sbarrier.arrive $0xFFFF  }
0x8e: {  	p0 =	sne.s32 s0, $0x0;
	s0 =	rddreg [dreg:$0x2]  }
0x8f: {  	s0 =	sadd.s32 @!p0 $0x100000, s0  }
0x90: {  	[sflag:s0] =	ssyncadd.tile.s32 @!p0 $0x1;
	_ =	shalt  }
.Lfunc_end2:
_tile_overlayer_lowered:
.L_overlay_start_2:
0x91: {  	(tag) =	ssettag $0x2  }
0x92: {  	s0 =	rddreg [dreg:$0x0];
	s2 =	stileid.u32  }
0x93: {  	s1 =	rddreg [dreg:$0x1];
	p0 =	sne.s32 s2, $0x0  }
0x94: {  	s3 =	rddreg [dreg:$0x2];
	[bflag:$0x3] =	sbarrier.arrive $0xFFFF;
	s2 =	simm.s32 @!p0 $0x1C05  }
0x95: {  	[timem:s3], [sflag:s2] =	dma.local @!p0 [hbm:s0], s1  }
0x96: {  	s0 =	simm.s32 @!p0 $0x5  }
0x97: {  	_ =	swait.ge @!p0 [sflag:s0], s1  }
0x98: {  	s1 =	ssub.s32 @!p0 $0x0, s1;
	[sflag:s0] =	ssyncset.done @!p0 $0x0  }
0x99: {  	[sflag:s0] =	ssyncadd.s32 @!p0 s1  }
0x9a: {  	[bflag:$0x3] =	sbarrier.arrive $0xFFFF  }
0x9b: {  	_ =	shalt  }

// kernel: kernel.8.cloned.1.call-start
scs
__scs_entry_jumppad:
0x0: {  	(pc) =	sbr.rel $0x88, $3  }
0x1: {  	(tag) =	ssettag $0x0;
	lr =	simm.s32 $0x1  }
0x2: {  	[smem:$0x3F99] =	sst lr;
	_ =	strace $0xD0000000  }
0x3: {  	_ = 	snop  }
0x4: {  	_ = 	snop  }
0x5: {  	_ = 	snop  }
0x6: {  	_ = 	snop  }
0x7: {  	_ = 	snop  }
__scs_overlays_trampoline_lowered:
0x8: {  	[smem:$0x3FA8] =	sst s0  }
0x9: {  	[smem:$0x3FA9] =	sst s1  }
0xa: {  	[smem:$0x3FAA] =	sst s2  }
0xb: {  	[smem:$0x3FAB] =	sst s3  }
0xc: {  	[smem:$0x3FAC] =	sst s4  }
0xd: {  	[smem:$0x3FAD] =	sst s5  }
0xe: {  	[smem:$0x3FAE] =	sst s6  }
0xf: {  	[smem:$0x3FAF] =	sst s7  }
0x10: {  	[smem:$0x3FB0] =	sst s8  }
0x11: {  	[smem:$0x3FB1] =	sst s9;
	s0 =	simm.s32 @!p0 $0x0  }
0x12: {  	s1 =	sld [smem:$0x3F97];
	s0 =	simm.s32 @p0 $0x1  }
0x13: {  	[smem:$0x3FB2] =	sst s0;
	s0 =	simm.s32 @!p1 $0x0  }
0x14: {  	s2 =	sld [smem:$0x3F96];
	s0 =	simm.s32 @p1 $0x1  }
0x15: {  	[smem:$0x3FB3] =	sst s0;
	s0 =	simm.s32 @!p2 $0x0  }
0x16: {  	s3 =	sld [smem:$0x3FDB];
	s0 =	simm.s32 @p2 $0x1  }
0x17: {  	s4 =	simm.s32 $0x1BF5;
	[smem:$0x3FB5] =	sst s0  }
0x18: {  	s0 =	sld [smem:$0x3F98];
	_ =	swait.ge [sflag:s4], $0x0  }
0x19: {  	s7 =	sld [smem:$0x3F99]  }
0x1a: {  	s8 =	sadd.s32 $0xFFFFE003, lr  }
0x1b: {  	s9 =	sadd.s32 $0xFFFFFEF7, lr;
	s5 =	simm.s32 $0xFFFFFFFF;
	p2 =	slt.u32 s8, $0xFFFFF086  }
0x1c: {  	p1 =	slt.u32 s9, $0xF7A;
	s5 =	simm.s32 @!p2 $0x0  }
0x1d: {  	s5 =	simm.s32 @p1 $0x1;
	p0 =	seq.s32 s7, s2  }
0x1e: {  	s7 =	smul.u32 @!p0 $0xF7A, s2;
	p2 =	seq.s32 @!p0 s5, $0x0  }
0x1f: {  	s9 =	smul.u32 $0xF7A, s1;
	s8 =	simm.s32 @!p0 $0x1BF5;
	p2 =	por !p2, p0  }
0x20: {  	[sflag:s8] =	ssyncset.s32 @!p0 $0xFFFFF086;
	s6 =	sadd.s32 @!p0 s3, s7;
	s7 =	simm.s32 @!p0 $0x108  }
0x21: {  	s3 =	sadd.s32 s3, s9;
	s6 =	sadd.s32 @!p0 $0x88, s6;
	s7 =	simm.s32 @p2 $0x1082  }
0x22: {  	[simem:s7], [sflag:s8] =	dma.local @!p0 [hbm:s6], $0xF7A  }
0x23: {  	s9 =	sor.u32 $0xD0000000, s2;
	s6 =	simm.s32 $0x108;
	_ =	swait.ge @!p0 [sflag:s8], $0x0  }
0x24: {  	s3 =	sadd.s32 $0x88, s3;
	s6 =	simm.s32 @!p1 $0x1082;
	[sflag:s4] =	ssyncset.s32 $0xFFFFF086  }
0x25: {  	[simem:s6], [sflag:s4] =	dma.local [hbm:s3], $0xF7A  }
0x26: {  	[smem:$0x3F99] =	sst s1;
	(tag) =	ssettag s2;
	_ =	strace s9  }
0x27: {  	s1 =	sld [smem:$0x3FA9]  }
0x28: {  	s2 =	sld [smem:$0x3FAA]  }
0x29: {  	s4 =	sld [smem:$0x3FAC]  }
0x2a: {  	p0 =	seq.s32 s5, $0x0;
	s5 =	sld [smem:$0x3FAD]  }
0x2b: {  	s6 =	sld [smem:$0x3FAE]  }
0x2c: {  	s7 =	sld [smem:$0x3FAF]  }
0x2d: {  	s3 =	simm.s32 $0x108;
	s8 =	sld [smem:$0x3FB0]  }
0x2e: {  	s3 =	simm.s32 @!p0 $0x1082;
	s9 =	sld [smem:$0x3FB1]  }
0x2f: {  	lr =	sadd.s32 s0, s3;
	s0 =	sld [smem:$0x3FA8]  }
0x30: {  	s3 =	sld [smem:$0x3FAB]  }
0x31: {  	[smem:$0x3FB4] =	sst s10  }
0x32: {  	s10 =	sld [smem:$0x3FB2];
	_ =	sdelay $0x3  }
0x33: {  	p0 =	seq.s32 s10, $0x1;
	s10 =	sld [smem:$0x3FB4];
	_ =	sdelay $0x3  }
0x34: {  	[smem:$0x3FB4] =	sst s10  }
0x35: {  	s10 =	sld [smem:$0x3FB3];
	_ =	sdelay $0x3  }
0x36: {  	p1 =	seq.s32 s10, $0x1;
	s10 =	sld [smem:$0x3FB4];
	_ =	sdelay $0x3  }
0x37: {  	[smem:$0x3FB4] =	sst s10  }
0x38: {  	s10 =	sld [smem:$0x3FB5]  }
0x39: {  	_ = 	snop;
	(pc) =	sbr.ind lr, $3  }
0x3a: {  	_ = 	snop  }
0x3b: {  	_ = 	snop  }
0x3c: {  	p2 =	seq.s32 s10, $0x1;
	s10 =	sld [smem:$0x3FB4]  }
0x3d: {  	_ =	shalt  }
0x3e: {  	_ =	shalt  }
0x3f: {  	_ =	shalt  }
0x40: {  	_ =	shalt  }
0x41: {  	_ =	shalt  }
0x42: {  	_ =	shalt  }
0x43: {  	_ =	shalt  }
0x44: {  	_ =	shalt  }
0x45: {  	_ =	shalt  }
0x46: {  	_ =	shalt  }
0x47: {  	_ =	shalt  }
0x48: {  	_ =	shalt  }
0x49: {  	_ =	shalt  }
0x4a: {  	_ =	shalt  }
0x4b: {  	_ =	shalt  }
0x4c: {  	_ =	shalt  }
0x4d: {  	_ =	shalt  }
0x4e: {  	_ =	shalt  }
0x4f: {  	_ =	shalt  }
0x50: {  	_ =	shalt  }
0x51: {  	_ =	shalt  }
0x52: {  	_ =	shalt  }
0x53: {  	_ =	shalt  }
0x54: {  	_ =	shalt  }
0x55: {  	_ =	shalt  }
0x56: {  	_ =	shalt  }
0x57: {  	_ =	shalt  }
0x58: {  	_ =	shalt  }
0x59: {  	_ =	shalt  }
0x5a: {  	_ =	shalt  }
0x5b: {  	_ =	shalt  }
0x5c: {  	_ =	shalt  }
0x5d: {  	_ =	shalt  }
0x5e: {  	_ =	shalt  }
0x5f: {  	_ =	shalt  }
0x60: {  	_ =	shalt  }
0x61: {  	_ =	shalt  }
0x62: {  	_ =	shalt  }
0x63: {  	_ =	shalt  }
0x64: {  	_ =	shalt  }
0x65: {  	_ =	shalt  }
0x66: {  	_ =	shalt  }
0x67: {  	_ =	shalt  }
0x68: {  	_ =	shalt  }
0x69: {  	_ =	shalt  }
0x6a: {  	_ =	shalt  }
0x6b: {  	_ =	shalt  }
0x6c: {  	_ =	shalt  }
0x6d: {  	_ =	shalt  }
0x6e: {  	_ =	shalt  }
0x6f: {  	_ =	shalt  }
0x70: {  	_ =	shalt  }
0x71: {  	_ =	shalt  }
0x72: {  	_ =	shalt  }
0x73: {  	_ =	shalt  }
0x74: {  	_ =	shalt  }
0x75: {  	_ =	shalt  }
0x76: {  	_ =	shalt  }
0x77: {  	_ =	shalt  }
0x78: {  	_ =	shalt  }
0x79: {  	_ =	shalt  }
0x7a: {  	_ =	shalt  }
0x7b: {  	_ =	shalt  }
0x7c: {  	_ =	shalt  }
0x7d: {  	_ =	shalt  }
0x7e: {  	_ =	shalt  }
0x7f: {  	_ =	shalt  }
0x80: {  	_ =	shalt  }
0x81: {  	_ =	shalt  }
0x82: {  	_ =	shalt  }
0x83: {  	_ =	shalt  }
0x84: {  	_ =	shalt  }
0x85: {  	_ =	shalt  }
0x86: {  	_ =	shalt  }
0x87: {  	_ =	shalt  }
.Lfunc_end0:
.L_simem_size_0:
called_computation_lowered:
.L_overlay_start_0:
0x88: {  	s2 =	sld [smem:$0x3FD9]  }
0x89: {  	s3 =	sld [smem:$0x3FFE];
	_ =	sdelay $0x1  }
0x8a: {  	s1 =	srdreg.scid  }
0x8b: {  	s0 =	sand.u32 $0x1, s1  }
0x8c: {  	s17 =	sshll.u32 s0, $0xA;
	s2 =	sadd.s32 s3, s2  }
0x8d: {  	s2 =	sadd.s32 s2, s17  }
0x8e: {  	[smem:$0x3FC0] =	sst s2  }
0x8f: {  	_ = 	snop  }
0x90: {  	s2 =	sld [smem:$0x3FD0];
	(tm) =	ssettm $0x1  }
0x91: {  	s18 =	sld [smem:$0x3FFB];
	_ =	sdelay $0x3  }
0x92: {  	_ =	strace s18  }
0x93: {  	s3 =	sld [smem:$0x3FFC];
	_ =	sdelay $0x3  }
0x94: {  	_ =	strace s3  }
0x95: {  	s3 =	sld [smem:$0x3FFD];
	_ =	sdelay $0x3  }
0x96: {  	_ =	strace s3  }
0x97: {  	_ =	strace $0x8FFFFFFF  }
0x98: {  	s19 =	sld [smem:$0x3FDB];
	_ =	sdelay $0x1  }
0x99: {  	s4 =	simm.s32 $_scs_section_size  }
0x9a: {  	s5 =	simm.s32 $_size__tile_overlayer_lowered;
	s6 =	simm.s32 $_tile_overlayer_lowered  }
0x9b: {  	s22 =	simm.s32 $0x1BFF;
	s21 =	sshll.u32 s6, $0x1;
	s3 =	sadd.s32 s4, s19  }
0x9c: {  	s7 =	simm.s32 $0x0;
	s20 =	sshll.u32 s5, $0x1;
	s5 =	sadd.s32 s21, s3  }
0x9d: {  	[timem:s7], [sflag:s22] =	dma.local [hbm:s5], s20  }
0x9e: {  	_ =	swait.ge [sflag:s22], s20  }
0x9f: {  	s4 =	ssub.s32 $0x0, s20;
	[sflag:s22] =	ssyncset.done $0x0  }
0xa0: {  	[sflag:s22] =	ssyncadd.s32 s4;
	_ =	sdelay $0x1  }
0xa1: {  	s23 =	simm.s32 $0x1B8B  }
0xa2: {  	_ =	swait.ge [sflag:s23], $0x1  }
0xa3: {  	[sflag:s23] =	ssyncset.done $0x0  }
0xa4: {  	s25 =	simm.s32 $0x1B8E;
	s24 =	sld [smem:$0x3FFE];
	[sflag:s23] =	ssyncadd.s32 $0xFFFFFFFF  }
0xa5: {  	s26 =	simm.s32 $execute0_lowered;
	[smem:$0x3FD2] =	sst s25  }
0xa6: {  	s5 =	sshll.u32 s26, $0x1;
	_ =	strace $0x80000046;
	[dreg:$0x1] =	wrdreg $0xFFFFFFFF  }
0xa7: {  	s28 =	simm.s32 $_size_execute0_lowered;
	s3 =	sadd.s32 s3, s5;
	[dreg:$0x0] =	wrdreg $0x0  }
0xa8: {  	s5 =	sshll.u32 s28, $0x1;
	[dreg:$0x2] =	wrdreg s3  }
0xa9: {  	[dreg:$0x3] =	wrdreg s5  }
0xaa: {  	[dreg:$0x4] =	wrdreg $0xC0  }
0xab: {  	_ =	task [dreg:s7], $0x5FFFF  }
0xac: {  	[dreg:$0x1] =	wrdreg $0xFFFFFFFF  }
0xad: {  	[dreg:$0x0] =	wrdreg $0x60  }
0xae: {  	[dreg:$0x2] =	wrdreg s24  }
0xaf: {  	[dreg:$0x3] =	wrdreg s2  }
0xb0: {  	[dreg:$0x4] =	wrdreg $0x14800  }
0xb1: {  	[dreg:$0x5] =	wrdreg $0x9  }
0xb2: {  	_ =	task.clear_ibuf [dreg:s7], $0x6FFFF;
	_ =	strace $0x90000046  }
0xb3: {  	s29 =	simm.s32 $0x9;
	_ =	strace $0x80000048  }
0xb4: {  	_ =	swait.ge [sflag:s29], $0x1  }
0xb5: {  	[sflag:s29] =	ssyncadd.s32 $0xFFFFFFFF  }
0xb6: {  	_ =	strace $0x90000048  }
0xb7: {  	_ =	sfence  }
0xb8: {  	s30 =	sld [smem:$0x0];
	_ =	sdelay $0x2  }
0xb9: {  	s31 =	sshll.u32 s1, $0xD;
	s1 =	sshrl.u32 s1, $0x2  }
0xba: {  	s3 =	sand.u32 $0x4000, s31;
	s1 =	sadd.s32 s1, s30  }
0xbb: {  	s0 =	sor.u32 s3, s0;
	s1 =	sshll.u32 s1, $0x11  }
0xbc: {  	s0 =	sor.u32 s1, s0  }
0xbd: {  	s0 =	sadd.s32 $0x8F2B, s0  }
0xbe: {  	[sflag:s0] =	ssyncadd.remote.s32 $0x1  }
0xbf: {  	_ =	sfence.sel $0xFFFF  }
0xc0: {  	[dreg:$0x0] =	wrdreg $0xFFFFFFFF;
	(pc) =	sbr.abs _section_cstart, $3  }
0xc1: {  	[dreg:$0x1] =	wrdreg $0xFFFFFFFF  }
0xc2: {  	_ =	task.clear_ibuf [dreg:s7], $0x2FFFF;
	_ =	strace $0x9FFFFFFF  }
0xc3: {  	(tm) =	ssettm $0x7FFFFFFF  }
tec
execute0_lowered:
.L_overlay_start_1:
0x0: {  	(tag) =	ssettag $0x1  }
0x1: {  	s0 =	rddreg [dreg:$0x0]  }
0x2: {  	s1 =	srdreg.scid;
	s8 =	rddreg [dreg:$0x1]  }
0x3: {  	s12 =	stileid.u32;
	s2 =	rddreg [dreg:$0x2];
	s3 =	simm.s32 $0x0  }
0x4: {  	s13 =	simm.s32 $0x80;
	s19 =	simm.s32 $0xD00;
	s20 =	simm.s32 $0xD80  }
0x5: {  	s21 =	simm.s32 $0xE00;
	s22 =	simm.s32 $0xE80;
	s23 =	simm.s32 $0xF00  }
0x6: {  	s28 =	simm.s32 $0x1100;
	s29 =	simm.s32 $0x1180;
	s30 =	simm.s32 $0x1200  }
0x7: {  	s31 =	simm.s32 $0x1280;
	s14 =	simm.s32 $0x1;
	s15 =	simm.s32 $0x20  }
0x8: {  	s16 =	simm.s32 $0x10;
	s17 =	simm.s32 $0x0;
	s5 =	smul.u32 $0x1400, s12  }
0x9: {  	s1 =	sand.u32 $0x1, s1;
	s6 =	smul.u32 $0x280, s12;
	[smem:$0x7FF] =	sst s3  }
0xa: {  	s10 =	smul.u32 $0x500, s12;
	s26 =	sshll.u32 s12, $0x6;
	s12 =	simm.s32 $0x1400  }
0xb: {  	s4 =	smul.u32 $0x14000, s1;
	_ =	strace $0x80000047;
	s9 =	ssub.s32 $0x2, s1  }
0xc: {  	s1 =	sshll.u32 s1, $0x7;
	s24 =	sshrl.u32 s6, $0x3;
	s25 =	sshrl.u32 s9, $0x1  }
0xd: {  	s11 =	sadd.s32 s6, s2;
	s1 =	sor.u32 s1, s10;
	s6 =	sor.u32 $0x1C02, s26  }
0xe: {  	s26 =	simm.s32 $0x1080;
	s4 =	sadd.s32 s5, s4;
	s5 =	sadd.s32 s24, s0  }
0xf: {  	s1 =	sshrl.u32 s1, $0x3;
	s10 =	sshrl.u32 s11, $0x3;
	s11 =	simm.s32 $0x2  }
0x10: {  	s24 =	simm.s32 $0xF80;
	s4 =	sshrl.u32 s4, $0x3;
	s5 =	sadd.s32 $0x6C00, s5  }
0x11: {  	s8 =	sadd.s32 s8, s1;
	s1 =	simm.s32 $0x1300;
	s7 =	sadd.s32 s4, s0  }
0x12: {  	s4 =	sadd.s32 $0x7200, s0;
	s0 =	ssub.s32 s9, s25;
	s25 =	simm.s32 $0x1000  }
0x13: {  	s7 =	sadd.s32 $0x1C00, s7;
	s9 =	smax.u32 s0, $0x1;
	s0 =	simm.s32 $0x1380  }
.LBB2_1:
0x14: {  	[spmem:s10], [sflag:s6] =	dma.local [hbm:s5], $0x50  }
0x15: {  	_ =	swait.ge [sflag:s11], $0x50  }
0x16: {  	[sflag:s11] =	ssyncset.done $0x0  }
0x17: {  	[sflag:s11] =	ssyncadd.s32 $0xFFFFFFB0  }
0x18: {  	[tilespmem:s12], [sflag:$0x2] =	stream.linear.gather [hbm4b:s4+s3], $0x80, $0x38;
	[tilespmem:$0x1700] =	vst v63  }
0x19: {  	_ =	swait.ge [sflag:s11], $0x80  }
0x1a: {  	[sflag:s11] =	ssyncset.done $0x0  }
0x1b: {  	[sflag:s11] =	ssyncadd.s32 $0xFFFFFF80  }
0x1c: {  	[tilespmem:s3], [sflag:$0x2] =	stream.linear.gather [hbm4b:s7+s3], $0x1400, $0x38;
	[tilespmem:$0x1700] =	vst v63  }
0x1d: {  	_ =	swait.ge [sflag:s11], $0x1400  }
0x1e: {  	[sflag:s11] =	ssyncset.done $0x0  }
0x1f: {  	[sflag:s11] =	ssyncadd.s32 $0xFFFFEC00  }
0x20: {  	[bflag:$0x0] =	sbarrier.arrive $0xFFFF  }
0x21: {  	[spmem:s2] =	stream.indirect.scatter.add.f32 [tilespmem:s12], [sflag:$0x1], $0x1, s3, s13, $0xb8;
	[tilespmem:$0x1700] =	vst v63  }
0x22: {  	_ = 	snop  }
0x23: {  	[spmem:s2] =	stream.indirect.scatter.add.f32 [tilespmem:s12], [sflag:$0x1], $0x1, s13, s13, $0xb8;
	[tilespmem:$0x1700] =	vst v63  }
0x24: {  	s18 =	simm.s32 $0x100  }
0x25: {  	[spmem:s2] =	stream.indirect.scatter.add.f32 [tilespmem:s12], [sflag:$0x1], $0x1, s18, s13, $0xb8;
	[tilespmem:$0x1700] =	vst v63  }
0x26: {  	s18 =	simm.s32 $0x180  }
0x27: {  	[spmem:s2] =	stream.indirect.scatter.add.f32 [tilespmem:s12], [sflag:$0x1], $0x1, s18, s13, $0xb8;
	[tilespmem:$0x1700] =	vst v63  }
0x28: {  	s18 =	simm.s32 $0x200  }
0x29: {  	[spmem:s2] =	stream.indirect.scatter.add.f32 [tilespmem:s12], [sflag:$0x1], $0x1, s18, s13, $0xb8;
	[tilespmem:$0x1700] =	vst v63  }
0x2a: {  	s18 =	simm.s32 $0x280  }
0x2b: {  	[spmem:s2] =	stream.indirect.scatter.add.f32 [tilespmem:s12], [sflag:$0x1], $0x1, s18, s13, $0xb8;
	[tilespmem:$0x1700] =	vst v63  }
0x2c: {  	s18 =	simm.s32 $0x300  }
0x2d: {  	[spmem:s2] =	stream.indirect.scatter.add.f32 [tilespmem:s12], [sflag:$0x1], $0x1, s18, s13, $0xb8;
	[tilespmem:$0x1700] =	vst v63  }
0x2e: {  	s18 =	simm.s32 $0x380  }
0x2f: {  	[spmem:s2] =	stream.indirect.scatter.add.f32 [tilespmem:s12], [sflag:$0x1], $0x1, s18, s13, $0xb8;
	[tilespmem:$0x1700] =	vst v63  }
0x30: {  	s18 =	simm.s32 $0x400  }
0x31: {  	[spmem:s2] =	stream.indirect.scatter.add.f32 [tilespmem:s12], [sflag:$0x1], $0x1, s18, s13, $0xb8;
	[tilespmem:$0x1700] =	vst v63  }
0x32: {  	s18 =	simm.s32 $0x480  }
0x33: {  	[spmem:s2] =	stream.indirect.scatter.add.f32 [tilespmem:s12], [sflag:$0x1], $0x1, s18, s13, $0xb8;
	[tilespmem:$0x1700] =	vst v63  }
0x34: {  	s18 =	simm.s32 $0x500  }
0x35: {  	[spmem:s2] =	stream.indirect.scatter.add.f32 [tilespmem:s12], [sflag:$0x1], $0x1, s18, s13, $0xb8;
	[tilespmem:$0x1700] =	vst v63  }
0x36: {  	s18 =	simm.s32 $0x580  }
0x37: {  	[spmem:s2] =	stream.indirect.scatter.add.f32 [tilespmem:s12], [sflag:$0x1], $0x1, s18, s13, $0xb8;
	[tilespmem:$0x1700] =	vst v63  }
0x38: {  	s18 =	simm.s32 $0x600  }
0x39: {  	[spmem:s2] =	stream.indirect.scatter.add.f32 [tilespmem:s12], [sflag:$0x1], $0x1, s18, s13, $0xb8;
	[tilespmem:$0x1700] =	vst v63  }
0x3a: {  	s18 =	simm.s32 $0x680  }
0x3b: {  	[spmem:s2] =	stream.indirect.scatter.add.f32 [tilespmem:s12], [sflag:$0x1], $0x1, s18, s13, $0xb8;
	[tilespmem:$0x1700] =	vst v63  }
0x3c: {  	s18 =	simm.s32 $0x700  }
0x3d: {  	[spmem:s2] =	stream.indirect.scatter.add.f32 [tilespmem:s12], [sflag:$0x1], $0x1, s18, s13, $0xb8;
	[tilespmem:$0x1700] =	vst v63  }
0x3e: {  	s18 =	simm.s32 $0x780  }
0x3f: {  	[spmem:s2] =	stream.indirect.scatter.add.f32 [tilespmem:s12], [sflag:$0x1], $0x1, s18, s13, $0xb8;
	[tilespmem:$0x1700] =	vst v63  }
0x40: {  	s18 =	simm.s32 $0x800  }
0x41: {  	[spmem:s2] =	stream.indirect.scatter.add.f32 [tilespmem:s12], [sflag:$0x1], $0x1, s18, s13, $0xb8;
	[tilespmem:$0x1700] =	vst v63  }
0x42: {  	s18 =	simm.s32 $0x880  }
0x43: {  	[spmem:s2] =	stream.indirect.scatter.add.f32 [tilespmem:s12], [sflag:$0x1], $0x1, s18, s13, $0xb8;
	[tilespmem:$0x1700] =	vst v63  }
0x44: {  	s18 =	simm.s32 $0x900  }
0x45: {  	[spmem:s2] =	stream.indirect.scatter.add.f32 [tilespmem:s12], [sflag:$0x1], $0x1, s18, s13, $0xb8;
	[tilespmem:$0x1700] =	vst v63  }
0x46: {  	s18 =	simm.s32 $0x980  }
0x47: {  	[spmem:s2] =	stream.indirect.scatter.add.f32 [tilespmem:s12], [sflag:$0x1], $0x1, s18, s13, $0xb8;
	[tilespmem:$0x1700] =	vst v63  }
0x48: {  	s18 =	simm.s32 $0xA00  }
0x49: {  	[spmem:s2] =	stream.indirect.scatter.add.f32 [tilespmem:s12], [sflag:$0x1], $0x1, s18, s13, $0xb8;
	[tilespmem:$0x1700] =	vst v63  }
0x4a: {  	s18 =	simm.s32 $0xA80  }
0x4b: {  	[spmem:s2] =	stream.indirect.scatter.add.f32 [tilespmem:s12], [sflag:$0x1], $0x1, s18, s13, $0xb8;
	[tilespmem:$0x1700] =	vst v63  }
0x4c: {  	s18 =	simm.s32 $0xB00  }
0x4d: {  	[spmem:s2] =	stream.indirect.scatter.add.f32 [tilespmem:s12], [sflag:$0x1], $0x1, s18, s13, $0xb8;
	[tilespmem:$0x1700] =	vst v63  }
0x4e: {  	s18 =	simm.s32 $0xB80  }
0x4f: {  	[spmem:s2] =	stream.indirect.scatter.add.f32 [tilespmem:s12], [sflag:$0x1], $0x1, s18, s13, $0xb8;
	[tilespmem:$0x1700] =	vst v63  }
0x50: {  	s18 =	simm.s32 $0xC00  }
0x51: {  	[spmem:s2] =	stream.indirect.scatter.add.f32 [tilespmem:s12], [sflag:$0x1], $0x1, s18, s13, $0xb8;
	[tilespmem:$0x1700] =	vst v63  }
0x52: {  	s18 =	simm.s32 $0xC80  }
0x53: {  	[spmem:s2] =	stream.indirect.scatter.add.f32 [tilespmem:s12], [sflag:$0x1], $0x1, s18, s13, $0xb8;
	[tilespmem:$0x1700] =	vst v63  }
0x54: {  	_ = 	snop  }
0x55: {  	[spmem:s2] =	stream.indirect.scatter.add.f32 [tilespmem:s12], [sflag:$0x1], $0x1, s19, s13, $0xb8;
	[tilespmem:$0x1700] =	vst v63  }
0x56: {  	_ = 	snop  }
0x57: {  	[spmem:s2] =	stream.indirect.scatter.add.f32 [tilespmem:s12], [sflag:$0x1], $0x1, s20, s13, $0xb8;
	[tilespmem:$0x1700] =	vst v63  }
0x58: {  	_ = 	snop  }
0x59: {  	[spmem:s2] =	stream.indirect.scatter.add.f32 [tilespmem:s12], [sflag:$0x1], $0x1, s21, s13, $0xb8;
	[tilespmem:$0x1700] =	vst v63  }
0x5a: {  	_ = 	snop  }
0x5b: {  	[spmem:s2] =	stream.indirect.scatter.add.f32 [tilespmem:s12], [sflag:$0x1], $0x1, s22, s13, $0xb8;
	[tilespmem:$0x1700] =	vst v63  }
0x5c: {  	_ = 	snop  }
0x5d: {  	[spmem:s2] =	stream.indirect.scatter.add.f32 [tilespmem:s12], [sflag:$0x1], $0x1, s23, s13, $0xb8;
	[tilespmem:$0x1700] =	vst v63  }
0x5e: {  	_ = 	snop  }
0x5f: {  	[spmem:s2] =	stream.indirect.scatter.add.f32 [tilespmem:s12], [sflag:$0x1], $0x1, s24, s13, $0xb8;
	[tilespmem:$0x1700] =	vst v63  }
0x60: {  	_ = 	snop  }
0x61: {  	[spmem:s2] =	stream.indirect.scatter.add.f32 [tilespmem:s12], [sflag:$0x1], $0x1, s25, s13, $0xb8;
	[tilespmem:$0x1700] =	vst v63  }
0x62: {  	_ = 	snop  }
0x63: {  	[spmem:s2] =	stream.indirect.scatter.add.f32 [tilespmem:s12], [sflag:$0x1], $0x1, s26, s13, $0xb8;
	[tilespmem:$0x1700] =	vst v63  }
0x64: {  	_ = 	snop  }
0x65: {  	[spmem:s2] =	stream.indirect.scatter.add.f32 [tilespmem:s12], [sflag:$0x1], $0x1, s28, s13, $0xb8;
	[tilespmem:$0x1700] =	vst v63  }
0x66: {  	_ = 	snop  }
0x67: {  	[spmem:s2] =	stream.indirect.scatter.add.f32 [tilespmem:s12], [sflag:$0x1], $0x1, s29, s13, $0xb8;
	[tilespmem:$0x1700] =	vst v63  }
0x68: {  	_ = 	snop  }
0x69: {  	[spmem:s2] =	stream.indirect.scatter.add.f32 [tilespmem:s12], [sflag:$0x1], $0x1, s30, s13, $0xb8;
	[tilespmem:$0x1700] =	vst v63  }
0x6a: {  	_ = 	snop  }
0x6b: {  	[spmem:s2] =	stream.indirect.scatter.add.f32 [tilespmem:s12], [sflag:$0x1], $0x1, s31, s13, $0xb8;
	[tilespmem:$0x1700] =	vst v63  }
0x6c: {  	_ = 	snop  }
0x6d: {  	[spmem:s2] =	stream.indirect.scatter.add.f32 [tilespmem:s12], [sflag:$0x1], $0x1, s1, s13, $0xb8;
	[tilespmem:$0x1700] =	vst v63  }
0x6e: {  	_ = 	snop  }
0x6f: {  	[spmem:s2] =	stream.indirect.scatter.add.f32 [tilespmem:s12], [sflag:$0x1], $0x1, s0, s13, $0xb8;
	[tilespmem:$0x1700] =	vst v63  }
0x70: {  	_ =	swait.ge [sflag:s14], $0x80  }
0x71: {  	s18 =	simm.s32 $0x27;
	[sflag:s14] =	ssyncset.done $0x0  }
.LBB2_2:
0x72: {  	p0 =	sne.s32 s18, $0x1;
	s18 =	sadd.s32 $0xFFFFFFFF, s18;
	[sflag:s14] =	ssyncadd.s32 $0xFFFFFF80  }
.Ltmp0:
0x73: {  	(pc) =	sbr.rel @p0 .LBB2_2-.Ltmp0, $3  }
0x74: {  	_ =	sdelay $0x1  }
0x75: {  	_ =	swait.ge [sflag:s14], $0x80  }
0x76: {  	[sflag:s14] =	ssyncset.done $0x0  }
0x77: {  	s17 =	sadd.s32 $0x1, s17  }
0x78: {  	[sflag:s14] =	ssyncadd.s32 $0xFFFFFF80;
	p0 =	sne.s32 s17, s9  }
.Ltmp1:
0x79: {  	[bflag:$0x0] =	sbarrier.arrive $0xFFFF;
	(pc) =	sbr.rel @p0 .LBB2_1-.Ltmp1, $4  }
0x7a: {  	[hbm:s8@s15], [sflag:s6] =	dma.strided [spmem:s10@s16], $0x50, s14, $0x10   }
0x7b: {  	_ =	swait.ge [sflag:s11], $0x50  }
0x7c: {  	[sflag:s11] =	ssyncset.done $0x0  }
0x7d: {  	[sflag:s11] =	ssyncadd.s32 $0xFFFFFFB0  }
0x7e: {  	_ =	sfence.sel $0x180000  }
0x7f: {  	[bflag:$0x0] =	sbarrier.arrive $0xFFFF  }
0x80: {  	_ =	strace $0x90000047  }
0x81: {  	s0 =	stileid.u32;
	[bflag:$0x2] =	sbarrier.arrive $0xFFFF  }
0x82: {  	p0 =	sne.s32 s0, $0x0;
	s0 =	rddreg [dreg:$0x3]  }
0x83: {  	s0 =	sadd.s32 @!p0 $0x100000, s0  }
0x84: {  	[sflag:s0] =	ssyncadd.tile.s32 @!p0 $0x1;
	_ =	shalt  }
.Lfunc_end2:
_tile_overlayer_lowered:
.L_overlay_start_2:
0x85: {  	(tag) =	ssettag $0x2  }
0x86: {  	s0 =	rddreg [dreg:$0x0];
	s2 =	stileid.u32  }
0x87: {  	s1 =	rddreg [dreg:$0x1];
	p0 =	sne.s32 s2, $0x0  }
0x88: {  	s3 =	rddreg [dreg:$0x2];
	[bflag:$0x3] =	sbarrier.arrive $0xFFFF;
	s2 =	simm.s32 @!p0 $0x1C02  }
0x89: {  	[timem:s3], [sflag:s2] =	dma.local @!p0 [hbm:s0], s1  }
0x8a: {  	s0 =	simm.s32 @!p0 $0x2  }
0x8b: {  	_ =	swait.ge @!p0 [sflag:s0], s1  }
0x8c: {  	s1 =	ssub.s32 @!p0 $0x0, s1;
	[sflag:s0] =	ssyncset.done @!p0 $0x0  }
0x8d: {  	[sflag:s0] =	ssyncadd.s32 @!p0 s1  }
0x8e: {  	[bflag:$0x3] =	sbarrier.arrive $0xFFFF  }
0x8f: {  	_ =	shalt  }

</sc_bundles>
